<compile_context>
chip_gen: v7x
topology: tpu7x:2x2x1
jax: 0.10.2.dev20260603
libtpu: 0.0.44.dev20260713+nightly
codegen_flags: <defaults>
</compile_context>

<pallas_src>
import functools

import jax
import jax.numpy as jnp
from jax import lax
from jax.experimental import pallas as pl
from jax.experimental.pallas import tpu as pltpu
from jax.experimental.pallas import tpu_sc as plsc

EPS = 1e-5
NW = 32
GCH = 512
GSUB = 128


def _sc_gather(table, idx):
    R, C = table.shape
    S = idx.shape[0]
    per_w = S // NW
    ngroups = per_w // GCH
    nsub = GCH // GSUB

    mesh = plsc.VectorSubcoreMesh(core_axis_name="c", subcore_axis_name="s")

    @functools.partial(
        pl.kernel,
        out_type=jax.ShapeDtypeStruct((S, C), jnp.float32),
        mesh=mesh,
        compiler_params=pltpu.CompilerParams(use_tc_tiling_on_sc=False),
        scratch_types=[
            pltpu.VMEM((per_w,), jnp.int32),
            pltpu.VMEM((2, GCH, C), jnp.float32),
            pltpu.SemaphoreType.DMA,
            pltpu.SemaphoreType.DMA,
        ],
    )
    def gk(table_hbm, idx_hbm, out_hbm, idx_v, rows_v, gsem, wsem):
        wid = lax.axis_index("s") * 2 + lax.axis_index("c")
        base = wid * per_w
        pltpu.sync_copy(idx_hbm.at[pl.ds(base, per_w)], idx_v)

        writes = []
        for g in range(ngroups):
            buf = g % 2
            if g >= 2:
                writes[g - 2].wait()
            handles = []
            for j in range(nsub):
                handles.append(pltpu.async_copy(
                    table_hbm.at[idx_v.at[pl.ds(g * GCH + j * GSUB, GSUB)]],
                    rows_v.at[buf, pl.ds(j * GSUB, GSUB)],
                    gsem))
            for h in handles:
                h.wait()
            writes.append(pltpu.async_copy(
                rows_v.at[buf],
                out_hbm.at[pl.ds(base + g * GCH, GCH)],
                wsem))
        writes[-2].wait()
        writes[-1].wait()

    return gk(table, idx)


def _fused_mlp(x2, qpad2, w1d, g1, be1, w2d, g2, be2,
               w3d, g3, be3, fold64, spread64, fold128, spread128, K, J):
    S = K * J
    P = S // 2
    H = J // 2
    BLK = H
    BJ = 1024
    BO = 1024
    nA, nB, nC, nD = K, K, H // BJ, H // BO
    i_B, i_C, i_D = nA, nA + nB, nA + nB + nC
    grid = (nA + nB + nC + nD,)
    fS = float(S)

    def body(x_ref, qp_ref, w1_ref, g1_ref, be1_ref,
             w2_ref, g2_ref, be2_ref,
             w3_ref, g3_ref, be3_ref,
             f64_ref, s64_ref, f128_ref, s128_ref,
             o_ref,
             y_scr, z_scr, st1, st2, st3, af1, af2, af3):
        i = pl.program_id(0)

        def aff_packed(st_ref, af_ref, g, be):
            folded = jnp.dot(st_ref[...], f64_ref[...],
                             preferred_element_type=jnp.float32)
            mean = folded[0:1, :] / fS
            var = folded[1:2, :] / fS - mean * mean
            a = g / jnp.sqrt(var + EPS)
            c = be - a * mean
            af_ref[...] = jnp.dot(jnp.concatenate([a, c], axis=0),
                                  s64_ref[...],
                                  preferred_element_type=jnp.float32)

        @pl.when(i < i_B)
        def _():
            xb = x_ref[...] - qp_ref[...]
            y = jnp.dot(xb, w1_ref[...], preferred_element_type=jnp.float32)

            @pl.when(i == 0)
            def _():
                st1[...] = jnp.zeros_like(st1)

            ones = jnp.ones((1, BLK), jnp.float32)
            st1[...] += jnp.concatenate(
                [jnp.dot(ones, y, preferred_element_type=jnp.float32),
                 jnp.dot(ones, y * y, preferred_element_type=jnp.float32)],
                axis=0)
            y_scr[pl.ds(i * BLK, BLK), :] = y.astype(jnp.bfloat16)

        @pl.when(jnp.logical_and(i >= i_B, i < i_C))
        def _():
            t = i - i_B

            @pl.when(i == i_B)
            def _():
                aff_packed(st1, af1, g1_ref[...], be1_ref[...])
                st2[...] = jnp.zeros_like(st2)

            y1 = y_scr[pl.ds(t * BLK, BLK), :].astype(jnp.float32)
            h = jnp.maximum(y1 * af1[0:1, :] + af1[1:2, :], 0.0)
            y = jnp.dot(h, w2_ref[...], preferred_element_type=jnp.float32)
            ones = jnp.ones((1, BLK), jnp.float32)
            st2[...] += jnp.concatenate(
                [jnp.dot(ones, y, preferred_element_type=jnp.float32),
                 jnp.dot(ones, y * y, preferred_element_type=jnp.float32)],
                axis=0)
            y_scr[pl.ds(t * BLK, BLK), :] = y.astype(jnp.bfloat16)

        @pl.when(jnp.logical_and(i >= i_C, i < i_D))
        def _():
            jb = i - i_C

            @pl.when(i == i_C)
            def _():
                aff_packed(st2, af2, g2_ref[...], be2_ref[...])
                st3[...] = jnp.zeros_like(st3)

            ssum = jnp.zeros((1, 256), jnp.float32)
            ssq = jnp.zeros((1, 256), jnp.float32)
            zmax = jnp.full((BJ, 256), -jnp.inf, jnp.float32)
            ones = jnp.ones((1, BJ), jnp.float32)
            for k in range(K):
                y2 = y_scr[pl.ds(k * H + jb * BJ, BJ), :].astype(jnp.float32)
                h = jnp.maximum(y2 * af2[0:1, :] + af2[1:2, :], 0.0)
                y3 = jnp.dot(h, w3_ref[...],
                             preferred_element_type=jnp.float32)
                ssum += jnp.dot(ones, y3, preferred_element_type=jnp.float32)
                ssq += jnp.dot(ones, y3 * y3,
                               preferred_element_type=jnp.float32)
                zmax = jnp.maximum(zmax, y3)
            st3[...] += jnp.concatenate([ssum, ssq], axis=0)
            z_scr[pl.ds(jb * BJ, BJ), :] = zmax

        @pl.when(i >= i_D)
        def _():
            t = i - i_D

            @pl.when(i == i_D)
            def _():
                folded = jnp.dot(st3[...], f128_ref[...],
                                 preferred_element_type=jnp.float32)
                mean = folded[0:1, :] / fS
                var = folded[1:2, :] / fS - mean * mean
                a = g3_ref[...] / jnp.sqrt(var + EPS)
                c = be3_ref[...] - a * mean
                af3[...] = jnp.dot(jnp.concatenate([a, c], axis=0),
                                   s128_ref[...],
                                   preferred_element_type=jnp.float32)

            z = z_scr[pl.ds(t * BO, BO), :]
            o_ref[...] = jnp.maximum(z * af3[0:1, :] + af3[1:2, :], 0.0)

    c64 = lambda: pl.BlockSpec((1, 64), lambda i: (0, 0))
    c128 = lambda: pl.BlockSpec((1, 128), lambda i: (0, 0))

    return pl.pallas_call(
        body,
        grid=grid,
        in_specs=[
            pl.BlockSpec((BLK, 128), lambda i: (jnp.minimum(i, nA - 1), 0)),
            pl.BlockSpec((H, 128), lambda i: (0, 0)),
            pl.BlockSpec((128, 128), lambda i: (0, 0)),
            c64(), c64(),
            pl.BlockSpec((128, 128), lambda i: (0, 0)),
            c64(), c64(),
            pl.BlockSpec((128, 256), lambda i: (0, 0)),
            c128(), c128(),
            pl.BlockSpec((128, 64), lambda i: (0, 0)),
            pl.BlockSpec((64, 128), lambda i: (0, 0)),
            pl.BlockSpec((256, 128), lambda i: (0, 0)),
            pl.BlockSpec((128, 256), lambda i: (0, 0)),
        ],
        out_specs=pl.BlockSpec(
            (BO, 256), lambda i: (jnp.where(i >= i_D, i - i_D, 0), 0)),
        out_shape=jax.ShapeDtypeStruct((H, 256), jnp.float32),
        scratch_shapes=[
            pltpu.VMEM((P, 128), jnp.bfloat16),
            pltpu.VMEM((H, 256), jnp.float32),
            pltpu.VMEM((2, 128), jnp.float32),
            pltpu.VMEM((2, 128), jnp.float32),
            pltpu.VMEM((2, 256), jnp.float32),
            pltpu.VMEM((2, 128), jnp.float32),
            pltpu.VMEM((2, 128), jnp.float32),
            pltpu.VMEM((2, 256), jnp.float32),
        ],
        compiler_params=pltpu.CompilerParams(
            vmem_limit_bytes=60 * 1024 * 1024),
    )(x2, qpad2, w1d, g1, be1, w2d, g2, be2,
      w3d, g3, be3, fold64, spread64, fold128, spread128)


def kernel(q_points, s_points, s_feats, neighbor_indices,
           W1, b1, g1, be1, W2, b2, g2, be2, W3, b3, g3, be3):
    B, _, M = q_points.shape
    _, Ci, N = s_feats.shape
    K = neighbor_indices.shape[-1]
    C = Ci + 3
    J = B * M
    S = J * K

    table = jnp.concatenate([s_feats, s_points], axis=1) \
        .transpose(0, 2, 1).reshape(B * N, C)
    idx = neighbor_indices.astype(jnp.int32) + \
        (jnp.arange(B, dtype=jnp.int32) * N)[:, None, None]
    idx = idx.transpose(2, 0, 1).reshape(-1)
    qf = q_points.transpose(0, 2, 1).reshape(J, 3)
    qpad = jnp.zeros((J, C), jnp.float32).at[:, Ci:].set(qf)
    qpad2 = qpad.reshape(J // 2, 2 * C)

    def bdiag(w):
        z = jnp.zeros((2 * w.shape[0], 2 * w.shape[1]), jnp.float32)
        return z.at[:w.shape[0], :w.shape[1]].set(w) \
                .at[w.shape[0]:, w.shape[1]:].set(w)

    w1d = bdiag(W1.T)
    w2d = bdiag(W2.T)
    w3d = bdiag(W3.T)
    e64 = jnp.eye(64, dtype=jnp.float32)
    e128 = jnp.eye(128, dtype=jnp.float32)
    fold64 = jnp.concatenate([e64, e64], axis=0)
    spread64 = jnp.concatenate([e64, e64], axis=1)
    fold128 = jnp.concatenate([e128, e128], axis=0)
    spread128 = jnp.concatenate([e128, e128], axis=1)

    x = _sc_gather(table, idx)
    x2 = x.reshape(S // 2, 2 * C)

    out = _fused_mlp(x2, qpad2,
                     w1d, g1[None, :], be1[None, :],
                     w2d, g2[None, :], be2[None, :],
                     w3d, g3[None, :], be3[None, :],
                     fold64, spread64, fold128, spread128, K, J)
    return out.reshape(B, M, -1).transpose(0, 2, 1)

# --- scband reference (transcript-rebuilt; emitter-appended) ---
"""Pipeline reference for scband-saconv-2173253452324 (READ-ONLY COPY).

The authoritative reference and input builder live on the scoring server;
editing this copy changes nothing except your own understanding.
"""

import jax, jax.numpy as jnp
import numpy as np

EPS = 1e-5

def group_gather(s, idx):
    # s: (B, C, N), idx: (B, M, K) -> (B, C, M, K)
    B, C, N = s.shape
    _, M, K = idx.shape
    idx_flat = idx.reshape(B, 1, M * K)
    gathered = jnp.take_along_axis(s, jnp.broadcast_to(idx_flat, (B, C, M * K)), axis=2)
    return gathered.reshape(B, C, M, K)

def conv_bn_relu(x, W, b, gamma, beta):
    # 1x1 Conv2d: x (B, Cin, M, K), W (Cout, Cin)
    y = jnp.einsum('bcmk,oc->bomk', x, W) + b[None, :, None, None]
    mean = y.mean(axis=(0, 2, 3), keepdims=True)
    var = y.var(axis=(0, 2, 3), keepdims=True)
    y = (y - mean) / jnp.sqrt(var + EPS)
    y = y * gamma[None, :, None, None] + beta[None, :, None, None]
    return jax.nn.relu(y)

def setup_inputs(seed: int = 0) -> dict:
    key = jax.random.key(seed)
    ks = jax.random.split(key, 12)
    B, M, N, K = 4, 2048, 16384, 32
    Ci = 61
    q_points = jax.random.normal(ks[0], (B, 3, M), dtype=jnp.float32)
    s_points = jax.random.normal(ks[1], (B, 3, N), dtype=jnp.float32)
    s_feats = jax.random.normal(ks[2], (B, Ci, N), dtype=jnp.float32)
    neighbor_indices = jax.random.randint(ks[3], (B, M, K), 0, N, dtype=jnp.int64)
    # MLP weights: input_dim = Ci + 3 = 64, output_dims = [64, 64, 128]
    W1 = jax.random.normal(ks[4], (64, 64), dtype=jnp.float32) * 0.05
    b1 = jnp.zeros((64,), dtype=jnp.float32)
    g1 = jnp.ones((64,), dtype=jnp.float32)
    be1 = jnp.zeros((64,), dtype=jnp.float32)
    W2 = jax.random.normal(ks[5], (64, 64), dtype=jnp.float32) * 0.05
    b2 = jnp.zeros((64,), dtype=jnp.float32)
    g2 = jnp.ones((64,), dtype=jnp.float32)
    be2 = jnp.zeros((64,), dtype=jnp.float32)
    W3 = jax.random.normal(ks[6], (128, 64), dtype=jnp.float32) * 0.05
    b3 = jnp.zeros((128,), dtype=jnp.float32)
    g3 = jnp.ones((128,), dtype=jnp.float32)
    be3 = jnp.zeros((128,), dtype=jnp.float32)
    return {"q_points": q_points, "s_points": s_points, "s_feats": s_feats,
            "neighbor_indices": neighbor_indices,
            "W1": W1, "b1": b1, "g1": g1, "be1": be1,
            "W2": W2, "b2": b2, "g2": g2, "be2": be2,
            "W3": W3, "b3": b3, "g3": g3, "be3": be3}

def reference(q_points, s_points, s_feats, neighbor_indices,
              W1, b1, g1, be1, W2, b2, g2, be2, W3, b3, g3, be3):
    neighbor_points = group_gather(s_points, neighbor_indices)           # (B, 3, M, K)
    neighbor_offsets = neighbor_points - q_points[:, :, :, None]         # (B, 3, M, K)
    neighbor_feats = group_gather(s_feats, neighbor_indices)             # (B, Ci, M, K)
    neighbor_feats = jnp.concatenate([neighbor_feats, neighbor_offsets], axis=1)  # (B, Ci+3, M, K)
    h = conv_bn_relu(neighbor_feats, W1, b1, g1, be1)
    h = conv_bn_relu(h, W2, b2, g2, be2)
    h = conv_bn_relu(h, W3, b3, g3, be3)
    q_feats = h.max(axis=3)                                              # (B, Co, M)
    return q_feats

if __name__ == "__main__":
    import jax
    _d = setup_inputs()
    print(jax.jit(kernel)(*tuple(_d.values())))

</pallas_src>

<mosaic_0001>
#map = affine_map<(d0, d1) -> (0, 0)>
#map1 = affine_map<(d0, d1) -> (0)>
module attributes {stable_mosaic.version = 14 : i64} {
  func.func @gk(%arg0: i32, %arg1: i32, %arg2: memref<65536x64xf32, #tpu.memory_space<hbm>>, %arg3: memref<262144xi32, #tpu.memory_space<hbm>>, %arg4: memref<262144x64xf32, #tpu.memory_space<hbm>>, %arg5: memref<8192xi32, #tpu.memory_space<vmem>>, %arg6: memref<2x512x64xf32, #tpu.memory_space<vmem>>, %arg7: memref<!tpu.dma_semaphore, #tpu.memory_space<semaphore_mem>>, %arg8: memref<!tpu.dma_semaphore, #tpu.memory_space<semaphore_mem>>) attributes {dimension_semantics = [#tpu.dimension_semantics<core_parallel>, #tpu.dimension_semantics<subcore_parallel>], iteration_bounds = array<i64: 2, 16>, scalar_prefetch = 0 : i64, scratch_operands = 4 : i64, tpu.core_type = #tpu.core_type<sc_vector_subcore>, window_params = [{transform_indices = #map}, {transform_indices = #map1}, {transform_indices = #map}]} {
    %mul3A = arith.constant 2 : i32
    %mul3A_0 = arith.muli %arg1, %mul3A : i32
    %add3A = arith.addi %mul3A_0, %arg0 : i32
    %mul3A_1 = arith.constant 8192 : i32
    %mul3A_2 = arith.muli %add3A, %mul3A_1 : i32
    "tpu.region"() ({
      %run_scoped3A = tpu.sem_alloc : memref<!tpu.dma_semaphore, #tpu.memory_space<semaphore_mem>>
      %dma_start3A_1729 = tpu.memref_slice %arg3[%mul3A_2] : memref<262144xi32, #tpu.memory_space<hbm>> -> memref<8192xi32, #tpu.memory_space<hbm>>
      %dma_start3A_1730 = tpu.memref_slice %arg3[%mul3A_2] : memref<262144xi32, #tpu.memory_space<hbm>> -> memref<8192xi32, #tpu.memory_space<hbm>>
      tpu.enqueue_dma source(%dma_start3A_1730 : memref<8192xi32, #tpu.memory_space<hbm>>) target(%arg5 : memref<8192xi32, #tpu.memory_space<vmem>>) target_semaphore(%run_scoped3A : memref<!tpu.dma_semaphore, #tpu.memory_space<semaphore_mem>>)
      %dma_wait3A_1731 = tpu.memref_slice %arg3[%mul3A_2] : memref<262144xi32, #tpu.memory_space<hbm>> -> memref<8192xi32, #tpu.memory_space<hbm>>
      %dma_wait3A_1732 = tpu.memref_slice %arg3[%mul3A_2] : memref<262144xi32, #tpu.memory_space<hbm>> -> memref<8192xi32, #tpu.memory_space<hbm>>
      tpu.wait_dma2 semaphore(%run_scoped3A : memref<!tpu.dma_semaphore, #tpu.memory_space<semaphore_mem>>) src(%dma_wait3A_1732 : memref<8192xi32, #tpu.memory_space<hbm>>) dst(%arg5 : memref<8192xi32, #tpu.memory_space<vmem>>)
      tpu.yield
    }) : () -> ()
    %dma_start3A = arith.constant 0 : i32
    %dma_start3A_3 = arith.constant 0 : i32
    %dma_start3A_4 = arith.constant 0 : i32
    %dma_start3A_5 = tpu.memref_slice %arg6[%dma_start3A, %dma_start3A_3, %dma_start3A_4] : memref<2x512x64xf32, #tpu.memory_space<vmem>> -> memref<1x128x64xf32, #tpu.memory_space<vmem>>
    %dma_start3A_6 = tpu.memref_squeeze %dma_start3A_5 : memref<1x128x64xf32, #tpu.memory_space<vmem>> -> memref<128x64xf32, #tpu.memory_space<vmem>>
    %dma_start3A_7 = arith.constant 0 : i32
    %dma_start3A_8 = tpu.memref_slice %arg5[%dma_start3A_7] : memref<8192xi32, #tpu.memory_space<vmem>> -> memref<128xi32, #tpu.memory_space<vmem>>
    %dma_start3A_9 = arith.constant 0 : i32
    %dma_start3A_10 = arith.constant 0 : i32
    %dma_start3A_11 = tpu.memref_slice %arg2[%dma_start3A_9, %dma_start3A_10] : memref<65536x64xf32, #tpu.memory_space<hbm>> -> memref<65536x64xf32, #tpu.memory_space<hbm>>
    tpu.enqueue_indirect_dma source(%dma_start3A_11 : memref<65536x64xf32, #tpu.memory_space<hbm>>) target(%dma_start3A_6 : memref<128x64xf32, #tpu.memory_space<vmem>>) offsets(%dma_start3A_8 : memref<128xi32, #tpu.memory_space<vmem>>) semaphore(%arg7 : memref<!tpu.dma_semaphore, #tpu.memory_space<semaphore_mem>>)
    %dma_start3A_12 = arith.constant 0 : i32
    %dma_start3A_13 = arith.constant 128 : i32
    %dma_start3A_14 = arith.constant 0 : i32
    %dma_start3A_15 = tpu.memref_slice %arg6[%dma_start3A_12, %dma_start3A_13, %dma_start3A_14] : memref<2x512x64xf32, #tpu.memory_space<vmem>> -> memref<1x128x64xf32, #tpu.memory_space<vmem>>
    %dma_start3A_16 = tpu.memref_squeeze %dma_start3A_15 : memref<1x128x64xf32, #tpu.memory_space<vmem>> -> memref<128x64xf32, #tpu.memory_space<vmem>>
    %dma_start3A_17 = arith.constant 128 : i32
    %dma_start3A_18 = tpu.memref_slice %arg5[%dma_start3A_17] : memref<8192xi32, #tpu.memory_space<vmem>> -> memref<128xi32, #tpu.memory_space<vmem>>
    %dma_start3A_19 = arith.constant 0 : i32
    %dma_start3A_20 = arith.constant 0 : i32
    %dma_start3A_21 = tpu.memref_slice %arg2[%dma_start3A_19, %dma_start3A_20] : memref<65536x64xf32, #tpu.memory_space<hbm>> -> memref<65536x64xf32, #tpu.memory_space<hbm>>
    tpu.enqueue_indirect_dma source(%dma_start3A_21 : memref<65536x64xf32, #tpu.memory_space<hbm>>) target(%dma_start3A_16 : memref<128x64xf32, #tpu.memory_space<vmem>>) offsets(%dma_start3A_18 : memref<128xi32, #tpu.memory_space<vmem>>) semaphore(%arg7 : memref<!tpu.dma_semaphore, #tpu.memory_space<semaphore_mem>>)
    %dma_start3A_22 = arith.constant 0 : i32
    %dma_start3A_23 = arith.constant 256 : i32
    %dma_start3A_24 = arith.constant 0 : i32
    %dma_start3A_25 = tpu.memref_slice %arg6[%dma_start3A_22, %dma_start3A_23, %dma_start3A_24] : memref<2x512x64xf32, #tpu.memory_space<vmem>> -> memref<1x128x64xf32, #tpu.memory_space<vmem>>
    %dma_start3A_26 = tpu.memref_squeeze %dma_start3A_25 : memref<1x128x64xf32, #tpu.memory_space<vmem>> -> memref<128x64xf32, #tpu.memory_space<vmem>>
    %dma_start3A_27 = arith.constant 256 : i32
    %dma_start3A_28 = tpu.memref_slice %arg5[%dma_start3A_27] : memref<8192xi32, #tpu.memory_space<vmem>> -> memref<128xi32, #tpu.memory_space<vmem>>
    %dma_start3A_29 = arith.constant 0 : i32
    %dma_start3A_30 = arith.constant 0 : i32
    %dma_start3A_31 = tpu.memref_slice %arg2[%dma_start3A_29, %dma_start3A_30] : memref<65536x64xf32, #tpu.memory_space<hbm>> -> memref<65536x64xf32, #tpu.memory_space<hbm>>
    tpu.enqueue_indirect_dma source(%dma_start3A_31 : memref<65536x64xf32, #tpu.memory_space<hbm>>) target(%dma_start3A_26 : memref<128x64xf32, #tpu.memory_space<vmem>>) offsets(%dma_start3A_28 : memref<128xi32, #tpu.memory_space<vmem>>) semaphore(%arg7 : memref<!tpu.dma_semaphore, #tpu.memory_space<semaphore_mem>>)
    %dma_start3A_32 = arith.constant 0 : i32
    %dma_start3A_33 = arith.constant 384 : i32
    %dma_start3A_34 = arith.constant 0 : i32
    %dma_start3A_35 = tpu.memref_slice %arg6[%dma_start3A_32, %dma_start3A_33, %dma_start3A_34] : memref<2x512x64xf32, #tpu.memory_space<vmem>> -> memref<1x128x64xf32, #tpu.memory_space<vmem>>
    %dma_start3A_36 = tpu.memref_squeeze %dma_start3A_35 : memref<1x128x64xf32, #tpu.memory_space<vmem>> -> memref<128x64xf32, #tpu.memory_space<vmem>>
    %dma_start3A_37 = arith.constant 384 : i32
    %dma_start3A_38 = tpu.memref_slice %arg5[%dma_start3A_37] : memref<8192xi32, #tpu.memory_space<vmem>> -> memref<128xi32, #tpu.memory_space<vmem>>
    %dma_start3A_39 = arith.constant 0 : i32
    %dma_start3A_40 = arith.constant 0 : i32
    %dma_start3A_41 = tpu.memref_slice %arg2[%dma_start3A_39, %dma_start3A_40] : memref<65536x64xf32, #tpu.memory_space<hbm>> -> memref<65536x64xf32, #tpu.memory_space<hbm>>
    tpu.enqueue_indirect_dma source(%dma_start3A_41 : memref<65536x64xf32, #tpu.memory_space<hbm>>) target(%dma_start3A_36 : memref<128x64xf32, #tpu.memory_space<vmem>>) offsets(%dma_start3A_38 : memref<128xi32, #tpu.memory_space<vmem>>) semaphore(%arg7 : memref<!tpu.dma_semaphore, #tpu.memory_space<semaphore_mem>>)
    %dma_wait3A = arith.constant 0 : i32
    %dma_wait3A_42 = arith.constant 0 : i32
    %dma_wait3A_43 = arith.constant 0 : i32
    %dma_wait3A_44 = tpu.memref_slice %arg6[%dma_wait3A, %dma_wait3A_42, %dma_wait3A_43] : memref<2x512x64xf32, #tpu.memory_space<vmem>> -> memref<1x128x64xf32, #tpu.memory_space<vmem>>
    %dma_wait3A_45 = tpu.memref_squeeze %dma_wait3A_44 : memref<1x128x64xf32, #tpu.memory_space<vmem>> -> memref<128x64xf32, #tpu.memory_space<vmem>>
    %dma_wait3A_46 = arith.constant 0 : i32
    %dma_wait3A_47 = tpu.memref_slice %arg5[%dma_wait3A_46] : memref<8192xi32, #tpu.memory_space<vmem>> -> memref<128xi32, #tpu.memory_space<vmem>>
    %dma_wait3A_48 = arith.constant 0 : i32
    %dma_wait3A_49 = arith.constant 0 : i32
    %dma_wait3A_50 = tpu.memref_slice %arg2[%dma_wait3A_48, %dma_wait3A_49] : memref<65536x64xf32, #tpu.memory_space<hbm>> -> memref<65536x64xf32, #tpu.memory_space<hbm>>
    tpu.wait_indirect_dma semaphore(%arg7 : memref<!tpu.dma_semaphore, #tpu.memory_space<semaphore_mem>>) src(%dma_wait3A_50 : memref<65536x64xf32, #tpu.memory_space<hbm>>) dst(%dma_wait3A_45 : memref<128x64xf32, #tpu.memory_space<vmem>>)
    %dma_wait3A_51 = arith.constant 0 : i32
    %dma_wait3A_52 = arith.constant 128 : i32
    %dma_wait3A_53 = arith.constant 0 : i32
    %dma_wait3A_54 = tpu.memref_slice %arg6[%dma_wait3A_51, %dma_wait3A_52, %dma_wait3A_53] : memref<2x512x64xf32, #tpu.memory_space<vmem>> -> memref<1x128x64xf32, #tpu.memory_space<vmem>>
    %dma_wait3A_55 = tpu.memref_squeeze %dma_wait3A_54 : memref<1x128x64xf32, #tpu.memory_space<vmem>> -> memref<128x64xf32, #tpu.memory_space<vmem>>
    %dma_wait3A_56 = arith.constant 128 : i32
    %dma_wait3A_57 = tpu.memref_slice %arg5[%dma_wait3A_56] : memref<8192xi32, #tpu.memory_space<vmem>> -> memref<128xi32, #tpu.memory_space<vmem>>
    %dma_wait3A_58 = arith.constant 0 : i32
    %dma_wait3A_59 = arith.constant 0 : i32
    %dma_wait3A_60 = tpu.memref_slice %arg2[%dma_wait3A_58, %dma_wait3A_59] : memref<65536x64xf32, #tpu.memory_space<hbm>> -> memref<65536x64xf32, #tpu.memory_space<hbm>>
    tpu.wait_indirect_dma semaphore(%arg7 : memref<!tpu.dma_semaphore, #tpu.memory_space<semaphore_mem>>) src(%dma_wait3A_60 : memref<65536x64xf32, #tpu.memory_space<hbm>>) dst(%dma_wait3A_55 : memref<128x64xf32, #tpu.memory_space<vmem>>)
    %dma_wait3A_61 = arith.constant 0 : i32
    %dma_wait3A_62 = arith.constant 256 : i32
    %dma_wait3A_63 = arith.constant 0 : i32
    %dma_wait3A_64 = tpu.memref_slice %arg6[%dma_wait3A_61, %dma_wait3A_62, %dma_wait3A_63] : memref<2x512x64xf32, #tpu.memory_space<vmem>> -> memref<1x128x64xf32, #tpu.memory_space<vmem>>
    %dma_wait3A_65 = tpu.memref_squeeze %dma_wait3A_64 : memref<1x128x64xf32, #tpu.memory_space<vmem>> -> memref<128x64xf32, #tpu.memory_space<vmem>>
    %dma_wait3A_66 = arith.constant 256 : i32
    %dma_wait3A_67 = tpu.memref_slice %arg5[%dma_wait3A_66] : memref<8192xi32, #tpu.memory_space<vmem>> -> memref<128xi32, #tpu.memory_space<vmem>>
    %dma_wait3A_68 = arith.constant 0 : i32
    %dma_wait3A_69 = arith.constant 0 : i32
    %dma_wait3A_70 = tpu.memref_slice %arg2[%dma_wait3A_68, %dma_wait3A_69] : memref<65536x64xf32, #tpu.memory_space<hbm>> -> memref<65536x64xf32, #tpu.memory_space<hbm>>
    tpu.wait_indirect_dma semaphore(%arg7 : memref<!tpu.dma_semaphore, #tpu.memory_space<semaphore_mem>>) src(%dma_wait3A_70 : memref<65536x64xf32, #tpu.memory_space<hbm>>) dst(%dma_wait3A_65 : memref<128x64xf32, #tpu.memory_space<vmem>>)
    %dma_wait3A_71 = arith.constant 0 : i32
    %dma_wait3A_72 = arith.constant 384 : i32
    %dma_wait3A_73 = arith.constant 0 : i32
    %dma_wait3A_74 = tpu.memref_slice %arg6[%dma_wait3A_71, %dma_wait3A_72, %dma_wait3A_73] : memref<2x512x64xf32, #tpu.memory_space<vmem>> -> memref<1x128x64xf32, #tpu.memory_space<vmem>>
    %dma_wait3A_75 = tpu.memref_squeeze %dma_wait3A_74 : memref<1x128x64xf32, #tpu.memory_space<vmem>> -> memref<128x64xf32, #tpu.memory_space<vmem>>
    %dma_wait3A_76 = arith.constant 384 : i32
    %dma_wait3A_77 = tpu.memref_slice %arg5[%dma_wait3A_76] : memref<8192xi32, #tpu.memory_space<vmem>> -> memref<128xi32, #tpu.memory_space<vmem>>
    %dma_wait3A_78 = arith.constant 0 : i32
    %dma_wait3A_79 = arith.constant 0 : i32
    %dma_wait3A_80 = tpu.memref_slice %arg2[%dma_wait3A_78, %dma_wait3A_79] : memref<65536x64xf32, #tpu.memory_space<hbm>> -> memref<65536x64xf32, #tpu.memory_space<hbm>>
    tpu.wait_indirect_dma semaphore(%arg7 : memref<!tpu.dma_semaphore, #tpu.memory_space<semaphore_mem>>) src(%dma_wait3A_80 : memref<65536x64xf32, #tpu.memory_space<hbm>>) dst(%dma_wait3A_75 : memref<128x64xf32, #tpu.memory_space<vmem>>)
    %add3A_81 = arith.constant 0 : i32
    %add3A_82 = arith.addi %mul3A_2, %add3A_81 : i32
    %dma_start3A_83 = arith.constant 0 : i32
    %dma_start3A_84 = arith.constant 0 : i32
    %dma_start3A_85 = arith.constant 0 : i32
    %dma_start3A_86 = tpu.memref_slice %arg6[%dma_start3A_83, %dma_start3A_84, %dma_start3A_85] : memref<2x512x64xf32, #tpu.memory_space<vmem>> -> memref<1x512x64xf32, #tpu.memory_space<vmem>>
    %dma_start3A_87 = tpu.memref_squeeze %dma_start3A_86 : memref<1x512x64xf32, #tpu.memory_space<vmem>> -> memref<512x64xf32, #tpu.memory_space<vmem>>
    %dma_start3A_88 = arith.constant 0 : i32
    %dma_start3A_89 = tpu.memref_slice %arg4[%add3A_82, %dma_start3A_88] : memref<262144x64xf32, #tpu.memory_space<hbm>> -> memref<512x64xf32, #tpu.memory_space<hbm>>
    %dma_start3A_90 = arith.constant 0 : i32
    %dma_start3A_91 = tpu.memref_slice %arg4[%add3A_82, %dma_start3A_90] : memref<262144x64xf32, #tpu.memory_space<hbm>> -> memref<512x64xf32, #tpu.memory_space<hbm>>
    %dma_start3A_92 = arith.constant 0 : i32
    %dma_start3A_93 = arith.constant 0 : i32
    %dma_start3A_94 = tpu.memref_slice %arg6[%dma_start3A_83, %dma_start3A_92, %dma_start3A_93] : memref<2x512x64xf32, #tpu.memory_space<vmem>> -> memref<1x512x64xf32, #tpu.memory_space<vmem>>
    %dma_start3A_95 = tpu.memref_squeeze %dma_start3A_94 : memref<1x512x64xf32, #tpu.memory_space<vmem>> -> memref<512x64xf32, #tpu.memory_space<vmem>>
    tpu.enqueue_dma source(%dma_start3A_95 : memref<512x64xf32, #tpu.memory_space<vmem>>) target(%dma_start3A_91 : memref<512x64xf32, #tpu.memory_space<hbm>>) target_semaphore(%arg8 : memref<!tpu.dma_semaphore, #tpu.memory_space<semaphore_mem>>)
    %dma_start3A_96 = arith.constant 1 : i32
    %dma_start3A_97 = arith.constant 0 : i32
    %dma_start3A_98 = arith.constant 0 : i32
    %dma_start3A_99 = tpu.memref_slice %arg6[%dma_start3A_96, %dma_start3A_97, %dma_start3A_98] : memref<2x512x64xf32, #tpu.memory_space<vmem>> -> memref<1x128x64xf32, #tpu.memory_space<vmem>>
    %dma_start3A_100 = tpu.memref_squeeze %dma_start3A_99 : memref<1x128x64xf32, #tpu.memory_space<vmem>> -> memref<128x64xf32, #tpu.memory_space<vmem>>
    %dma_start3A_101 = arith.constant 512 : i32
    %dma_start3A_102 = tpu.memref_slice %arg5[%dma_start3A_101] : memref<8192xi32, #tpu.memory_space<vmem>> -> memref<128xi32, #tpu.memory_space<vmem>>
    %dma_start3A_103 = arith.constant 0 : i32
    %dma_start3A_104 = arith.constant 0 : i32
    %dma_start3A_105 = tpu.memref_slice %arg2[%dma_start3A_103, %dma_start3A_104] : memref<65536x64xf32, #tpu.memory_space<hbm>> -> memref<65536x64xf32, #tpu.memory_space<hbm>>
    tpu.enqueue_indirect_dma source(%dma_start3A_105 : memref<65536x64xf32, #tpu.memory_space<hbm>>) target(%dma_start3A_100 : memref<128x64xf32, #tpu.memory_space<vmem>>) offsets(%dma_start3A_102 : memref<128xi32, #tpu.memory_space<vmem>>) semaphore(%arg7 : memref<!tpu.dma_semaphore, #tpu.memory_space<semaphore_mem>>)
    %dma_start3A_106 = arith.constant 1 : i32
    %dma_start3A_107 = arith.constant 128 : i32
    %dma_start3A_108 = arith.constant 0 : i32
    %dma_start3A_109 = tpu.memref_slice %arg6[%dma_start3A_106, %dma_start3A_107, %dma_start3A_108] : memref<2x512x64xf32, #tpu.memory_space<vmem>> -> memref<1x128x64xf32, #tpu.memory_space<vmem>>
    %dma_start3A_110 = tpu.memref_squeeze %dma_start3A_109 : memref<1x128x64xf32, #tpu.memory_space<vmem>> -> memref<128x64xf32, #tpu.memory_space<vmem>>
    %dma_start3A_111 = arith.constant 640 : i32
    %dma_start3A_112 = tpu.memref_slice %arg5[%dma_start3A_111] : memref<8192xi32, #tpu.memory_space<vmem>> -> memref<128xi32, #tpu.memory_space<vmem>>
    %dma_start3A_113 = arith.constant 0 : i32
    %dma_start3A_114 = arith.constant 0 : i32
    %dma_start3A_115 = tpu.memref_slice %arg2[%dma_start3A_113, %dma_start3A_114] : memref<65536x64xf32, #tpu.memory_space<hbm>> -> memref<65536x64xf32, #tpu.memory_space<hbm>>
    tpu.enqueue_indirect_dma source(%dma_start3A_115 : memref<65536x64xf32, #tpu.memory_space<hbm>>) target(%dma_start3A_110 : memref<128x64xf32, #tpu.memory_space<vmem>>) offsets(%dma_start3A_112 : memref<128xi32, #tpu.memory_space<vmem>>) semaphore(%arg7 : memref<!tpu.dma_semaphore, #tpu.memory_space<semaphore_mem>>)
    %dma_start3A_116 = arith.constant 1 : i32
    %dma_start3A_117 = arith.constant 256 : i32
    %dma_start3A_118 = arith.constant 0 : i32
    %dma_start3A_119 = tpu.memref_slice %arg6[%dma_start3A_116, %dma_start3A_117, %dma_start3A_118] : memref<2x512x64xf32, #tpu.memory_space<vmem>> -> memref<1x128x64xf32, #tpu.memory_space<vmem>>
    %dma_start3A_120 = tpu.memref_squeeze %dma_start3A_119 : memref<1x128x64xf32, #tpu.memory_space<vmem>> -> memref<128x64xf32, #tpu.memory_space<vmem>>
    %dma_start3A_121 = arith.constant 768 : i32
    %dma_start3A_122 = tpu.memref_slice %arg5[%dma_start3A_121] : memref<8192xi32, #tpu.memory_space<vmem>> -> memref<128xi32, #tpu.memory_space<vmem>>
    %dma_start3A_123 = arith.constant 0 : i32
    %dma_start3A_124 = arith.constant 0 : i32
    %dma_start3A_125 = tpu.memref_slice %arg2[%dma_start3A_123, %dma_start3A_124] : memref<65536x64xf32, #tpu.memory_space<hbm>> -> memref<65536x64xf32, #tpu.memory_space<hbm>>
    tpu.enqueue_indirect_dma source(%dma_start3A_125 : memref<65536x64xf32, #tpu.memory_space<hbm>>) target(%dma_start3A_120 : memref<128x64xf32, #tpu.memory_space<vmem>>) offsets(%dma_start3A_122 : memref<128xi32, #tpu.memory_space<vmem>>) semaphore(%arg7 : memref<!tpu.dma_semaphore, #tpu.memory_space<semaphore_mem>>)
    %dma_start3A_126 = arith.constant 1 : i32
    %dma_start3A_127 = arith.constant 384 : i32
    %dma_start3A_128 = arith.constant 0 : i32
    %dma_start3A_129 = tpu.memref_slice %arg6[%dma_start3A_126, %dma_start3A_127, %dma_start3A_128] : memref<2x512x64xf32, #tpu.memory_space<vmem>> -> memref<1x128x64xf32, #tpu.memory_space<vmem>>
    %dma_start3A_130 = tpu.memref_squeeze %dma_start3A_129 : memref<1x128x64xf32, #tpu.memory_space<vmem>> -> memref<128x64xf32, #tpu.memory_space<vmem>>
    %dma_start3A_131 = arith.constant 896 : i32
    %dma_start3A_132 = tpu.memref_slice %arg5[%dma_start3A_131] : memref<8192xi32, #tpu.memory_space<vmem>> -> memref<128xi32, #tpu.memory_space<vmem>>
    %dma_start3A_133 = arith.constant 0 : i32
    %dma_start3A_134 = arith.constant 0 : i32
    %dma_start3A_135 = tpu.memref_slice %arg2[%dma_start3A_133, %dma_start3A_134] : memref<65536x64xf32, #tpu.memory_space<hbm>> -> memref<65536x64xf32, #tpu.memory_space<hbm>>
    tpu.enqueue_indirect_dma source(%dma_start3A_135 : memref<65536x64xf32, #tpu.memory_space<hbm>>) target(%dma_start3A_130 : memref<128x64xf32, #tpu.memory_space<vmem>>) offsets(%dma_start3A_132 : memref<128xi32, #tpu.memory_space<vmem>>) semaphore(%arg7 : memref<!tpu.dma_semaphore, #tpu.memory_space<semaphore_mem>>)
    %dma_wait3A_136 = arith.constant 1 : i32
    %dma_wait3A_137 = arith.constant 0 : i32
    %dma_wait3A_138 = arith.constant 0 : i32
    %dma_wait3A_139 = tpu.memref_slice %arg6[%dma_wait3A_136, %dma_wait3A_137, %dma_wait3A_138] : memref<2x512x64xf32, #tpu.memory_space<vmem>> -> memref<1x128x64xf32, #tpu.memory_space<vmem>>
    %dma_wait3A_140 = tpu.memref_squeeze %dma_wait3A_139 : memref<1x128x64xf32, #tpu.memory_space<vmem>> -> memref<128x64xf32, #tpu.memory_space<vmem>>
    %dma_wait3A_141 = arith.constant 512 : i32
    %dma_wait3A_142 = tpu.memref_slice %arg5[%dma_wait3A_141] : memref<8192xi32, #tpu.memory_space<vmem>> -> memref<128xi32, #tpu.memory_space<vmem>>
    %dma_wait3A_143 = arith.constant 0 : i32
    %dma_wait3A_144 = arith.constant 0 : i32
    %dma_wait3A_145 = tpu.memref_slice %arg2[%dma_wait3A_143, %dma_wait3A_144] : memref<65536x64xf32, #tpu.memory_space<hbm>> -> memref<65536x64xf32, #tpu.memory_space<hbm>>
    tpu.wait_indirect_dma semaphore(%arg7 : memref<!tpu.dma_semaphore, #tpu.memory_space<semaphore_mem>>) src(%dma_wait3A_145 : memref<65536x64xf32, #tpu.memory_space<hbm>>) dst(%dma_wait3A_140 : memref<128x64xf32, #tpu.memory_space<vmem>>)
    %dma_wait3A_146 = arith.constant 1 : i32
    %dma_wait3A_147 = arith.constant 128 : i32
    %dma_wait3A_148 = arith.constant 0 : i32
    %dma_wait3A_149 = tpu.memref_slice %arg6[%dma_wait3A_146, %dma_wait3A_147, %dma_wait3A_148] : memref<2x512x64xf32, #tpu.memory_space<vmem>> -> memref<1x128x64xf32, #tpu.memory_space<vmem>>
    %dma_wait3A_150 = tpu.memref_squeeze %dma_wait3A_149 : memref<1x128x64xf32, #tpu.memory_space<vmem>> -> memref<128x64xf32, #tpu.memory_space<vmem>>
    %dma_wait3A_151 = arith.constant 640 : i32
    %dma_wait3A_152 = tpu.memref_slice %arg5[%dma_wait3A_151] : memref<8192xi32, #tpu.memory_space<vmem>> -> memref<128xi32, #tpu.memory_space<vmem>>
    %dma_wait3A_153 = arith.constant 0 : i32
    %dma_wait3A_154 = arith.constant 0 : i32
    %dma_wait3A_155 = tpu.memref_slice %arg2[%dma_wait3A_153, %dma_wait3A_154] : memref<65536x64xf32, #tpu.memory_space<hbm>> -> memref<65536x64xf32, #tpu.memory_space<hbm>>
    tpu.wait_indirect_dma semaphore(%arg7 : memref<!tpu.dma_semaphore, #tpu.memory_space<semaphore_mem>>) src(%dma_wait3A_155 : memref<65536x64xf32, #tpu.memory_space<hbm>>) dst(%dma_wait3A_150 : memref<128x64xf32, #tpu.memory_space<vmem>>)
    %dma_wait3A_156 = arith.constant 1 : i32
    %dma_wait3A_157 = arith.constant 256 : i32
    %dma_wait3A_158 = arith.constant 0 : i32
    %dma_wait3A_159 = tpu.memref_slice %arg6[%dma_wait3A_156, %dma_wait3A_157, %dma_wait3A_158] : memref<2x512x64xf32, #tpu.memory_space<vmem>> -> memref<1x128x64xf32, #tpu.memory_space<vmem>>
    %dma_wait3A_160 = tpu.memref_squeeze %dma_wait3A_159 : memref<1x128x64xf32, #tpu.memory_space<vmem>> -> memref<128x64xf32, #tpu.memory_space<vmem>>
    %dma_wait3A_161 = arith.constant 768 : i32
    %dma_wait3A_162 = tpu.memref_slice %arg5[%dma_wait3A_161] : memref<8192xi32, #tpu.memory_space<vmem>> -> memref<128xi32, #tpu.memory_space<vmem>>
    %dma_wait3A_163 = arith.constant 0 : i32
    %dma_wait3A_164 = arith.constant 0 : i32
    %dma_wait3A_165 = tpu.memref_slice %arg2[%dma_wait3A_163, %dma_wait3A_164] : memref<65536x64xf32, #tpu.memory_space<hbm>> -> memref<65536x64xf32, #tpu.memory_space<hbm>>
    tpu.wait_indirect_dma semaphore(%arg7 : memref<!tpu.dma_semaphore, #tpu.memory_space<semaphore_mem>>) src(%dma_wait3A_165 : memref<65536x64xf32, #tpu.memory_space<hbm>>) dst(%dma_wait3A_160 : memref<128x64xf32, #tpu.memory_space<vmem>>)
    %dma_wait3A_166 = arith.constant 1 : i32
    %dma_wait3A_167 = arith.constant 384 : i32
    %dma_wait3A_168 = arith.constant 0 : i32
    %dma_wait3A_169 = tpu.memref_slice %arg6[%dma_wait3A_166, %dma_wait3A_167, %dma_wait3A_168] : memref<2x512x64xf32, #tpu.memory_space<vmem>> -> memref<1x128x64xf32, #tpu.memory_space<vmem>>
    %dma_wait3A_170 = tpu.memref_squeeze %dma_wait3A_169 : memref<1x128x64xf32, #tpu.memory_space<vmem>> -> memref<128x64xf32, #tpu.memory_space<vmem>>
    %dma_wait3A_171 = arith.constant 896 : i32
    %dma_wait3A_172 = tpu.memref_slice %arg5[%dma_wait3A_171] : memref<8192xi32, #tpu.memory_space<vmem>> -> memref<128xi32, #tpu.memory_space<vmem>>
    %dma_wait3A_173 = arith.constant 0 : i32
    %dma_wait3A_174 = arith.constant 0 : i32
    %dma_wait3A_175 = tpu.memref_slice %arg2[%dma_wait3A_173, %dma_wait3A_174] : memref<65536x64xf32, #tpu.memory_space<hbm>> -> memref<65536x64xf32, #tpu.memory_space<hbm>>
    tpu.wait_indirect_dma semaphore(%arg7 : memref<!tpu.dma_semaphore, #tpu.memory_space<semaphore_mem>>) src(%dma_wait3A_175 : memref<65536x64xf32, #tpu.memory_space<hbm>>) dst(%dma_wait3A_170 : memref<128x64xf32, #tpu.memory_space<vmem>>)
    %add3A_176 = arith.constant 512 : i32
    %add3A_177 = arith.addi %mul3A_2, %add3A_176 : i32
    %dma_start3A_178 = arith.constant 1 : i32
    %dma_start3A_179 = arith.constant 0 : i32
    %dma_start3A_180 = arith.constant 0 : i32
    %dma_start3A_181 = tpu.memref_slice %arg6[%dma_start3A_178, %dma_start3A_179, %dma_start3A_180] : memref<2x512x64xf32, #tpu.memory_space<vmem>> -> memref<1x512x64xf32, #tpu.memory_space<vmem>>
    %dma_start3A_182 = tpu.memref_squeeze %dma_start3A_181 : memref<1x512x64xf32, #tpu.memory_space<vmem>> -> memref<512x64xf32, #tpu.memory_space<vmem>>
    %dma_start3A_183 = arith.constant 0 : i32
    %dma_start3A_184 = tpu.memref_slice %arg4[%add3A_177, %dma_start3A_183] : memref<262144x64xf32, #tpu.memory_space<hbm>> -> memref<512x64xf32, #tpu.memory_space<hbm>>
    %dma_start3A_185 = arith.constant 0 : i32
    %dma_start3A_186 = tpu.memref_slice %arg4[%add3A_177, %dma_start3A_185] : memref<262144x64xf32, #tpu.memory_space<hbm>> -> memref<512x64xf32, #tpu.memory_space<hbm>>
    %dma_start3A_187 = arith.constant 0 : i32
    %dma_start3A_188 = arith.constant 0 : i32
    %dma_start3A_189 = tpu.memref_slice %arg6[%dma_start3A_178, %dma_start3A_187, %dma_start3A_188] : memref<2x512x64xf32, #tpu.memory_space<vmem>> -> memref<1x512x64xf32, #tpu.memory_space<vmem>>
    %dma_start3A_190 = tpu.memref_squeeze %dma_start3A_189 : memref<1x512x64xf32, #tpu.memory_space<vmem>> -> memref<512x64xf32, #tpu.memory_space<vmem>>
    tpu.enqueue_dma source(%dma_start3A_190 : memref<512x64xf32, #tpu.memory_space<vmem>>) target(%dma_start3A_186 : memref<512x64xf32, #tpu.memory_space<hbm>>) target_semaphore(%arg8 : memref<!tpu.dma_semaphore, #tpu.memory_space<semaphore_mem>>)
    %dma_wait3A_191 = arith.constant 0 : i32
    %dma_wait3A_192 = arith.constant 0 : i32
    %dma_wait3A_193 = arith.constant 0 : i32
    %dma_wait3A_194 = tpu.memref_slice %arg6[%dma_wait3A_191, %dma_wait3A_192, %dma_wait3A_193] : memref<2x512x64xf32, #tpu.memory_space<vmem>> -> memref<1x512x64xf32, #tpu.memory_space<vmem>>
    %dma_wait3A_195 = tpu.memref_squeeze %dma_wait3A_194 : memref<1x512x64xf32, #tpu.memory_space<vmem>> -> memref<512x64xf32, #tpu.memory_space<vmem>>
    %dma_wait3A_196 = arith.constant 0 : i32
    %dma_wait3A_197 = tpu.memref_slice %arg4[%add3A_82, %dma_wait3A_196] : memref<262144x64xf32, #tpu.memory_space<hbm>> -> memref<512x64xf32, #tpu.memory_space<hbm>>
    %dma_wait3A_198 = arith.constant 0 : i32
    %dma_wait3A_199 = tpu.memref_slice %arg4[%add3A_82, %dma_wait3A_198] : memref<262144x64xf32, #tpu.memory_space<hbm>> -> memref<512x64xf32, #tpu.memory_space<hbm>>
    %dma_wait3A_200 = arith.constant 0 : i32
    %dma_wait3A_201 = arith.constant 0 : i32
    %dma_wait3A_202 = tpu.memref_slice %arg6[%dma_wait3A_191, %dma_wait3A_200, %dma_wait3A_201] : memref<2x512x64xf32, #tpu.memory_space<vmem>> -> memref<1x512x64xf32, #tpu.memory_space<vmem>>
    %dma_wait3A_203 = tpu.memref_squeeze %dma_wait3A_202 : memref<1x512x64xf32, #tpu.memory_space<vmem>> -> memref<512x64xf32, #tpu.memory_space<vmem>>
    tpu.wait_dma2 semaphore(%arg8 : memref<!tpu.dma_semaphore, #tpu.memory_space<semaphore_mem>>) src(%dma_wait3A_203 : memref<512x64xf32, #tpu.memory_space<vmem>>) dst(%dma_wait3A_199 : memref<512x64xf32, #tpu.memory_space<hbm>>)
    %dma_start3A_204 = arith.constant 0 : i32
    %dma_start3A_205 = arith.constant 0 : i32
    %dma_start3A_206 = arith.constant 0 : i32
    %dma_start3A_207 = tpu.memref_slice %arg6[%dma_start3A_204, %dma_start3A_205, %dma_start3A_206] : memref<2x512x64xf32, #tpu.memory_space<vmem>> -> memref<1x128x64xf32, #tpu.memory_space<vmem>>
    %dma_start3A_208 = tpu.memref_squeeze %dma_start3A_207 : memref<1x128x64xf32, #tpu.memory_space<vmem>> -> memref<128x64xf32, #tpu.memory_space<vmem>>
    %dma_start3A_209 = arith.constant 1024 : i32
    %dma_start3A_210 = tpu.memref_slice %arg5[%dma_start3A_209] : memref<8192xi32, #tpu.memory_space<vmem>> -> memref<128xi32, #tpu.memory_space<vmem>>
    %dma_start3A_211 = arith.constant 0 : i32
    %dma_start3A_212 = arith.constant 0 : i32
    %dma_start3A_213 = tpu.memref_slice %arg2[%dma_start3A_211, %dma_start3A_212] : memref<65536x64xf32, #tpu.memory_space<hbm>> -> memref<65536x64xf32, #tpu.memory_space<hbm>>
    tpu.enqueue_indirect_dma source(%dma_start3A_213 : memref<65536x64xf32, #tpu.memory_space<hbm>>) target(%dma_start3A_208 : memref<128x64xf32, #tpu.memory_space<vmem>>) offsets(%dma_start3A_210 : memref<128xi32, #tpu.memory_space<vmem>>) semaphore(%arg7 : memref<!tpu.dma_semaphore, #tpu.memory_space<semaphore_mem>>)
    %dma_start3A_214 = arith.constant 0 : i32
    %dma_start3A_215 = arith.constant 128 : i32
    %dma_start3A_216 = arith.constant 0 : i32
    %dma_start3A_217 = tpu.memref_slice %arg6[%dma_start3A_214, %dma_start3A_215, %dma_start3A_216] : memref<2x512x64xf32, #tpu.memory_space<vmem>> -> memref<1x128x64xf32, #tpu.memory_space<vmem>>
    %dma_start3A_218 = tpu.memref_squeeze %dma_start3A_217 : memref<1x128x64xf32, #tpu.memory_space<vmem>> -> memref<128x64xf32, #tpu.memory_space<vmem>>
    %dma_start3A_219 = arith.constant 1152 : i32
    %dma_start3A_220 = tpu.memref_slice %arg5[%dma_start3A_219] : memref<8192xi32, #tpu.memory_space<vmem>> -> memref<128xi32, #tpu.memory_space<vmem>>
    %dma_start3A_221 = arith.constant 0 : i32
    %dma_start3A_222 = arith.constant 0 : i32
    %dma_start3A_223 = tpu.memref_slice %arg2[%dma_start3A_221, %dma_start3A_222] : memref<65536x64xf32, #tpu.memory_space<hbm>> -> memref<65536x64xf32, #tpu.memory_space<hbm>>
    tpu.enqueue_indirect_dma source(%dma_start3A_223 : memref<65536x64xf32, #tpu.memory_space<hbm>>) target(%dma_start3A_218 : memref<128x64xf32, #tpu.memory_space<vmem>>) offsets(%dma_start3A_220 : memref<128xi32, #tpu.memory_space<vmem>>) semaphore(%arg7 : memref<!tpu.dma_semaphore, #tpu.memory_space<semaphore_mem>>)
    %dma_start3A_224 = arith.constant 0 : i32
    %dma_start3A_225 = arith.constant 256 : i32
    %dma_start3A_226 = arith.constant 0 : i32
    %dma_start3A_227 = tpu.memref_slice %arg6[%dma_start3A_224, %dma_start3A_225, %dma_start3A_226] : memref<2x512x64xf32, #tpu.memory_space<vmem>> -> memref<1x128x64xf32, #tpu.memory_space<vmem>>
    %dma_start3A_228 = tpu.memref_squeeze %dma_start3A_227 : memref<1x128x64xf32, #tpu.memory_space<vmem>> -> memref<128x64xf32, #tpu.memory_space<vmem>>
    %dma_start3A_229 = arith.constant 1280 : i32
    %dma_start3A_230 = tpu.memref_slice %arg5[%dma_start3A_229] : memref<8192xi32, #tpu.memory_space<vmem>> -> memref<128xi32, #tpu.memory_space<vmem>>
    %dma_start3A_231 = arith.constant 0 : i32
    %dma_start3A_232 = arith.constant 0 : i32
    %dma_start3A_233 = tpu.memref_slice %arg2[%dma_start3A_231, %dma_start3A_232] : memref<65536x64xf32, #tpu.memory_space<hbm>> -> memref<65536x64xf32, #tpu.memory_space<hbm>>
    tpu.enqueue_indirect_dma source(%dma_start3A_233 : memref<65536x64xf32, #tpu.memory_space<hbm>>) target(%dma_start3A_228 : memref<128x64xf32, #tpu.memory_space<vmem>>) offsets(%dma_start3A_230 : memref<128xi32, #tpu.memory_space<vmem>>) semaphore(%arg7 : memref<!tpu.dma_semaphore, #tpu.memory_space<semaphore_mem>>)
    %dma_start3A_234 = arith.constant 0 : i32
    %dma_start3A_235 = arith.constant 384 : i32
    %dma_start3A_236 = arith.constant 0 : i32
    %dma_start3A_237 = tpu.memref_slice %arg6[%dma_start3A_234, %dma_start3A_235, %dma_start3A_236] : memref<2x512x64xf32, #tpu.memory_space<vmem>> -> memref<1x128x64xf32, #tpu.memory_space<vmem>>
    %dma_start3A_238 = tpu.memref_squeeze %dma_start3A_237 : memref<1x128x64xf32, #tpu.memory_space<vmem>> -> memref<128x64xf32, #tpu.memory_space<vmem>>
    %dma_start3A_239 = arith.constant 1408 : i32
    %dma_start3A_240 = tpu.memref_slice %arg5[%dma_start3A_239] : memref<8192xi32, #tpu.memory_space<vmem>> -> memref<128xi32, #tpu.memory_space<vmem>>
    %dma_start3A_241 = arith.constant 0 : i32
    %dma_start3A_242 = arith.constant 0 : i32
    %dma_start3A_243 = tpu.memref_slice %arg2[%dma_start3A_241, %dma_start3A_242] : memref<65536x64xf32, #tpu.memory_space<hbm>> -> memref<65536x64xf32, #tpu.memory_space<hbm>>
    tpu.enqueue_indirect_dma source(%dma_start3A_243 : memref<65536x64xf32, #tpu.memory_space<hbm>>) target(%dma_start3A_238 : memref<128x64xf32, #tpu.memory_space<vmem>>) offsets(%dma_start3A_240 : memref<128xi32, #tpu.memory_space<vmem>>) semaphore(%arg7 : memref<!tpu.dma_semaphore, #tpu.memory_space<semaphore_mem>>)
    %dma_wait3A_244 = arith.constant 0 : i32
    %dma_wait3A_245 = arith.constant 0 : i32
    %dma_wait3A_246 = arith.constant 0 : i32
    %dma_wait3A_247 = tpu.memref_slice %arg6[%dma_wait3A_244, %dma_wait3A_245, %dma_wait3A_246] : memref<2x512x64xf32, #tpu.memory_space<vmem>> -> memref<1x128x64xf32, #tpu.memory_space<vmem>>
    %dma_wait3A_248 = tpu.memref_squeeze %dma_wait3A_247 : memref<1x128x64xf32, #tpu.memory_space<vmem>> -> memref<128x64xf32, #tpu.memory_space<vmem>>
    %dma_wait3A_249 = arith.constant 1024 : i32
    %dma_wait3A_250 = tpu.memref_slice %arg5[%dma_wait3A_249] : memref<8192xi32, #tpu.memory_space<vmem>> -> memref<128xi32, #tpu.memory_space<vmem>>
    %dma_wait3A_251 = arith.constant 0 : i32
    %dma_wait3A_252 = arith.constant 0 : i32
    %dma_wait3A_253 = tpu.memref_slice %arg2[%dma_wait3A_251, %dma_wait3A_252] : memref<65536x64xf32, #tpu.memory_space<hbm>> -> memref<65536x64xf32, #tpu.memory_space<hbm>>
    tpu.wait_indirect_dma semaphore(%arg7 : memref<!tpu.dma_semaphore, #tpu.memory_space<semaphore_mem>>) src(%dma_wait3A_253 : memref<65536x64xf32, #tpu.memory_space<hbm>>) dst(%dma_wait3A_248 : memref<128x64xf32, #tpu.memory_space<vmem>>)
    %dma_wait3A_254 = arith.constant 0 : i32
    %dma_wait3A_255 = arith.constant 128 : i32
    %dma_wait3A_256 = arith.constant 0 : i32
    %dma_wait3A_257 = tpu.memref_slice %arg6[%dma_wait3A_254, %dma_wait3A_255, %dma_wait3A_256] : memref<2x512x64xf32, #tpu.memory_space<vmem>> -> memref<1x128x64xf32, #tpu.memory_space<vmem>>
    %dma_wait3A_258 = tpu.memref_squeeze %dma_wait3A_257 : memref<1x128x64xf32, #tpu.memory_space<vmem>> -> memref<128x64xf32, #tpu.memory_space<vmem>>
    %dma_wait3A_259 = arith.constant 1152 : i32
    %dma_wait3A_260 = tpu.memref_slice %arg5[%dma_wait3A_259] : memref<8192xi32, #tpu.memory_space<vmem>> -> memref<128xi32, #tpu.memory_space<vmem>>
    %dma_wait3A_261 = arith.constant 0 : i32
    %dma_wait3A_262 = arith.constant 0 : i32
    %dma_wait3A_263 = tpu.memref_slice %arg2[%dma_wait3A_261, %dma_wait3A_262] : memref<65536x64xf32, #tpu.memory_space<hbm>> -> memref<65536x64xf32, #tpu.memory_space<hbm>>
    tpu.wait_indirect_dma semaphore(%arg7 : memref<!tpu.dma_semaphore, #tpu.memory_space<semaphore_mem>>) src(%dma_wait3A_263 : memref<65536x64xf32, #tpu.memory_space<hbm>>) dst(%dma_wait3A_258 : memref<128x64xf32, #tpu.memory_space<vmem>>)
    %dma_wait3A_264 = arith.constant 0 : i32
    %dma_wait3A_265 = arith.constant 256 : i32
    %dma_wait3A_266 = arith.constant 0 : i32
    %dma_wait3A_267 = tpu.memref_slice %arg6[%dma_wait3A_264, %dma_wait3A_265, %dma_wait3A_266] : memref<2x512x64xf32, #tpu.memory_space<vmem>> -> memref<1x128x64xf32, #tpu.memory_space<vmem>>
    %dma_wait3A_268 = tpu.memref_squeeze %dma_wait3A_267 : memref<1x128x64xf32, #tpu.memory_space<vmem>> -> memref<128x64xf32, #tpu.memory_space<vmem>>
    %dma_wait3A_269 = arith.constant 1280 : i32
    %dma_wait3A_270 = tpu.memref_slice %arg5[%dma_wait3A_269] : memref<8192xi32, #tpu.memory_space<vmem>> -> memref<128xi32, #tpu.memory_space<vmem>>
    %dma_wait3A_271 = arith.constant 0 : i32
    %dma_wait3A_272 = arith.constant 0 : i32
    %dma_wait3A_273 = tpu.memref_slice %arg2[%dma_wait3A_271, %dma_wait3A_272] : memref<65536x64xf32, #tpu.memory_space<hbm>> -> memref<65536x64xf32, #tpu.memory_space<hbm>>
    tpu.wait_indirect_dma semaphore(%arg7 : memref<!tpu.dma_semaphore, #tpu.memory_space<semaphore_mem>>) src(%dma_wait3A_273 : memref<65536x64xf32, #tpu.memory_space<hbm>>) dst(%dma_wait3A_268 : memref<128x64xf32, #tpu.memory_space<vmem>>)
    %dma_wait3A_274 = arith.constant 0 : i32
    %dma_wait3A_275 = arith.constant 384 : i32
    %dma_wait3A_276 = arith.constant 0 : i32
    %dma_wait3A_277 = tpu.memref_slice %arg6[%dma_wait3A_274, %dma_wait3A_275, %dma_wait3A_276] : memref<2x512x64xf32, #tpu.memory_space<vmem>> -> memref<1x128x64xf32, #tpu.memory_space<vmem>>
    %dma_wait3A_278 = tpu.memref_squeeze %dma_wait3A_277 : memref<1x128x64xf32, #tpu.memory_space<vmem>> -> memref<128x64xf32, #tpu.memory_space<vmem>>
    %dma_wait3A_279 = arith.constant 1408 : i32
    %dma_wait3A_280 = tpu.memref_slice %arg5[%dma_wait3A_279] : memref<8192xi32, #tpu.memory_space<vmem>> -> memref<128xi32, #tpu.memory_space<vmem>>
    %dma_wait3A_281 = arith.constant 0 : i32
    %dma_wait3A_282 = arith.constant 0 : i32
    %dma_wait3A_283 = tpu.memref_slice %arg2[%dma_wait3A_281, %dma_wait3A_282] : memref<65536x64xf32, #tpu.memory_space<hbm>> -> memref<65536x64xf32, #tpu.memory_space<hbm>>
    tpu.wait_indirect_dma semaphore(%arg7 : memref<!tpu.dma_semaphore, #tpu.memory_space<semaphore_mem>>) src(%dma_wait3A_283 : memref<65536x64xf32, #tpu.memory_space<hbm>>) dst(%dma_wait3A_278 : memref<128x64xf32, #tpu.memory_space<vmem>>)
    %add3A_284 = arith.constant 1024 : i32
    %add3A_285 = arith.addi %mul3A_2, %add3A_284 : i32
    %dma_start3A_286 = arith.constant 0 : i32
    %dma_start3A_287 = arith.constant 0 : i32
    %dma_start3A_288 = arith.constant 0 : i32
    %dma_start3A_289 = tpu.memref_slice %arg6[%dma_start3A_286, %dma_start3A_287, %dma_start3A_288] : memref<2x512x64xf32, #tpu.memory_space<vmem>> -> memref<1x512x64xf32, #tpu.memory_space<vmem>>
    %dma_start3A_290 = tpu.memref_squeeze %dma_start3A_289 : memref<1x512x64xf32, #tpu.memory_space<vmem>> -> memref<512x64xf32, #tpu.memory_space<vmem>>
    %dma_start3A_291 = arith.constant 0 : i32
    %dma_start3A_292 = tpu.memref_slice %arg4[%add3A_285, %dma_start3A_291] : memref<262144x64xf32, #tpu.memory_space<hbm>> -> memref<512x64xf32, #tpu.memory_space<hbm>>
    %dma_start3A_293 = arith.constant 0 : i32
    %dma_start3A_294 = tpu.memref_slice %arg4[%add3A_285, %dma_start3A_293] : memref<262144x64xf32, #tpu.memory_space<hbm>> -> memref<512x64xf32, #tpu.memory_space<hbm>>
    %dma_start3A_295 = arith.constant 0 : i32
    %dma_start3A_296 = arith.constant 0 : i32
    %dma_start3A_297 = tpu.memref_slice %arg6[%dma_start3A_286, %dma_start3A_295, %dma_start3A_296] : memref<2x512x64xf32, #tpu.memory_space<vmem>> -> memref<1x512x64xf32, #tpu.memory_space<vmem>>
    %dma_start3A_298 = tpu.memref_squeeze %dma_start3A_297 : memref<1x512x64xf32, #tpu.memory_space<vmem>> -> memref<512x64xf32, #tpu.memory_space<vmem>>
    tpu.enqueue_dma source(%dma_start3A_298 : memref<512x64xf32, #tpu.memory_space<vmem>>) target(%dma_start3A_294 : memref<512x64xf32, #tpu.memory_space<hbm>>) target_semaphore(%arg8 : memref<!tpu.dma_semaphore, #tpu.memory_space<semaphore_mem>>)
    %dma_wait3A_299 = arith.constant 1 : i32
    %dma_wait3A_300 = arith.constant 0 : i32
    %dma_wait3A_301 = arith.constant 0 : i32
    %dma_wait3A_302 = tpu.memref_slice %arg6[%dma_wait3A_299, %dma_wait3A_300, %dma_wait3A_301] : memref<2x512x64xf32, #tpu.memory_space<vmem>> -> memref<1x512x64xf32, #tpu.memory_space<vmem>>
    %dma_wait3A_303 = tpu.memref_squeeze %dma_wait3A_302 : memref<1x512x64xf32, #tpu.memory_space<vmem>> -> memref<512x64xf32, #tpu.memory_space<vmem>>
    %dma_wait3A_304 = arith.constant 0 : i32
    %dma_wait3A_305 = tpu.memref_slice %arg4[%add3A_177, %dma_wait3A_304] : memref<262144x64xf32, #tpu.memory_space<hbm>> -> memref<512x64xf32, #tpu.memory_space<hbm>>
    %dma_wait3A_306 = arith.constant 0 : i32
    %dma_wait3A_307 = tpu.memref_slice %arg4[%add3A_177, %dma_wait3A_306] : memref<262144x64xf32, #tpu.memory_space<hbm>> -> memref<512x64xf32, #tpu.memory_space<hbm>>
    %dma_wait3A_308 = arith.constant 0 : i32
    %dma_wait3A_309 = arith.constant 0 : i32
    %dma_wait3A_310 = tpu.memref_slice %arg6[%dma_wait3A_299, %dma_wait3A_308, %dma_wait3A_309] : memref<2x512x64xf32, #tpu.memory_space<vmem>> -> memref<1x512x64xf32, #tpu.memory_space<vmem>>
    %dma_wait3A_311 = tpu.memref_squeeze %dma_wait3A_310 : memref<1x512x64xf32, #tpu.memory_space<vmem>> -> memref<512x64xf32, #tpu.memory_space<vmem>>
    tpu.wait_dma2 semaphore(%arg8 : memref<!tpu.dma_semaphore, #tpu.memory_space<semaphore_mem>>) src(%dma_wait3A_311 : memref<512x64xf32, #tpu.memory_space<vmem>>) dst(%dma_wait3A_307 : memref<512x64xf32, #tpu.memory_space<hbm>>)
    %dma_start3A_312 = arith.constant 1 : i32
    %dma_start3A_313 = arith.constant 0 : i32
    %dma_start3A_314 = arith.constant 0 : i32
    %dma_start3A_315 = tpu.memref_slice %arg6[%dma_start3A_312, %dma_start3A_313, %dma_start3A_314] : memref<2x512x64xf32, #tpu.memory_space<vmem>> -> memref<1x128x64xf32, #tpu.memory_space<vmem>>
    %dma_start3A_316 = tpu.memref_squeeze %dma_start3A_315 : memref<1x128x64xf32, #tpu.memory_space<vmem>> -> memref<128x64xf32, #tpu.memory_space<vmem>>
    %dma_start3A_317 = arith.constant 1536 : i32
    %dma_start3A_318 = tpu.memref_slice %arg5[%dma_start3A_317] : memref<8192xi32, #tpu.memory_space<vmem>> -> memref<128xi32, #tpu.memory_space<vmem>>
    %dma_start3A_319 = arith.constant 0 : i32
    %dma_start3A_320 = arith.constant 0 : i32
    %dma_start3A_321 = tpu.memref_slice %arg2[%dma_start3A_319, %dma_start3A_320] : memref<65536x64xf32, #tpu.memory_space<hbm>> -> memref<65536x64xf32, #tpu.memory_space<hbm>>
    tpu.enqueue_indirect_dma source(%dma_start3A_321 : memref<65536x64xf32, #tpu.memory_space<hbm>>) target(%dma_start3A_316 : memref<128x64xf32, #tpu.memory_space<vmem>>) offsets(%dma_start3A_318 : memref<128xi32, #tpu.memory_space<vmem>>) semaphore(%arg7 : memref<!tpu.dma_semaphore, #tpu.memory_space<semaphore_mem>>)
    %dma_start3A_322 = arith.constant 1 : i32
    %dma_start3A_323 = arith.constant 128 : i32
    %dma_start3A_324 = arith.constant 0 : i32
    %dma_start3A_325 = tpu.memref_slice %arg6[%dma_start3A_322, %dma_start3A_323, %dma_start3A_324] : memref<2x512x64xf32, #tpu.memory_space<vmem>> -> memref<1x128x64xf32, #tpu.memory_space<vmem>>
    %dma_start3A_326 = tpu.memref_squeeze %dma_start3A_325 : memref<1x128x64xf32, #tpu.memory_space<vmem>> -> memref<128x64xf32, #tpu.memory_space<vmem>>
    %dma_start3A_327 = arith.constant 1664 : i32
    %dma_start3A_328 = tpu.memref_slice %arg5[%dma_start3A_327] : memref<8192xi32, #tpu.memory_space<vmem>> -> memref<128xi32, #tpu.memory_space<vmem>>
    %dma_start3A_329 = arith.constant 0 : i32
    %dma_start3A_330 = arith.constant 0 : i32
    %dma_start3A_331 = tpu.memref_slice %arg2[%dma_start3A_329, %dma_start3A_330] : memref<65536x64xf32, #tpu.memory_space<hbm>> -> memref<65536x64xf32, #tpu.memory_space<hbm>>
    tpu.enqueue_indirect_dma source(%dma_start3A_331 : memref<65536x64xf32, #tpu.memory_space<hbm>>) target(%dma_start3A_326 : memref<128x64xf32, #tpu.memory_space<vmem>>) offsets(%dma_start3A_328 : memref<128xi32, #tpu.memory_space<vmem>>) semaphore(%arg7 : memref<!tpu.dma_semaphore, #tpu.memory_space<semaphore_mem>>)
    %dma_start3A_332 = arith.constant 1 : i32
    %dma_start3A_333 = arith.constant 256 : i32
    %dma_start3A_334 = arith.constant 0 : i32
    %dma_start3A_335 = tpu.memref_slice %arg6[%dma_start3A_332, %dma_start3A_333, %dma_start3A_334] : memref<2x512x64xf32, #tpu.memory_space<vmem>> -> memref<1x128x64xf32, #tpu.memory_space<vmem>>
    %dma_start3A_336 = tpu.memref_squeeze %dma_start3A_335 : memref<1x128x64xf32, #tpu.memory_space<vmem>> -> memref<128x64xf32, #tpu.memory_space<vmem>>
    %dma_start3A_337 = arith.constant 1792 : i32
    %dma_start3A_338 = tpu.memref_slice %arg5[%dma_start3A_337] : memref<8192xi32, #tpu.memory_space<vmem>> -> memref<128xi32, #tpu.memory_space<vmem>>
    %dma_start3A_339 = arith.constant 0 : i32
    %dma_start3A_340 = arith.constant 0 : i32
    %dma_start3A_341 = tpu.memref_slice %arg2[%dma_start3A_339, %dma_start3A_340] : memref<65536x64xf32, #tpu.memory_space<hbm>> -> memref<65536x64xf32, #tpu.memory_space<hbm>>
    tpu.enqueue_indirect_dma source(%dma_start3A_341 : memref<65536x64xf32, #tpu.memory_space<hbm>>) target(%dma_start3A_336 : memref<128x64xf32, #tpu.memory_space<vmem>>) offsets(%dma_start3A_338 : memref<128xi32, #tpu.memory_space<vmem>>) semaphore(%arg7 : memref<!tpu.dma_semaphore, #tpu.memory_space<semaphore_mem>>)
    %dma_start3A_342 = arith.constant 1 : i32
    %dma_start3A_343 = arith.constant 384 : i32
    %dma_start3A_344 = arith.constant 0 : i32
    %dma_start3A_345 = tpu.memref_slice %arg6[%dma_start3A_342, %dma_start3A_343, %dma_start3A_344] : memref<2x512x64xf32, #tpu.memory_space<vmem>> -> memref<1x128x64xf32, #tpu.memory_space<vmem>>
    %dma_start3A_346 = tpu.memref_squeeze %dma_start3A_345 : memref<1x128x64xf32, #tpu.memory_space<vmem>> -> memref<128x64xf32, #tpu.memory_space<vmem>>
    %dma_start3A_347 = arith.constant 1920 : i32
    %dma_start3A_348 = tpu.memref_slice %arg5[%dma_start3A_347] : memref<8192xi32, #tpu.memory_space<vmem>> -> memref<128xi32, #tpu.memory_space<vmem>>
    %dma_start3A_349 = arith.constant 0 : i32
    %dma_start3A_350 = arith.constant 0 : i32
    %dma_start3A_351 = tpu.memref_slice %arg2[%dma_start3A_349, %dma_start3A_350] : memref<65536x64xf32, #tpu.memory_space<hbm>> -> memref<65536x64xf32, #tpu.memory_space<hbm>>
    tpu.enqueue_indirect_dma source(%dma_start3A_351 : memref<65536x64xf32, #tpu.memory_space<hbm>>) target(%dma_start3A_346 : memref<128x64xf32, #tpu.memory_space<vmem>>) offsets(%dma_start3A_348 : memref<128xi32, #tpu.memory_space<vmem>>) semaphore(%arg7 : memref<!tpu.dma_semaphore, #tpu.memory_space<semaphore_mem>>)
    %dma_wait3A_352 = arith.constant 1 : i32
    %dma_wait3A_353 = arith.constant 0 : i32
    %dma_wait3A_354 = arith.constant 0 : i32
    %dma_wait3A_355 = tpu.memref_slice %arg6[%dma_wait3A_352, %dma_wait3A_353, %dma_wait3A_354] : memref<2x512x64xf32, #tpu.memory_space<vmem>> -> memref<1x128x64xf32, #tpu.memory_space<vmem>>
    %dma_wait3A_356 = tpu.memref_squeeze %dma_wait3A_355 : memref<1x128x64xf32, #tpu.memory_space<vmem>> -> memref<128x64xf32, #tpu.memory_space<vmem>>
    %dma_wait3A_357 = arith.constant 1536 : i32
    %dma_wait3A_358 = tpu.memref_slice %arg5[%dma_wait3A_357] : memref<8192xi32, #tpu.memory_space<vmem>> -> memref<128xi32, #tpu.memory_space<vmem>>
    %dma_wait3A_359 = arith.constant 0 : i32
    %dma_wait3A_360 = arith.constant 0 : i32
    %dma_wait3A_361 = tpu.memref_slice %arg2[%dma_wait3A_359, %dma_wait3A_360] : memref<65536x64xf32, #tpu.memory_space<hbm>> -> memref<65536x64xf32, #tpu.memory_space<hbm>>
    tpu.wait_indirect_dma semaphore(%arg7 : memref<!tpu.dma_semaphore, #tpu.memory_space<semaphore_mem>>) src(%dma_wait3A_361 : memref<65536x64xf32, #tpu.memory_space<hbm>>) dst(%dma_wait3A_356 : memref<128x64xf32, #tpu.memory_space<vmem>>)
    %dma_wait3A_362 = arith.constant 1 : i32
    %dma_wait3A_363 = arith.constant 128 : i32
    %dma_wait3A_364 = arith.constant 0 : i32
    %dma_wait3A_365 = tpu.memref_slice %arg6[%dma_wait3A_362, %dma_wait3A_363, %dma_wait3A_364] : memref<2x512x64xf32, #tpu.memory_space<vmem>> -> memref<1x128x64xf32, #tpu.memory_space<vmem>>
    %dma_wait3A_366 = tpu.memref_squeeze %dma_wait3A_365 : memref<1x128x64xf32, #tpu.memory_space<vmem>> -> memref<128x64xf32, #tpu.memory_space<vmem>>
    %dma_wait3A_367 = arith.constant 1664 : i32
    %dma_wait3A_368 = tpu.memref_slice %arg5[%dma_wait3A_367] : memref<8192xi32, #tpu.memory_space<vmem>> -> memref<128xi32, #tpu.memory_space<vmem>>
    %dma_wait3A_369 = arith.constant 0 : i32
    %dma_wait3A_370 = arith.constant 0 : i32
    %dma_wait3A_371 = tpu.memref_slice %arg2[%dma_wait3A_369, %dma_wait3A_370] : memref<65536x64xf32, #tpu.memory_space<hbm>> -> memref<65536x64xf32, #tpu.memory_space<hbm>>
    tpu.wait_indirect_dma semaphore(%arg7 : memref<!tpu.dma_semaphore, #tpu.memory_space<semaphore_mem>>) src(%dma_wait3A_371 : memref<65536x64xf32, #tpu.memory_space<hbm>>) dst(%dma_wait3A_366 : memref<128x64xf32, #tpu.memory_space<vmem>>)
    %dma_wait3A_372 = arith.constant 1 : i32
    %dma_wait3A_373 = arith.constant 256 : i32
    %dma_wait3A_374 = arith.constant 0 : i32
    %dma_wait3A_375 = tpu.memref_slice %arg6[%dma_wait3A_372, %dma_wait3A_373, %dma_wait3A_374] : memref<2x512x64xf32, #tpu.memory_space<vmem>> -> memref<1x128x64xf32, #tpu.memory_space<vmem>>
    %dma_wait3A_376 = tpu.memref_squeeze %dma_wait3A_375 : memref<1x128x64xf32, #tpu.memory_space<vmem>> -> memref<128x64xf32, #tpu.memory_space<vmem>>
    %dma_wait3A_377 = arith.constant 1792 : i32
    %dma_wait3A_378 = tpu.memref_slice %arg5[%dma_wait3A_377] : memref<8192xi32, #tpu.memory_space<vmem>> -> memref<128xi32, #tpu.memory_space<vmem>>
    %dma_wait3A_379 = arith.constant 0 : i32
    %dma_wait3A_380 = arith.constant 0 : i32
    %dma_wait3A_381 = tpu.memref_slice %arg2[%dma_wait3A_379, %dma_wait3A_380] : memref<65536x64xf32, #tpu.memory_space<hbm>> -> memref<65536x64xf32, #tpu.memory_space<hbm>>
    tpu.wait_indirect_dma semaphore(%arg7 : memref<!tpu.dma_semaphore, #tpu.memory_space<semaphore_mem>>) src(%dma_wait3A_381 : memref<65536x64xf32, #tpu.memory_space<hbm>>) dst(%dma_wait3A_376 : memref<128x64xf32, #tpu.memory_space<vmem>>)
    %dma_wait3A_382 = arith.constant 1 : i32
    %dma_wait3A_383 = arith.constant 384 : i32
    %dma_wait3A_384 = arith.constant 0 : i32
    %dma_wait3A_385 = tpu.memref_slice %arg6[%dma_wait3A_382, %dma_wait3A_383, %dma_wait3A_384] : memref<2x512x64xf32, #tpu.memory_space<vmem>> -> memref<1x128x64xf32, #tpu.memory_space<vmem>>
    %dma_wait3A_386 = tpu.memref_squeeze %dma_wait3A_385 : memref<1x128x64xf32, #tpu.memory_space<vmem>> -> memref<128x64xf32, #tpu.memory_space<vmem>>
    %dma_wait3A_387 = arith.constant 1920 : i32
    %dma_wait3A_388 = tpu.memref_slice %arg5[%dma_wait3A_387] : memref<8192xi32, #tpu.memory_space<vmem>> -> memref<128xi32, #tpu.memory_space<vmem>>
    %dma_wait3A_389 = arith.constant 0 : i32
    %dma_wait3A_390 = arith.constant 0 : i32
    %dma_wait3A_391 = tpu.memref_slice %arg2[%dma_wait3A_389, %dma_wait3A_390] : memref<65536x64xf32, #tpu.memory_space<hbm>> -> memref<65536x64xf32, #tpu.memory_space<hbm>>
    tpu.wait_indirect_dma semaphore(%arg7 : memref<!tpu.dma_semaphore, #tpu.memory_space<semaphore_mem>>) src(%dma_wait3A_391 : memref<65536x64xf32, #tpu.memory_space<hbm>>) dst(%dma_wait3A_386 : memref<128x64xf32, #tpu.memory_space<vmem>>)
    %add3A_392 = arith.constant 1536 : i32
    %add3A_393 = arith.addi %mul3A_2, %add3A_392 : i32
    %dma_start3A_394 = arith.constant 1 : i32
    %dma_start3A_395 = arith.constant 0 : i32
    %dma_start3A_396 = arith.constant 0 : i32
    %dma_start3A_397 = tpu.memref_slice %arg6[%dma_start3A_394, %dma_start3A_395, %dma_start3A_396] : memref<2x512x64xf32, #tpu.memory_space<vmem>> -> memref<1x512x64xf32, #tpu.memory_space<vmem>>
    %dma_start3A_398 = tpu.memref_squeeze %dma_start3A_397 : memref<1x512x64xf32, #tpu.memory_space<vmem>> -> memref<512x64xf32, #tpu.memory_space<vmem>>
    %dma_start3A_399 = arith.constant 0 : i32
    %dma_start3A_400 = tpu.memref_slice %arg4[%add3A_393, %dma_start3A_399] : memref<262144x64xf32, #tpu.memory_space<hbm>> -> memref<512x64xf32, #tpu.memory_space<hbm>>
    %dma_start3A_401 = arith.constant 0 : i32
    %dma_start3A_402 = tpu.memref_slice %arg4[%add3A_393, %dma_start3A_401] : memref<262144x64xf32, #tpu.memory_space<hbm>> -> memref<512x64xf32, #tpu.memory_space<hbm>>
    %dma_start3A_403 = arith.constant 0 : i32
    %dma_start3A_404 = arith.constant 0 : i32
    %dma_start3A_405 = tpu.memref_slice %arg6[%dma_start3A_394, %dma_start3A_403, %dma_start3A_404] : memref<2x512x64xf32, #tpu.memory_space<vmem>> -> memref<1x512x64xf32, #tpu.memory_space<vmem>>
    %dma_start3A_406 = tpu.memref_squeeze %dma_start3A_405 : memref<1x512x64xf32, #tpu.memory_space<vmem>> -> memref<512x64xf32, #tpu.memory_space<vmem>>
    tpu.enqueue_dma source(%dma_start3A_406 : memref<512x64xf32, #tpu.memory_space<vmem>>) target(%dma_start3A_402 : memref<512x64xf32, #tpu.memory_space<hbm>>) target_semaphore(%arg8 : memref<!tpu.dma_semaphore, #tpu.memory_space<semaphore_mem>>)
    %dma_wait3A_407 = arith.constant 0 : i32
    %dma_wait3A_408 = arith.constant 0 : i32
    %dma_wait3A_409 = arith.constant 0 : i32
    %dma_wait3A_410 = tpu.memref_slice %arg6[%dma_wait3A_407, %dma_wait3A_408, %dma_wait3A_409] : memref<2x512x64xf32, #tpu.memory_space<vmem>> -> memref<1x512x64xf32, #tpu.memory_space<vmem>>
    %dma_wait3A_411 = tpu.memref_squeeze %dma_wait3A_410 : memref<1x512x64xf32, #tpu.memory_space<vmem>> -> memref<512x64xf32, #tpu.memory_space<vmem>>
    %dma_wait3A_412 = arith.constant 0 : i32
    %dma_wait3A_413 = tpu.memref_slice %arg4[%add3A_285, %dma_wait3A_412] : memref<262144x64xf32, #tpu.memory_space<hbm>> -> memref<512x64xf32, #tpu.memory_space<hbm>>
    %dma_wait3A_414 = arith.constant 0 : i32
    %dma_wait3A_415 = tpu.memref_slice %arg4[%add3A_285, %dma_wait3A_414] : memref<262144x64xf32, #tpu.memory_space<hbm>> -> memref<512x64xf32, #tpu.memory_space<hbm>>
    %dma_wait3A_416 = arith.constant 0 : i32
    %dma_wait3A_417 = arith.constant 0 : i32
    %dma_wait3A_418 = tpu.memref_slice %arg6[%dma_wait3A_407, %dma_wait3A_416, %dma_wait3A_417] : memref<2x512x64xf32, #tpu.memory_space<vmem>> -> memref<1x512x64xf32, #tpu.memory_space<vmem>>
    %dma_wait3A_419 = tpu.memref_squeeze %dma_wait3A_418 : memref<1x512x64xf32, #tpu.memory_space<vmem>> -> memref<512x64xf32, #tpu.memory_space<vmem>>
    tpu.wait_dma2 semaphore(%arg8 : memref<!tpu.dma_semaphore, #tpu.memory_space<semaphore_mem>>) src(%dma_wait3A_419 : memref<512x64xf32, #tpu.memory_space<vmem>>) dst(%dma_wait3A_415 : memref<512x64xf32, #tpu.memory_space<hbm>>)
    %dma_start3A_420 = arith.constant 0 : i32
    %dma_start3A_421 = arith.constant 0 : i32
    %dma_start3A_422 = arith.constant 0 : i32
    %dma_start3A_423 = tpu.memref_slice %arg6[%dma_start3A_420, %dma_start3A_421, %dma_start3A_422] : memref<2x512x64xf32, #tpu.memory_space<vmem>> -> memref<1x128x64xf32, #tpu.memory_space<vmem>>
    %dma_start3A_424 = tpu.memref_squeeze %dma_start3A_423 : memref<1x128x64xf32, #tpu.memory_space<vmem>> -> memref<128x64xf32, #tpu.memory_space<vmem>>
    %dma_start3A_425 = arith.constant 2048 : i32
    %dma_start3A_426 = tpu.memref_slice %arg5[%dma_start3A_425] : memref<8192xi32, #tpu.memory_space<vmem>> -> memref<128xi32, #tpu.memory_space<vmem>>
    %dma_start3A_427 = arith.constant 0 : i32
    %dma_start3A_428 = arith.constant 0 : i32
    %dma_start3A_429 = tpu.memref_slice %arg2[%dma_start3A_427, %dma_start3A_428] : memref<65536x64xf32, #tpu.memory_space<hbm>> -> memref<65536x64xf32, #tpu.memory_space<hbm>>
    tpu.enqueue_indirect_dma source(%dma_start3A_429 : memref<65536x64xf32, #tpu.memory_space<hbm>>) target(%dma_start3A_424 : memref<128x64xf32, #tpu.memory_space<vmem>>) offsets(%dma_start3A_426 : memref<128xi32, #tpu.memory_space<vmem>>) semaphore(%arg7 : memref<!tpu.dma_semaphore, #tpu.memory_space<semaphore_mem>>)
    %dma_start3A_430 = arith.constant 0 : i32
    %dma_start3A_431 = arith.constant 128 : i32
    %dma_start3A_432 = arith.constant 0 : i32
    %dma_start3A_433 = tpu.memref_slice %arg6[%dma_start3A_430, %dma_start3A_431, %dma_start3A_432] : memref<2x512x64xf32, #tpu.memory_space<vmem>> -> memref<1x128x64xf32, #tpu.memory_space<vmem>>
    %dma_start3A_434 = tpu.memref_squeeze %dma_start3A_433 : memref<1x128x64xf32, #tpu.memory_space<vmem>> -> memref<128x64xf32, #tpu.memory_space<vmem>>
    %dma_start3A_435 = arith.constant 2176 : i32
    %dma_start3A_436 = tpu.memref_slice %arg5[%dma_start3A_435] : memref<8192xi32, #tpu.memory_space<vmem>> -> memref<128xi32, #tpu.memory_space<vmem>>
    %dma_start3A_437 = arith.constant 0 : i32
    %dma_start3A_438 = arith.constant 0 : i32
    %dma_start3A_439 = tpu.memref_slice %arg2[%dma_start3A_437, %dma_start3A_438] : memref<65536x64xf32, #tpu.memory_space<hbm>> -> memref<65536x64xf32, #tpu.memory_space<hbm>>
    tpu.enqueue_indirect_dma source(%dma_start3A_439 : memref<65536x64xf32, #tpu.memory_space<hbm>>) target(%dma_start3A_434 : memref<128x64xf32, #tpu.memory_space<vmem>>) offsets(%dma_start3A_436 : memref<128xi32, #tpu.memory_space<vmem>>) semaphore(%arg7 : memref<!tpu.dma_semaphore, #tpu.memory_space<semaphore_mem>>)
    %dma_start3A_440 = arith.constant 0 : i32
    %dma_start3A_441 = arith.constant 256 : i32
    %dma_start3A_442 = arith.constant 0 : i32
    %dma_start3A_443 = tpu.memref_slice %arg6[%dma_start3A_440, %dma_start3A_441, %dma_start3A_442] : memref<2x512x64xf32, #tpu.memory_space<vmem>> -> memref<1x128x64xf32, #tpu.memory_space<vmem>>
    %dma_start3A_444 = tpu.memref_squeeze %dma_start3A_443 : memref<1x128x64xf32, #tpu.memory_space<vmem>> -> memref<128x64xf32, #tpu.memory_space<vmem>>
    %dma_start3A_445 = arith.constant 2304 : i32
    %dma_start3A_446 = tpu.memref_slice %arg5[%dma_start3A_445] : memref<8192xi32, #tpu.memory_space<vmem>> -> memref<128xi32, #tpu.memory_space<vmem>>
    %dma_start3A_447 = arith.constant 0 : i32
    %dma_start3A_448 = arith.constant 0 : i32
    %dma_start3A_449 = tpu.memref_slice %arg2[%dma_start3A_447, %dma_start3A_448] : memref<65536x64xf32, #tpu.memory_space<hbm>> -> memref<65536x64xf32, #tpu.memory_space<hbm>>
    tpu.enqueue_indirect_dma source(%dma_start3A_449 : memref<65536x64xf32, #tpu.memory_space<hbm>>) target(%dma_start3A_444 : memref<128x64xf32, #tpu.memory_space<vmem>>) offsets(%dma_start3A_446 : memref<128xi32, #tpu.memory_space<vmem>>) semaphore(%arg7 : memref<!tpu.dma_semaphore, #tpu.memory_space<semaphore_mem>>)
    %dma_start3A_450 = arith.constant 0 : i32
    %dma_start3A_451 = arith.constant 384 : i32
    %dma_start3A_452 = arith.constant 0 : i32
    %dma_start3A_453 = tpu.memref_slice %arg6[%dma_start3A_450, %dma_start3A_451, %dma_start3A_452] : memref<2x512x64xf32, #tpu.memory_space<vmem>> -> memref<1x128x64xf32, #tpu.memory_space<vmem>>
    %dma_start3A_454 = tpu.memref_squeeze %dma_start3A_453 : memref<1x128x64xf32, #tpu.memory_space<vmem>> -> memref<128x64xf32, #tpu.memory_space<vmem>>
    %dma_start3A_455 = arith.constant 2432 : i32
    %dma_start3A_456 = tpu.memref_slice %arg5[%dma_start3A_455] : memref<8192xi32, #tpu.memory_space<vmem>> -> memref<128xi32, #tpu.memory_space<vmem>>
    %dma_start3A_457 = arith.constant 0 : i32
    %dma_start3A_458 = arith.constant 0 : i32
    %dma_start3A_459 = tpu.memref_slice %arg2[%dma_start3A_457, %dma_start3A_458] : memref<65536x64xf32, #tpu.memory_space<hbm>> -> memref<65536x64xf32, #tpu.memory_space<hbm>>
    tpu.enqueue_indirect_dma source(%dma_start3A_459 : memref<65536x64xf32, #tpu.memory_space<hbm>>) target(%dma_start3A_454 : memref<128x64xf32, #tpu.memory_space<vmem>>) offsets(%dma_start3A_456 : memref<128xi32, #tpu.memory_space<vmem>>) semaphore(%arg7 : memref<!tpu.dma_semaphore, #tpu.memory_space<semaphore_mem>>)
    %dma_wait3A_460 = arith.constant 0 : i32
    %dma_wait3A_461 = arith.constant 0 : i32
    %dma_wait3A_462 = arith.constant 0 : i32
    %dma_wait3A_463 = tpu.memref_slice %arg6[%dma_wait3A_460, %dma_wait3A_461, %dma_wait3A_462] : memref<2x512x64xf32, #tpu.memory_space<vmem>> -> memref<1x128x64xf32, #tpu.memory_space<vmem>>
    %dma_wait3A_464 = tpu.memref_squeeze %dma_wait3A_463 : memref<1x128x64xf32, #tpu.memory_space<vmem>> -> memref<128x64xf32, #tpu.memory_space<vmem>>
    %dma_wait3A_465 = arith.constant 2048 : i32
    %dma_wait3A_466 = tpu.memref_slice %arg5[%dma_wait3A_465] : memref<8192xi32, #tpu.memory_space<vmem>> -> memref<128xi32, #tpu.memory_space<vmem>>
    %dma_wait3A_467 = arith.constant 0 : i32
    %dma_wait3A_468 = arith.constant 0 : i32
    %dma_wait3A_469 = tpu.memref_slice %arg2[%dma_wait3A_467, %dma_wait3A_468] : memref<65536x64xf32, #tpu.memory_space<hbm>> -> memref<65536x64xf32, #tpu.memory_space<hbm>>
    tpu.wait_indirect_dma semaphore(%arg7 : memref<!tpu.dma_semaphore, #tpu.memory_space<semaphore_mem>>) src(%dma_wait3A_469 : memref<65536x64xf32, #tpu.memory_space<hbm>>) dst(%dma_wait3A_464 : memref<128x64xf32, #tpu.memory_space<vmem>>)
    %dma_wait3A_470 = arith.constant 0 : i32
    %dma_wait3A_471 = arith.constant 128 : i32
    %dma_wait3A_472 = arith.constant 0 : i32
    %dma_wait3A_473 = tpu.memref_slice %arg6[%dma_wait3A_470, %dma_wait3A_471, %dma_wait3A_472] : memref<2x512x64xf32, #tpu.memory_space<vmem>> -> memref<1x128x64xf32, #tpu.memory_space<vmem>>
    %dma_wait3A_474 = tpu.memref_squeeze %dma_wait3A_473 : memref<1x128x64xf32, #tpu.memory_space<vmem>> -> memref<128x64xf32, #tpu.memory_space<vmem>>
    %dma_wait3A_475 = arith.constant 2176 : i32
    %dma_wait3A_476 = tpu.memref_slice %arg5[%dma_wait3A_475] : memref<8192xi32, #tpu.memory_space<vmem>> -> memref<128xi32, #tpu.memory_space<vmem>>
    %dma_wait3A_477 = arith.constant 0 : i32
    %dma_wait3A_478 = arith.constant 0 : i32
    %dma_wait3A_479 = tpu.memref_slice %arg2[%dma_wait3A_477, %dma_wait3A_478] : memref<65536x64xf32, #tpu.memory_space<hbm>> -> memref<65536x64xf32, #tpu.memory_space<hbm>>
    tpu.wait_indirect_dma semaphore(%arg7 : memref<!tpu.dma_semaphore, #tpu.memory_space<semaphore_mem>>) src(%dma_wait3A_479 : memref<65536x64xf32, #tpu.memory_space<hbm>>) dst(%dma_wait3A_474 : memref<128x64xf32, #tpu.memory_space<vmem>>)
    %dma_wait3A_480 = arith.constant 0 : i32
    %dma_wait3A_481 = arith.constant 256 : i32
    %dma_wait3A_482 = arith.constant 0 : i32
    %dma_wait3A_483 = tpu.memref_slice %arg6[%dma_wait3A_480, %dma_wait3A_481, %dma_wait3A_482] : memref<2x512x64xf32, #tpu.memory_space<vmem>> -> memref<1x128x64xf32, #tpu.memory_space<vmem>>
    %dma_wait3A_484 = tpu.memref_squeeze %dma_wait3A_483 : memref<1x128x64xf32, #tpu.memory_space<vmem>> -> memref<128x64xf32, #tpu.memory_space<vmem>>
    %dma_wait3A_485 = arith.constant 2304 : i32
    %dma_wait3A_486 = tpu.memref_slice %arg5[%dma_wait3A_485] : memref<8192xi32, #tpu.memory_space<vmem>> -> memref<128xi32, #tpu.memory_space<vmem>>
    %dma_wait3A_487 = arith.constant 0 : i32
    %dma_wait3A_488 = arith.constant 0 : i32
    %dma_wait3A_489 = tpu.memref_slice %arg2[%dma_wait3A_487, %dma_wait3A_488] : memref<65536x64xf32, #tpu.memory_space<hbm>> -> memref<65536x64xf32, #tpu.memory_space<hbm>>
    tpu.wait_indirect_dma semaphore(%arg7 : memref<!tpu.dma_semaphore, #tpu.memory_space<semaphore_mem>>) src(%dma_wait3A_489 : memref<65536x64xf32, #tpu.memory_space<hbm>>) dst(%dma_wait3A_484 : memref<128x64xf32, #tpu.memory_space<vmem>>)
    %dma_wait3A_490 = arith.constant 0 : i32
    %dma_wait3A_491 = arith.constant 384 : i32
    %dma_wait3A_492 = arith.constant 0 : i32
    %dma_wait3A_493 = tpu.memref_slice %arg6[%dma_wait3A_490, %dma_wait3A_491, %dma_wait3A_492] : memref<2x512x64xf32, #tpu.memory_space<vmem>> -> memref<1x128x64xf32, #tpu.memory_space<vmem>>
    %dma_wait3A_494 = tpu.memref_squeeze %dma_wait3A_493 : memref<1x128x64xf32, #tpu.memory_space<vmem>> -> memref<128x64xf32, #tpu.memory_space<vmem>>
    %dma_wait3A_495 = arith.constant 2432 : i32
    %dma_wait3A_496 = tpu.memref_slice %arg5[%dma_wait3A_495] : memref<8192xi32, #tpu.memory_space<vmem>> -> memref<128xi32, #tpu.memory_space<vmem>>
    %dma_wait3A_497 = arith.constant 0 : i32
    %dma_wait3A_498 = arith.constant 0 : i32
    %dma_wait3A_499 = tpu.memref_slice %arg2[%dma_wait3A_497, %dma_wait3A_498] : memref<65536x64xf32, #tpu.memory_space<hbm>> -> memref<65536x64xf32, #tpu.memory_space<hbm>>
    tpu.wait_indirect_dma semaphore(%arg7 : memref<!tpu.dma_semaphore, #tpu.memory_space<semaphore_mem>>) src(%dma_wait3A_499 : memref<65536x64xf32, #tpu.memory_space<hbm>>) dst(%dma_wait3A_494 : memref<128x64xf32, #tpu.memory_space<vmem>>)
    %add3A_500 = arith.constant 2048 : i32
    %add3A_501 = arith.addi %mul3A_2, %add3A_500 : i32
    %dma_start3A_502 = arith.constant 0 : i32
    %dma_start3A_503 = arith.constant 0 : i32
    %dma_start3A_504 = arith.constant 0 : i32
    %dma_start3A_505 = tpu.memref_slice %arg6[%dma_start3A_502, %dma_start3A_503, %dma_start3A_504] : memref<2x512x64xf32, #tpu.memory_space<vmem>> -> memref<1x512x64xf32, #tpu.memory_space<vmem>>
    %dma_start3A_506 = tpu.memref_squeeze %dma_start3A_505 : memref<1x512x64xf32, #tpu.memory_space<vmem>> -> memref<512x64xf32, #tpu.memory_space<vmem>>
    %dma_start3A_507 = arith.constant 0 : i32
    %dma_start3A_508 = tpu.memref_slice %arg4[%add3A_501, %dma_start3A_507] : memref<262144x64xf32, #tpu.memory_space<hbm>> -> memref<512x64xf32, #tpu.memory_space<hbm>>
    %dma_start3A_509 = arith.constant 0 : i32
    %dma_start3A_510 = tpu.memref_slice %arg4[%add3A_501, %dma_start3A_509] : memref<262144x64xf32, #tpu.memory_space<hbm>> -> memref<512x64xf32, #tpu.memory_space<hbm>>
    %dma_start3A_511 = arith.constant 0 : i32
    %dma_start3A_512 = arith.constant 0 : i32
    %dma_start3A_513 = tpu.memref_slice %arg6[%dma_start3A_502, %dma_start3A_511, %dma_start3A_512] : memref<2x512x64xf32, #tpu.memory_space<vmem>> -> memref<1x512x64xf32, #tpu.memory_space<vmem>>
    %dma_start3A_514 = tpu.memref_squeeze %dma_start3A_513 : memref<1x512x64xf32, #tpu.memory_space<vmem>> -> memref<512x64xf32, #tpu.memory_space<vmem>>
    tpu.enqueue_dma source(%dma_start3A_514 : memref<512x64xf32, #tpu.memory_space<vmem>>) target(%dma_start3A_510 : memref<512x64xf32, #tpu.memory_space<hbm>>) target_semaphore(%arg8 : memref<!tpu.dma_semaphore, #tpu.memory_space<semaphore_mem>>)
    %dma_wait3A_515 = arith.constant 1 : i32
    %dma_wait3A_516 = arith.constant 0 : i32
    %dma_wait3A_517 = arith.constant 0 : i32
    %dma_wait3A_518 = tpu.memref_slice %arg6[%dma_wait3A_515, %dma_wait3A_516, %dma_wait3A_517] : memref<2x512x64xf32, #tpu.memory_space<vmem>> -> memref<1x512x64xf32, #tpu.memory_space<vmem>>
    %dma_wait3A_519 = tpu.memref_squeeze %dma_wait3A_518 : memref<1x512x64xf32, #tpu.memory_space<vmem>> -> memref<512x64xf32, #tpu.memory_space<vmem>>
    %dma_wait3A_520 = arith.constant 0 : i32
    %dma_wait3A_521 = tpu.memref_slice %arg4[%add3A_393, %dma_wait3A_520] : memref<262144x64xf32, #tpu.memory_space<hbm>> -> memref<512x64xf32, #tpu.memory_space<hbm>>
    %dma_wait3A_522 = arith.constant 0 : i32
    %dma_wait3A_523 = tpu.memref_slice %arg4[%add3A_393, %dma_wait3A_522] : memref<262144x64xf32, #tpu.memory_space<hbm>> -> memref<512x64xf32, #tpu.memory_space<hbm>>
    %dma_wait3A_524 = arith.constant 0 : i32
    %dma_wait3A_525 = arith.constant 0 : i32
    %dma_wait3A_526 = tpu.memref_slice %arg6[%dma_wait3A_515, %dma_wait3A_524, %dma_wait3A_525] : memref<2x512x64xf32, #tpu.memory_space<vmem>> -> memref<1x512x64xf32, #tpu.memory_space<vmem>>
    %dma_wait3A_527 = tpu.memref_squeeze %dma_wait3A_526 : memref<1x512x64xf32, #tpu.memory_space<vmem>> -> memref<512x64xf32, #tpu.memory_space<vmem>>
    tpu.wait_dma2 semaphore(%arg8 : memref<!tpu.dma_semaphore, #tpu.memory_space<semaphore_mem>>) src(%dma_wait3A_527 : memref<512x64xf32, #tpu.memory_space<vmem>>) dst(%dma_wait3A_523 : memref<512x64xf32, #tpu.memory_space<hbm>>)
    %dma_start3A_528 = arith.constant 1 : i32
    %dma_start3A_529 = arith.constant 0 : i32
    %dma_start3A_530 = arith.constant 0 : i32
    %dma_start3A_531 = tpu.memref_slice %arg6[%dma_start3A_528, %dma_start3A_529, %dma_start3A_530] : memref<2x512x64xf32, #tpu.memory_space<vmem>> -> memref<1x128x64xf32, #tpu.memory_space<vmem>>
    %dma_start3A_532 = tpu.memref_squeeze %dma_start3A_531 : memref<1x128x64xf32, #tpu.memory_space<vmem>> -> memref<128x64xf32, #tpu.memory_space<vmem>>
    %dma_start3A_533 = arith.constant 2560 : i32
    %dma_start3A_534 = tpu.memref_slice %arg5[%dma_start3A_533] : memref<8192xi32, #tpu.memory_space<vmem>> -> memref<128xi32, #tpu.memory_space<vmem>>
    %dma_start3A_535 = arith.constant 0 : i32
    %dma_start3A_536 = arith.constant 0 : i32
    %dma_start3A_537 = tpu.memref_slice %arg2[%dma_start3A_535, %dma_start3A_536] : memref<65536x64xf32, #tpu.memory_space<hbm>> -> memref<65536x64xf32, #tpu.memory_space<hbm>>
    tpu.enqueue_indirect_dma source(%dma_start3A_537 : memref<65536x64xf32, #tpu.memory_space<hbm>>) target(%dma_start3A_532 : memref<128x64xf32, #tpu.memory_space<vmem>>) offsets(%dma_start3A_534 : memref<128xi32, #tpu.memory_space<vmem>>) semaphore(%arg7 : memref<!tpu.dma_semaphore, #tpu.memory_space<semaphore_mem>>)
    %dma_start3A_538 = arith.constant 1 : i32
    %dma_start3A_539 = arith.constant 128 : i32
    %dma_start3A_540 = arith.constant 0 : i32
    %dma_start3A_541 = tpu.memref_slice %arg6[%dma_start3A_538, %dma_start3A_539, %dma_start3A_540] : memref<2x512x64xf32, #tpu.memory_space<vmem>> -> memref<1x128x64xf32, #tpu.memory_space<vmem>>
    %dma_start3A_542 = tpu.memref_squeeze %dma_start3A_541 : memref<1x128x64xf32, #tpu.memory_space<vmem>> -> memref<128x64xf32, #tpu.memory_space<vmem>>
    %dma_start3A_543 = arith.constant 2688 : i32
    %dma_start3A_544 = tpu.memref_slice %arg5[%dma_start3A_543] : memref<8192xi32, #tpu.memory_space<vmem>> -> memref<128xi32, #tpu.memory_space<vmem>>
    %dma_start3A_545 = arith.constant 0 : i32
    %dma_start3A_546 = arith.constant 0 : i32
    %dma_start3A_547 = tpu.memref_slice %arg2[%dma_start3A_545, %dma_start3A_546] : memref<65536x64xf32, #tpu.memory_space<hbm>> -> memref<65536x64xf32, #tpu.memory_space<hbm>>
    tpu.enqueue_indirect_dma source(%dma_start3A_547 : memref<65536x64xf32, #tpu.memory_space<hbm>>) target(%dma_start3A_542 : memref<128x64xf32, #tpu.memory_space<vmem>>) offsets(%dma_start3A_544 : memref<128xi32, #tpu.memory_space<vmem>>) semaphore(%arg7 : memref<!tpu.dma_semaphore, #tpu.memory_space<semaphore_mem>>)
    %dma_start3A_548 = arith.constant 1 : i32
    %dma_start3A_549 = arith.constant 256 : i32
    %dma_start3A_550 = arith.constant 0 : i32
    %dma_start3A_551 = tpu.memref_slice %arg6[%dma_start3A_548, %dma_start3A_549, %dma_start3A_550] : memref<2x512x64xf32, #tpu.memory_space<vmem>> -> memref<1x128x64xf32, #tpu.memory_space<vmem>>
    %dma_start3A_552 = tpu.memref_squeeze %dma_start3A_551 : memref<1x128x64xf32, #tpu.memory_space<vmem>> -> memref<128x64xf32, #tpu.memory_space<vmem>>
    %dma_start3A_553 = arith.constant 2816 : i32
    %dma_start3A_554 = tpu.memref_slice %arg5[%dma_start3A_553] : memref<8192xi32, #tpu.memory_space<vmem>> -> memref<128xi32, #tpu.memory_space<vmem>>
    %dma_start3A_555 = arith.constant 0 : i32
    %dma_start3A_556 = arith.constant 0 : i32
    %dma_start3A_557 = tpu.memref_slice %arg2[%dma_start3A_555, %dma_start3A_556] : memref<65536x64xf32, #tpu.memory_space<hbm>> -> memref<65536x64xf32, #tpu.memory_space<hbm>>
    tpu.enqueue_indirect_dma source(%dma_start3A_557 : memref<65536x64xf32, #tpu.memory_space<hbm>>) target(%dma_start3A_552 : memref<128x64xf32, #tpu.memory_space<vmem>>) offsets(%dma_start3A_554 : memref<128xi32, #tpu.memory_space<vmem>>) semaphore(%arg7 : memref<!tpu.dma_semaphore, #tpu.memory_space<semaphore_mem>>)
    %dma_start3A_558 = arith.constant 1 : i32
    %dma_start3A_559 = arith.constant 384 : i32
    %dma_start3A_560 = arith.constant 0 : i32
    %dma_start3A_561 = tpu.memref_slice %arg6[%dma_start3A_558, %dma_start3A_559, %dma_start3A_560] : memref<2x512x64xf32, #tpu.memory_space<vmem>> -> memref<1x128x64xf32, #tpu.memory_space<vmem>>
    %dma_start3A_562 = tpu.memref_squeeze %dma_start3A_561 : memref<1x128x64xf32, #tpu.memory_space<vmem>> -> memref<128x64xf32, #tpu.memory_space<vmem>>
    %dma_start3A_563 = arith.constant 2944 : i32
    %dma_start3A_564 = tpu.memref_slice %arg5[%dma_start3A_563] : memref<8192xi32, #tpu.memory_space<vmem>> -> memref<128xi32, #tpu.memory_space<vmem>>
    %dma_start3A_565 = arith.constant 0 : i32
    %dma_start3A_566 = arith.constant 0 : i32
    %dma_start3A_567 = tpu.memref_slice %arg2[%dma_start3A_565, %dma_start3A_566] : memref<65536x64xf32, #tpu.memory_space<hbm>> -> memref<65536x64xf32, #tpu.memory_space<hbm>>
    tpu.enqueue_indirect_dma source(%dma_start3A_567 : memref<65536x64xf32, #tpu.memory_space<hbm>>) target(%dma_start3A_562 : memref<128x64xf32, #tpu.memory_space<vmem>>) offsets(%dma_start3A_564 : memref<128xi32, #tpu.memory_space<vmem>>) semaphore(%arg7 : memref<!tpu.dma_semaphore, #tpu.memory_space<semaphore_mem>>)
    %dma_wait3A_568 = arith.constant 1 : i32
    %dma_wait3A_569 = arith.constant 0 : i32
    %dma_wait3A_570 = arith.constant 0 : i32
    %dma_wait3A_571 = tpu.memref_slice %arg6[%dma_wait3A_568, %dma_wait3A_569, %dma_wait3A_570] : memref<2x512x64xf32, #tpu.memory_space<vmem>> -> memref<1x128x64xf32, #tpu.memory_space<vmem>>
    %dma_wait3A_572 = tpu.memref_squeeze %dma_wait3A_571 : memref<1x128x64xf32, #tpu.memory_space<vmem>> -> memref<128x64xf32, #tpu.memory_space<vmem>>
    %dma_wait3A_573 = arith.constant 2560 : i32
    %dma_wait3A_574 = tpu.memref_slice %arg5[%dma_wait3A_573] : memref<8192xi32, #tpu.memory_space<vmem>> -> memref<128xi32, #tpu.memory_space<vmem>>
    %dma_wait3A_575 = arith.constant 0 : i32
    %dma_wait3A_576 = arith.constant 0 : i32
    %dma_wait3A_577 = tpu.memref_slice %arg2[%dma_wait3A_575, %dma_wait3A_576] : memref<65536x64xf32, #tpu.memory_space<hbm>> -> memref<65536x64xf32, #tpu.memory_space<hbm>>
    tpu.wait_indirect_dma semaphore(%arg7 : memref<!tpu.dma_semaphore, #tpu.memory_space<semaphore_mem>>) src(%dma_wait3A_577 : memref<65536x64xf32, #tpu.memory_space<hbm>>) dst(%dma_wait3A_572 : memref<128x64xf32, #tpu.memory_space<vmem>>)
    %dma_wait3A_578 = arith.constant 1 : i32
    %dma_wait3A_579 = arith.constant 128 : i32
    %dma_wait3A_580 = arith.constant 0 : i32
    %dma_wait3A_581 = tpu.memref_slice %arg6[%dma_wait3A_578, %dma_wait3A_579, %dma_wait3A_580] : memref<2x512x64xf32, #tpu.memory_space<vmem>> -> memref<1x128x64xf32, #tpu.memory_space<vmem>>
    %dma_wait3A_582 = tpu.memref_squeeze %dma_wait3A_581 : memref<1x128x64xf32, #tpu.memory_space<vmem>> -> memref<128x64xf32, #tpu.memory_space<vmem>>
    %dma_wait3A_583 = arith.constant 2688 : i32
    %dma_wait3A_584 = tpu.memref_slice %arg5[%dma_wait3A_583] : memref<8192xi32, #tpu.memory_space<vmem>> -> memref<128xi32, #tpu.memory_space<vmem>>
    %dma_wait3A_585 = arith.constant 0 : i32
    %dma_wait3A_586 = arith.constant 0 : i32
    %dma_wait3A_587 = tpu.memref_slice %arg2[%dma_wait3A_585, %dma_wait3A_586] : memref<65536x64xf32, #tpu.memory_space<hbm>> -> memref<65536x64xf32, #tpu.memory_space<hbm>>
    tpu.wait_indirect_dma semaphore(%arg7 : memref<!tpu.dma_semaphore, #tpu.memory_space<semaphore_mem>>) src(%dma_wait3A_587 : memref<65536x64xf32, #tpu.memory_space<hbm>>) dst(%dma_wait3A_582 : memref<128x64xf32, #tpu.memory_space<vmem>>)
    %dma_wait3A_588 = arith.constant 1 : i32
    %dma_wait3A_589 = arith.constant 256 : i32
    %dma_wait3A_590 = arith.constant 0 : i32
    %dma_wait3A_591 = tpu.memref_slice %arg6[%dma_wait3A_588, %dma_wait3A_589, %dma_wait3A_590] : memref<2x512x64xf32, #tpu.memory_space<vmem>> -> memref<1x128x64xf32, #tpu.memory_space<vmem>>
    %dma_wait3A_592 = tpu.memref_squeeze %dma_wait3A_591 : memref<1x128x64xf32, #tpu.memory_space<vmem>> -> memref<128x64xf32, #tpu.memory_space<vmem>>
    %dma_wait3A_593 = arith.constant 2816 : i32
    %dma_wait3A_594 = tpu.memref_slice %arg5[%dma_wait3A_593] : memref<8192xi32, #tpu.memory_space<vmem>> -> memref<128xi32, #tpu.memory_space<vmem>>
    %dma_wait3A_595 = arith.constant 0 : i32
    %dma_wait3A_596 = arith.constant 0 : i32
    %dma_wait3A_597 = tpu.memref_slice %arg2[%dma_wait3A_595, %dma_wait3A_596] : memref<65536x64xf32, #tpu.memory_space<hbm>> -> memref<65536x64xf32, #tpu.memory_space<hbm>>
    tpu.wait_indirect_dma semaphore(%arg7 : memref<!tpu.dma_semaphore, #tpu.memory_space<semaphore_mem>>) src(%dma_wait3A_597 : memref<65536x64xf32, #tpu.memory_space<hbm>>) dst(%dma_wait3A_592 : memref<128x64xf32, #tpu.memory_space<vmem>>)
    %dma_wait3A_598 = arith.constant 1 : i32
    %dma_wait3A_599 = arith.constant 384 : i32
    %dma_wait3A_600 = arith.constant 0 : i32
    %dma_wait3A_601 = tpu.memref_slice %arg6[%dma_wait3A_598, %dma_wait3A_599, %dma_wait3A_600] : memref<2x512x64xf32, #tpu.memory_space<vmem>> -> memref<1x128x64xf32, #tpu.memory_space<vmem>>
    %dma_wait3A_602 = tpu.memref_squeeze %dma_wait3A_601 : memref<1x128x64xf32, #tpu.memory_space<vmem>> -> memref<128x64xf32, #tpu.memory_space<vmem>>
    %dma_wait3A_603 = arith.constant 2944 : i32
    %dma_wait3A_604 = tpu.memref_slice %arg5[%dma_wait3A_603] : memref<8192xi32, #tpu.memory_space<vmem>> -> memref<128xi32, #tpu.memory_space<vmem>>
    %dma_wait3A_605 = arith.constant 0 : i32
    %dma_wait3A_606 = arith.constant 0 : i32
    %dma_wait3A_607 = tpu.memref_slice %arg2[%dma_wait3A_605, %dma_wait3A_606] : memref<65536x64xf32, #tpu.memory_space<hbm>> -> memref<65536x64xf32, #tpu.memory_space<hbm>>
    tpu.wait_indirect_dma semaphore(%arg7 : memref<!tpu.dma_semaphore, #tpu.memory_space<semaphore_mem>>) src(%dma_wait3A_607 : memref<65536x64xf32, #tpu.memory_space<hbm>>) dst(%dma_wait3A_602 : memref<128x64xf32, #tpu.memory_space<vmem>>)
    %add3A_608 = arith.constant 2560 : i32
    %add3A_609 = arith.addi %mul3A_2, %add3A_608 : i32
    %dma_start3A_610 = arith.constant 1 : i32
    %dma_start3A_611 = arith.constant 0 : i32
    %dma_start3A_612 = arith.constant 0 : i32
    %dma_start3A_613 = tpu.memref_slice %arg6[%dma_start3A_610, %dma_start3A_611, %dma_start3A_612] : memref<2x512x64xf32, #tpu.memory_space<vmem>> -> memref<1x512x64xf32, #tpu.memory_space<vmem>>
    %dma_start3A_614 = tpu.memref_squeeze %dma_start3A_613 : memref<1x512x64xf32, #tpu.memory_space<vmem>> -> memref<512x64xf32, #tpu.memory_space<vmem>>
    %dma_start3A_615 = arith.constant 0 : i32
    %dma_start3A_616 = tpu.memref_slice %arg4[%add3A_609, %dma_start3A_615] : memref<262144x64xf32, #tpu.memory_space<hbm>> -> memref<512x64xf32, #tpu.memory_space<hbm>>
    %dma_start3A_617 = arith.constant 0 : i32
    %dma_start3A_618 = tpu.memref_slice %arg4[%add3A_609, %dma_start3A_617] : memref<262144x64xf32, #tpu.memory_space<hbm>> -> memref<512x64xf32, #tpu.memory_space<hbm>>
    %dma_start3A_619 = arith.constant 0 : i32
    %dma_start3A_620 = arith.constant 0 : i32
    %dma_start3A_621 = tpu.memref_slice %arg6[%dma_start3A_610, %dma_start3A_619, %dma_start3A_620] : memref<2x512x64xf32, #tpu.memory_space<vmem>> -> memref<1x512x64xf32, #tpu.memory_space<vmem>>
    %dma_start3A_622 = tpu.memref_squeeze %dma_start3A_621 : memref<1x512x64xf32, #tpu.memory_space<vmem>> -> memref<512x64xf32, #tpu.memory_space<vmem>>
    tpu.enqueue_dma source(%dma_start3A_622 : memref<512x64xf32, #tpu.memory_space<vmem>>) target(%dma_start3A_618 : memref<512x64xf32, #tpu.memory_space<hbm>>) target_semaphore(%arg8 : memref<!tpu.dma_semaphore, #tpu.memory_space<semaphore_mem>>)
    %dma_wait3A_623 = arith.constant 0 : i32
    %dma_wait3A_624 = arith.constant 0 : i32
    %dma_wait3A_625 = arith.constant 0 : i32
    %dma_wait3A_626 = tpu.memref_slice %arg6[%dma_wait3A_623, %dma_wait3A_624, %dma_wait3A_625] : memref<2x512x64xf32, #tpu.memory_space<vmem>> -> memref<1x512x64xf32, #tpu.memory_space<vmem>>
    %dma_wait3A_627 = tpu.memref_squeeze %dma_wait3A_626 : memref<1x512x64xf32, #tpu.memory_space<vmem>> -> memref<512x64xf32, #tpu.memory_space<vmem>>
    %dma_wait3A_628 = arith.constant 0 : i32
    %dma_wait3A_629 = tpu.memref_slice %arg4[%add3A_501, %dma_wait3A_628] : memref<262144x64xf32, #tpu.memory_space<hbm>> -> memref<512x64xf32, #tpu.memory_space<hbm>>
    %dma_wait3A_630 = arith.constant 0 : i32
    %dma_wait3A_631 = tpu.memref_slice %arg4[%add3A_501, %dma_wait3A_630] : memref<262144x64xf32, #tpu.memory_space<hbm>> -> memref<512x64xf32, #tpu.memory_space<hbm>>
    %dma_wait3A_632 = arith.constant 0 : i32
    %dma_wait3A_633 = arith.constant 0 : i32
    %dma_wait3A_634 = tpu.memref_slice %arg6[%dma_wait3A_623, %dma_wait3A_632, %dma_wait3A_633] : memref<2x512x64xf32, #tpu.memory_space<vmem>> -> memref<1x512x64xf32, #tpu.memory_space<vmem>>
    %dma_wait3A_635 = tpu.memref_squeeze %dma_wait3A_634 : memref<1x512x64xf32, #tpu.memory_space<vmem>> -> memref<512x64xf32, #tpu.memory_space<vmem>>
    tpu.wait_dma2 semaphore(%arg8 : memref<!tpu.dma_semaphore, #tpu.memory_space<semaphore_mem>>) src(%dma_wait3A_635 : memref<512x64xf32, #tpu.memory_space<vmem>>) dst(%dma_wait3A_631 : memref<512x64xf32, #tpu.memory_space<hbm>>)
    %dma_start3A_636 = arith.constant 0 : i32
    %dma_start3A_637 = arith.constant 0 : i32
    %dma_start3A_638 = arith.constant 0 : i32
    %dma_start3A_639 = tpu.memref_slice %arg6[%dma_start3A_636, %dma_start3A_637, %dma_start3A_638] : memref<2x512x64xf32, #tpu.memory_space<vmem>> -> memref<1x128x64xf32, #tpu.memory_space<vmem>>
    %dma_start3A_640 = tpu.memref_squeeze %dma_start3A_639 : memref<1x128x64xf32, #tpu.memory_space<vmem>> -> memref<128x64xf32, #tpu.memory_space<vmem>>
    %dma_start3A_641 = arith.constant 3072 : i32
    %dma_start3A_642 = tpu.memref_slice %arg5[%dma_start3A_641] : memref<8192xi32, #tpu.memory_space<vmem>> -> memref<128xi32, #tpu.memory_space<vmem>>
    %dma_start3A_643 = arith.constant 0 : i32
    %dma_start3A_644 = arith.constant 0 : i32
    %dma_start3A_645 = tpu.memref_slice %arg2[%dma_start3A_643, %dma_start3A_644] : memref<65536x64xf32, #tpu.memory_space<hbm>> -> memref<65536x64xf32, #tpu.memory_space<hbm>>
    tpu.enqueue_indirect_dma source(%dma_start3A_645 : memref<65536x64xf32, #tpu.memory_space<hbm>>) target(%dma_start3A_640 : memref<128x64xf32, #tpu.memory_space<vmem>>) offsets(%dma_start3A_642 : memref<128xi32, #tpu.memory_space<vmem>>) semaphore(%arg7 : memref<!tpu.dma_semaphore, #tpu.memory_space<semaphore_mem>>)
    %dma_start3A_646 = arith.constant 0 : i32
    %dma_start3A_647 = arith.constant 128 : i32
    %dma_start3A_648 = arith.constant 0 : i32
    %dma_start3A_649 = tpu.memref_slice %arg6[%dma_start3A_646, %dma_start3A_647, %dma_start3A_648] : memref<2x512x64xf32, #tpu.memory_space<vmem>> -> memref<1x128x64xf32, #tpu.memory_space<vmem>>
    %dma_start3A_650 = tpu.memref_squeeze %dma_start3A_649 : memref<1x128x64xf32, #tpu.memory_space<vmem>> -> memref<128x64xf32, #tpu.memory_space<vmem>>
    %dma_start3A_651 = arith.constant 3200 : i32
    %dma_start3A_652 = tpu.memref_slice %arg5[%dma_start3A_651] : memref<8192xi32, #tpu.memory_space<vmem>> -> memref<128xi32, #tpu.memory_space<vmem>>
    %dma_start3A_653 = arith.constant 0 : i32
    %dma_start3A_654 = arith.constant 0 : i32
    %dma_start3A_655 = tpu.memref_slice %arg2[%dma_start3A_653, %dma_start3A_654] : memref<65536x64xf32, #tpu.memory_space<hbm>> -> memref<65536x64xf32, #tpu.memory_space<hbm>>
    tpu.enqueue_indirect_dma source(%dma_start3A_655 : memref<65536x64xf32, #tpu.memory_space<hbm>>) target(%dma_start3A_650 : memref<128x64xf32, #tpu.memory_space<vmem>>) offsets(%dma_start3A_652 : memref<128xi32, #tpu.memory_space<vmem>>) semaphore(%arg7 : memref<!tpu.dma_semaphore, #tpu.memory_space<semaphore_mem>>)
    %dma_start3A_656 = arith.constant 0 : i32
    %dma_start3A_657 = arith.constant 256 : i32
    %dma_start3A_658 = arith.constant 0 : i32
    %dma_start3A_659 = tpu.memref_slice %arg6[%dma_start3A_656, %dma_start3A_657, %dma_start3A_658] : memref<2x512x64xf32, #tpu.memory_space<vmem>> -> memref<1x128x64xf32, #tpu.memory_space<vmem>>
    %dma_start3A_660 = tpu.memref_squeeze %dma_start3A_659 : memref<1x128x64xf32, #tpu.memory_space<vmem>> -> memref<128x64xf32, #tpu.memory_space<vmem>>
    %dma_start3A_661 = arith.constant 3328 : i32
    %dma_start3A_662 = tpu.memref_slice %arg5[%dma_start3A_661] : memref<8192xi32, #tpu.memory_space<vmem>> -> memref<128xi32, #tpu.memory_space<vmem>>
    %dma_start3A_663 = arith.constant 0 : i32
    %dma_start3A_664 = arith.constant 0 : i32
    %dma_start3A_665 = tpu.memref_slice %arg2[%dma_start3A_663, %dma_start3A_664] : memref<65536x64xf32, #tpu.memory_space<hbm>> -> memref<65536x64xf32, #tpu.memory_space<hbm>>
    tpu.enqueue_indirect_dma source(%dma_start3A_665 : memref<65536x64xf32, #tpu.memory_space<hbm>>) target(%dma_start3A_660 : memref<128x64xf32, #tpu.memory_space<vmem>>) offsets(%dma_start3A_662 : memref<128xi32, #tpu.memory_space<vmem>>) semaphore(%arg7 : memref<!tpu.dma_semaphore, #tpu.memory_space<semaphore_mem>>)
    %dma_start3A_666 = arith.constant 0 : i32
    %dma_start3A_667 = arith.constant 384 : i32
    %dma_start3A_668 = arith.constant 0 : i32
    %dma_start3A_669 = tpu.memref_slice %arg6[%dma_start3A_666, %dma_start3A_667, %dma_start3A_668] : memref<2x512x64xf32, #tpu.memory_space<vmem>> -> memref<1x128x64xf32, #tpu.memory_space<vmem>>
    %dma_start3A_670 = tpu.memref_squeeze %dma_start3A_669 : memref<1x128x64xf32, #tpu.memory_space<vmem>> -> memref<128x64xf32, #tpu.memory_space<vmem>>
    %dma_start3A_671 = arith.constant 3456 : i32
    %dma_start3A_672 = tpu.memref_slice %arg5[%dma_start3A_671] : memref<8192xi32, #tpu.memory_space<vmem>> -> memref<128xi32, #tpu.memory_space<vmem>>
    %dma_start3A_673 = arith.constant 0 : i32
    %dma_start3A_674 = arith.constant 0 : i32
    %dma_start3A_675 = tpu.memref_slice %arg2[%dma_start3A_673, %dma_start3A_674] : memref<65536x64xf32, #tpu.memory_space<hbm>> -> memref<65536x64xf32, #tpu.memory_space<hbm>>
    tpu.enqueue_indirect_dma source(%dma_start3A_675 : memref<65536x64xf32, #tpu.memory_space<hbm>>) target(%dma_start3A_670 : memref<128x64xf32, #tpu.memory_space<vmem>>) offsets(%dma_start3A_672 : memref<128xi32, #tpu.memory_space<vmem>>) semaphore(%arg7 : memref<!tpu.dma_semaphore, #tpu.memory_space<semaphore_mem>>)
    %dma_wait3A_676 = arith.constant 0 : i32
    %dma_wait3A_677 = arith.constant 0 : i32
    %dma_wait3A_678 = arith.constant 0 : i32
    %dma_wait3A_679 = tpu.memref_slice %arg6[%dma_wait3A_676, %dma_wait3A_677, %dma_wait3A_678] : memref<2x512x64xf32, #tpu.memory_space<vmem>> -> memref<1x128x64xf32, #tpu.memory_space<vmem>>
    %dma_wait3A_680 = tpu.memref_squeeze %dma_wait3A_679 : memref<1x128x64xf32, #tpu.memory_space<vmem>> -> memref<128x64xf32, #tpu.memory_space<vmem>>
    %dma_wait3A_681 = arith.constant 3072 : i32
    %dma_wait3A_682 = tpu.memref_slice %arg5[%dma_wait3A_681] : memref<8192xi32, #tpu.memory_space<vmem>> -> memref<128xi32, #tpu.memory_space<vmem>>
    %dma_wait3A_683 = arith.constant 0 : i32
    %dma_wait3A_684 = arith.constant 0 : i32
    %dma_wait3A_685 = tpu.memref_slice %arg2[%dma_wait3A_683, %dma_wait3A_684] : memref<65536x64xf32, #tpu.memory_space<hbm>> -> memref<65536x64xf32, #tpu.memory_space<hbm>>
    tpu.wait_indirect_dma semaphore(%arg7 : memref<!tpu.dma_semaphore, #tpu.memory_space<semaphore_mem>>) src(%dma_wait3A_685 : memref<65536x64xf32, #tpu.memory_space<hbm>>) dst(%dma_wait3A_680 : memref<128x64xf32, #tpu.memory_space<vmem>>)
    %dma_wait3A_686 = arith.constant 0 : i32
    %dma_wait3A_687 = arith.constant 128 : i32
    %dma_wait3A_688 = arith.constant 0 : i32
    %dma_wait3A_689 = tpu.memref_slice %arg6[%dma_wait3A_686, %dma_wait3A_687, %dma_wait3A_688] : memref<2x512x64xf32, #tpu.memory_space<vmem>> -> memref<1x128x64xf32, #tpu.memory_space<vmem>>
    %dma_wait3A_690 = tpu.memref_squeeze %dma_wait3A_689 : memref<1x128x64xf32, #tpu.memory_space<vmem>> -> memref<128x64xf32, #tpu.memory_space<vmem>>
    %dma_wait3A_691 = arith.constant 3200 : i32
    %dma_wait3A_692 = tpu.memref_slice %arg5[%dma_wait3A_691] : memref<8192xi32, #tpu.memory_space<vmem>> -> memref<128xi32, #tpu.memory_space<vmem>>
    %dma_wait3A_693 = arith.constant 0 : i32
    %dma_wait3A_694 = arith.constant 0 : i32
    %dma_wait3A_695 = tpu.memref_slice %arg2[%dma_wait3A_693, %dma_wait3A_694] : memref<65536x64xf32, #tpu.memory_space<hbm>> -> memref<65536x64xf32, #tpu.memory_space<hbm>>
    tpu.wait_indirect_dma semaphore(%arg7 : memref<!tpu.dma_semaphore, #tpu.memory_space<semaphore_mem>>) src(%dma_wait3A_695 : memref<65536x64xf32, #tpu.memory_space<hbm>>) dst(%dma_wait3A_690 : memref<128x64xf32, #tpu.memory_space<vmem>>)
    %dma_wait3A_696 = arith.constant 0 : i32
    %dma_wait3A_697 = arith.constant 256 : i32
    %dma_wait3A_698 = arith.constant 0 : i32
    %dma_wait3A_699 = tpu.memref_slice %arg6[%dma_wait3A_696, %dma_wait3A_697, %dma_wait3A_698] : memref<2x512x64xf32, #tpu.memory_space<vmem>> -> memref<1x128x64xf32, #tpu.memory_space<vmem>>
    %dma_wait3A_700 = tpu.memref_squeeze %dma_wait3A_699 : memref<1x128x64xf32, #tpu.memory_space<vmem>> -> memref<128x64xf32, #tpu.memory_space<vmem>>
    %dma_wait3A_701 = arith.constant 3328 : i32
    %dma_wait3A_702 = tpu.memref_slice %arg5[%dma_wait3A_701] : memref<8192xi32, #tpu.memory_space<vmem>> -> memref<128xi32, #tpu.memory_space<vmem>>
    %dma_wait3A_703 = arith.constant 0 : i32
    %dma_wait3A_704 = arith.constant 0 : i32
    %dma_wait3A_705 = tpu.memref_slice %arg2[%dma_wait3A_703, %dma_wait3A_704] : memref<65536x64xf32, #tpu.memory_space<hbm>> -> memref<65536x64xf32, #tpu.memory_space<hbm>>
    tpu.wait_indirect_dma semaphore(%arg7 : memref<!tpu.dma_semaphore, #tpu.memory_space<semaphore_mem>>) src(%dma_wait3A_705 : memref<65536x64xf32, #tpu.memory_space<hbm>>) dst(%dma_wait3A_700 : memref<128x64xf32, #tpu.memory_space<vmem>>)
    %dma_wait3A_706 = arith.constant 0 : i32
    %dma_wait3A_707 = arith.constant 384 : i32
    %dma_wait3A_708 = arith.constant 0 : i32
    %dma_wait3A_709 = tpu.memref_slice %arg6[%dma_wait3A_706, %dma_wait3A_707, %dma_wait3A_708] : memref<2x512x64xf32, #tpu.memory_space<vmem>> -> memref<1x128x64xf32, #tpu.memory_space<vmem>>
    %dma_wait3A_710 = tpu.memref_squeeze %dma_wait3A_709 : memref<1x128x64xf32, #tpu.memory_space<vmem>> -> memref<128x64xf32, #tpu.memory_space<vmem>>
    %dma_wait3A_711 = arith.constant 3456 : i32
    %dma_wait3A_712 = tpu.memref_slice %arg5[%dma_wait3A_711] : memref<8192xi32, #tpu.memory_space<vmem>> -> memref<128xi32, #tpu.memory_space<vmem>>
    %dma_wait3A_713 = arith.constant 0 : i32
    %dma_wait3A_714 = arith.constant 0 : i32
    %dma_wait3A_715 = tpu.memref_slice %arg2[%dma_wait3A_713, %dma_wait3A_714] : memref<65536x64xf32, #tpu.memory_space<hbm>> -> memref<65536x64xf32, #tpu.memory_space<hbm>>
    tpu.wait_indirect_dma semaphore(%arg7 : memref<!tpu.dma_semaphore, #tpu.memory_space<semaphore_mem>>) src(%dma_wait3A_715 : memref<65536x64xf32, #tpu.memory_space<hbm>>) dst(%dma_wait3A_710 : memref<128x64xf32, #tpu.memory_space<vmem>>)
    %add3A_716 = arith.constant 3072 : i32
    %add3A_717 = arith.addi %mul3A_2, %add3A_716 : i32
    %dma_start3A_718 = arith.constant 0 : i32
    %dma_start3A_719 = arith.constant 0 : i32
    %dma_start3A_720 = arith.constant 0 : i32
    %dma_start3A_721 = tpu.memref_slice %arg6[%dma_start3A_718, %dma_start3A_719, %dma_start3A_720] : memref<2x512x64xf32, #tpu.memory_space<vmem>> -> memref<1x512x64xf32, #tpu.memory_space<vmem>>
    %dma_start3A_722 = tpu.memref_squeeze %dma_start3A_721 : memref<1x512x64xf32, #tpu.memory_space<vmem>> -> memref<512x64xf32, #tpu.memory_space<vmem>>
    %dma_start3A_723 = arith.constant 0 : i32
    %dma_start3A_724 = tpu.memref_slice %arg4[%add3A_717, %dma_start3A_723] : memref<262144x64xf32, #tpu.memory_space<hbm>> -> memref<512x64xf32, #tpu.memory_space<hbm>>
    %dma_start3A_725 = arith.constant 0 : i32
    %dma_start3A_726 = tpu.memref_slice %arg4[%add3A_717, %dma_start3A_725] : memref<262144x64xf32, #tpu.memory_space<hbm>> -> memref<512x64xf32, #tpu.memory_space<hbm>>
    %dma_start3A_727 = arith.constant 0 : i32
    %dma_start3A_728 = arith.constant 0 : i32
    %dma_start3A_729 = tpu.memref_slice %arg6[%dma_start3A_718, %dma_start3A_727, %dma_start3A_728] : memref<2x512x64xf32, #tpu.memory_space<vmem>> -> memref<1x512x64xf32, #tpu.memory_space<vmem>>
    %dma_start3A_730 = tpu.memref_squeeze %dma_start3A_729 : memref<1x512x64xf32, #tpu.memory_space<vmem>> -> memref<512x64xf32, #tpu.memory_space<vmem>>
    tpu.enqueue_dma source(%dma_start3A_730 : memref<512x64xf32, #tpu.memory_space<vmem>>) target(%dma_start3A_726 : memref<512x64xf32, #tpu.memory_space<hbm>>) target_semaphore(%arg8 : memref<!tpu.dma_semaphore, #tpu.memory_space<semaphore_mem>>)
    %dma_wait3A_731 = arith.constant 1 : i32
    %dma_wait3A_732 = arith.constant 0 : i32
    %dma_wait3A_733 = arith.constant 0 : i32
    %dma_wait3A_734 = tpu.memref_slice %arg6[%dma_wait3A_731, %dma_wait3A_732, %dma_wait3A_733] : memref<2x512x64xf32, #tpu.memory_space<vmem>> -> memref<1x512x64xf32, #tpu.memory_space<vmem>>
    %dma_wait3A_735 = tpu.memref_squeeze %dma_wait3A_734 : memref<1x512x64xf32, #tpu.memory_space<vmem>> -> memref<512x64xf32, #tpu.memory_space<vmem>>
    %dma_wait3A_736 = arith.constant 0 : i32
    %dma_wait3A_737 = tpu.memref_slice %arg4[%add3A_609, %dma_wait3A_736] : memref<262144x64xf32, #tpu.memory_space<hbm>> -> memref<512x64xf32, #tpu.memory_space<hbm>>
    %dma_wait3A_738 = arith.constant 0 : i32
    %dma_wait3A_739 = tpu.memref_slice %arg4[%add3A_609, %dma_wait3A_738] : memref<262144x64xf32, #tpu.memory_space<hbm>> -> memref<512x64xf32, #tpu.memory_space<hbm>>
    %dma_wait3A_740 = arith.constant 0 : i32
    %dma_wait3A_741 = arith.constant 0 : i32
    %dma_wait3A_742 = tpu.memref_slice %arg6[%dma_wait3A_731, %dma_wait3A_740, %dma_wait3A_741] : memref<2x512x64xf32, #tpu.memory_space<vmem>> -> memref<1x512x64xf32, #tpu.memory_space<vmem>>
    %dma_wait3A_743 = tpu.memref_squeeze %dma_wait3A_742 : memref<1x512x64xf32, #tpu.memory_space<vmem>> -> memref<512x64xf32, #tpu.memory_space<vmem>>
    tpu.wait_dma2 semaphore(%arg8 : memref<!tpu.dma_semaphore, #tpu.memory_space<semaphore_mem>>) src(%dma_wait3A_743 : memref<512x64xf32, #tpu.memory_space<vmem>>) dst(%dma_wait3A_739 : memref<512x64xf32, #tpu.memory_space<hbm>>)
    %dma_start3A_744 = arith.constant 1 : i32
    %dma_start3A_745 = arith.constant 0 : i32
    %dma_start3A_746 = arith.constant 0 : i32
    %dma_start3A_747 = tpu.memref_slice %arg6[%dma_start3A_744, %dma_start3A_745, %dma_start3A_746] : memref<2x512x64xf32, #tpu.memory_space<vmem>> -> memref<1x128x64xf32, #tpu.memory_space<vmem>>
    %dma_start3A_748 = tpu.memref_squeeze %dma_start3A_747 : memref<1x128x64xf32, #tpu.memory_space<vmem>> -> memref<128x64xf32, #tpu.memory_space<vmem>>
    %dma_start3A_749 = arith.constant 3584 : i32
    %dma_start3A_750 = tpu.memref_slice %arg5[%dma_start3A_749] : memref<8192xi32, #tpu.memory_space<vmem>> -> memref<128xi32, #tpu.memory_space<vmem>>
    %dma_start3A_751 = arith.constant 0 : i32
    %dma_start3A_752 = arith.constant 0 : i32
    %dma_start3A_753 = tpu.memref_slice %arg2[%dma_start3A_751, %dma_start3A_752] : memref<65536x64xf32, #tpu.memory_space<hbm>> -> memref<65536x64xf32, #tpu.memory_space<hbm>>
    tpu.enqueue_indirect_dma source(%dma_start3A_753 : memref<65536x64xf32, #tpu.memory_space<hbm>>) target(%dma_start3A_748 : memref<128x64xf32, #tpu.memory_space<vmem>>) offsets(%dma_start3A_750 : memref<128xi32, #tpu.memory_space<vmem>>) semaphore(%arg7 : memref<!tpu.dma_semaphore, #tpu.memory_space<semaphore_mem>>)
    %dma_start3A_754 = arith.constant 1 : i32
    %dma_start3A_755 = arith.constant 128 : i32
    %dma_start3A_756 = arith.constant 0 : i32
    %dma_start3A_757 = tpu.memref_slice %arg6[%dma_start3A_754, %dma_start3A_755, %dma_start3A_756] : memref<2x512x64xf32, #tpu.memory_space<vmem>> -> memref<1x128x64xf32, #tpu.memory_space<vmem>>
    %dma_start3A_758 = tpu.memref_squeeze %dma_start3A_757 : memref<1x128x64xf32, #tpu.memory_space<vmem>> -> memref<128x64xf32, #tpu.memory_space<vmem>>
    %dma_start3A_759 = arith.constant 3712 : i32
    %dma_start3A_760 = tpu.memref_slice %arg5[%dma_start3A_759] : memref<8192xi32, #tpu.memory_space<vmem>> -> memref<128xi32, #tpu.memory_space<vmem>>
    %dma_start3A_761 = arith.constant 0 : i32
    %dma_start3A_762 = arith.constant 0 : i32
    %dma_start3A_763 = tpu.memref_slice %arg2[%dma_start3A_761, %dma_start3A_762] : memref<65536x64xf32, #tpu.memory_space<hbm>> -> memref<65536x64xf32, #tpu.memory_space<hbm>>
    tpu.enqueue_indirect_dma source(%dma_start3A_763 : memref<65536x64xf32, #tpu.memory_space<hbm>>) target(%dma_start3A_758 : memref<128x64xf32, #tpu.memory_space<vmem>>) offsets(%dma_start3A_760 : memref<128xi32, #tpu.memory_space<vmem>>) semaphore(%arg7 : memref<!tpu.dma_semaphore, #tpu.memory_space<semaphore_mem>>)
    %dma_start3A_764 = arith.constant 1 : i32
    %dma_start3A_765 = arith.constant 256 : i32
    %dma_start3A_766 = arith.constant 0 : i32
    %dma_start3A_767 = tpu.memref_slice %arg6[%dma_start3A_764, %dma_start3A_765, %dma_start3A_766] : memref<2x512x64xf32, #tpu.memory_space<vmem>> -> memref<1x128x64xf32, #tpu.memory_space<vmem>>
    %dma_start3A_768 = tpu.memref_squeeze %dma_start3A_767 : memref<1x128x64xf32, #tpu.memory_space<vmem>> -> memref<128x64xf32, #tpu.memory_space<vmem>>
    %dma_start3A_769 = arith.constant 3840 : i32
    %dma_start3A_770 = tpu.memref_slice %arg5[%dma_start3A_769] : memref<8192xi32, #tpu.memory_space<vmem>> -> memref<128xi32, #tpu.memory_space<vmem>>
    %dma_start3A_771 = arith.constant 0 : i32
    %dma_start3A_772 = arith.constant 0 : i32
    %dma_start3A_773 = tpu.memref_slice %arg2[%dma_start3A_771, %dma_start3A_772] : memref<65536x64xf32, #tpu.memory_space<hbm>> -> memref<65536x64xf32, #tpu.memory_space<hbm>>
    tpu.enqueue_indirect_dma source(%dma_start3A_773 : memref<65536x64xf32, #tpu.memory_space<hbm>>) target(%dma_start3A_768 : memref<128x64xf32, #tpu.memory_space<vmem>>) offsets(%dma_start3A_770 : memref<128xi32, #tpu.memory_space<vmem>>) semaphore(%arg7 : memref<!tpu.dma_semaphore, #tpu.memory_space<semaphore_mem>>)
    %dma_start3A_774 = arith.constant 1 : i32
    %dma_start3A_775 = arith.constant 384 : i32
    %dma_start3A_776 = arith.constant 0 : i32
    %dma_start3A_777 = tpu.memref_slice %arg6[%dma_start3A_774, %dma_start3A_775, %dma_start3A_776] : memref<2x512x64xf32, #tpu.memory_space<vmem>> -> memref<1x128x64xf32, #tpu.memory_space<vmem>>
    %dma_start3A_778 = tpu.memref_squeeze %dma_start3A_777 : memref<1x128x64xf32, #tpu.memory_space<vmem>> -> memref<128x64xf32, #tpu.memory_space<vmem>>
    %dma_start3A_779 = arith.constant 3968 : i32
    %dma_start3A_780 = tpu.memref_slice %arg5[%dma_start3A_779] : memref<8192xi32, #tpu.memory_space<vmem>> -> memref<128xi32, #tpu.memory_space<vmem>>
    %dma_start3A_781 = arith.constant 0 : i32
    %dma_start3A_782 = arith.constant 0 : i32
    %dma_start3A_783 = tpu.memref_slice %arg2[%dma_start3A_781, %dma_start3A_782] : memref<65536x64xf32, #tpu.memory_space<hbm>> -> memref<65536x64xf32, #tpu.memory_space<hbm>>
    tpu.enqueue_indirect_dma source(%dma_start3A_783 : memref<65536x64xf32, #tpu.memory_space<hbm>>) target(%dma_start3A_778 : memref<128x64xf32, #tpu.memory_space<vmem>>) offsets(%dma_start3A_780 : memref<128xi32, #tpu.memory_space<vmem>>) semaphore(%arg7 : memref<!tpu.dma_semaphore, #tpu.memory_space<semaphore_mem>>)
    %dma_wait3A_784 = arith.constant 1 : i32
    %dma_wait3A_785 = arith.constant 0 : i32
    %dma_wait3A_786 = arith.constant 0 : i32
    %dma_wait3A_787 = tpu.memref_slice %arg6[%dma_wait3A_784, %dma_wait3A_785, %dma_wait3A_786] : memref<2x512x64xf32, #tpu.memory_space<vmem>> -> memref<1x128x64xf32, #tpu.memory_space<vmem>>
    %dma_wait3A_788 = tpu.memref_squeeze %dma_wait3A_787 : memref<1x128x64xf32, #tpu.memory_space<vmem>> -> memref<128x64xf32, #tpu.memory_space<vmem>>
    %dma_wait3A_789 = arith.constant 3584 : i32
    %dma_wait3A_790 = tpu.memref_slice %arg5[%dma_wait3A_789] : memref<8192xi32, #tpu.memory_space<vmem>> -> memref<128xi32, #tpu.memory_space<vmem>>
    %dma_wait3A_791 = arith.constant 0 : i32
    %dma_wait3A_792 = arith.constant 0 : i32
    %dma_wait3A_793 = tpu.memref_slice %arg2[%dma_wait3A_791, %dma_wait3A_792] : memref<65536x64xf32, #tpu.memory_space<hbm>> -> memref<65536x64xf32, #tpu.memory_space<hbm>>
    tpu.wait_indirect_dma semaphore(%arg7 : memref<!tpu.dma_semaphore, #tpu.memory_space<semaphore_mem>>) src(%dma_wait3A_793 : memref<65536x64xf32, #tpu.memory_space<hbm>>) dst(%dma_wait3A_788 : memref<128x64xf32, #tpu.memory_space<vmem>>)
    %dma_wait3A_794 = arith.constant 1 : i32
    %dma_wait3A_795 = arith.constant 128 : i32
    %dma_wait3A_796 = arith.constant 0 : i32
    %dma_wait3A_797 = tpu.memref_slice %arg6[%dma_wait3A_794, %dma_wait3A_795, %dma_wait3A_796] : memref<2x512x64xf32, #tpu.memory_space<vmem>> -> memref<1x128x64xf32, #tpu.memory_space<vmem>>
    %dma_wait3A_798 = tpu.memref_squeeze %dma_wait3A_797 : memref<1x128x64xf32, #tpu.memory_space<vmem>> -> memref<128x64xf32, #tpu.memory_space<vmem>>
    %dma_wait3A_799 = arith.constant 3712 : i32
    %dma_wait3A_800 = tpu.memref_slice %arg5[%dma_wait3A_799] : memref<8192xi32, #tpu.memory_space<vmem>> -> memref<128xi32, #tpu.memory_space<vmem>>
    %dma_wait3A_801 = arith.constant 0 : i32
    %dma_wait3A_802 = arith.constant 0 : i32
    %dma_wait3A_803 = tpu.memref_slice %arg2[%dma_wait3A_801, %dma_wait3A_802] : memref<65536x64xf32, #tpu.memory_space<hbm>> -> memref<65536x64xf32, #tpu.memory_space<hbm>>
    tpu.wait_indirect_dma semaphore(%arg7 : memref<!tpu.dma_semaphore, #tpu.memory_space<semaphore_mem>>) src(%dma_wait3A_803 : memref<65536x64xf32, #tpu.memory_space<hbm>>) dst(%dma_wait3A_798 : memref<128x64xf32, #tpu.memory_space<vmem>>)
    %dma_wait3A_804 = arith.constant 1 : i32
    %dma_wait3A_805 = arith.constant 256 : i32
    %dma_wait3A_806 = arith.constant 0 : i32
    %dma_wait3A_807 = tpu.memref_slice %arg6[%dma_wait3A_804, %dma_wait3A_805, %dma_wait3A_806] : memref<2x512x64xf32, #tpu.memory_space<vmem>> -> memref<1x128x64xf32, #tpu.memory_space<vmem>>
    %dma_wait3A_808 = tpu.memref_squeeze %dma_wait3A_807 : memref<1x128x64xf32, #tpu.memory_space<vmem>> -> memref<128x64xf32, #tpu.memory_space<vmem>>
    %dma_wait3A_809 = arith.constant 3840 : i32
    %dma_wait3A_810 = tpu.memref_slice %arg5[%dma_wait3A_809] : memref<8192xi32, #tpu.memory_space<vmem>> -> memref<128xi32, #tpu.memory_space<vmem>>
    %dma_wait3A_811 = arith.constant 0 : i32
    %dma_wait3A_812 = arith.constant 0 : i32
    %dma_wait3A_813 = tpu.memref_slice %arg2[%dma_wait3A_811, %dma_wait3A_812] : memref<65536x64xf32, #tpu.memory_space<hbm>> -> memref<65536x64xf32, #tpu.memory_space<hbm>>
    tpu.wait_indirect_dma semaphore(%arg7 : memref<!tpu.dma_semaphore, #tpu.memory_space<semaphore_mem>>) src(%dma_wait3A_813 : memref<65536x64xf32, #tpu.memory_space<hbm>>) dst(%dma_wait3A_808 : memref<128x64xf32, #tpu.memory_space<vmem>>)
    %dma_wait3A_814 = arith.constant 1 : i32
    %dma_wait3A_815 = arith.constant 384 : i32
    %dma_wait3A_816 = arith.constant 0 : i32
    %dma_wait3A_817 = tpu.memref_slice %arg6[%dma_wait3A_814, %dma_wait3A_815, %dma_wait3A_816] : memref<2x512x64xf32, #tpu.memory_space<vmem>> -> memref<1x128x64xf32, #tpu.memory_space<vmem>>
    %dma_wait3A_818 = tpu.memref_squeeze %dma_wait3A_817 : memref<1x128x64xf32, #tpu.memory_space<vmem>> -> memref<128x64xf32, #tpu.memory_space<vmem>>
    %dma_wait3A_819 = arith.constant 3968 : i32
    %dma_wait3A_820 = tpu.memref_slice %arg5[%dma_wait3A_819] : memref<8192xi32, #tpu.memory_space<vmem>> -> memref<128xi32, #tpu.memory_space<vmem>>
    %dma_wait3A_821 = arith.constant 0 : i32
    %dma_wait3A_822 = arith.constant 0 : i32
    %dma_wait3A_823 = tpu.memref_slice %arg2[%dma_wait3A_821, %dma_wait3A_822] : memref<65536x64xf32, #tpu.memory_space<hbm>> -> memref<65536x64xf32, #tpu.memory_space<hbm>>
    tpu.wait_indirect_dma semaphore(%arg7 : memref<!tpu.dma_semaphore, #tpu.memory_space<semaphore_mem>>) src(%dma_wait3A_823 : memref<65536x64xf32, #tpu.memory_space<hbm>>) dst(%dma_wait3A_818 : memref<128x64xf32, #tpu.memory_space<vmem>>)
    %add3A_824 = arith.constant 3584 : i32
    %add3A_825 = arith.addi %mul3A_2, %add3A_824 : i32
    %dma_start3A_826 = arith.constant 1 : i32
    %dma_start3A_827 = arith.constant 0 : i32
    %dma_start3A_828 = arith.constant 0 : i32
    %dma_start3A_829 = tpu.memref_slice %arg6[%dma_start3A_826, %dma_start3A_827, %dma_start3A_828] : memref<2x512x64xf32, #tpu.memory_space<vmem>> -> memref<1x512x64xf32, #tpu.memory_space<vmem>>
    %dma_start3A_830 = tpu.memref_squeeze %dma_start3A_829 : memref<1x512x64xf32, #tpu.memory_space<vmem>> -> memref<512x64xf32, #tpu.memory_space<vmem>>
    %dma_start3A_831 = arith.constant 0 : i32
    %dma_start3A_832 = tpu.memref_slice %arg4[%add3A_825, %dma_start3A_831] : memref<262144x64xf32, #tpu.memory_space<hbm>> -> memref<512x64xf32, #tpu.memory_space<hbm>>
    %dma_start3A_833 = arith.constant 0 : i32
    %dma_start3A_834 = tpu.memref_slice %arg4[%add3A_825, %dma_start3A_833] : memref<262144x64xf32, #tpu.memory_space<hbm>> -> memref<512x64xf32, #tpu.memory_space<hbm>>
    %dma_start3A_835 = arith.constant 0 : i32
    %dma_start3A_836 = arith.constant 0 : i32
    %dma_start3A_837 = tpu.memref_slice %arg6[%dma_start3A_826, %dma_start3A_835, %dma_start3A_836] : memref<2x512x64xf32, #tpu.memory_space<vmem>> -> memref<1x512x64xf32, #tpu.memory_space<vmem>>
    %dma_start3A_838 = tpu.memref_squeeze %dma_start3A_837 : memref<1x512x64xf32, #tpu.memory_space<vmem>> -> memref<512x64xf32, #tpu.memory_space<vmem>>
    tpu.enqueue_dma source(%dma_start3A_838 : memref<512x64xf32, #tpu.memory_space<vmem>>) target(%dma_start3A_834 : memref<512x64xf32, #tpu.memory_space<hbm>>) target_semaphore(%arg8 : memref<!tpu.dma_semaphore, #tpu.memory_space<semaphore_mem>>)
    %dma_wait3A_839 = arith.constant 0 : i32
    %dma_wait3A_840 = arith.constant 0 : i32
    %dma_wait3A_841 = arith.constant 0 : i32
    %dma_wait3A_842 = tpu.memref_slice %arg6[%dma_wait3A_839, %dma_wait3A_840, %dma_wait3A_841] : memref<2x512x64xf32, #tpu.memory_space<vmem>> -> memref<1x512x64xf32, #tpu.memory_space<vmem>>
    %dma_wait3A_843 = tpu.memref_squeeze %dma_wait3A_842 : memref<1x512x64xf32, #tpu.memory_space<vmem>> -> memref<512x64xf32, #tpu.memory_space<vmem>>
    %dma_wait3A_844 = arith.constant 0 : i32
    %dma_wait3A_845 = tpu.memref_slice %arg4[%add3A_717, %dma_wait3A_844] : memref<262144x64xf32, #tpu.memory_space<hbm>> -> memref<512x64xf32, #tpu.memory_space<hbm>>
    %dma_wait3A_846 = arith.constant 0 : i32
    %dma_wait3A_847 = tpu.memref_slice %arg4[%add3A_717, %dma_wait3A_846] : memref<262144x64xf32, #tpu.memory_space<hbm>> -> memref<512x64xf32, #tpu.memory_space<hbm>>
    %dma_wait3A_848 = arith.constant 0 : i32
    %dma_wait3A_849 = arith.constant 0 : i32
    %dma_wait3A_850 = tpu.memref_slice %arg6[%dma_wait3A_839, %dma_wait3A_848, %dma_wait3A_849] : memref<2x512x64xf32, #tpu.memory_space<vmem>> -> memref<1x512x64xf32, #tpu.memory_space<vmem>>
    %dma_wait3A_851 = tpu.memref_squeeze %dma_wait3A_850 : memref<1x512x64xf32, #tpu.memory_space<vmem>> -> memref<512x64xf32, #tpu.memory_space<vmem>>
    tpu.wait_dma2 semaphore(%arg8 : memref<!tpu.dma_semaphore, #tpu.memory_space<semaphore_mem>>) src(%dma_wait3A_851 : memref<512x64xf32, #tpu.memory_space<vmem>>) dst(%dma_wait3A_847 : memref<512x64xf32, #tpu.memory_space<hbm>>)
    %dma_start3A_852 = arith.constant 0 : i32
    %dma_start3A_853 = arith.constant 0 : i32
    %dma_start3A_854 = arith.constant 0 : i32
    %dma_start3A_855 = tpu.memref_slice %arg6[%dma_start3A_852, %dma_start3A_853, %dma_start3A_854] : memref<2x512x64xf32, #tpu.memory_space<vmem>> -> memref<1x128x64xf32, #tpu.memory_space<vmem>>
    %dma_start3A_856 = tpu.memref_squeeze %dma_start3A_855 : memref<1x128x64xf32, #tpu.memory_space<vmem>> -> memref<128x64xf32, #tpu.memory_space<vmem>>
    %dma_start3A_857 = arith.constant 4096 : i32
    %dma_start3A_858 = tpu.memref_slice %arg5[%dma_start3A_857] : memref<8192xi32, #tpu.memory_space<vmem>> -> memref<128xi32, #tpu.memory_space<vmem>>
    %dma_start3A_859 = arith.constant 0 : i32
    %dma_start3A_860 = arith.constant 0 : i32
    %dma_start3A_861 = tpu.memref_slice %arg2[%dma_start3A_859, %dma_start3A_860] : memref<65536x64xf32, #tpu.memory_space<hbm>> -> memref<65536x64xf32, #tpu.memory_space<hbm>>
    tpu.enqueue_indirect_dma source(%dma_start3A_861 : memref<65536x64xf32, #tpu.memory_space<hbm>>) target(%dma_start3A_856 : memref<128x64xf32, #tpu.memory_space<vmem>>) offsets(%dma_start3A_858 : memref<128xi32, #tpu.memory_space<vmem>>) semaphore(%arg7 : memref<!tpu.dma_semaphore, #tpu.memory_space<semaphore_mem>>)
    %dma_start3A_862 = arith.constant 0 : i32
    %dma_start3A_863 = arith.constant 128 : i32
    %dma_start3A_864 = arith.constant 0 : i32
    %dma_start3A_865 = tpu.memref_slice %arg6[%dma_start3A_862, %dma_start3A_863, %dma_start3A_864] : memref<2x512x64xf32, #tpu.memory_space<vmem>> -> memref<1x128x64xf32, #tpu.memory_space<vmem>>
    %dma_start3A_866 = tpu.memref_squeeze %dma_start3A_865 : memref<1x128x64xf32, #tpu.memory_space<vmem>> -> memref<128x64xf32, #tpu.memory_space<vmem>>
    %dma_start3A_867 = arith.constant 4224 : i32
    %dma_start3A_868 = tpu.memref_slice %arg5[%dma_start3A_867] : memref<8192xi32, #tpu.memory_space<vmem>> -> memref<128xi32, #tpu.memory_space<vmem>>
    %dma_start3A_869 = arith.constant 0 : i32
    %dma_start3A_870 = arith.constant 0 : i32
    %dma_start3A_871 = tpu.memref_slice %arg2[%dma_start3A_869, %dma_start3A_870] : memref<65536x64xf32, #tpu.memory_space<hbm>> -> memref<65536x64xf32, #tpu.memory_space<hbm>>
    tpu.enqueue_indirect_dma source(%dma_start3A_871 : memref<65536x64xf32, #tpu.memory_space<hbm>>) target(%dma_start3A_866 : memref<128x64xf32, #tpu.memory_space<vmem>>) offsets(%dma_start3A_868 : memref<128xi32, #tpu.memory_space<vmem>>) semaphore(%arg7 : memref<!tpu.dma_semaphore, #tpu.memory_space<semaphore_mem>>)
    %dma_start3A_872 = arith.constant 0 : i32
    %dma_start3A_873 = arith.constant 256 : i32
    %dma_start3A_874 = arith.constant 0 : i32
    %dma_start3A_875 = tpu.memref_slice %arg6[%dma_start3A_872, %dma_start3A_873, %dma_start3A_874] : memref<2x512x64xf32, #tpu.memory_space<vmem>> -> memref<1x128x64xf32, #tpu.memory_space<vmem>>
    %dma_start3A_876 = tpu.memref_squeeze %dma_start3A_875 : memref<1x128x64xf32, #tpu.memory_space<vmem>> -> memref<128x64xf32, #tpu.memory_space<vmem>>
    %dma_start3A_877 = arith.constant 4352 : i32
    %dma_start3A_878 = tpu.memref_slice %arg5[%dma_start3A_877] : memref<8192xi32, #tpu.memory_space<vmem>> -> memref<128xi32, #tpu.memory_space<vmem>>
    %dma_start3A_879 = arith.constant 0 : i32
    %dma_start3A_880 = arith.constant 0 : i32
    %dma_start3A_881 = tpu.memref_slice %arg2[%dma_start3A_879, %dma_start3A_880] : memref<65536x64xf32, #tpu.memory_space<hbm>> -> memref<65536x64xf32, #tpu.memory_space<hbm>>
    tpu.enqueue_indirect_dma source(%dma_start3A_881 : memref<65536x64xf32, #tpu.memory_space<hbm>>) target(%dma_start3A_876 : memref<128x64xf32, #tpu.memory_space<vmem>>) offsets(%dma_start3A_878 : memref<128xi32, #tpu.memory_space<vmem>>) semaphore(%arg7 : memref<!tpu.dma_semaphore, #tpu.memory_space<semaphore_mem>>)
    %dma_start3A_882 = arith.constant 0 : i32
    %dma_start3A_883 = arith.constant 384 : i32
    %dma_start3A_884 = arith.constant 0 : i32
    %dma_start3A_885 = tpu.memref_slice %arg6[%dma_start3A_882, %dma_start3A_883, %dma_start3A_884] : memref<2x512x64xf32, #tpu.memory_space<vmem>> -> memref<1x128x64xf32, #tpu.memory_space<vmem>>
    %dma_start3A_886 = tpu.memref_squeeze %dma_start3A_885 : memref<1x128x64xf32, #tpu.memory_space<vmem>> -> memref<128x64xf32, #tpu.memory_space<vmem>>
    %dma_start3A_887 = arith.constant 4480 : i32
    %dma_start3A_888 = tpu.memref_slice %arg5[%dma_start3A_887] : memref<8192xi32, #tpu.memory_space<vmem>> -> memref<128xi32, #tpu.memory_space<vmem>>
    %dma_start3A_889 = arith.constant 0 : i32
    %dma_start3A_890 = arith.constant 0 : i32
    %dma_start3A_891 = tpu.memref_slice %arg2[%dma_start3A_889, %dma_start3A_890] : memref<65536x64xf32, #tpu.memory_space<hbm>> -> memref<65536x64xf32, #tpu.memory_space<hbm>>
    tpu.enqueue_indirect_dma source(%dma_start3A_891 : memref<65536x64xf32, #tpu.memory_space<hbm>>) target(%dma_start3A_886 : memref<128x64xf32, #tpu.memory_space<vmem>>) offsets(%dma_start3A_888 : memref<128xi32, #tpu.memory_space<vmem>>) semaphore(%arg7 : memref<!tpu.dma_semaphore, #tpu.memory_space<semaphore_mem>>)
    %dma_wait3A_892 = arith.constant 0 : i32
    %dma_wait3A_893 = arith.constant 0 : i32
    %dma_wait3A_894 = arith.constant 0 : i32
    %dma_wait3A_895 = tpu.memref_slice %arg6[%dma_wait3A_892, %dma_wait3A_893, %dma_wait3A_894] : memref<2x512x64xf32, #tpu.memory_space<vmem>> -> memref<1x128x64xf32, #tpu.memory_space<vmem>>
    %dma_wait3A_896 = tpu.memref_squeeze %dma_wait3A_895 : memref<1x128x64xf32, #tpu.memory_space<vmem>> -> memref<128x64xf32, #tpu.memory_space<vmem>>
    %dma_wait3A_897 = arith.constant 4096 : i32
    %dma_wait3A_898 = tpu.memref_slice %arg5[%dma_wait3A_897] : memref<8192xi32, #tpu.memory_space<vmem>> -> memref<128xi32, #tpu.memory_space<vmem>>
    %dma_wait3A_899 = arith.constant 0 : i32
    %dma_wait3A_900 = arith.constant 0 : i32
    %dma_wait3A_901 = tpu.memref_slice %arg2[%dma_wait3A_899, %dma_wait3A_900] : memref<65536x64xf32, #tpu.memory_space<hbm>> -> memref<65536x64xf32, #tpu.memory_space<hbm>>
    tpu.wait_indirect_dma semaphore(%arg7 : memref<!tpu.dma_semaphore, #tpu.memory_space<semaphore_mem>>) src(%dma_wait3A_901 : memref<65536x64xf32, #tpu.memory_space<hbm>>) dst(%dma_wait3A_896 : memref<128x64xf32, #tpu.memory_space<vmem>>)
    %dma_wait3A_902 = arith.constant 0 : i32
    %dma_wait3A_903 = arith.constant 128 : i32
    %dma_wait3A_904 = arith.constant 0 : i32
    %dma_wait3A_905 = tpu.memref_slice %arg6[%dma_wait3A_902, %dma_wait3A_903, %dma_wait3A_904] : memref<2x512x64xf32, #tpu.memory_space<vmem>> -> memref<1x128x64xf32, #tpu.memory_space<vmem>>
    %dma_wait3A_906 = tpu.memref_squeeze %dma_wait3A_905 : memref<1x128x64xf32, #tpu.memory_space<vmem>> -> memref<128x64xf32, #tpu.memory_space<vmem>>
    %dma_wait3A_907 = arith.constant 4224 : i32
    %dma_wait3A_908 = tpu.memref_slice %arg5[%dma_wait3A_907] : memref<8192xi32, #tpu.memory_space<vmem>> -> memref<128xi32, #tpu.memory_space<vmem>>
    %dma_wait3A_909 = arith.constant 0 : i32
    %dma_wait3A_910 = arith.constant 0 : i32
    %dma_wait3A_911 = tpu.memref_slice %arg2[%dma_wait3A_909, %dma_wait3A_910] : memref<65536x64xf32, #tpu.memory_space<hbm>> -> memref<65536x64xf32, #tpu.memory_space<hbm>>
    tpu.wait_indirect_dma semaphore(%arg7 : memref<!tpu.dma_semaphore, #tpu.memory_space<semaphore_mem>>) src(%dma_wait3A_911 : memref<65536x64xf32, #tpu.memory_space<hbm>>) dst(%dma_wait3A_906 : memref<128x64xf32, #tpu.memory_space<vmem>>)
    %dma_wait3A_912 = arith.constant 0 : i32
    %dma_wait3A_913 = arith.constant 256 : i32
    %dma_wait3A_914 = arith.constant 0 : i32
    %dma_wait3A_915 = tpu.memref_slice %arg6[%dma_wait3A_912, %dma_wait3A_913, %dma_wait3A_914] : memref<2x512x64xf32, #tpu.memory_space<vmem>> -> memref<1x128x64xf32, #tpu.memory_space<vmem>>
    %dma_wait3A_916 = tpu.memref_squeeze %dma_wait3A_915 : memref<1x128x64xf32, #tpu.memory_space<vmem>> -> memref<128x64xf32, #tpu.memory_space<vmem>>
    %dma_wait3A_917 = arith.constant 4352 : i32
    %dma_wait3A_918 = tpu.memref_slice %arg5[%dma_wait3A_917] : memref<8192xi32, #tpu.memory_space<vmem>> -> memref<128xi32, #tpu.memory_space<vmem>>
    %dma_wait3A_919 = arith.constant 0 : i32
    %dma_wait3A_920 = arith.constant 0 : i32
    %dma_wait3A_921 = tpu.memref_slice %arg2[%dma_wait3A_919, %dma_wait3A_920] : memref<65536x64xf32, #tpu.memory_space<hbm>> -> memref<65536x64xf32, #tpu.memory_space<hbm>>
    tpu.wait_indirect_dma semaphore(%arg7 : memref<!tpu.dma_semaphore, #tpu.memory_space<semaphore_mem>>) src(%dma_wait3A_921 : memref<65536x64xf32, #tpu.memory_space<hbm>>) dst(%dma_wait3A_916 : memref<128x64xf32, #tpu.memory_space<vmem>>)
    %dma_wait3A_922 = arith.constant 0 : i32
    %dma_wait3A_923 = arith.constant 384 : i32
    %dma_wait3A_924 = arith.constant 0 : i32
    %dma_wait3A_925 = tpu.memref_slice %arg6[%dma_wait3A_922, %dma_wait3A_923, %dma_wait3A_924] : memref<2x512x64xf32, #tpu.memory_space<vmem>> -> memref<1x128x64xf32, #tpu.memory_space<vmem>>
    %dma_wait3A_926 = tpu.memref_squeeze %dma_wait3A_925 : memref<1x128x64xf32, #tpu.memory_space<vmem>> -> memref<128x64xf32, #tpu.memory_space<vmem>>
    %dma_wait3A_927 = arith.constant 4480 : i32
    %dma_wait3A_928 = tpu.memref_slice %arg5[%dma_wait3A_927] : memref<8192xi32, #tpu.memory_space<vmem>> -> memref<128xi32, #tpu.memory_space<vmem>>
    %dma_wait3A_929 = arith.constant 0 : i32
    %dma_wait3A_930 = arith.constant 0 : i32
    %dma_wait3A_931 = tpu.memref_slice %arg2[%dma_wait3A_929, %dma_wait3A_930] : memref<65536x64xf32, #tpu.memory_space<hbm>> -> memref<65536x64xf32, #tpu.memory_space<hbm>>
    tpu.wait_indirect_dma semaphore(%arg7 : memref<!tpu.dma_semaphore, #tpu.memory_space<semaphore_mem>>) src(%dma_wait3A_931 : memref<65536x64xf32, #tpu.memory_space<hbm>>) dst(%dma_wait3A_926 : memref<128x64xf32, #tpu.memory_space<vmem>>)
    %add3A_932 = arith.constant 4096 : i32
    %add3A_933 = arith.addi %mul3A_2, %add3A_932 : i32
    %dma_start3A_934 = arith.constant 0 : i32
    %dma_start3A_935 = arith.constant 0 : i32
    %dma_start3A_936 = arith.constant 0 : i32
    %dma_start3A_937 = tpu.memref_slice %arg6[%dma_start3A_934, %dma_start3A_935, %dma_start3A_936] : memref<2x512x64xf32, #tpu.memory_space<vmem>> -> memref<1x512x64xf32, #tpu.memory_space<vmem>>
    %dma_start3A_938 = tpu.memref_squeeze %dma_start3A_937 : memref<1x512x64xf32, #tpu.memory_space<vmem>> -> memref<512x64xf32, #tpu.memory_space<vmem>>
    %dma_start3A_939 = arith.constant 0 : i32
    %dma_start3A_940 = tpu.memref_slice %arg4[%add3A_933, %dma_start3A_939] : memref<262144x64xf32, #tpu.memory_space<hbm>> -> memref<512x64xf32, #tpu.memory_space<hbm>>
    %dma_start3A_941 = arith.constant 0 : i32
    %dma_start3A_942 = tpu.memref_slice %arg4[%add3A_933, %dma_start3A_941] : memref<262144x64xf32, #tpu.memory_space<hbm>> -> memref<512x64xf32, #tpu.memory_space<hbm>>
    %dma_start3A_943 = arith.constant 0 : i32
    %dma_start3A_944 = arith.constant 0 : i32
    %dma_start3A_945 = tpu.memref_slice %arg6[%dma_start3A_934, %dma_start3A_943, %dma_start3A_944] : memref<2x512x64xf32, #tpu.memory_space<vmem>> -> memref<1x512x64xf32, #tpu.memory_space<vmem>>
    %dma_start3A_946 = tpu.memref_squeeze %dma_start3A_945 : memref<1x512x64xf32, #tpu.memory_space<vmem>> -> memref<512x64xf32, #tpu.memory_space<vmem>>
    tpu.enqueue_dma source(%dma_start3A_946 : memref<512x64xf32, #tpu.memory_space<vmem>>) target(%dma_start3A_942 : memref<512x64xf32, #tpu.memory_space<hbm>>) target_semaphore(%arg8 : memref<!tpu.dma_semaphore, #tpu.memory_space<semaphore_mem>>)
    %dma_wait3A_947 = arith.constant 1 : i32
    %dma_wait3A_948 = arith.constant 0 : i32
    %dma_wait3A_949 = arith.constant 0 : i32
    %dma_wait3A_950 = tpu.memref_slice %arg6[%dma_wait3A_947, %dma_wait3A_948, %dma_wait3A_949] : memref<2x512x64xf32, #tpu.memory_space<vmem>> -> memref<1x512x64xf32, #tpu.memory_space<vmem>>
    %dma_wait3A_951 = tpu.memref_squeeze %dma_wait3A_950 : memref<1x512x64xf32, #tpu.memory_space<vmem>> -> memref<512x64xf32, #tpu.memory_space<vmem>>
    %dma_wait3A_952 = arith.constant 0 : i32
    %dma_wait3A_953 = tpu.memref_slice %arg4[%add3A_825, %dma_wait3A_952] : memref<262144x64xf32, #tpu.memory_space<hbm>> -> memref<512x64xf32, #tpu.memory_space<hbm>>
    %dma_wait3A_954 = arith.constant 0 : i32
    %dma_wait3A_955 = tpu.memref_slice %arg4[%add3A_825, %dma_wait3A_954] : memref<262144x64xf32, #tpu.memory_space<hbm>> -> memref<512x64xf32, #tpu.memory_space<hbm>>
    %dma_wait3A_956 = arith.constant 0 : i32
    %dma_wait3A_957 = arith.constant 0 : i32
    %dma_wait3A_958 = tpu.memref_slice %arg6[%dma_wait3A_947, %dma_wait3A_956, %dma_wait3A_957] : memref<2x512x64xf32, #tpu.memory_space<vmem>> -> memref<1x512x64xf32, #tpu.memory_space<vmem>>
    %dma_wait3A_959 = tpu.memref_squeeze %dma_wait3A_958 : memref<1x512x64xf32, #tpu.memory_space<vmem>> -> memref<512x64xf32, #tpu.memory_space<vmem>>
    tpu.wait_dma2 semaphore(%arg8 : memref<!tpu.dma_semaphore, #tpu.memory_space<semaphore_mem>>) src(%dma_wait3A_959 : memref<512x64xf32, #tpu.memory_space<vmem>>) dst(%dma_wait3A_955 : memref<512x64xf32, #tpu.memory_space<hbm>>)
    %dma_start3A_960 = arith.constant 1 : i32
    %dma_start3A_961 = arith.constant 0 : i32
    %dma_start3A_962 = arith.constant 0 : i32
    %dma_start3A_963 = tpu.memref_slice %arg6[%dma_start3A_960, %dma_start3A_961, %dma_start3A_962] : memref<2x512x64xf32, #tpu.memory_space<vmem>> -> memref<1x128x64xf32, #tpu.memory_space<vmem>>
    %dma_start3A_964 = tpu.memref_squeeze %dma_start3A_963 : memref<1x128x64xf32, #tpu.memory_space<vmem>> -> memref<128x64xf32, #tpu.memory_space<vmem>>
    %dma_start3A_965 = arith.constant 4608 : i32
    %dma_start3A_966 = tpu.memref_slice %arg5[%dma_start3A_965] : memref<8192xi32, #tpu.memory_space<vmem>> -> memref<128xi32, #tpu.memory_space<vmem>>
    %dma_start3A_967 = arith.constant 0 : i32
    %dma_start3A_968 = arith.constant 0 : i32
    %dma_start3A_969 = tpu.memref_slice %arg2[%dma_start3A_967, %dma_start3A_968] : memref<65536x64xf32, #tpu.memory_space<hbm>> -> memref<65536x64xf32, #tpu.memory_space<hbm>>
    tpu.enqueue_indirect_dma source(%dma_start3A_969 : memref<65536x64xf32, #tpu.memory_space<hbm>>) target(%dma_start3A_964 : memref<128x64xf32, #tpu.memory_space<vmem>>) offsets(%dma_start3A_966 : memref<128xi32, #tpu.memory_space<vmem>>) semaphore(%arg7 : memref<!tpu.dma_semaphore, #tpu.memory_space<semaphore_mem>>)
    %dma_start3A_970 = arith.constant 1 : i32
    %dma_start3A_971 = arith.constant 128 : i32
    %dma_start3A_972 = arith.constant 0 : i32
    %dma_start3A_973 = tpu.memref_slice %arg6[%dma_start3A_970, %dma_start3A_971, %dma_start3A_972] : memref<2x512x64xf32, #tpu.memory_space<vmem>> -> memref<1x128x64xf32, #tpu.memory_space<vmem>>
    %dma_start3A_974 = tpu.memref_squeeze %dma_start3A_973 : memref<1x128x64xf32, #tpu.memory_space<vmem>> -> memref<128x64xf32, #tpu.memory_space<vmem>>
    %dma_start3A_975 = arith.constant 4736 : i32
    %dma_start3A_976 = tpu.memref_slice %arg5[%dma_start3A_975] : memref<8192xi32, #tpu.memory_space<vmem>> -> memref<128xi32, #tpu.memory_space<vmem>>
    %dma_start3A_977 = arith.constant 0 : i32
    %dma_start3A_978 = arith.constant 0 : i32
    %dma_start3A_979 = tpu.memref_slice %arg2[%dma_start3A_977, %dma_start3A_978] : memref<65536x64xf32, #tpu.memory_space<hbm>> -> memref<65536x64xf32, #tpu.memory_space<hbm>>
    tpu.enqueue_indirect_dma source(%dma_start3A_979 : memref<65536x64xf32, #tpu.memory_space<hbm>>) target(%dma_start3A_974 : memref<128x64xf32, #tpu.memory_space<vmem>>) offsets(%dma_start3A_976 : memref<128xi32, #tpu.memory_space<vmem>>) semaphore(%arg7 : memref<!tpu.dma_semaphore, #tpu.memory_space<semaphore_mem>>)
    %dma_start3A_980 = arith.constant 1 : i32
    %dma_start3A_981 = arith.constant 256 : i32
    %dma_start3A_982 = arith.constant 0 : i32
    %dma_start3A_983 = tpu.memref_slice %arg6[%dma_start3A_980, %dma_start3A_981, %dma_start3A_982] : memref<2x512x64xf32, #tpu.memory_space<vmem>> -> memref<1x128x64xf32, #tpu.memory_space<vmem>>
    %dma_start3A_984 = tpu.memref_squeeze %dma_start3A_983 : memref<1x128x64xf32, #tpu.memory_space<vmem>> -> memref<128x64xf32, #tpu.memory_space<vmem>>
    %dma_start3A_985 = arith.constant 4864 : i32
    %dma_start3A_986 = tpu.memref_slice %arg5[%dma_start3A_985] : memref<8192xi32, #tpu.memory_space<vmem>> -> memref<128xi32, #tpu.memory_space<vmem>>
    %dma_start3A_987 = arith.constant 0 : i32
    %dma_start3A_988 = arith.constant 0 : i32
    %dma_start3A_989 = tpu.memref_slice %arg2[%dma_start3A_987, %dma_start3A_988] : memref<65536x64xf32, #tpu.memory_space<hbm>> -> memref<65536x64xf32, #tpu.memory_space<hbm>>
    tpu.enqueue_indirect_dma source(%dma_start3A_989 : memref<65536x64xf32, #tpu.memory_space<hbm>>) target(%dma_start3A_984 : memref<128x64xf32, #tpu.memory_space<vmem>>) offsets(%dma_start3A_986 : memref<128xi32, #tpu.memory_space<vmem>>) semaphore(%arg7 : memref<!tpu.dma_semaphore, #tpu.memory_space<semaphore_mem>>)
    %dma_start3A_990 = arith.constant 1 : i32
    %dma_start3A_991 = arith.constant 384 : i32
    %dma_start3A_992 = arith.constant 0 : i32
    %dma_start3A_993 = tpu.memref_slice %arg6[%dma_start3A_990, %dma_start3A_991, %dma_start3A_992] : memref<2x512x64xf32, #tpu.memory_space<vmem>> -> memref<1x128x64xf32, #tpu.memory_space<vmem>>
    %dma_start3A_994 = tpu.memref_squeeze %dma_start3A_993 : memref<1x128x64xf32, #tpu.memory_space<vmem>> -> memref<128x64xf32, #tpu.memory_space<vmem>>
    %dma_start3A_995 = arith.constant 4992 : i32
    %dma_start3A_996 = tpu.memref_slice %arg5[%dma_start3A_995] : memref<8192xi32, #tpu.memory_space<vmem>> -> memref<128xi32, #tpu.memory_space<vmem>>
    %dma_start3A_997 = arith.constant 0 : i32
    %dma_start3A_998 = arith.constant 0 : i32
    %dma_start3A_999 = tpu.memref_slice %arg2[%dma_start3A_997, %dma_start3A_998] : memref<65536x64xf32, #tpu.memory_space<hbm>> -> memref<65536x64xf32, #tpu.memory_space<hbm>>
    tpu.enqueue_indirect_dma source(%dma_start3A_999 : memref<65536x64xf32, #tpu.memory_space<hbm>>) target(%dma_start3A_994 : memref<128x64xf32, #tpu.memory_space<vmem>>) offsets(%dma_start3A_996 : memref<128xi32, #tpu.memory_space<vmem>>) semaphore(%arg7 : memref<!tpu.dma_semaphore, #tpu.memory_space<semaphore_mem>>)
    %dma_wait3A_1000 = arith.constant 1 : i32
    %dma_wait3A_1001 = arith.constant 0 : i32
    %dma_wait3A_1002 = arith.constant 0 : i32
    %dma_wait3A_1003 = tpu.memref_slice %arg6[%dma_wait3A_1000, %dma_wait3A_1001, %dma_wait3A_1002] : memref<2x512x64xf32, #tpu.memory_space<vmem>> -> memref<1x128x64xf32, #tpu.memory_space<vmem>>
    %dma_wait3A_1004 = tpu.memref_squeeze %dma_wait3A_1003 : memref<1x128x64xf32, #tpu.memory_space<vmem>> -> memref<128x64xf32, #tpu.memory_space<vmem>>
    %dma_wait3A_1005 = arith.constant 4608 : i32
    %dma_wait3A_1006 = tpu.memref_slice %arg5[%dma_wait3A_1005] : memref<8192xi32, #tpu.memory_space<vmem>> -> memref<128xi32, #tpu.memory_space<vmem>>
    %dma_wait3A_1007 = arith.constant 0 : i32
    %dma_wait3A_1008 = arith.constant 0 : i32
    %dma_wait3A_1009 = tpu.memref_slice %arg2[%dma_wait3A_1007, %dma_wait3A_1008] : memref<65536x64xf32, #tpu.memory_space<hbm>> -> memref<65536x64xf32, #tpu.memory_space<hbm>>
    tpu.wait_indirect_dma semaphore(%arg7 : memref<!tpu.dma_semaphore, #tpu.memory_space<semaphore_mem>>) src(%dma_wait3A_1009 : memref<65536x64xf32, #tpu.memory_space<hbm>>) dst(%dma_wait3A_1004 : memref<128x64xf32, #tpu.memory_space<vmem>>)
    %dma_wait3A_1010 = arith.constant 1 : i32
    %dma_wait3A_1011 = arith.constant 128 : i32
    %dma_wait3A_1012 = arith.constant 0 : i32
    %dma_wait3A_1013 = tpu.memref_slice %arg6[%dma_wait3A_1010, %dma_wait3A_1011, %dma_wait3A_1012] : memref<2x512x64xf32, #tpu.memory_space<vmem>> -> memref<1x128x64xf32, #tpu.memory_space<vmem>>
    %dma_wait3A_1014 = tpu.memref_squeeze %dma_wait3A_1013 : memref<1x128x64xf32, #tpu.memory_space<vmem>> -> memref<128x64xf32, #tpu.memory_space<vmem>>
    %dma_wait3A_1015 = arith.constant 4736 : i32
    %dma_wait3A_1016 = tpu.memref_slice %arg5[%dma_wait3A_1015] : memref<8192xi32, #tpu.memory_space<vmem>> -> memref<128xi32, #tpu.memory_space<vmem>>
    %dma_wait3A_1017 = arith.constant 0 : i32
    %dma_wait3A_1018 = arith.constant 0 : i32
    %dma_wait3A_1019 = tpu.memref_slice %arg2[%dma_wait3A_1017, %dma_wait3A_1018] : memref<65536x64xf32, #tpu.memory_space<hbm>> -> memref<65536x64xf32, #tpu.memory_space<hbm>>
    tpu.wait_indirect_dma semaphore(%arg7 : memref<!tpu.dma_semaphore, #tpu.memory_space<semaphore_mem>>) src(%dma_wait3A_1019 : memref<65536x64xf32, #tpu.memory_space<hbm>>) dst(%dma_wait3A_1014 : memref<128x64xf32, #tpu.memory_space<vmem>>)
    %dma_wait3A_1020 = arith.constant 1 : i32
    %dma_wait3A_1021 = arith.constant 256 : i32
    %dma_wait3A_1022 = arith.constant 0 : i32
    %dma_wait3A_1023 = tpu.memref_slice %arg6[%dma_wait3A_1020, %dma_wait3A_1021, %dma_wait3A_1022] : memref<2x512x64xf32, #tpu.memory_space<vmem>> -> memref<1x128x64xf32, #tpu.memory_space<vmem>>
    %dma_wait3A_1024 = tpu.memref_squeeze %dma_wait3A_1023 : memref<1x128x64xf32, #tpu.memory_space<vmem>> -> memref<128x64xf32, #tpu.memory_space<vmem>>
    %dma_wait3A_1025 = arith.constant 4864 : i32
    %dma_wait3A_1026 = tpu.memref_slice %arg5[%dma_wait3A_1025] : memref<8192xi32, #tpu.memory_space<vmem>> -> memref<128xi32, #tpu.memory_space<vmem>>
    %dma_wait3A_1027 = arith.constant 0 : i32
    %dma_wait3A_1028 = arith.constant 0 : i32
    %dma_wait3A_1029 = tpu.memref_slice %arg2[%dma_wait3A_1027, %dma_wait3A_1028] : memref<65536x64xf32, #tpu.memory_space<hbm>> -> memref<65536x64xf32, #tpu.memory_space<hbm>>
    tpu.wait_indirect_dma semaphore(%arg7 : memref<!tpu.dma_semaphore, #tpu.memory_space<semaphore_mem>>) src(%dma_wait3A_1029 : memref<65536x64xf32, #tpu.memory_space<hbm>>) dst(%dma_wait3A_1024 : memref<128x64xf32, #tpu.memory_space<vmem>>)
    %dma_wait3A_1030 = arith.constant 1 : i32
    %dma_wait3A_1031 = arith.constant 384 : i32
    %dma_wait3A_1032 = arith.constant 0 : i32
    %dma_wait3A_1033 = tpu.memref_slice %arg6[%dma_wait3A_1030, %dma_wait3A_1031, %dma_wait3A_1032] : memref<2x512x64xf32, #tpu.memory_space<vmem>> -> memref<1x128x64xf32, #tpu.memory_space<vmem>>
    %dma_wait3A_1034 = tpu.memref_squeeze %dma_wait3A_1033 : memref<1x128x64xf32, #tpu.memory_space<vmem>> -> memref<128x64xf32, #tpu.memory_space<vmem>>
    %dma_wait3A_1035 = arith.constant 4992 : i32
    %dma_wait3A_1036 = tpu.memref_slice %arg5[%dma_wait3A_1035] : memref<8192xi32, #tpu.memory_space<vmem>> -> memref<128xi32, #tpu.memory_space<vmem>>
    %dma_wait3A_1037 = arith.constant 0 : i32
    %dma_wait3A_1038 = arith.constant 0 : i32
    %dma_wait3A_1039 = tpu.memref_slice %arg2[%dma_wait3A_1037, %dma_wait3A_1038] : memref<65536x64xf32, #tpu.memory_space<hbm>> -> memref<65536x64xf32, #tpu.memory_space<hbm>>
    tpu.wait_indirect_dma semaphore(%arg7 : memref<!tpu.dma_semaphore, #tpu.memory_space<semaphore_mem>>) src(%dma_wait3A_1039 : memref<65536x64xf32, #tpu.memory_space<hbm>>) dst(%dma_wait3A_1034 : memref<128x64xf32, #tpu.memory_space<vmem>>)
    %add3A_1040 = arith.constant 4608 : i32
    %add3A_1041 = arith.addi %mul3A_2, %add3A_1040 : i32
    %dma_start3A_1042 = arith.constant 1 : i32
    %dma_start3A_1043 = arith.constant 0 : i32
    %dma_start3A_1044 = arith.constant 0 : i32
    %dma_start3A_1045 = tpu.memref_slice %arg6[%dma_start3A_1042, %dma_start3A_1043, %dma_start3A_1044] : memref<2x512x64xf32, #tpu.memory_space<vmem>> -> memref<1x512x64xf32, #tpu.memory_space<vmem>>
    %dma_start3A_1046 = tpu.memref_squeeze %dma_start3A_1045 : memref<1x512x64xf32, #tpu.memory_space<vmem>> -> memref<512x64xf32, #tpu.memory_space<vmem>>
    %dma_start3A_1047 = arith.constant 0 : i32
    %dma_start3A_1048 = tpu.memref_slice %arg4[%add3A_1041, %dma_start3A_1047] : memref<262144x64xf32, #tpu.memory_space<hbm>> -> memref<512x64xf32, #tpu.memory_space<hbm>>
    %dma_start3A_1049 = arith.constant 0 : i32
    %dma_start3A_1050 = tpu.memref_slice %arg4[%add3A_1041, %dma_start3A_1049] : memref<262144x64xf32, #tpu.memory_space<hbm>> -> memref<512x64xf32, #tpu.memory_space<hbm>>
    %dma_start3A_1051 = arith.constant 0 : i32
    %dma_start3A_1052 = arith.constant 0 : i32
    %dma_start3A_1053 = tpu.memref_slice %arg6[%dma_start3A_1042, %dma_start3A_1051, %dma_start3A_1052] : memref<2x512x64xf32, #tpu.memory_space<vmem>> -> memref<1x512x64xf32, #tpu.memory_space<vmem>>
    %dma_start3A_1054 = tpu.memref_squeeze %dma_start3A_1053 : memref<1x512x64xf32, #tpu.memory_space<vmem>> -> memref<512x64xf32, #tpu.memory_space<vmem>>
    tpu.enqueue_dma source(%dma_start3A_1054 : memref<512x64xf32, #tpu.memory_space<vmem>>) target(%dma_start3A_1050 : memref<512x64xf32, #tpu.memory_space<hbm>>) target_semaphore(%arg8 : memref<!tpu.dma_semaphore, #tpu.memory_space<semaphore_mem>>)
    %dma_wait3A_1055 = arith.constant 0 : i32
    %dma_wait3A_1056 = arith.constant 0 : i32
    %dma_wait3A_1057 = arith.constant 0 : i32
    %dma_wait3A_1058 = tpu.memref_slice %arg6[%dma_wait3A_1055, %dma_wait3A_1056, %dma_wait3A_1057] : memref<2x512x64xf32, #tpu.memory_space<vmem>> -> memref<1x512x64xf32, #tpu.memory_space<vmem>>
    %dma_wait3A_1059 = tpu.memref_squeeze %dma_wait3A_1058 : memref<1x512x64xf32, #tpu.memory_space<vmem>> -> memref<512x64xf32, #tpu.memory_space<vmem>>
    %dma_wait3A_1060 = arith.constant 0 : i32
    %dma_wait3A_1061 = tpu.memref_slice %arg4[%add3A_933, %dma_wait3A_1060] : memref<262144x64xf32, #tpu.memory_space<hbm>> -> memref<512x64xf32, #tpu.memory_space<hbm>>
    %dma_wait3A_1062 = arith.constant 0 : i32
    %dma_wait3A_1063 = tpu.memref_slice %arg4[%add3A_933, %dma_wait3A_1062] : memref<262144x64xf32, #tpu.memory_space<hbm>> -> memref<512x64xf32, #tpu.memory_space<hbm>>
    %dma_wait3A_1064 = arith.constant 0 : i32
    %dma_wait3A_1065 = arith.constant 0 : i32
    %dma_wait3A_1066 = tpu.memref_slice %arg6[%dma_wait3A_1055, %dma_wait3A_1064, %dma_wait3A_1065] : memref<2x512x64xf32, #tpu.memory_space<vmem>> -> memref<1x512x64xf32, #tpu.memory_space<vmem>>
    %dma_wait3A_1067 = tpu.memref_squeeze %dma_wait3A_1066 : memref<1x512x64xf32, #tpu.memory_space<vmem>> -> memref<512x64xf32, #tpu.memory_space<vmem>>
    tpu.wait_dma2 semaphore(%arg8 : memref<!tpu.dma_semaphore, #tpu.memory_space<semaphore_mem>>) src(%dma_wait3A_1067 : memref<512x64xf32, #tpu.memory_space<vmem>>) dst(%dma_wait3A_1063 : memref<512x64xf32, #tpu.memory_space<hbm>>)
    %dma_start3A_1068 = arith.constant 0 : i32
    %dma_start3A_1069 = arith.constant 0 : i32
    %dma_start3A_1070 = arith.constant 0 : i32
    %dma_start3A_1071 = tpu.memref_slice %arg6[%dma_start3A_1068, %dma_start3A_1069, %dma_start3A_1070] : memref<2x512x64xf32, #tpu.memory_space<vmem>> -> memref<1x128x64xf32, #tpu.memory_space<vmem>>
    %dma_start3A_1072 = tpu.memref_squeeze %dma_start3A_1071 : memref<1x128x64xf32, #tpu.memory_space<vmem>> -> memref<128x64xf32, #tpu.memory_space<vmem>>
    %dma_start3A_1073 = arith.constant 5120 : i32
    %dma_start3A_1074 = tpu.memref_slice %arg5[%dma_start3A_1073] : memref<8192xi32, #tpu.memory_space<vmem>> -> memref<128xi32, #tpu.memory_space<vmem>>
    %dma_start3A_1075 = arith.constant 0 : i32
    %dma_start3A_1076 = arith.constant 0 : i32
    %dma_start3A_1077 = tpu.memref_slice %arg2[%dma_start3A_1075, %dma_start3A_1076] : memref<65536x64xf32, #tpu.memory_space<hbm>> -> memref<65536x64xf32, #tpu.memory_space<hbm>>
    tpu.enqueue_indirect_dma source(%dma_start3A_1077 : memref<65536x64xf32, #tpu.memory_space<hbm>>) target(%dma_start3A_1072 : memref<128x64xf32, #tpu.memory_space<vmem>>) offsets(%dma_start3A_1074 : memref<128xi32, #tpu.memory_space<vmem>>) semaphore(%arg7 : memref<!tpu.dma_semaphore, #tpu.memory_space<semaphore_mem>>)
    %dma_start3A_1078 = arith.constant 0 : i32
    %dma_start3A_1079 = arith.constant 128 : i32
    %dma_start3A_1080 = arith.constant 0 : i32
    %dma_start3A_1081 = tpu.memref_slice %arg6[%dma_start3A_1078, %dma_start3A_1079, %dma_start3A_1080] : memref<2x512x64xf32, #tpu.memory_space<vmem>> -> memref<1x128x64xf32, #tpu.memory_space<vmem>>
    %dma_start3A_1082 = tpu.memref_squeeze %dma_start3A_1081 : memref<1x128x64xf32, #tpu.memory_space<vmem>> -> memref<128x64xf32, #tpu.memory_space<vmem>>
    %dma_start3A_1083 = arith.constant 5248 : i32
    %dma_start3A_1084 = tpu.memref_slice %arg5[%dma_start3A_1083] : memref<8192xi32, #tpu.memory_space<vmem>> -> memref<128xi32, #tpu.memory_space<vmem>>
    %dma_start3A_1085 = arith.constant 0 : i32
    %dma_start3A_1086 = arith.constant 0 : i32
    %dma_start3A_1087 = tpu.memref_slice %arg2[%dma_start3A_1085, %dma_start3A_1086] : memref<65536x64xf32, #tpu.memory_space<hbm>> -> memref<65536x64xf32, #tpu.memory_space<hbm>>
    tpu.enqueue_indirect_dma source(%dma_start3A_1087 : memref<65536x64xf32, #tpu.memory_space<hbm>>) target(%dma_start3A_1082 : memref<128x64xf32, #tpu.memory_space<vmem>>) offsets(%dma_start3A_1084 : memref<128xi32, #tpu.memory_space<vmem>>) semaphore(%arg7 : memref<!tpu.dma_semaphore, #tpu.memory_space<semaphore_mem>>)
    %dma_start3A_1088 = arith.constant 0 : i32
    %dma_start3A_1089 = arith.constant 256 : i32
    %dma_start3A_1090 = arith.constant 0 : i32
    %dma_start3A_1091 = tpu.memref_slice %arg6[%dma_start3A_1088, %dma_start3A_1089, %dma_start3A_1090] : memref<2x512x64xf32, #tpu.memory_space<vmem>> -> memref<1x128x64xf32, #tpu.memory_space<vmem>>
    %dma_start3A_1092 = tpu.memref_squeeze %dma_start3A_1091 : memref<1x128x64xf32, #tpu.memory_space<vmem>> -> memref<128x64xf32, #tpu.memory_space<vmem>>
    %dma_start3A_1093 = arith.constant 5376 : i32
    %dma_start3A_1094 = tpu.memref_slice %arg5[%dma_start3A_1093] : memref<8192xi32, #tpu.memory_space<vmem>> -> memref<128xi32, #tpu.memory_space<vmem>>
    %dma_start3A_1095 = arith.constant 0 : i32
    %dma_start3A_1096 = arith.constant 0 : i32
    %dma_start3A_1097 = tpu.memref_slice %arg2[%dma_start3A_1095, %dma_start3A_1096] : memref<65536x64xf32, #tpu.memory_space<hbm>> -> memref<65536x64xf32, #tpu.memory_space<hbm>>
    tpu.enqueue_indirect_dma source(%dma_start3A_1097 : memref<65536x64xf32, #tpu.memory_space<hbm>>) target(%dma_start3A_1092 : memref<128x64xf32, #tpu.memory_space<vmem>>) offsets(%dma_start3A_1094 : memref<128xi32, #tpu.memory_space<vmem>>) semaphore(%arg7 : memref<!tpu.dma_semaphore, #tpu.memory_space<semaphore_mem>>)
    %dma_start3A_1098 = arith.constant 0 : i32
    %dma_start3A_1099 = arith.constant 384 : i32
    %dma_start3A_1100 = arith.constant 0 : i32
    %dma_start3A_1101 = tpu.memref_slice %arg6[%dma_start3A_1098, %dma_start3A_1099, %dma_start3A_1100] : memref<2x512x64xf32, #tpu.memory_space<vmem>> -> memref<1x128x64xf32, #tpu.memory_space<vmem>>
    %dma_start3A_1102 = tpu.memref_squeeze %dma_start3A_1101 : memref<1x128x64xf32, #tpu.memory_space<vmem>> -> memref<128x64xf32, #tpu.memory_space<vmem>>
    %dma_start3A_1103 = arith.constant 5504 : i32
    %dma_start3A_1104 = tpu.memref_slice %arg5[%dma_start3A_1103] : memref<8192xi32, #tpu.memory_space<vmem>> -> memref<128xi32, #tpu.memory_space<vmem>>
    %dma_start3A_1105 = arith.constant 0 : i32
    %dma_start3A_1106 = arith.constant 0 : i32
    %dma_start3A_1107 = tpu.memref_slice %arg2[%dma_start3A_1105, %dma_start3A_1106] : memref<65536x64xf32, #tpu.memory_space<hbm>> -> memref<65536x64xf32, #tpu.memory_space<hbm>>
    tpu.enqueue_indirect_dma source(%dma_start3A_1107 : memref<65536x64xf32, #tpu.memory_space<hbm>>) target(%dma_start3A_1102 : memref<128x64xf32, #tpu.memory_space<vmem>>) offsets(%dma_start3A_1104 : memref<128xi32, #tpu.memory_space<vmem>>) semaphore(%arg7 : memref<!tpu.dma_semaphore, #tpu.memory_space<semaphore_mem>>)
    %dma_wait3A_1108 = arith.constant 0 : i32
    %dma_wait3A_1109 = arith.constant 0 : i32
    %dma_wait3A_1110 = arith.constant 0 : i32
    %dma_wait3A_1111 = tpu.memref_slice %arg6[%dma_wait3A_1108, %dma_wait3A_1109, %dma_wait3A_1110] : memref<2x512x64xf32, #tpu.memory_space<vmem>> -> memref<1x128x64xf32, #tpu.memory_space<vmem>>
    %dma_wait3A_1112 = tpu.memref_squeeze %dma_wait3A_1111 : memref<1x128x64xf32, #tpu.memory_space<vmem>> -> memref<128x64xf32, #tpu.memory_space<vmem>>
    %dma_wait3A_1113 = arith.constant 5120 : i32
    %dma_wait3A_1114 = tpu.memref_slice %arg5[%dma_wait3A_1113] : memref<8192xi32, #tpu.memory_space<vmem>> -> memref<128xi32, #tpu.memory_space<vmem>>
    %dma_wait3A_1115 = arith.constant 0 : i32
    %dma_wait3A_1116 = arith.constant 0 : i32
    %dma_wait3A_1117 = tpu.memref_slice %arg2[%dma_wait3A_1115, %dma_wait3A_1116] : memref<65536x64xf32, #tpu.memory_space<hbm>> -> memref<65536x64xf32, #tpu.memory_space<hbm>>
    tpu.wait_indirect_dma semaphore(%arg7 : memref<!tpu.dma_semaphore, #tpu.memory_space<semaphore_mem>>) src(%dma_wait3A_1117 : memref<65536x64xf32, #tpu.memory_space<hbm>>) dst(%dma_wait3A_1112 : memref<128x64xf32, #tpu.memory_space<vmem>>)
    %dma_wait3A_1118 = arith.constant 0 : i32
    %dma_wait3A_1119 = arith.constant 128 : i32
    %dma_wait3A_1120 = arith.constant 0 : i32
    %dma_wait3A_1121 = tpu.memref_slice %arg6[%dma_wait3A_1118, %dma_wait3A_1119, %dma_wait3A_1120] : memref<2x512x64xf32, #tpu.memory_space<vmem>> -> memref<1x128x64xf32, #tpu.memory_space<vmem>>
    %dma_wait3A_1122 = tpu.memref_squeeze %dma_wait3A_1121 : memref<1x128x64xf32, #tpu.memory_space<vmem>> -> memref<128x64xf32, #tpu.memory_space<vmem>>
    %dma_wait3A_1123 = arith.constant 5248 : i32
    %dma_wait3A_1124 = tpu.memref_slice %arg5[%dma_wait3A_1123] : memref<8192xi32, #tpu.memory_space<vmem>> -> memref<128xi32, #tpu.memory_space<vmem>>
    %dma_wait3A_1125 = arith.constant 0 : i32
    %dma_wait3A_1126 = arith.constant 0 : i32
    %dma_wait3A_1127 = tpu.memref_slice %arg2[%dma_wait3A_1125, %dma_wait3A_1126] : memref<65536x64xf32, #tpu.memory_space<hbm>> -> memref<65536x64xf32, #tpu.memory_space<hbm>>
    tpu.wait_indirect_dma semaphore(%arg7 : memref<!tpu.dma_semaphore, #tpu.memory_space<semaphore_mem>>) src(%dma_wait3A_1127 : memref<65536x64xf32, #tpu.memory_space<hbm>>) dst(%dma_wait3A_1122 : memref<128x64xf32, #tpu.memory_space<vmem>>)
    %dma_wait3A_1128 = arith.constant 0 : i32
    %dma_wait3A_1129 = arith.constant 256 : i32
    %dma_wait3A_1130 = arith.constant 0 : i32
    %dma_wait3A_1131 = tpu.memref_slice %arg6[%dma_wait3A_1128, %dma_wait3A_1129, %dma_wait3A_1130] : memref<2x512x64xf32, #tpu.memory_space<vmem>> -> memref<1x128x64xf32, #tpu.memory_space<vmem>>
    %dma_wait3A_1132 = tpu.memref_squeeze %dma_wait3A_1131 : memref<1x128x64xf32, #tpu.memory_space<vmem>> -> memref<128x64xf32, #tpu.memory_space<vmem>>
    %dma_wait3A_1133 = arith.constant 5376 : i32
    %dma_wait3A_1134 = tpu.memref_slice %arg5[%dma_wait3A_1133] : memref<8192xi32, #tpu.memory_space<vmem>> -> memref<128xi32, #tpu.memory_space<vmem>>
    %dma_wait3A_1135 = arith.constant 0 : i32
    %dma_wait3A_1136 = arith.constant 0 : i32
    %dma_wait3A_1137 = tpu.memref_slice %arg2[%dma_wait3A_1135, %dma_wait3A_1136] : memref<65536x64xf32, #tpu.memory_space<hbm>> -> memref<65536x64xf32, #tpu.memory_space<hbm>>
    tpu.wait_indirect_dma semaphore(%arg7 : memref<!tpu.dma_semaphore, #tpu.memory_space<semaphore_mem>>) src(%dma_wait3A_1137 : memref<65536x64xf32, #tpu.memory_space<hbm>>) dst(%dma_wait3A_1132 : memref<128x64xf32, #tpu.memory_space<vmem>>)
    %dma_wait3A_1138 = arith.constant 0 : i32
    %dma_wait3A_1139 = arith.constant 384 : i32
    %dma_wait3A_1140 = arith.constant 0 : i32
    %dma_wait3A_1141 = tpu.memref_slice %arg6[%dma_wait3A_1138, %dma_wait3A_1139, %dma_wait3A_1140] : memref<2x512x64xf32, #tpu.memory_space<vmem>> -> memref<1x128x64xf32, #tpu.memory_space<vmem>>
    %dma_wait3A_1142 = tpu.memref_squeeze %dma_wait3A_1141 : memref<1x128x64xf32, #tpu.memory_space<vmem>> -> memref<128x64xf32, #tpu.memory_space<vmem>>
    %dma_wait3A_1143 = arith.constant 5504 : i32
    %dma_wait3A_1144 = tpu.memref_slice %arg5[%dma_wait3A_1143] : memref<8192xi32, #tpu.memory_space<vmem>> -> memref<128xi32, #tpu.memory_space<vmem>>
    %dma_wait3A_1145 = arith.constant 0 : i32
    %dma_wait3A_1146 = arith.constant 0 : i32
    %dma_wait3A_1147 = tpu.memref_slice %arg2[%dma_wait3A_1145, %dma_wait3A_1146] : memref<65536x64xf32, #tpu.memory_space<hbm>> -> memref<65536x64xf32, #tpu.memory_space<hbm>>
    tpu.wait_indirect_dma semaphore(%arg7 : memref<!tpu.dma_semaphore, #tpu.memory_space<semaphore_mem>>) src(%dma_wait3A_1147 : memref<65536x64xf32, #tpu.memory_space<hbm>>) dst(%dma_wait3A_1142 : memref<128x64xf32, #tpu.memory_space<vmem>>)
    %add3A_1148 = arith.constant 5120 : i32
    %add3A_1149 = arith.addi %mul3A_2, %add3A_1148 : i32
    %dma_start3A_1150 = arith.constant 0 : i32
    %dma_start3A_1151 = arith.constant 0 : i32
    %dma_start3A_1152 = arith.constant 0 : i32
    %dma_start3A_1153 = tpu.memref_slice %arg6[%dma_start3A_1150, %dma_start3A_1151, %dma_start3A_1152] : memref<2x512x64xf32, #tpu.memory_space<vmem>> -> memref<1x512x64xf32, #tpu.memory_space<vmem>>
    %dma_start3A_1154 = tpu.memref_squeeze %dma_start3A_1153 : memref<1x512x64xf32, #tpu.memory_space<vmem>> -> memref<512x64xf32, #tpu.memory_space<vmem>>
    %dma_start3A_1155 = arith.constant 0 : i32
    %dma_start3A_1156 = tpu.memref_slice %arg4[%add3A_1149, %dma_start3A_1155] : memref<262144x64xf32, #tpu.memory_space<hbm>> -> memref<512x64xf32, #tpu.memory_space<hbm>>
    %dma_start3A_1157 = arith.constant 0 : i32
    %dma_start3A_1158 = tpu.memref_slice %arg4[%add3A_1149, %dma_start3A_1157] : memref<262144x64xf32, #tpu.memory_space<hbm>> -> memref<512x64xf32, #tpu.memory_space<hbm>>
    %dma_start3A_1159 = arith.constant 0 : i32
    %dma_start3A_1160 = arith.constant 0 : i32
    %dma_start3A_1161 = tpu.memref_slice %arg6[%dma_start3A_1150, %dma_start3A_1159, %dma_start3A_1160] : memref<2x512x64xf32, #tpu.memory_space<vmem>> -> memref<1x512x64xf32, #tpu.memory_space<vmem>>
    %dma_start3A_1162 = tpu.memref_squeeze %dma_start3A_1161 : memref<1x512x64xf32, #tpu.memory_space<vmem>> -> memref<512x64xf32, #tpu.memory_space<vmem>>
    tpu.enqueue_dma source(%dma_start3A_1162 : memref<512x64xf32, #tpu.memory_space<vmem>>) target(%dma_start3A_1158 : memref<512x64xf32, #tpu.memory_space<hbm>>) target_semaphore(%arg8 : memref<!tpu.dma_semaphore, #tpu.memory_space<semaphore_mem>>)
    %dma_wait3A_1163 = arith.constant 1 : i32
    %dma_wait3A_1164 = arith.constant 0 : i32
    %dma_wait3A_1165 = arith.constant 0 : i32
    %dma_wait3A_1166 = tpu.memref_slice %arg6[%dma_wait3A_1163, %dma_wait3A_1164, %dma_wait3A_1165] : memref<2x512x64xf32, #tpu.memory_space<vmem>> -> memref<1x512x64xf32, #tpu.memory_space<vmem>>
    %dma_wait3A_1167 = tpu.memref_squeeze %dma_wait3A_1166 : memref<1x512x64xf32, #tpu.memory_space<vmem>> -> memref<512x64xf32, #tpu.memory_space<vmem>>
    %dma_wait3A_1168 = arith.constant 0 : i32
    %dma_wait3A_1169 = tpu.memref_slice %arg4[%add3A_1041, %dma_wait3A_1168] : memref<262144x64xf32, #tpu.memory_space<hbm>> -> memref<512x64xf32, #tpu.memory_space<hbm>>
    %dma_wait3A_1170 = arith.constant 0 : i32
    %dma_wait3A_1171 = tpu.memref_slice %arg4[%add3A_1041, %dma_wait3A_1170] : memref<262144x64xf32, #tpu.memory_space<hbm>> -> memref<512x64xf32, #tpu.memory_space<hbm>>
    %dma_wait3A_1172 = arith.constant 0 : i32
    %dma_wait3A_1173 = arith.constant 0 : i32
    %dma_wait3A_1174 = tpu.memref_slice %arg6[%dma_wait3A_1163, %dma_wait3A_1172, %dma_wait3A_1173] : memref<2x512x64xf32, #tpu.memory_space<vmem>> -> memref<1x512x64xf32, #tpu.memory_space<vmem>>
    %dma_wait3A_1175 = tpu.memref_squeeze %dma_wait3A_1174 : memref<1x512x64xf32, #tpu.memory_space<vmem>> -> memref<512x64xf32, #tpu.memory_space<vmem>>
    tpu.wait_dma2 semaphore(%arg8 : memref<!tpu.dma_semaphore, #tpu.memory_space<semaphore_mem>>) src(%dma_wait3A_1175 : memref<512x64xf32, #tpu.memory_space<vmem>>) dst(%dma_wait3A_1171 : memref<512x64xf32, #tpu.memory_space<hbm>>)
    %dma_start3A_1176 = arith.constant 1 : i32
    %dma_start3A_1177 = arith.constant 0 : i32
    %dma_start3A_1178 = arith.constant 0 : i32
    %dma_start3A_1179 = tpu.memref_slice %arg6[%dma_start3A_1176, %dma_start3A_1177, %dma_start3A_1178] : memref<2x512x64xf32, #tpu.memory_space<vmem>> -> memref<1x128x64xf32, #tpu.memory_space<vmem>>
    %dma_start3A_1180 = tpu.memref_squeeze %dma_start3A_1179 : memref<1x128x64xf32, #tpu.memory_space<vmem>> -> memref<128x64xf32, #tpu.memory_space<vmem>>
    %dma_start3A_1181 = arith.constant 5632 : i32
    %dma_start3A_1182 = tpu.memref_slice %arg5[%dma_start3A_1181] : memref<8192xi32, #tpu.memory_space<vmem>> -> memref<128xi32, #tpu.memory_space<vmem>>
    %dma_start3A_1183 = arith.constant 0 : i32
    %dma_start3A_1184 = arith.constant 0 : i32
    %dma_start3A_1185 = tpu.memref_slice %arg2[%dma_start3A_1183, %dma_start3A_1184] : memref<65536x64xf32, #tpu.memory_space<hbm>> -> memref<65536x64xf32, #tpu.memory_space<hbm>>
    tpu.enqueue_indirect_dma source(%dma_start3A_1185 : memref<65536x64xf32, #tpu.memory_space<hbm>>) target(%dma_start3A_1180 : memref<128x64xf32, #tpu.memory_space<vmem>>) offsets(%dma_start3A_1182 : memref<128xi32, #tpu.memory_space<vmem>>) semaphore(%arg7 : memref<!tpu.dma_semaphore, #tpu.memory_space<semaphore_mem>>)
    %dma_start3A_1186 = arith.constant 1 : i32
    %dma_start3A_1187 = arith.constant 128 : i32
    %dma_start3A_1188 = arith.constant 0 : i32
    %dma_start3A_1189 = tpu.memref_slice %arg6[%dma_start3A_1186, %dma_start3A_1187, %dma_start3A_1188] : memref<2x512x64xf32, #tpu.memory_space<vmem>> -> memref<1x128x64xf32, #tpu.memory_space<vmem>>
    %dma_start3A_1190 = tpu.memref_squeeze %dma_start3A_1189 : memref<1x128x64xf32, #tpu.memory_space<vmem>> -> memref<128x64xf32, #tpu.memory_space<vmem>>
    %dma_start3A_1191 = arith.constant 5760 : i32
    %dma_start3A_1192 = tpu.memref_slice %arg5[%dma_start3A_1191] : memref<8192xi32, #tpu.memory_space<vmem>> -> memref<128xi32, #tpu.memory_space<vmem>>
    %dma_start3A_1193 = arith.constant 0 : i32
    %dma_start3A_1194 = arith.constant 0 : i32
    %dma_start3A_1195 = tpu.memref_slice %arg2[%dma_start3A_1193, %dma_start3A_1194] : memref<65536x64xf32, #tpu.memory_space<hbm>> -> memref<65536x64xf32, #tpu.memory_space<hbm>>
    tpu.enqueue_indirect_dma source(%dma_start3A_1195 : memref<65536x64xf32, #tpu.memory_space<hbm>>) target(%dma_start3A_1190 : memref<128x64xf32, #tpu.memory_space<vmem>>) offsets(%dma_start3A_1192 : memref<128xi32, #tpu.memory_space<vmem>>) semaphore(%arg7 : memref<!tpu.dma_semaphore, #tpu.memory_space<semaphore_mem>>)
    %dma_start3A_1196 = arith.constant 1 : i32
    %dma_start3A_1197 = arith.constant 256 : i32
    %dma_start3A_1198 = arith.constant 0 : i32
    %dma_start3A_1199 = tpu.memref_slice %arg6[%dma_start3A_1196, %dma_start3A_1197, %dma_start3A_1198] : memref<2x512x64xf32, #tpu.memory_space<vmem>> -> memref<1x128x64xf32, #tpu.memory_space<vmem>>
    %dma_start3A_1200 = tpu.memref_squeeze %dma_start3A_1199 : memref<1x128x64xf32, #tpu.memory_space<vmem>> -> memref<128x64xf32, #tpu.memory_space<vmem>>
    %dma_start3A_1201 = arith.constant 5888 : i32
    %dma_start3A_1202 = tpu.memref_slice %arg5[%dma_start3A_1201] : memref<8192xi32, #tpu.memory_space<vmem>> -> memref<128xi32, #tpu.memory_space<vmem>>
    %dma_start3A_1203 = arith.constant 0 : i32
    %dma_start3A_1204 = arith.constant 0 : i32
    %dma_start3A_1205 = tpu.memref_slice %arg2[%dma_start3A_1203, %dma_start3A_1204] : memref<65536x64xf32, #tpu.memory_space<hbm>> -> memref<65536x64xf32, #tpu.memory_space<hbm>>
    tpu.enqueue_indirect_dma source(%dma_start3A_1205 : memref<65536x64xf32, #tpu.memory_space<hbm>>) target(%dma_start3A_1200 : memref<128x64xf32, #tpu.memory_space<vmem>>) offsets(%dma_start3A_1202 : memref<128xi32, #tpu.memory_space<vmem>>) semaphore(%arg7 : memref<!tpu.dma_semaphore, #tpu.memory_space<semaphore_mem>>)
    %dma_start3A_1206 = arith.constant 1 : i32
    %dma_start3A_1207 = arith.constant 384 : i32
    %dma_start3A_1208 = arith.constant 0 : i32
    %dma_start3A_1209 = tpu.memref_slice %arg6[%dma_start3A_1206, %dma_start3A_1207, %dma_start3A_1208] : memref<2x512x64xf32, #tpu.memory_space<vmem>> -> memref<1x128x64xf32, #tpu.memory_space<vmem>>
    %dma_start3A_1210 = tpu.memref_squeeze %dma_start3A_1209 : memref<1x128x64xf32, #tpu.memory_space<vmem>> -> memref<128x64xf32, #tpu.memory_space<vmem>>
    %dma_start3A_1211 = arith.constant 6016 : i32
    %dma_start3A_1212 = tpu.memref_slice %arg5[%dma_start3A_1211] : memref<8192xi32, #tpu.memory_space<vmem>> -> memref<128xi32, #tpu.memory_space<vmem>>
    %dma_start3A_1213 = arith.constant 0 : i32
    %dma_start3A_1214 = arith.constant 0 : i32
    %dma_start3A_1215 = tpu.memref_slice %arg2[%dma_start3A_1213, %dma_start3A_1214] : memref<65536x64xf32, #tpu.memory_space<hbm>> -> memref<65536x64xf32, #tpu.memory_space<hbm>>
    tpu.enqueue_indirect_dma source(%dma_start3A_1215 : memref<65536x64xf32, #tpu.memory_space<hbm>>) target(%dma_start3A_1210 : memref<128x64xf32, #tpu.memory_space<vmem>>) offsets(%dma_start3A_1212 : memref<128xi32, #tpu.memory_space<vmem>>) semaphore(%arg7 : memref<!tpu.dma_semaphore, #tpu.memory_space<semaphore_mem>>)
    %dma_wait3A_1216 = arith.constant 1 : i32
    %dma_wait3A_1217 = arith.constant 0 : i32
    %dma_wait3A_1218 = arith.constant 0 : i32
    %dma_wait3A_1219 = tpu.memref_slice %arg6[%dma_wait3A_1216, %dma_wait3A_1217, %dma_wait3A_1218] : memref<2x512x64xf32, #tpu.memory_space<vmem>> -> memref<1x128x64xf32, #tpu.memory_space<vmem>>
    %dma_wait3A_1220 = tpu.memref_squeeze %dma_wait3A_1219 : memref<1x128x64xf32, #tpu.memory_space<vmem>> -> memref<128x64xf32, #tpu.memory_space<vmem>>
    %dma_wait3A_1221 = arith.constant 5632 : i32
    %dma_wait3A_1222 = tpu.memref_slice %arg5[%dma_wait3A_1221] : memref<8192xi32, #tpu.memory_space<vmem>> -> memref<128xi32, #tpu.memory_space<vmem>>
    %dma_wait3A_1223 = arith.constant 0 : i32
    %dma_wait3A_1224 = arith.constant 0 : i32
    %dma_wait3A_1225 = tpu.memref_slice %arg2[%dma_wait3A_1223, %dma_wait3A_1224] : memref<65536x64xf32, #tpu.memory_space<hbm>> -> memref<65536x64xf32, #tpu.memory_space<hbm>>
    tpu.wait_indirect_dma semaphore(%arg7 : memref<!tpu.dma_semaphore, #tpu.memory_space<semaphore_mem>>) src(%dma_wait3A_1225 : memref<65536x64xf32, #tpu.memory_space<hbm>>) dst(%dma_wait3A_1220 : memref<128x64xf32, #tpu.memory_space<vmem>>)
    %dma_wait3A_1226 = arith.constant 1 : i32
    %dma_wait3A_1227 = arith.constant 128 : i32
    %dma_wait3A_1228 = arith.constant 0 : i32
    %dma_wait3A_1229 = tpu.memref_slice %arg6[%dma_wait3A_1226, %dma_wait3A_1227, %dma_wait3A_1228] : memref<2x512x64xf32, #tpu.memory_space<vmem>> -> memref<1x128x64xf32, #tpu.memory_space<vmem>>
    %dma_wait3A_1230 = tpu.memref_squeeze %dma_wait3A_1229 : memref<1x128x64xf32, #tpu.memory_space<vmem>> -> memref<128x64xf32, #tpu.memory_space<vmem>>
    %dma_wait3A_1231 = arith.constant 5760 : i32
    %dma_wait3A_1232 = tpu.memref_slice %arg5[%dma_wait3A_1231] : memref<8192xi32, #tpu.memory_space<vmem>> -> memref<128xi32, #tpu.memory_space<vmem>>
    %dma_wait3A_1233 = arith.constant 0 : i32
    %dma_wait3A_1234 = arith.constant 0 : i32
    %dma_wait3A_1235 = tpu.memref_slice %arg2[%dma_wait3A_1233, %dma_wait3A_1234] : memref<65536x64xf32, #tpu.memory_space<hbm>> -> memref<65536x64xf32, #tpu.memory_space<hbm>>
    tpu.wait_indirect_dma semaphore(%arg7 : memref<!tpu.dma_semaphore, #tpu.memory_space<semaphore_mem>>) src(%dma_wait3A_1235 : memref<65536x64xf32, #tpu.memory_space<hbm>>) dst(%dma_wait3A_1230 : memref<128x64xf32, #tpu.memory_space<vmem>>)
    %dma_wait3A_1236 = arith.constant 1 : i32
    %dma_wait3A_1237 = arith.constant 256 : i32
    %dma_wait3A_1238 = arith.constant 0 : i32
    %dma_wait3A_1239 = tpu.memref_slice %arg6[%dma_wait3A_1236, %dma_wait3A_1237, %dma_wait3A_1238] : memref<2x512x64xf32, #tpu.memory_space<vmem>> -> memref<1x128x64xf32, #tpu.memory_space<vmem>>
    %dma_wait3A_1240 = tpu.memref_squeeze %dma_wait3A_1239 : memref<1x128x64xf32, #tpu.memory_space<vmem>> -> memref<128x64xf32, #tpu.memory_space<vmem>>
    %dma_wait3A_1241 = arith.constant 5888 : i32
    %dma_wait3A_1242 = tpu.memref_slice %arg5[%dma_wait3A_1241] : memref<8192xi32, #tpu.memory_space<vmem>> -> memref<128xi32, #tpu.memory_space<vmem>>
    %dma_wait3A_1243 = arith.constant 0 : i32
    %dma_wait3A_1244 = arith.constant 0 : i32
    %dma_wait3A_1245 = tpu.memref_slice %arg2[%dma_wait3A_1243, %dma_wait3A_1244] : memref<65536x64xf32, #tpu.memory_space<hbm>> -> memref<65536x64xf32, #tpu.memory_space<hbm>>
    tpu.wait_indirect_dma semaphore(%arg7 : memref<!tpu.dma_semaphore, #tpu.memory_space<semaphore_mem>>) src(%dma_wait3A_1245 : memref<65536x64xf32, #tpu.memory_space<hbm>>) dst(%dma_wait3A_1240 : memref<128x64xf32, #tpu.memory_space<vmem>>)
    %dma_wait3A_1246 = arith.constant 1 : i32
    %dma_wait3A_1247 = arith.constant 384 : i32
    %dma_wait3A_1248 = arith.constant 0 : i32
    %dma_wait3A_1249 = tpu.memref_slice %arg6[%dma_wait3A_1246, %dma_wait3A_1247, %dma_wait3A_1248] : memref<2x512x64xf32, #tpu.memory_space<vmem>> -> memref<1x128x64xf32, #tpu.memory_space<vmem>>
    %dma_wait3A_1250 = tpu.memref_squeeze %dma_wait3A_1249 : memref<1x128x64xf32, #tpu.memory_space<vmem>> -> memref<128x64xf32, #tpu.memory_space<vmem>>
    %dma_wait3A_1251 = arith.constant 6016 : i32
    %dma_wait3A_1252 = tpu.memref_slice %arg5[%dma_wait3A_1251] : memref<8192xi32, #tpu.memory_space<vmem>> -> memref<128xi32, #tpu.memory_space<vmem>>
    %dma_wait3A_1253 = arith.constant 0 : i32
    %dma_wait3A_1254 = arith.constant 0 : i32
    %dma_wait3A_1255 = tpu.memref_slice %arg2[%dma_wait3A_1253, %dma_wait3A_1254] : memref<65536x64xf32, #tpu.memory_space<hbm>> -> memref<65536x64xf32, #tpu.memory_space<hbm>>
    tpu.wait_indirect_dma semaphore(%arg7 : memref<!tpu.dma_semaphore, #tpu.memory_space<semaphore_mem>>) src(%dma_wait3A_1255 : memref<65536x64xf32, #tpu.memory_space<hbm>>) dst(%dma_wait3A_1250 : memref<128x64xf32, #tpu.memory_space<vmem>>)
    %add3A_1256 = arith.constant 5632 : i32
    %add3A_1257 = arith.addi %mul3A_2, %add3A_1256 : i32
    %dma_start3A_1258 = arith.constant 1 : i32
    %dma_start3A_1259 = arith.constant 0 : i32
    %dma_start3A_1260 = arith.constant 0 : i32
    %dma_start3A_1261 = tpu.memref_slice %arg6[%dma_start3A_1258, %dma_start3A_1259, %dma_start3A_1260] : memref<2x512x64xf32, #tpu.memory_space<vmem>> -> memref<1x512x64xf32, #tpu.memory_space<vmem>>
    %dma_start3A_1262 = tpu.memref_squeeze %dma_start3A_1261 : memref<1x512x64xf32, #tpu.memory_space<vmem>> -> memref<512x64xf32, #tpu.memory_space<vmem>>
    %dma_start3A_1263 = arith.constant 0 : i32
    %dma_start3A_1264 = tpu.memref_slice %arg4[%add3A_1257, %dma_start3A_1263] : memref<262144x64xf32, #tpu.memory_space<hbm>> -> memref<512x64xf32, #tpu.memory_space<hbm>>
    %dma_start3A_1265 = arith.constant 0 : i32
    %dma_start3A_1266 = tpu.memref_slice %arg4[%add3A_1257, %dma_start3A_1265] : memref<262144x64xf32, #tpu.memory_space<hbm>> -> memref<512x64xf32, #tpu.memory_space<hbm>>
    %dma_start3A_1267 = arith.constant 0 : i32
    %dma_start3A_1268 = arith.constant 0 : i32
    %dma_start3A_1269 = tpu.memref_slice %arg6[%dma_start3A_1258, %dma_start3A_1267, %dma_start3A_1268] : memref<2x512x64xf32, #tpu.memory_space<vmem>> -> memref<1x512x64xf32, #tpu.memory_space<vmem>>
    %dma_start3A_1270 = tpu.memref_squeeze %dma_start3A_1269 : memref<1x512x64xf32, #tpu.memory_space<vmem>> -> memref<512x64xf32, #tpu.memory_space<vmem>>
    tpu.enqueue_dma source(%dma_start3A_1270 : memref<512x64xf32, #tpu.memory_space<vmem>>) target(%dma_start3A_1266 : memref<512x64xf32, #tpu.memory_space<hbm>>) target_semaphore(%arg8 : memref<!tpu.dma_semaphore, #tpu.memory_space<semaphore_mem>>)
    %dma_wait3A_1271 = arith.constant 0 : i32
    %dma_wait3A_1272 = arith.constant 0 : i32
    %dma_wait3A_1273 = arith.constant 0 : i32
    %dma_wait3A_1274 = tpu.memref_slice %arg6[%dma_wait3A_1271, %dma_wait3A_1272, %dma_wait3A_1273] : memref<2x512x64xf32, #tpu.memory_space<vmem>> -> memref<1x512x64xf32, #tpu.memory_space<vmem>>
    %dma_wait3A_1275 = tpu.memref_squeeze %dma_wait3A_1274 : memref<1x512x64xf32, #tpu.memory_space<vmem>> -> memref<512x64xf32, #tpu.memory_space<vmem>>
    %dma_wait3A_1276 = arith.constant 0 : i32
    %dma_wait3A_1277 = tpu.memref_slice %arg4[%add3A_1149, %dma_wait3A_1276] : memref<262144x64xf32, #tpu.memory_space<hbm>> -> memref<512x64xf32, #tpu.memory_space<hbm>>
    %dma_wait3A_1278 = arith.constant 0 : i32
    %dma_wait3A_1279 = tpu.memref_slice %arg4[%add3A_1149, %dma_wait3A_1278] : memref<262144x64xf32, #tpu.memory_space<hbm>> -> memref<512x64xf32, #tpu.memory_space<hbm>>
    %dma_wait3A_1280 = arith.constant 0 : i32
    %dma_wait3A_1281 = arith.constant 0 : i32
    %dma_wait3A_1282 = tpu.memref_slice %arg6[%dma_wait3A_1271, %dma_wait3A_1280, %dma_wait3A_1281] : memref<2x512x64xf32, #tpu.memory_space<vmem>> -> memref<1x512x64xf32, #tpu.memory_space<vmem>>
    %dma_wait3A_1283 = tpu.memref_squeeze %dma_wait3A_1282 : memref<1x512x64xf32, #tpu.memory_space<vmem>> -> memref<512x64xf32, #tpu.memory_space<vmem>>
    tpu.wait_dma2 semaphore(%arg8 : memref<!tpu.dma_semaphore, #tpu.memory_space<semaphore_mem>>) src(%dma_wait3A_1283 : memref<512x64xf32, #tpu.memory_space<vmem>>) dst(%dma_wait3A_1279 : memref<512x64xf32, #tpu.memory_space<hbm>>)
    %dma_start3A_1284 = arith.constant 0 : i32
    %dma_start3A_1285 = arith.constant 0 : i32
    %dma_start3A_1286 = arith.constant 0 : i32
    %dma_start3A_1287 = tpu.memref_slice %arg6[%dma_start3A_1284, %dma_start3A_1285, %dma_start3A_1286] : memref<2x512x64xf32, #tpu.memory_space<vmem>> -> memref<1x128x64xf32, #tpu.memory_space<vmem>>
    %dma_start3A_1288 = tpu.memref_squeeze %dma_start3A_1287 : memref<1x128x64xf32, #tpu.memory_space<vmem>> -> memref<128x64xf32, #tpu.memory_space<vmem>>
    %dma_start3A_1289 = arith.constant 6144 : i32
    %dma_start3A_1290 = tpu.memref_slice %arg5[%dma_start3A_1289] : memref<8192xi32, #tpu.memory_space<vmem>> -> memref<128xi32, #tpu.memory_space<vmem>>
    %dma_start3A_1291 = arith.constant 0 : i32
    %dma_start3A_1292 = arith.constant 0 : i32
    %dma_start3A_1293 = tpu.memref_slice %arg2[%dma_start3A_1291, %dma_start3A_1292] : memref<65536x64xf32, #tpu.memory_space<hbm>> -> memref<65536x64xf32, #tpu.memory_space<hbm>>
    tpu.enqueue_indirect_dma source(%dma_start3A_1293 : memref<65536x64xf32, #tpu.memory_space<hbm>>) target(%dma_start3A_1288 : memref<128x64xf32, #tpu.memory_space<vmem>>) offsets(%dma_start3A_1290 : memref<128xi32, #tpu.memory_space<vmem>>) semaphore(%arg7 : memref<!tpu.dma_semaphore, #tpu.memory_space<semaphore_mem>>)
    %dma_start3A_1294 = arith.constant 0 : i32
    %dma_start3A_1295 = arith.constant 128 : i32
    %dma_start3A_1296 = arith.constant 0 : i32
    %dma_start3A_1297 = tpu.memref_slice %arg6[%dma_start3A_1294, %dma_start3A_1295, %dma_start3A_1296] : memref<2x512x64xf32, #tpu.memory_space<vmem>> -> memref<1x128x64xf32, #tpu.memory_space<vmem>>
    %dma_start3A_1298 = tpu.memref_squeeze %dma_start3A_1297 : memref<1x128x64xf32, #tpu.memory_space<vmem>> -> memref<128x64xf32, #tpu.memory_space<vmem>>
    %dma_start3A_1299 = arith.constant 6272 : i32
    %dma_start3A_1300 = tpu.memref_slice %arg5[%dma_start3A_1299] : memref<8192xi32, #tpu.memory_space<vmem>> -> memref<128xi32, #tpu.memory_space<vmem>>
    %dma_start3A_1301 = arith.constant 0 : i32
    %dma_start3A_1302 = arith.constant 0 : i32
    %dma_start3A_1303 = tpu.memref_slice %arg2[%dma_start3A_1301, %dma_start3A_1302] : memref<65536x64xf32, #tpu.memory_space<hbm>> -> memref<65536x64xf32, #tpu.memory_space<hbm>>
    tpu.enqueue_indirect_dma source(%dma_start3A_1303 : memref<65536x64xf32, #tpu.memory_space<hbm>>) target(%dma_start3A_1298 : memref<128x64xf32, #tpu.memory_space<vmem>>) offsets(%dma_start3A_1300 : memref<128xi32, #tpu.memory_space<vmem>>) semaphore(%arg7 : memref<!tpu.dma_semaphore, #tpu.memory_space<semaphore_mem>>)
    %dma_start3A_1304 = arith.constant 0 : i32
    %dma_start3A_1305 = arith.constant 256 : i32
    %dma_start3A_1306 = arith.constant 0 : i32
    %dma_start3A_1307 = tpu.memref_slice %arg6[%dma_start3A_1304, %dma_start3A_1305, %dma_start3A_1306] : memref<2x512x64xf32, #tpu.memory_space<vmem>> -> memref<1x128x64xf32, #tpu.memory_space<vmem>>
    %dma_start3A_1308 = tpu.memref_squeeze %dma_start3A_1307 : memref<1x128x64xf32, #tpu.memory_space<vmem>> -> memref<128x64xf32, #tpu.memory_space<vmem>>
    %dma_start3A_1309 = arith.constant 6400 : i32
    %dma_start3A_1310 = tpu.memref_slice %arg5[%dma_start3A_1309] : memref<8192xi32, #tpu.memory_space<vmem>> -> memref<128xi32, #tpu.memory_space<vmem>>
    %dma_start3A_1311 = arith.constant 0 : i32
    %dma_start3A_1312 = arith.constant 0 : i32
    %dma_start3A_1313 = tpu.memref_slice %arg2[%dma_start3A_1311, %dma_start3A_1312] : memref<65536x64xf32, #tpu.memory_space<hbm>> -> memref<65536x64xf32, #tpu.memory_space<hbm>>
    tpu.enqueue_indirect_dma source(%dma_start3A_1313 : memref<65536x64xf32, #tpu.memory_space<hbm>>) target(%dma_start3A_1308 : memref<128x64xf32, #tpu.memory_space<vmem>>) offsets(%dma_start3A_1310 : memref<128xi32, #tpu.memory_space<vmem>>) semaphore(%arg7 : memref<!tpu.dma_semaphore, #tpu.memory_space<semaphore_mem>>)
    %dma_start3A_1314 = arith.constant 0 : i32
    %dma_start3A_1315 = arith.constant 384 : i32
    %dma_start3A_1316 = arith.constant 0 : i32
    %dma_start3A_1317 = tpu.memref_slice %arg6[%dma_start3A_1314, %dma_start3A_1315, %dma_start3A_1316] : memref<2x512x64xf32, #tpu.memory_space<vmem>> -> memref<1x128x64xf32, #tpu.memory_space<vmem>>
    %dma_start3A_1318 = tpu.memref_squeeze %dma_start3A_1317 : memref<1x128x64xf32, #tpu.memory_space<vmem>> -> memref<128x64xf32, #tpu.memory_space<vmem>>
    %dma_start3A_1319 = arith.constant 6528 : i32
    %dma_start3A_1320 = tpu.memref_slice %arg5[%dma_start3A_1319] : memref<8192xi32, #tpu.memory_space<vmem>> -> memref<128xi32, #tpu.memory_space<vmem>>
    %dma_start3A_1321 = arith.constant 0 : i32
    %dma_start3A_1322 = arith.constant 0 : i32
    %dma_start3A_1323 = tpu.memref_slice %arg2[%dma_start3A_1321, %dma_start3A_1322] : memref<65536x64xf32, #tpu.memory_space<hbm>> -> memref<65536x64xf32, #tpu.memory_space<hbm>>
    tpu.enqueue_indirect_dma source(%dma_start3A_1323 : memref<65536x64xf32, #tpu.memory_space<hbm>>) target(%dma_start3A_1318 : memref<128x64xf32, #tpu.memory_space<vmem>>) offsets(%dma_start3A_1320 : memref<128xi32, #tpu.memory_space<vmem>>) semaphore(%arg7 : memref<!tpu.dma_semaphore, #tpu.memory_space<semaphore_mem>>)
    %dma_wait3A_1324 = arith.constant 0 : i32
    %dma_wait3A_1325 = arith.constant 0 : i32
    %dma_wait3A_1326 = arith.constant 0 : i32
    %dma_wait3A_1327 = tpu.memref_slice %arg6[%dma_wait3A_1324, %dma_wait3A_1325, %dma_wait3A_1326] : memref<2x512x64xf32, #tpu.memory_space<vmem>> -> memref<1x128x64xf32, #tpu.memory_space<vmem>>
    %dma_wait3A_1328 = tpu.memref_squeeze %dma_wait3A_1327 : memref<1x128x64xf32, #tpu.memory_space<vmem>> -> memref<128x64xf32, #tpu.memory_space<vmem>>
    %dma_wait3A_1329 = arith.constant 6144 : i32
    %dma_wait3A_1330 = tpu.memref_slice %arg5[%dma_wait3A_1329] : memref<8192xi32, #tpu.memory_space<vmem>> -> memref<128xi32, #tpu.memory_space<vmem>>
    %dma_wait3A_1331 = arith.constant 0 : i32
    %dma_wait3A_1332 = arith.constant 0 : i32
    %dma_wait3A_1333 = tpu.memref_slice %arg2[%dma_wait3A_1331, %dma_wait3A_1332] : memref<65536x64xf32, #tpu.memory_space<hbm>> -> memref<65536x64xf32, #tpu.memory_space<hbm>>
    tpu.wait_indirect_dma semaphore(%arg7 : memref<!tpu.dma_semaphore, #tpu.memory_space<semaphore_mem>>) src(%dma_wait3A_1333 : memref<65536x64xf32, #tpu.memory_space<hbm>>) dst(%dma_wait3A_1328 : memref<128x64xf32, #tpu.memory_space<vmem>>)
    %dma_wait3A_1334 = arith.constant 0 : i32
    %dma_wait3A_1335 = arith.constant 128 : i32
    %dma_wait3A_1336 = arith.constant 0 : i32
    %dma_wait3A_1337 = tpu.memref_slice %arg6[%dma_wait3A_1334, %dma_wait3A_1335, %dma_wait3A_1336] : memref<2x512x64xf32, #tpu.memory_space<vmem>> -> memref<1x128x64xf32, #tpu.memory_space<vmem>>
    %dma_wait3A_1338 = tpu.memref_squeeze %dma_wait3A_1337 : memref<1x128x64xf32, #tpu.memory_space<vmem>> -> memref<128x64xf32, #tpu.memory_space<vmem>>
    %dma_wait3A_1339 = arith.constant 6272 : i32
    %dma_wait3A_1340 = tpu.memref_slice %arg5[%dma_wait3A_1339] : memref<8192xi32, #tpu.memory_space<vmem>> -> memref<128xi32, #tpu.memory_space<vmem>>
    %dma_wait3A_1341 = arith.constant 0 : i32
    %dma_wait3A_1342 = arith.constant 0 : i32
    %dma_wait3A_1343 = tpu.memref_slice %arg2[%dma_wait3A_1341, %dma_wait3A_1342] : memref<65536x64xf32, #tpu.memory_space<hbm>> -> memref<65536x64xf32, #tpu.memory_space<hbm>>
    tpu.wait_indirect_dma semaphore(%arg7 : memref<!tpu.dma_semaphore, #tpu.memory_space<semaphore_mem>>) src(%dma_wait3A_1343 : memref<65536x64xf32, #tpu.memory_space<hbm>>) dst(%dma_wait3A_1338 : memref<128x64xf32, #tpu.memory_space<vmem>>)
    %dma_wait3A_1344 = arith.constant 0 : i32
    %dma_wait3A_1345 = arith.constant 256 : i32
    %dma_wait3A_1346 = arith.constant 0 : i32
    %dma_wait3A_1347 = tpu.memref_slice %arg6[%dma_wait3A_1344, %dma_wait3A_1345, %dma_wait3A_1346] : memref<2x512x64xf32, #tpu.memory_space<vmem>> -> memref<1x128x64xf32, #tpu.memory_space<vmem>>
    %dma_wait3A_1348 = tpu.memref_squeeze %dma_wait3A_1347 : memref<1x128x64xf32, #tpu.memory_space<vmem>> -> memref<128x64xf32, #tpu.memory_space<vmem>>
    %dma_wait3A_1349 = arith.constant 6400 : i32
    %dma_wait3A_1350 = tpu.memref_slice %arg5[%dma_wait3A_1349] : memref<8192xi32, #tpu.memory_space<vmem>> -> memref<128xi32, #tpu.memory_space<vmem>>
    %dma_wait3A_1351 = arith.constant 0 : i32
    %dma_wait3A_1352 = arith.constant 0 : i32
    %dma_wait3A_1353 = tpu.memref_slice %arg2[%dma_wait3A_1351, %dma_wait3A_1352] : memref<65536x64xf32, #tpu.memory_space<hbm>> -> memref<65536x64xf32, #tpu.memory_space<hbm>>
    tpu.wait_indirect_dma semaphore(%arg7 : memref<!tpu.dma_semaphore, #tpu.memory_space<semaphore_mem>>) src(%dma_wait3A_1353 : memref<65536x64xf32, #tpu.memory_space<hbm>>) dst(%dma_wait3A_1348 : memref<128x64xf32, #tpu.memory_space<vmem>>)
    %dma_wait3A_1354 = arith.constant 0 : i32
    %dma_wait3A_1355 = arith.constant 384 : i32
    %dma_wait3A_1356 = arith.constant 0 : i32
    %dma_wait3A_1357 = tpu.memref_slice %arg6[%dma_wait3A_1354, %dma_wait3A_1355, %dma_wait3A_1356] : memref<2x512x64xf32, #tpu.memory_space<vmem>> -> memref<1x128x64xf32, #tpu.memory_space<vmem>>
    %dma_wait3A_1358 = tpu.memref_squeeze %dma_wait3A_1357 : memref<1x128x64xf32, #tpu.memory_space<vmem>> -> memref<128x64xf32, #tpu.memory_space<vmem>>
    %dma_wait3A_1359 = arith.constant 6528 : i32
    %dma_wait3A_1360 = tpu.memref_slice %arg5[%dma_wait3A_1359] : memref<8192xi32, #tpu.memory_space<vmem>> -> memref<128xi32, #tpu.memory_space<vmem>>
    %dma_wait3A_1361 = arith.constant 0 : i32
    %dma_wait3A_1362 = arith.constant 0 : i32
    %dma_wait3A_1363 = tpu.memref_slice %arg2[%dma_wait3A_1361, %dma_wait3A_1362] : memref<65536x64xf32, #tpu.memory_space<hbm>> -> memref<65536x64xf32, #tpu.memory_space<hbm>>
    tpu.wait_indirect_dma semaphore(%arg7 : memref<!tpu.dma_semaphore, #tpu.memory_space<semaphore_mem>>) src(%dma_wait3A_1363 : memref<65536x64xf32, #tpu.memory_space<hbm>>) dst(%dma_wait3A_1358 : memref<128x64xf32, #tpu.memory_space<vmem>>)
    %add3A_1364 = arith.constant 6144 : i32
    %add3A_1365 = arith.addi %mul3A_2, %add3A_1364 : i32
    %dma_start3A_1366 = arith.constant 0 : i32
    %dma_start3A_1367 = arith.constant 0 : i32
    %dma_start3A_1368 = arith.constant 0 : i32
    %dma_start3A_1369 = tpu.memref_slice %arg6[%dma_start3A_1366, %dma_start3A_1367, %dma_start3A_1368] : memref<2x512x64xf32, #tpu.memory_space<vmem>> -> memref<1x512x64xf32, #tpu.memory_space<vmem>>
    %dma_start3A_1370 = tpu.memref_squeeze %dma_start3A_1369 : memref<1x512x64xf32, #tpu.memory_space<vmem>> -> memref<512x64xf32, #tpu.memory_space<vmem>>
    %dma_start3A_1371 = arith.constant 0 : i32
    %dma_start3A_1372 = tpu.memref_slice %arg4[%add3A_1365, %dma_start3A_1371] : memref<262144x64xf32, #tpu.memory_space<hbm>> -> memref<512x64xf32, #tpu.memory_space<hbm>>
    %dma_start3A_1373 = arith.constant 0 : i32
    %dma_start3A_1374 = tpu.memref_slice %arg4[%add3A_1365, %dma_start3A_1373] : memref<262144x64xf32, #tpu.memory_space<hbm>> -> memref<512x64xf32, #tpu.memory_space<hbm>>
    %dma_start3A_1375 = arith.constant 0 : i32
    %dma_start3A_1376 = arith.constant 0 : i32
    %dma_start3A_1377 = tpu.memref_slice %arg6[%dma_start3A_1366, %dma_start3A_1375, %dma_start3A_1376] : memref<2x512x64xf32, #tpu.memory_space<vmem>> -> memref<1x512x64xf32, #tpu.memory_space<vmem>>
    %dma_start3A_1378 = tpu.memref_squeeze %dma_start3A_1377 : memref<1x512x64xf32, #tpu.memory_space<vmem>> -> memref<512x64xf32, #tpu.memory_space<vmem>>
    tpu.enqueue_dma source(%dma_start3A_1378 : memref<512x64xf32, #tpu.memory_space<vmem>>) target(%dma_start3A_1374 : memref<512x64xf32, #tpu.memory_space<hbm>>) target_semaphore(%arg8 : memref<!tpu.dma_semaphore, #tpu.memory_space<semaphore_mem>>)
    %dma_wait3A_1379 = arith.constant 1 : i32
    %dma_wait3A_1380 = arith.constant 0 : i32
    %dma_wait3A_1381 = arith.constant 0 : i32
    %dma_wait3A_1382 = tpu.memref_slice %arg6[%dma_wait3A_1379, %dma_wait3A_1380, %dma_wait3A_1381] : memref<2x512x64xf32, #tpu.memory_space<vmem>> -> memref<1x512x64xf32, #tpu.memory_space<vmem>>
    %dma_wait3A_1383 = tpu.memref_squeeze %dma_wait3A_1382 : memref<1x512x64xf32, #tpu.memory_space<vmem>> -> memref<512x64xf32, #tpu.memory_space<vmem>>
    %dma_wait3A_1384 = arith.constant 0 : i32
    %dma_wait3A_1385 = tpu.memref_slice %arg4[%add3A_1257, %dma_wait3A_1384] : memref<262144x64xf32, #tpu.memory_space<hbm>> -> memref<512x64xf32, #tpu.memory_space<hbm>>
    %dma_wait3A_1386 = arith.constant 0 : i32
    %dma_wait3A_1387 = tpu.memref_slice %arg4[%add3A_1257, %dma_wait3A_1386] : memref<262144x64xf32, #tpu.memory_space<hbm>> -> memref<512x64xf32, #tpu.memory_space<hbm>>
    %dma_wait3A_1388 = arith.constant 0 : i32
    %dma_wait3A_1389 = arith.constant 0 : i32
    %dma_wait3A_1390 = tpu.memref_slice %arg6[%dma_wait3A_1379, %dma_wait3A_1388, %dma_wait3A_1389] : memref<2x512x64xf32, #tpu.memory_space<vmem>> -> memref<1x512x64xf32, #tpu.memory_space<vmem>>
    %dma_wait3A_1391 = tpu.memref_squeeze %dma_wait3A_1390 : memref<1x512x64xf32, #tpu.memory_space<vmem>> -> memref<512x64xf32, #tpu.memory_space<vmem>>
    tpu.wait_dma2 semaphore(%arg8 : memref<!tpu.dma_semaphore, #tpu.memory_space<semaphore_mem>>) src(%dma_wait3A_1391 : memref<512x64xf32, #tpu.memory_space<vmem>>) dst(%dma_wait3A_1387 : memref<512x64xf32, #tpu.memory_space<hbm>>)
    %dma_start3A_1392 = arith.constant 1 : i32
    %dma_start3A_1393 = arith.constant 0 : i32
    %dma_start3A_1394 = arith.constant 0 : i32
    %dma_start3A_1395 = tpu.memref_slice %arg6[%dma_start3A_1392, %dma_start3A_1393, %dma_start3A_1394] : memref<2x512x64xf32, #tpu.memory_space<vmem>> -> memref<1x128x64xf32, #tpu.memory_space<vmem>>
    %dma_start3A_1396 = tpu.memref_squeeze %dma_start3A_1395 : memref<1x128x64xf32, #tpu.memory_space<vmem>> -> memref<128x64xf32, #tpu.memory_space<vmem>>
    %dma_start3A_1397 = arith.constant 6656 : i32
    %dma_start3A_1398 = tpu.memref_slice %arg5[%dma_start3A_1397] : memref<8192xi32, #tpu.memory_space<vmem>> -> memref<128xi32, #tpu.memory_space<vmem>>
    %dma_start3A_1399 = arith.constant 0 : i32
    %dma_start3A_1400 = arith.constant 0 : i32
    %dma_start3A_1401 = tpu.memref_slice %arg2[%dma_start3A_1399, %dma_start3A_1400] : memref<65536x64xf32, #tpu.memory_space<hbm>> -> memref<65536x64xf32, #tpu.memory_space<hbm>>
    tpu.enqueue_indirect_dma source(%dma_start3A_1401 : memref<65536x64xf32, #tpu.memory_space<hbm>>) target(%dma_start3A_1396 : memref<128x64xf32, #tpu.memory_space<vmem>>) offsets(%dma_start3A_1398 : memref<128xi32, #tpu.memory_space<vmem>>) semaphore(%arg7 : memref<!tpu.dma_semaphore, #tpu.memory_space<semaphore_mem>>)
    %dma_start3A_1402 = arith.constant 1 : i32
    %dma_start3A_1403 = arith.constant 128 : i32
    %dma_start3A_1404 = arith.constant 0 : i32
    %dma_start3A_1405 = tpu.memref_slice %arg6[%dma_start3A_1402, %dma_start3A_1403, %dma_start3A_1404] : memref<2x512x64xf32, #tpu.memory_space<vmem>> -> memref<1x128x64xf32, #tpu.memory_space<vmem>>
    %dma_start3A_1406 = tpu.memref_squeeze %dma_start3A_1405 : memref<1x128x64xf32, #tpu.memory_space<vmem>> -> memref<128x64xf32, #tpu.memory_space<vmem>>
    %dma_start3A_1407 = arith.constant 6784 : i32
    %dma_start3A_1408 = tpu.memref_slice %arg5[%dma_start3A_1407] : memref<8192xi32, #tpu.memory_space<vmem>> -> memref<128xi32, #tpu.memory_space<vmem>>
    %dma_start3A_1409 = arith.constant 0 : i32
    %dma_start3A_1410 = arith.constant 0 : i32
    %dma_start3A_1411 = tpu.memref_slice %arg2[%dma_start3A_1409, %dma_start3A_1410] : memref<65536x64xf32, #tpu.memory_space<hbm>> -> memref<65536x64xf32, #tpu.memory_space<hbm>>
    tpu.enqueue_indirect_dma source(%dma_start3A_1411 : memref<65536x64xf32, #tpu.memory_space<hbm>>) target(%dma_start3A_1406 : memref<128x64xf32, #tpu.memory_space<vmem>>) offsets(%dma_start3A_1408 : memref<128xi32, #tpu.memory_space<vmem>>) semaphore(%arg7 : memref<!tpu.dma_semaphore, #tpu.memory_space<semaphore_mem>>)
    %dma_start3A_1412 = arith.constant 1 : i32
    %dma_start3A_1413 = arith.constant 256 : i32
    %dma_start3A_1414 = arith.constant 0 : i32
    %dma_start3A_1415 = tpu.memref_slice %arg6[%dma_start3A_1412, %dma_start3A_1413, %dma_start3A_1414] : memref<2x512x64xf32, #tpu.memory_space<vmem>> -> memref<1x128x64xf32, #tpu.memory_space<vmem>>
    %dma_start3A_1416 = tpu.memref_squeeze %dma_start3A_1415 : memref<1x128x64xf32, #tpu.memory_space<vmem>> -> memref<128x64xf32, #tpu.memory_space<vmem>>
    %dma_start3A_1417 = arith.constant 6912 : i32
    %dma_start3A_1418 = tpu.memref_slice %arg5[%dma_start3A_1417] : memref<8192xi32, #tpu.memory_space<vmem>> -> memref<128xi32, #tpu.memory_space<vmem>>
    %dma_start3A_1419 = arith.constant 0 : i32
    %dma_start3A_1420 = arith.constant 0 : i32
    %dma_start3A_1421 = tpu.memref_slice %arg2[%dma_start3A_1419, %dma_start3A_1420] : memref<65536x64xf32, #tpu.memory_space<hbm>> -> memref<65536x64xf32, #tpu.memory_space<hbm>>
    tpu.enqueue_indirect_dma source(%dma_start3A_1421 : memref<65536x64xf32, #tpu.memory_space<hbm>>) target(%dma_start3A_1416 : memref<128x64xf32, #tpu.memory_space<vmem>>) offsets(%dma_start3A_1418 : memref<128xi32, #tpu.memory_space<vmem>>) semaphore(%arg7 : memref<!tpu.dma_semaphore, #tpu.memory_space<semaphore_mem>>)
    %dma_start3A_1422 = arith.constant 1 : i32
    %dma_start3A_1423 = arith.constant 384 : i32
    %dma_start3A_1424 = arith.constant 0 : i32
    %dma_start3A_1425 = tpu.memref_slice %arg6[%dma_start3A_1422, %dma_start3A_1423, %dma_start3A_1424] : memref<2x512x64xf32, #tpu.memory_space<vmem>> -> memref<1x128x64xf32, #tpu.memory_space<vmem>>
    %dma_start3A_1426 = tpu.memref_squeeze %dma_start3A_1425 : memref<1x128x64xf32, #tpu.memory_space<vmem>> -> memref<128x64xf32, #tpu.memory_space<vmem>>
    %dma_start3A_1427 = arith.constant 7040 : i32
    %dma_start3A_1428 = tpu.memref_slice %arg5[%dma_start3A_1427] : memref<8192xi32, #tpu.memory_space<vmem>> -> memref<128xi32, #tpu.memory_space<vmem>>
    %dma_start3A_1429 = arith.constant 0 : i32
    %dma_start3A_1430 = arith.constant 0 : i32
    %dma_start3A_1431 = tpu.memref_slice %arg2[%dma_start3A_1429, %dma_start3A_1430] : memref<65536x64xf32, #tpu.memory_space<hbm>> -> memref<65536x64xf32, #tpu.memory_space<hbm>>
    tpu.enqueue_indirect_dma source(%dma_start3A_1431 : memref<65536x64xf32, #tpu.memory_space<hbm>>) target(%dma_start3A_1426 : memref<128x64xf32, #tpu.memory_space<vmem>>) offsets(%dma_start3A_1428 : memref<128xi32, #tpu.memory_space<vmem>>) semaphore(%arg7 : memref<!tpu.dma_semaphore, #tpu.memory_space<semaphore_mem>>)
    %dma_wait3A_1432 = arith.constant 1 : i32
    %dma_wait3A_1433 = arith.constant 0 : i32
    %dma_wait3A_1434 = arith.constant 0 : i32
    %dma_wait3A_1435 = tpu.memref_slice %arg6[%dma_wait3A_1432, %dma_wait3A_1433, %dma_wait3A_1434] : memref<2x512x64xf32, #tpu.memory_space<vmem>> -> memref<1x128x64xf32, #tpu.memory_space<vmem>>
    %dma_wait3A_1436 = tpu.memref_squeeze %dma_wait3A_1435 : memref<1x128x64xf32, #tpu.memory_space<vmem>> -> memref<128x64xf32, #tpu.memory_space<vmem>>
    %dma_wait3A_1437 = arith.constant 6656 : i32
    %dma_wait3A_1438 = tpu.memref_slice %arg5[%dma_wait3A_1437] : memref<8192xi32, #tpu.memory_space<vmem>> -> memref<128xi32, #tpu.memory_space<vmem>>
    %dma_wait3A_1439 = arith.constant 0 : i32
    %dma_wait3A_1440 = arith.constant 0 : i32
    %dma_wait3A_1441 = tpu.memref_slice %arg2[%dma_wait3A_1439, %dma_wait3A_1440] : memref<65536x64xf32, #tpu.memory_space<hbm>> -> memref<65536x64xf32, #tpu.memory_space<hbm>>
    tpu.wait_indirect_dma semaphore(%arg7 : memref<!tpu.dma_semaphore, #tpu.memory_space<semaphore_mem>>) src(%dma_wait3A_1441 : memref<65536x64xf32, #tpu.memory_space<hbm>>) dst(%dma_wait3A_1436 : memref<128x64xf32, #tpu.memory_space<vmem>>)
    %dma_wait3A_1442 = arith.constant 1 : i32
    %dma_wait3A_1443 = arith.constant 128 : i32
    %dma_wait3A_1444 = arith.constant 0 : i32
    %dma_wait3A_1445 = tpu.memref_slice %arg6[%dma_wait3A_1442, %dma_wait3A_1443, %dma_wait3A_1444] : memref<2x512x64xf32, #tpu.memory_space<vmem>> -> memref<1x128x64xf32, #tpu.memory_space<vmem>>
    %dma_wait3A_1446 = tpu.memref_squeeze %dma_wait3A_1445 : memref<1x128x64xf32, #tpu.memory_space<vmem>> -> memref<128x64xf32, #tpu.memory_space<vmem>>
    %dma_wait3A_1447 = arith.constant 6784 : i32
    %dma_wait3A_1448 = tpu.memref_slice %arg5[%dma_wait3A_1447] : memref<8192xi32, #tpu.memory_space<vmem>> -> memref<128xi32, #tpu.memory_space<vmem>>
    %dma_wait3A_1449 = arith.constant 0 : i32
    %dma_wait3A_1450 = arith.constant 0 : i32
    %dma_wait3A_1451 = tpu.memref_slice %arg2[%dma_wait3A_1449, %dma_wait3A_1450] : memref<65536x64xf32, #tpu.memory_space<hbm>> -> memref<65536x64xf32, #tpu.memory_space<hbm>>
    tpu.wait_indirect_dma semaphore(%arg7 : memref<!tpu.dma_semaphore, #tpu.memory_space<semaphore_mem>>) src(%dma_wait3A_1451 : memref<65536x64xf32, #tpu.memory_space<hbm>>) dst(%dma_wait3A_1446 : memref<128x64xf32, #tpu.memory_space<vmem>>)
    %dma_wait3A_1452 = arith.constant 1 : i32
    %dma_wait3A_1453 = arith.constant 256 : i32
    %dma_wait3A_1454 = arith.constant 0 : i32
    %dma_wait3A_1455 = tpu.memref_slice %arg6[%dma_wait3A_1452, %dma_wait3A_1453, %dma_wait3A_1454] : memref<2x512x64xf32, #tpu.memory_space<vmem>> -> memref<1x128x64xf32, #tpu.memory_space<vmem>>
    %dma_wait3A_1456 = tpu.memref_squeeze %dma_wait3A_1455 : memref<1x128x64xf32, #tpu.memory_space<vmem>> -> memref<128x64xf32, #tpu.memory_space<vmem>>
    %dma_wait3A_1457 = arith.constant 6912 : i32
    %dma_wait3A_1458 = tpu.memref_slice %arg5[%dma_wait3A_1457] : memref<8192xi32, #tpu.memory_space<vmem>> -> memref<128xi32, #tpu.memory_space<vmem>>
    %dma_wait3A_1459 = arith.constant 0 : i32
    %dma_wait3A_1460 = arith.constant 0 : i32
    %dma_wait3A_1461 = tpu.memref_slice %arg2[%dma_wait3A_1459, %dma_wait3A_1460] : memref<65536x64xf32, #tpu.memory_space<hbm>> -> memref<65536x64xf32, #tpu.memory_space<hbm>>
    tpu.wait_indirect_dma semaphore(%arg7 : memref<!tpu.dma_semaphore, #tpu.memory_space<semaphore_mem>>) src(%dma_wait3A_1461 : memref<65536x64xf32, #tpu.memory_space<hbm>>) dst(%dma_wait3A_1456 : memref<128x64xf32, #tpu.memory_space<vmem>>)
    %dma_wait3A_1462 = arith.constant 1 : i32
    %dma_wait3A_1463 = arith.constant 384 : i32
    %dma_wait3A_1464 = arith.constant 0 : i32
    %dma_wait3A_1465 = tpu.memref_slice %arg6[%dma_wait3A_1462, %dma_wait3A_1463, %dma_wait3A_1464] : memref<2x512x64xf32, #tpu.memory_space<vmem>> -> memref<1x128x64xf32, #tpu.memory_space<vmem>>
    %dma_wait3A_1466 = tpu.memref_squeeze %dma_wait3A_1465 : memref<1x128x64xf32, #tpu.memory_space<vmem>> -> memref<128x64xf32, #tpu.memory_space<vmem>>
    %dma_wait3A_1467 = arith.constant 7040 : i32
    %dma_wait3A_1468 = tpu.memref_slice %arg5[%dma_wait3A_1467] : memref<8192xi32, #tpu.memory_space<vmem>> -> memref<128xi32, #tpu.memory_space<vmem>>
    %dma_wait3A_1469 = arith.constant 0 : i32
    %dma_wait3A_1470 = arith.constant 0 : i32
    %dma_wait3A_1471 = tpu.memref_slice %arg2[%dma_wait3A_1469, %dma_wait3A_1470] : memref<65536x64xf32, #tpu.memory_space<hbm>> -> memref<65536x64xf32, #tpu.memory_space<hbm>>
    tpu.wait_indirect_dma semaphore(%arg7 : memref<!tpu.dma_semaphore, #tpu.memory_space<semaphore_mem>>) src(%dma_wait3A_1471 : memref<65536x64xf32, #tpu.memory_space<hbm>>) dst(%dma_wait3A_1466 : memref<128x64xf32, #tpu.memory_space<vmem>>)
    %add3A_1472 = arith.constant 6656 : i32
    %add3A_1473 = arith.addi %mul3A_2, %add3A_1472 : i32
    %dma_start3A_1474 = arith.constant 1 : i32
    %dma_start3A_1475 = arith.constant 0 : i32
    %dma_start3A_1476 = arith.constant 0 : i32
    %dma_start3A_1477 = tpu.memref_slice %arg6[%dma_start3A_1474, %dma_start3A_1475, %dma_start3A_1476] : memref<2x512x64xf32, #tpu.memory_space<vmem>> -> memref<1x512x64xf32, #tpu.memory_space<vmem>>
    %dma_start3A_1478 = tpu.memref_squeeze %dma_start3A_1477 : memref<1x512x64xf32, #tpu.memory_space<vmem>> -> memref<512x64xf32, #tpu.memory_space<vmem>>
    %dma_start3A_1479 = arith.constant 0 : i32
    %dma_start3A_1480 = tpu.memref_slice %arg4[%add3A_1473, %dma_start3A_1479] : memref<262144x64xf32, #tpu.memory_space<hbm>> -> memref<512x64xf32, #tpu.memory_space<hbm>>
    %dma_start3A_1481 = arith.constant 0 : i32
    %dma_start3A_1482 = tpu.memref_slice %arg4[%add3A_1473, %dma_start3A_1481] : memref<262144x64xf32, #tpu.memory_space<hbm>> -> memref<512x64xf32, #tpu.memory_space<hbm>>
    %dma_start3A_1483 = arith.constant 0 : i32
    %dma_start3A_1484 = arith.constant 0 : i32
    %dma_start3A_1485 = tpu.memref_slice %arg6[%dma_start3A_1474, %dma_start3A_1483, %dma_start3A_1484] : memref<2x512x64xf32, #tpu.memory_space<vmem>> -> memref<1x512x64xf32, #tpu.memory_space<vmem>>
    %dma_start3A_1486 = tpu.memref_squeeze %dma_start3A_1485 : memref<1x512x64xf32, #tpu.memory_space<vmem>> -> memref<512x64xf32, #tpu.memory_space<vmem>>
    tpu.enqueue_dma source(%dma_start3A_1486 : memref<512x64xf32, #tpu.memory_space<vmem>>) target(%dma_start3A_1482 : memref<512x64xf32, #tpu.memory_space<hbm>>) target_semaphore(%arg8 : memref<!tpu.dma_semaphore, #tpu.memory_space<semaphore_mem>>)
    %dma_wait3A_1487 = arith.constant 0 : i32
    %dma_wait3A_1488 = arith.constant 0 : i32
    %dma_wait3A_1489 = arith.constant 0 : i32
    %dma_wait3A_1490 = tpu.memref_slice %arg6[%dma_wait3A_1487, %dma_wait3A_1488, %dma_wait3A_1489] : memref<2x512x64xf32, #tpu.memory_space<vmem>> -> memref<1x512x64xf32, #tpu.memory_space<vmem>>
    %dma_wait3A_1491 = tpu.memref_squeeze %dma_wait3A_1490 : memref<1x512x64xf32, #tpu.memory_space<vmem>> -> memref<512x64xf32, #tpu.memory_space<vmem>>
    %dma_wait3A_1492 = arith.constant 0 : i32
    %dma_wait3A_1493 = tpu.memref_slice %arg4[%add3A_1365, %dma_wait3A_1492] : memref<262144x64xf32, #tpu.memory_space<hbm>> -> memref<512x64xf32, #tpu.memory_space<hbm>>
    %dma_wait3A_1494 = arith.constant 0 : i32
    %dma_wait3A_1495 = tpu.memref_slice %arg4[%add3A_1365, %dma_wait3A_1494] : memref<262144x64xf32, #tpu.memory_space<hbm>> -> memref<512x64xf32, #tpu.memory_space<hbm>>
    %dma_wait3A_1496 = arith.constant 0 : i32
    %dma_wait3A_1497 = arith.constant 0 : i32
    %dma_wait3A_1498 = tpu.memref_slice %arg6[%dma_wait3A_1487, %dma_wait3A_1496, %dma_wait3A_1497] : memref<2x512x64xf32, #tpu.memory_space<vmem>> -> memref<1x512x64xf32, #tpu.memory_space<vmem>>
    %dma_wait3A_1499 = tpu.memref_squeeze %dma_wait3A_1498 : memref<1x512x64xf32, #tpu.memory_space<vmem>> -> memref<512x64xf32, #tpu.memory_space<vmem>>
    tpu.wait_dma2 semaphore(%arg8 : memref<!tpu.dma_semaphore, #tpu.memory_space<semaphore_mem>>) src(%dma_wait3A_1499 : memref<512x64xf32, #tpu.memory_space<vmem>>) dst(%dma_wait3A_1495 : memref<512x64xf32, #tpu.memory_space<hbm>>)
    %dma_start3A_1500 = arith.constant 0 : i32
    %dma_start3A_1501 = arith.constant 0 : i32
    %dma_start3A_1502 = arith.constant 0 : i32
    %dma_start3A_1503 = tpu.memref_slice %arg6[%dma_start3A_1500, %dma_start3A_1501, %dma_start3A_1502] : memref<2x512x64xf32, #tpu.memory_space<vmem>> -> memref<1x128x64xf32, #tpu.memory_space<vmem>>
    %dma_start3A_1504 = tpu.memref_squeeze %dma_start3A_1503 : memref<1x128x64xf32, #tpu.memory_space<vmem>> -> memref<128x64xf32, #tpu.memory_space<vmem>>
    %dma_start3A_1505 = arith.constant 7168 : i32
    %dma_start3A_1506 = tpu.memref_slice %arg5[%dma_start3A_1505] : memref<8192xi32, #tpu.memory_space<vmem>> -> memref<128xi32, #tpu.memory_space<vmem>>
    %dma_start3A_1507 = arith.constant 0 : i32
    %dma_start3A_1508 = arith.constant 0 : i32
    %dma_start3A_1509 = tpu.memref_slice %arg2[%dma_start3A_1507, %dma_start3A_1508] : memref<65536x64xf32, #tpu.memory_space<hbm>> -> memref<65536x64xf32, #tpu.memory_space<hbm>>
    tpu.enqueue_indirect_dma source(%dma_start3A_1509 : memref<65536x64xf32, #tpu.memory_space<hbm>>) target(%dma_start3A_1504 : memref<128x64xf32, #tpu.memory_space<vmem>>) offsets(%dma_start3A_1506 : memref<128xi32, #tpu.memory_space<vmem>>) semaphore(%arg7 : memref<!tpu.dma_semaphore, #tpu.memory_space<semaphore_mem>>)
    %dma_start3A_1510 = arith.constant 0 : i32
    %dma_start3A_1511 = arith.constant 128 : i32
    %dma_start3A_1512 = arith.constant 0 : i32
    %dma_start3A_1513 = tpu.memref_slice %arg6[%dma_start3A_1510, %dma_start3A_1511, %dma_start3A_1512] : memref<2x512x64xf32, #tpu.memory_space<vmem>> -> memref<1x128x64xf32, #tpu.memory_space<vmem>>
    %dma_start3A_1514 = tpu.memref_squeeze %dma_start3A_1513 : memref<1x128x64xf32, #tpu.memory_space<vmem>> -> memref<128x64xf32, #tpu.memory_space<vmem>>
    %dma_start3A_1515 = arith.constant 7296 : i32
    %dma_start3A_1516 = tpu.memref_slice %arg5[%dma_start3A_1515] : memref<8192xi32, #tpu.memory_space<vmem>> -> memref<128xi32, #tpu.memory_space<vmem>>
    %dma_start3A_1517 = arith.constant 0 : i32
    %dma_start3A_1518 = arith.constant 0 : i32
    %dma_start3A_1519 = tpu.memref_slice %arg2[%dma_start3A_1517, %dma_start3A_1518] : memref<65536x64xf32, #tpu.memory_space<hbm>> -> memref<65536x64xf32, #tpu.memory_space<hbm>>
    tpu.enqueue_indirect_dma source(%dma_start3A_1519 : memref<65536x64xf32, #tpu.memory_space<hbm>>) target(%dma_start3A_1514 : memref<128x64xf32, #tpu.memory_space<vmem>>) offsets(%dma_start3A_1516 : memref<128xi32, #tpu.memory_space<vmem>>) semaphore(%arg7 : memref<!tpu.dma_semaphore, #tpu.memory_space<semaphore_mem>>)
    %dma_start3A_1520 = arith.constant 0 : i32
    %dma_start3A_1521 = arith.constant 256 : i32
    %dma_start3A_1522 = arith.constant 0 : i32
    %dma_start3A_1523 = tpu.memref_slice %arg6[%dma_start3A_1520, %dma_start3A_1521, %dma_start3A_1522] : memref<2x512x64xf32, #tpu.memory_space<vmem>> -> memref<1x128x64xf32, #tpu.memory_space<vmem>>
    %dma_start3A_1524 = tpu.memref_squeeze %dma_start3A_1523 : memref<1x128x64xf32, #tpu.memory_space<vmem>> -> memref<128x64xf32, #tpu.memory_space<vmem>>
    %dma_start3A_1525 = arith.constant 7424 : i32
    %dma_start3A_1526 = tpu.memref_slice %arg5[%dma_start3A_1525] : memref<8192xi32, #tpu.memory_space<vmem>> -> memref<128xi32, #tpu.memory_space<vmem>>
    %dma_start3A_1527 = arith.constant 0 : i32
    %dma_start3A_1528 = arith.constant 0 : i32
    %dma_start3A_1529 = tpu.memref_slice %arg2[%dma_start3A_1527, %dma_start3A_1528] : memref<65536x64xf32, #tpu.memory_space<hbm>> -> memref<65536x64xf32, #tpu.memory_space<hbm>>
    tpu.enqueue_indirect_dma source(%dma_start3A_1529 : memref<65536x64xf32, #tpu.memory_space<hbm>>) target(%dma_start3A_1524 : memref<128x64xf32, #tpu.memory_space<vmem>>) offsets(%dma_start3A_1526 : memref<128xi32, #tpu.memory_space<vmem>>) semaphore(%arg7 : memref<!tpu.dma_semaphore, #tpu.memory_space<semaphore_mem>>)
    %dma_start3A_1530 = arith.constant 0 : i32
    %dma_start3A_1531 = arith.constant 384 : i32
    %dma_start3A_1532 = arith.constant 0 : i32
    %dma_start3A_1533 = tpu.memref_slice %arg6[%dma_start3A_1530, %dma_start3A_1531, %dma_start3A_1532] : memref<2x512x64xf32, #tpu.memory_space<vmem>> -> memref<1x128x64xf32, #tpu.memory_space<vmem>>
    %dma_start3A_1534 = tpu.memref_squeeze %dma_start3A_1533 : memref<1x128x64xf32, #tpu.memory_space<vmem>> -> memref<128x64xf32, #tpu.memory_space<vmem>>
    %dma_start3A_1535 = arith.constant 7552 : i32
    %dma_start3A_1536 = tpu.memref_slice %arg5[%dma_start3A_1535] : memref<8192xi32, #tpu.memory_space<vmem>> -> memref<128xi32, #tpu.memory_space<vmem>>
    %dma_start3A_1537 = arith.constant 0 : i32
    %dma_start3A_1538 = arith.constant 0 : i32
    %dma_start3A_1539 = tpu.memref_slice %arg2[%dma_start3A_1537, %dma_start3A_1538] : memref<65536x64xf32, #tpu.memory_space<hbm>> -> memref<65536x64xf32, #tpu.memory_space<hbm>>
    tpu.enqueue_indirect_dma source(%dma_start3A_1539 : memref<65536x64xf32, #tpu.memory_space<hbm>>) target(%dma_start3A_1534 : memref<128x64xf32, #tpu.memory_space<vmem>>) offsets(%dma_start3A_1536 : memref<128xi32, #tpu.memory_space<vmem>>) semaphore(%arg7 : memref<!tpu.dma_semaphore, #tpu.memory_space<semaphore_mem>>)
    %dma_wait3A_1540 = arith.constant 0 : i32
    %dma_wait3A_1541 = arith.constant 0 : i32
    %dma_wait3A_1542 = arith.constant 0 : i32
    %dma_wait3A_1543 = tpu.memref_slice %arg6[%dma_wait3A_1540, %dma_wait3A_1541, %dma_wait3A_1542] : memref<2x512x64xf32, #tpu.memory_space<vmem>> -> memref<1x128x64xf32, #tpu.memory_space<vmem>>
    %dma_wait3A_1544 = tpu.memref_squeeze %dma_wait3A_1543 : memref<1x128x64xf32, #tpu.memory_space<vmem>> -> memref<128x64xf32, #tpu.memory_space<vmem>>
    %dma_wait3A_1545 = arith.constant 7168 : i32
    %dma_wait3A_1546 = tpu.memref_slice %arg5[%dma_wait3A_1545] : memref<8192xi32, #tpu.memory_space<vmem>> -> memref<128xi32, #tpu.memory_space<vmem>>
    %dma_wait3A_1547 = arith.constant 0 : i32
    %dma_wait3A_1548 = arith.constant 0 : i32
    %dma_wait3A_1549 = tpu.memref_slice %arg2[%dma_wait3A_1547, %dma_wait3A_1548] : memref<65536x64xf32, #tpu.memory_space<hbm>> -> memref<65536x64xf32, #tpu.memory_space<hbm>>
    tpu.wait_indirect_dma semaphore(%arg7 : memref<!tpu.dma_semaphore, #tpu.memory_space<semaphore_mem>>) src(%dma_wait3A_1549 : memref<65536x64xf32, #tpu.memory_space<hbm>>) dst(%dma_wait3A_1544 : memref<128x64xf32, #tpu.memory_space<vmem>>)
    %dma_wait3A_1550 = arith.constant 0 : i32
    %dma_wait3A_1551 = arith.constant 128 : i32
    %dma_wait3A_1552 = arith.constant 0 : i32
    %dma_wait3A_1553 = tpu.memref_slice %arg6[%dma_wait3A_1550, %dma_wait3A_1551, %dma_wait3A_1552] : memref<2x512x64xf32, #tpu.memory_space<vmem>> -> memref<1x128x64xf32, #tpu.memory_space<vmem>>
    %dma_wait3A_1554 = tpu.memref_squeeze %dma_wait3A_1553 : memref<1x128x64xf32, #tpu.memory_space<vmem>> -> memref<128x64xf32, #tpu.memory_space<vmem>>
    %dma_wait3A_1555 = arith.constant 7296 : i32
    %dma_wait3A_1556 = tpu.memref_slice %arg5[%dma_wait3A_1555] : memref<8192xi32, #tpu.memory_space<vmem>> -> memref<128xi32, #tpu.memory_space<vmem>>
    %dma_wait3A_1557 = arith.constant 0 : i32
    %dma_wait3A_1558 = arith.constant 0 : i32
    %dma_wait3A_1559 = tpu.memref_slice %arg2[%dma_wait3A_1557, %dma_wait3A_1558] : memref<65536x64xf32, #tpu.memory_space<hbm>> -> memref<65536x64xf32, #tpu.memory_space<hbm>>
    tpu.wait_indirect_dma semaphore(%arg7 : memref<!tpu.dma_semaphore, #tpu.memory_space<semaphore_mem>>) src(%dma_wait3A_1559 : memref<65536x64xf32, #tpu.memory_space<hbm>>) dst(%dma_wait3A_1554 : memref<128x64xf32, #tpu.memory_space<vmem>>)
    %dma_wait3A_1560 = arith.constant 0 : i32
    %dma_wait3A_1561 = arith.constant 256 : i32
    %dma_wait3A_1562 = arith.constant 0 : i32
    %dma_wait3A_1563 = tpu.memref_slice %arg6[%dma_wait3A_1560, %dma_wait3A_1561, %dma_wait3A_1562] : memref<2x512x64xf32, #tpu.memory_space<vmem>> -> memref<1x128x64xf32, #tpu.memory_space<vmem>>
    %dma_wait3A_1564 = tpu.memref_squeeze %dma_wait3A_1563 : memref<1x128x64xf32, #tpu.memory_space<vmem>> -> memref<128x64xf32, #tpu.memory_space<vmem>>
    %dma_wait3A_1565 = arith.constant 7424 : i32
    %dma_wait3A_1566 = tpu.memref_slice %arg5[%dma_wait3A_1565] : memref<8192xi32, #tpu.memory_space<vmem>> -> memref<128xi32, #tpu.memory_space<vmem>>
    %dma_wait3A_1567 = arith.constant 0 : i32
    %dma_wait3A_1568 = arith.constant 0 : i32
    %dma_wait3A_1569 = tpu.memref_slice %arg2[%dma_wait3A_1567, %dma_wait3A_1568] : memref<65536x64xf32, #tpu.memory_space<hbm>> -> memref<65536x64xf32, #tpu.memory_space<hbm>>
    tpu.wait_indirect_dma semaphore(%arg7 : memref<!tpu.dma_semaphore, #tpu.memory_space<semaphore_mem>>) src(%dma_wait3A_1569 : memref<65536x64xf32, #tpu.memory_space<hbm>>) dst(%dma_wait3A_1564 : memref<128x64xf32, #tpu.memory_space<vmem>>)
    %dma_wait3A_1570 = arith.constant 0 : i32
    %dma_wait3A_1571 = arith.constant 384 : i32
    %dma_wait3A_1572 = arith.constant 0 : i32
    %dma_wait3A_1573 = tpu.memref_slice %arg6[%dma_wait3A_1570, %dma_wait3A_1571, %dma_wait3A_1572] : memref<2x512x64xf32, #tpu.memory_space<vmem>> -> memref<1x128x64xf32, #tpu.memory_space<vmem>>
    %dma_wait3A_1574 = tpu.memref_squeeze %dma_wait3A_1573 : memref<1x128x64xf32, #tpu.memory_space<vmem>> -> memref<128x64xf32, #tpu.memory_space<vmem>>
    %dma_wait3A_1575 = arith.constant 7552 : i32
    %dma_wait3A_1576 = tpu.memref_slice %arg5[%dma_wait3A_1575] : memref<8192xi32, #tpu.memory_space<vmem>> -> memref<128xi32, #tpu.memory_space<vmem>>
    %dma_wait3A_1577 = arith.constant 0 : i32
    %dma_wait3A_1578 = arith.constant 0 : i32
    %dma_wait3A_1579 = tpu.memref_slice %arg2[%dma_wait3A_1577, %dma_wait3A_1578] : memref<65536x64xf32, #tpu.memory_space<hbm>> -> memref<65536x64xf32, #tpu.memory_space<hbm>>
    tpu.wait_indirect_dma semaphore(%arg7 : memref<!tpu.dma_semaphore, #tpu.memory_space<semaphore_mem>>) src(%dma_wait3A_1579 : memref<65536x64xf32, #tpu.memory_space<hbm>>) dst(%dma_wait3A_1574 : memref<128x64xf32, #tpu.memory_space<vmem>>)
    %add3A_1580 = arith.constant 7168 : i32
    %add3A_1581 = arith.addi %mul3A_2, %add3A_1580 : i32
    %dma_start3A_1582 = arith.constant 0 : i32
    %dma_start3A_1583 = arith.constant 0 : i32
    %dma_start3A_1584 = arith.constant 0 : i32
    %dma_start3A_1585 = tpu.memref_slice %arg6[%dma_start3A_1582, %dma_start3A_1583, %dma_start3A_1584] : memref<2x512x64xf32, #tpu.memory_space<vmem>> -> memref<1x512x64xf32, #tpu.memory_space<vmem>>
    %dma_start3A_1586 = tpu.memref_squeeze %dma_start3A_1585 : memref<1x512x64xf32, #tpu.memory_space<vmem>> -> memref<512x64xf32, #tpu.memory_space<vmem>>
    %dma_start3A_1587 = arith.constant 0 : i32
    %dma_start3A_1588 = tpu.memref_slice %arg4[%add3A_1581, %dma_start3A_1587] : memref<262144x64xf32, #tpu.memory_space<hbm>> -> memref<512x64xf32, #tpu.memory_space<hbm>>
    %dma_start3A_1589 = arith.constant 0 : i32
    %dma_start3A_1590 = tpu.memref_slice %arg4[%add3A_1581, %dma_start3A_1589] : memref<262144x64xf32, #tpu.memory_space<hbm>> -> memref<512x64xf32, #tpu.memory_space<hbm>>
    %dma_start3A_1591 = arith.constant 0 : i32
    %dma_start3A_1592 = arith.constant 0 : i32
    %dma_start3A_1593 = tpu.memref_slice %arg6[%dma_start3A_1582, %dma_start3A_1591, %dma_start3A_1592] : memref<2x512x64xf32, #tpu.memory_space<vmem>> -> memref<1x512x64xf32, #tpu.memory_space<vmem>>
    %dma_start3A_1594 = tpu.memref_squeeze %dma_start3A_1593 : memref<1x512x64xf32, #tpu.memory_space<vmem>> -> memref<512x64xf32, #tpu.memory_space<vmem>>
    tpu.enqueue_dma source(%dma_start3A_1594 : memref<512x64xf32, #tpu.memory_space<vmem>>) target(%dma_start3A_1590 : memref<512x64xf32, #tpu.memory_space<hbm>>) target_semaphore(%arg8 : memref<!tpu.dma_semaphore, #tpu.memory_space<semaphore_mem>>)
    %dma_wait3A_1595 = arith.constant 1 : i32
    %dma_wait3A_1596 = arith.constant 0 : i32
    %dma_wait3A_1597 = arith.constant 0 : i32
    %dma_wait3A_1598 = tpu.memref_slice %arg6[%dma_wait3A_1595, %dma_wait3A_1596, %dma_wait3A_1597] : memref<2x512x64xf32, #tpu.memory_space<vmem>> -> memref<1x512x64xf32, #tpu.memory_space<vmem>>
    %dma_wait3A_1599 = tpu.memref_squeeze %dma_wait3A_1598 : memref<1x512x64xf32, #tpu.memory_space<vmem>> -> memref<512x64xf32, #tpu.memory_space<vmem>>
    %dma_wait3A_1600 = arith.constant 0 : i32
    %dma_wait3A_1601 = tpu.memref_slice %arg4[%add3A_1473, %dma_wait3A_1600] : memref<262144x64xf32, #tpu.memory_space<hbm>> -> memref<512x64xf32, #tpu.memory_space<hbm>>
    %dma_wait3A_1602 = arith.constant 0 : i32
    %dma_wait3A_1603 = tpu.memref_slice %arg4[%add3A_1473, %dma_wait3A_1602] : memref<262144x64xf32, #tpu.memory_space<hbm>> -> memref<512x64xf32, #tpu.memory_space<hbm>>
    %dma_wait3A_1604 = arith.constant 0 : i32
    %dma_wait3A_1605 = arith.constant 0 : i32
    %dma_wait3A_1606 = tpu.memref_slice %arg6[%dma_wait3A_1595, %dma_wait3A_1604, %dma_wait3A_1605] : memref<2x512x64xf32, #tpu.memory_space<vmem>> -> memref<1x512x64xf32, #tpu.memory_space<vmem>>
    %dma_wait3A_1607 = tpu.memref_squeeze %dma_wait3A_1606 : memref<1x512x64xf32, #tpu.memory_space<vmem>> -> memref<512x64xf32, #tpu.memory_space<vmem>>
    tpu.wait_dma2 semaphore(%arg8 : memref<!tpu.dma_semaphore, #tpu.memory_space<semaphore_mem>>) src(%dma_wait3A_1607 : memref<512x64xf32, #tpu.memory_space<vmem>>) dst(%dma_wait3A_1603 : memref<512x64xf32, #tpu.memory_space<hbm>>)
    %dma_start3A_1608 = arith.constant 1 : i32
    %dma_start3A_1609 = arith.constant 0 : i32
    %dma_start3A_1610 = arith.constant 0 : i32
    %dma_start3A_1611 = tpu.memref_slice %arg6[%dma_start3A_1608, %dma_start3A_1609, %dma_start3A_1610] : memref<2x512x64xf32, #tpu.memory_space<vmem>> -> memref<1x128x64xf32, #tpu.memory_space<vmem>>
    %dma_start3A_1612 = tpu.memref_squeeze %dma_start3A_1611 : memref<1x128x64xf32, #tpu.memory_space<vmem>> -> memref<128x64xf32, #tpu.memory_space<vmem>>
    %dma_start3A_1613 = arith.constant 7680 : i32
    %dma_start3A_1614 = tpu.memref_slice %arg5[%dma_start3A_1613] : memref<8192xi32, #tpu.memory_space<vmem>> -> memref<128xi32, #tpu.memory_space<vmem>>
    %dma_start3A_1615 = arith.constant 0 : i32
    %dma_start3A_1616 = arith.constant 0 : i32
    %dma_start3A_1617 = tpu.memref_slice %arg2[%dma_start3A_1615, %dma_start3A_1616] : memref<65536x64xf32, #tpu.memory_space<hbm>> -> memref<65536x64xf32, #tpu.memory_space<hbm>>
    tpu.enqueue_indirect_dma source(%dma_start3A_1617 : memref<65536x64xf32, #tpu.memory_space<hbm>>) target(%dma_start3A_1612 : memref<128x64xf32, #tpu.memory_space<vmem>>) offsets(%dma_start3A_1614 : memref<128xi32, #tpu.memory_space<vmem>>) semaphore(%arg7 : memref<!tpu.dma_semaphore, #tpu.memory_space<semaphore_mem>>)
    %dma_start3A_1618 = arith.constant 1 : i32
    %dma_start3A_1619 = arith.constant 128 : i32
    %dma_start3A_1620 = arith.constant 0 : i32
    %dma_start3A_1621 = tpu.memref_slice %arg6[%dma_start3A_1618, %dma_start3A_1619, %dma_start3A_1620] : memref<2x512x64xf32, #tpu.memory_space<vmem>> -> memref<1x128x64xf32, #tpu.memory_space<vmem>>
    %dma_start3A_1622 = tpu.memref_squeeze %dma_start3A_1621 : memref<1x128x64xf32, #tpu.memory_space<vmem>> -> memref<128x64xf32, #tpu.memory_space<vmem>>
    %dma_start3A_1623 = arith.constant 7808 : i32
    %dma_start3A_1624 = tpu.memref_slice %arg5[%dma_start3A_1623] : memref<8192xi32, #tpu.memory_space<vmem>> -> memref<128xi32, #tpu.memory_space<vmem>>
    %dma_start3A_1625 = arith.constant 0 : i32
    %dma_start3A_1626 = arith.constant 0 : i32
    %dma_start3A_1627 = tpu.memref_slice %arg2[%dma_start3A_1625, %dma_start3A_1626] : memref<65536x64xf32, #tpu.memory_space<hbm>> -> memref<65536x64xf32, #tpu.memory_space<hbm>>
    tpu.enqueue_indirect_dma source(%dma_start3A_1627 : memref<65536x64xf32, #tpu.memory_space<hbm>>) target(%dma_start3A_1622 : memref<128x64xf32, #tpu.memory_space<vmem>>) offsets(%dma_start3A_1624 : memref<128xi32, #tpu.memory_space<vmem>>) semaphore(%arg7 : memref<!tpu.dma_semaphore, #tpu.memory_space<semaphore_mem>>)
    %dma_start3A_1628 = arith.constant 1 : i32
    %dma_start3A_1629 = arith.constant 256 : i32
    %dma_start3A_1630 = arith.constant 0 : i32
    %dma_start3A_1631 = tpu.memref_slice %arg6[%dma_start3A_1628, %dma_start3A_1629, %dma_start3A_1630] : memref<2x512x64xf32, #tpu.memory_space<vmem>> -> memref<1x128x64xf32, #tpu.memory_space<vmem>>
    %dma_start3A_1632 = tpu.memref_squeeze %dma_start3A_1631 : memref<1x128x64xf32, #tpu.memory_space<vmem>> -> memref<128x64xf32, #tpu.memory_space<vmem>>
    %dma_start3A_1633 = arith.constant 7936 : i32
    %dma_start3A_1634 = tpu.memref_slice %arg5[%dma_start3A_1633] : memref<8192xi32, #tpu.memory_space<vmem>> -> memref<128xi32, #tpu.memory_space<vmem>>
    %dma_start3A_1635 = arith.constant 0 : i32
    %dma_start3A_1636 = arith.constant 0 : i32
    %dma_start3A_1637 = tpu.memref_slice %arg2[%dma_start3A_1635, %dma_start3A_1636] : memref<65536x64xf32, #tpu.memory_space<hbm>> -> memref<65536x64xf32, #tpu.memory_space<hbm>>
    tpu.enqueue_indirect_dma source(%dma_start3A_1637 : memref<65536x64xf32, #tpu.memory_space<hbm>>) target(%dma_start3A_1632 : memref<128x64xf32, #tpu.memory_space<vmem>>) offsets(%dma_start3A_1634 : memref<128xi32, #tpu.memory_space<vmem>>) semaphore(%arg7 : memref<!tpu.dma_semaphore, #tpu.memory_space<semaphore_mem>>)
    %dma_start3A_1638 = arith.constant 1 : i32
    %dma_start3A_1639 = arith.constant 384 : i32
    %dma_start3A_1640 = arith.constant 0 : i32
    %dma_start3A_1641 = tpu.memref_slice %arg6[%dma_start3A_1638, %dma_start3A_1639, %dma_start3A_1640] : memref<2x512x64xf32, #tpu.memory_space<vmem>> -> memref<1x128x64xf32, #tpu.memory_space<vmem>>
    %dma_start3A_1642 = tpu.memref_squeeze %dma_start3A_1641 : memref<1x128x64xf32, #tpu.memory_space<vmem>> -> memref<128x64xf32, #tpu.memory_space<vmem>>
    %dma_start3A_1643 = arith.constant 8064 : i32
    %dma_start3A_1644 = tpu.memref_slice %arg5[%dma_start3A_1643] : memref<8192xi32, #tpu.memory_space<vmem>> -> memref<128xi32, #tpu.memory_space<vmem>>
    %dma_start3A_1645 = arith.constant 0 : i32
    %dma_start3A_1646 = arith.constant 0 : i32
    %dma_start3A_1647 = tpu.memref_slice %arg2[%dma_start3A_1645, %dma_start3A_1646] : memref<65536x64xf32, #tpu.memory_space<hbm>> -> memref<65536x64xf32, #tpu.memory_space<hbm>>
    tpu.enqueue_indirect_dma source(%dma_start3A_1647 : memref<65536x64xf32, #tpu.memory_space<hbm>>) target(%dma_start3A_1642 : memref<128x64xf32, #tpu.memory_space<vmem>>) offsets(%dma_start3A_1644 : memref<128xi32, #tpu.memory_space<vmem>>) semaphore(%arg7 : memref<!tpu.dma_semaphore, #tpu.memory_space<semaphore_mem>>)
    %dma_wait3A_1648 = arith.constant 1 : i32
    %dma_wait3A_1649 = arith.constant 0 : i32
    %dma_wait3A_1650 = arith.constant 0 : i32
    %dma_wait3A_1651 = tpu.memref_slice %arg6[%dma_wait3A_1648, %dma_wait3A_1649, %dma_wait3A_1650] : memref<2x512x64xf32, #tpu.memory_space<vmem>> -> memref<1x128x64xf32, #tpu.memory_space<vmem>>
    %dma_wait3A_1652 = tpu.memref_squeeze %dma_wait3A_1651 : memref<1x128x64xf32, #tpu.memory_space<vmem>> -> memref<128x64xf32, #tpu.memory_space<vmem>>
    %dma_wait3A_1653 = arith.constant 7680 : i32
    %dma_wait3A_1654 = tpu.memref_slice %arg5[%dma_wait3A_1653] : memref<8192xi32, #tpu.memory_space<vmem>> -> memref<128xi32, #tpu.memory_space<vmem>>
    %dma_wait3A_1655 = arith.constant 0 : i32
    %dma_wait3A_1656 = arith.constant 0 : i32
    %dma_wait3A_1657 = tpu.memref_slice %arg2[%dma_wait3A_1655, %dma_wait3A_1656] : memref<65536x64xf32, #tpu.memory_space<hbm>> -> memref<65536x64xf32, #tpu.memory_space<hbm>>
    tpu.wait_indirect_dma semaphore(%arg7 : memref<!tpu.dma_semaphore, #tpu.memory_space<semaphore_mem>>) src(%dma_wait3A_1657 : memref<65536x64xf32, #tpu.memory_space<hbm>>) dst(%dma_wait3A_1652 : memref<128x64xf32, #tpu.memory_space<vmem>>)
    %dma_wait3A_1658 = arith.constant 1 : i32
    %dma_wait3A_1659 = arith.constant 128 : i32
    %dma_wait3A_1660 = arith.constant 0 : i32
    %dma_wait3A_1661 = tpu.memref_slice %arg6[%dma_wait3A_1658, %dma_wait3A_1659, %dma_wait3A_1660] : memref<2x512x64xf32, #tpu.memory_space<vmem>> -> memref<1x128x64xf32, #tpu.memory_space<vmem>>
    %dma_wait3A_1662 = tpu.memref_squeeze %dma_wait3A_1661 : memref<1x128x64xf32, #tpu.memory_space<vmem>> -> memref<128x64xf32, #tpu.memory_space<vmem>>
    %dma_wait3A_1663 = arith.constant 7808 : i32
    %dma_wait3A_1664 = tpu.memref_slice %arg5[%dma_wait3A_1663] : memref<8192xi32, #tpu.memory_space<vmem>> -> memref<128xi32, #tpu.memory_space<vmem>>
    %dma_wait3A_1665 = arith.constant 0 : i32
    %dma_wait3A_1666 = arith.constant 0 : i32
    %dma_wait3A_1667 = tpu.memref_slice %arg2[%dma_wait3A_1665, %dma_wait3A_1666] : memref<65536x64xf32, #tpu.memory_space<hbm>> -> memref<65536x64xf32, #tpu.memory_space<hbm>>
    tpu.wait_indirect_dma semaphore(%arg7 : memref<!tpu.dma_semaphore, #tpu.memory_space<semaphore_mem>>) src(%dma_wait3A_1667 : memref<65536x64xf32, #tpu.memory_space<hbm>>) dst(%dma_wait3A_1662 : memref<128x64xf32, #tpu.memory_space<vmem>>)
    %dma_wait3A_1668 = arith.constant 1 : i32
    %dma_wait3A_1669 = arith.constant 256 : i32
    %dma_wait3A_1670 = arith.constant 0 : i32
    %dma_wait3A_1671 = tpu.memref_slice %arg6[%dma_wait3A_1668, %dma_wait3A_1669, %dma_wait3A_1670] : memref<2x512x64xf32, #tpu.memory_space<vmem>> -> memref<1x128x64xf32, #tpu.memory_space<vmem>>
    %dma_wait3A_1672 = tpu.memref_squeeze %dma_wait3A_1671 : memref<1x128x64xf32, #tpu.memory_space<vmem>> -> memref<128x64xf32, #tpu.memory_space<vmem>>
    %dma_wait3A_1673 = arith.constant 7936 : i32
    %dma_wait3A_1674 = tpu.memref_slice %arg5[%dma_wait3A_1673] : memref<8192xi32, #tpu.memory_space<vmem>> -> memref<128xi32, #tpu.memory_space<vmem>>
    %dma_wait3A_1675 = arith.constant 0 : i32
    %dma_wait3A_1676 = arith.constant 0 : i32
    %dma_wait3A_1677 = tpu.memref_slice %arg2[%dma_wait3A_1675, %dma_wait3A_1676] : memref<65536x64xf32, #tpu.memory_space<hbm>> -> memref<65536x64xf32, #tpu.memory_space<hbm>>
    tpu.wait_indirect_dma semaphore(%arg7 : memref<!tpu.dma_semaphore, #tpu.memory_space<semaphore_mem>>) src(%dma_wait3A_1677 : memref<65536x64xf32, #tpu.memory_space<hbm>>) dst(%dma_wait3A_1672 : memref<128x64xf32, #tpu.memory_space<vmem>>)
    %dma_wait3A_1678 = arith.constant 1 : i32
    %dma_wait3A_1679 = arith.constant 384 : i32
    %dma_wait3A_1680 = arith.constant 0 : i32
    %dma_wait3A_1681 = tpu.memref_slice %arg6[%dma_wait3A_1678, %dma_wait3A_1679, %dma_wait3A_1680] : memref<2x512x64xf32, #tpu.memory_space<vmem>> -> memref<1x128x64xf32, #tpu.memory_space<vmem>>
    %dma_wait3A_1682 = tpu.memref_squeeze %dma_wait3A_1681 : memref<1x128x64xf32, #tpu.memory_space<vmem>> -> memref<128x64xf32, #tpu.memory_space<vmem>>
    %dma_wait3A_1683 = arith.constant 8064 : i32
    %dma_wait3A_1684 = tpu.memref_slice %arg5[%dma_wait3A_1683] : memref<8192xi32, #tpu.memory_space<vmem>> -> memref<128xi32, #tpu.memory_space<vmem>>
    %dma_wait3A_1685 = arith.constant 0 : i32
    %dma_wait3A_1686 = arith.constant 0 : i32
    %dma_wait3A_1687 = tpu.memref_slice %arg2[%dma_wait3A_1685, %dma_wait3A_1686] : memref<65536x64xf32, #tpu.memory_space<hbm>> -> memref<65536x64xf32, #tpu.memory_space<hbm>>
    tpu.wait_indirect_dma semaphore(%arg7 : memref<!tpu.dma_semaphore, #tpu.memory_space<semaphore_mem>>) src(%dma_wait3A_1687 : memref<65536x64xf32, #tpu.memory_space<hbm>>) dst(%dma_wait3A_1682 : memref<128x64xf32, #tpu.memory_space<vmem>>)
    %add3A_1688 = arith.constant 7680 : i32
    %add3A_1689 = arith.addi %mul3A_2, %add3A_1688 : i32
    %dma_start3A_1690 = arith.constant 1 : i32
    %dma_start3A_1691 = arith.constant 0 : i32
    %dma_start3A_1692 = arith.constant 0 : i32
    %dma_start3A_1693 = tpu.memref_slice %arg6[%dma_start3A_1690, %dma_start3A_1691, %dma_start3A_1692] : memref<2x512x64xf32, #tpu.memory_space<vmem>> -> memref<1x512x64xf32, #tpu.memory_space<vmem>>
    %dma_start3A_1694 = tpu.memref_squeeze %dma_start3A_1693 : memref<1x512x64xf32, #tpu.memory_space<vmem>> -> memref<512x64xf32, #tpu.memory_space<vmem>>
    %dma_start3A_1695 = arith.constant 0 : i32
    %dma_start3A_1696 = tpu.memref_slice %arg4[%add3A_1689, %dma_start3A_1695] : memref<262144x64xf32, #tpu.memory_space<hbm>> -> memref<512x64xf32, #tpu.memory_space<hbm>>
    %dma_start3A_1697 = arith.constant 0 : i32
    %dma_start3A_1698 = tpu.memref_slice %arg4[%add3A_1689, %dma_start3A_1697] : memref<262144x64xf32, #tpu.memory_space<hbm>> -> memref<512x64xf32, #tpu.memory_space<hbm>>
    %dma_start3A_1699 = arith.constant 0 : i32
    %dma_start3A_1700 = arith.constant 0 : i32
    %dma_start3A_1701 = tpu.memref_slice %arg6[%dma_start3A_1690, %dma_start3A_1699, %dma_start3A_1700] : memref<2x512x64xf32, #tpu.memory_space<vmem>> -> memref<1x512x64xf32, #tpu.memory_space<vmem>>
    %dma_start3A_1702 = tpu.memref_squeeze %dma_start3A_1701 : memref<1x512x64xf32, #tpu.memory_space<vmem>> -> memref<512x64xf32, #tpu.memory_space<vmem>>
    tpu.enqueue_dma source(%dma_start3A_1702 : memref<512x64xf32, #tpu.memory_space<vmem>>) target(%dma_start3A_1698 : memref<512x64xf32, #tpu.memory_space<hbm>>) target_semaphore(%arg8 : memref<!tpu.dma_semaphore, #tpu.memory_space<semaphore_mem>>)
    %dma_wait3A_1703 = arith.constant 0 : i32
    %dma_wait3A_1704 = arith.constant 0 : i32
    %dma_wait3A_1705 = arith.constant 0 : i32
    %dma_wait3A_1706 = tpu.memref_slice %arg6[%dma_wait3A_1703, %dma_wait3A_1704, %dma_wait3A_1705] : memref<2x512x64xf32, #tpu.memory_space<vmem>> -> memref<1x512x64xf32, #tpu.memory_space<vmem>>
    %dma_wait3A_1707 = tpu.memref_squeeze %dma_wait3A_1706 : memref<1x512x64xf32, #tpu.memory_space<vmem>> -> memref<512x64xf32, #tpu.memory_space<vmem>>
    %dma_wait3A_1708 = arith.constant 0 : i32
    %dma_wait3A_1709 = tpu.memref_slice %arg4[%add3A_1581, %dma_wait3A_1708] : memref<262144x64xf32, #tpu.memory_space<hbm>> -> memref<512x64xf32, #tpu.memory_space<hbm>>
    %dma_wait3A_1710 = arith.constant 0 : i32
    %dma_wait3A_1711 = tpu.memref_slice %arg4[%add3A_1581, %dma_wait3A_1710] : memref<262144x64xf32, #tpu.memory_space<hbm>> -> memref<512x64xf32, #tpu.memory_space<hbm>>
    %dma_wait3A_1712 = arith.constant 0 : i32
    %dma_wait3A_1713 = arith.constant 0 : i32
    %dma_wait3A_1714 = tpu.memref_slice %arg6[%dma_wait3A_1703, %dma_wait3A_1712, %dma_wait3A_1713] : memref<2x512x64xf32, #tpu.memory_space<vmem>> -> memref<1x512x64xf32, #tpu.memory_space<vmem>>
    %dma_wait3A_1715 = tpu.memref_squeeze %dma_wait3A_1714 : memref<1x512x64xf32, #tpu.memory_space<vmem>> -> memref<512x64xf32, #tpu.memory_space<vmem>>
    tpu.wait_dma2 semaphore(%arg8 : memref<!tpu.dma_semaphore, #tpu.memory_space<semaphore_mem>>) src(%dma_wait3A_1715 : memref<512x64xf32, #tpu.memory_space<vmem>>) dst(%dma_wait3A_1711 : memref<512x64xf32, #tpu.memory_space<hbm>>)
    %dma_wait3A_1716 = arith.constant 1 : i32
    %dma_wait3A_1717 = arith.constant 0 : i32
    %dma_wait3A_1718 = arith.constant 0 : i32
    %dma_wait3A_1719 = tpu.memref_slice %arg6[%dma_wait3A_1716, %dma_wait3A_1717, %dma_wait3A_1718] : memref<2x512x64xf32, #tpu.memory_space<vmem>> -> memref<1x512x64xf32, #tpu.memory_space<vmem>>
    %dma_wait3A_1720 = tpu.memref_squeeze %dma_wait3A_1719 : memref<1x512x64xf32, #tpu.memory_space<vmem>> -> memref<512x64xf32, #tpu.memory_space<vmem>>
    %dma_wait3A_1721 = arith.constant 0 : i32
    %dma_wait3A_1722 = tpu.memref_slice %arg4[%add3A_1689, %dma_wait3A_1721] : memref<262144x64xf32, #tpu.memory_space<hbm>> -> memref<512x64xf32, #tpu.memory_space<hbm>>
    %dma_wait3A_1723 = arith.constant 0 : i32
    %dma_wait3A_1724 = tpu.memref_slice %arg4[%add3A_1689, %dma_wait3A_1723] : memref<262144x64xf32, #tpu.memory_space<hbm>> -> memref<512x64xf32, #tpu.memory_space<hbm>>
    %dma_wait3A_1725 = arith.constant 0 : i32
    %dma_wait3A_1726 = arith.constant 0 : i32
    %dma_wait3A_1727 = tpu.memref_slice %arg6[%dma_wait3A_1716, %dma_wait3A_1725, %dma_wait3A_1726] : memref<2x512x64xf32, #tpu.memory_space<vmem>> -> memref<1x512x64xf32, #tpu.memory_space<vmem>>
    %dma_wait3A_1728 = tpu.memref_squeeze %dma_wait3A_1727 : memref<1x512x64xf32, #tpu.memory_space<vmem>> -> memref<512x64xf32, #tpu.memory_space<vmem>>
    tpu.wait_dma2 semaphore(%arg8 : memref<!tpu.dma_semaphore, #tpu.memory_space<semaphore_mem>>) src(%dma_wait3A_1728 : memref<512x64xf32, #tpu.memory_space<vmem>>) dst(%dma_wait3A_1724 : memref<512x64xf32, #tpu.memory_space<hbm>>)
    return
  }
}

module attributes {stable_mosaic.version = 14 : i64} {
  func.func @body(%arg0: i32, %arg1: memref<4096x128xf32, #tpu.memory_space<vmem>>, %arg2: memref<4096x128xf32, #tpu.memory_space<vmem>>, %arg3: memref<128x128xf32, #tpu.memory_space<vmem>>, %arg4: memref<1x64xf32, #tpu.memory_space<vmem>>, %arg5: memref<1x64xf32, #tpu.memory_space<vmem>>, %arg6: memref<128x128xf32, #tpu.memory_space<vmem>>, %arg7: memref<1x64xf32, #tpu.memory_space<vmem>>, %arg8: memref<1x64xf32, #tpu.memory_space<vmem>>, %arg9: memref<128x256xf32, #tpu.memory_space<vmem>>, %arg10: memref<1x128xf32, #tpu.memory_space<vmem>>, %arg11: memref<1x128xf32, #tpu.memory_space<vmem>>, %arg12: memref<128x64xf32, #tpu.memory_space<vmem>>, %arg13: memref<64x128xf32, #tpu.memory_space<vmem>>, %arg14: memref<256x128xf32, #tpu.memory_space<vmem>>, %arg15: memref<128x256xf32, #tpu.memory_space<vmem>>, %arg16: memref<1024x256xf32, #tpu.memory_space<vmem>>, %arg17: memref<131072x128xbf16, #tpu.memory_space<vmem>>, %arg18: memref<4096x256xf32, #tpu.memory_space<vmem>>, %arg19: memref<2x128xf32, #tpu.memory_space<vmem>>, %arg20: memref<2x128xf32, #tpu.memory_space<vmem>>, %arg21: memref<2x256xf32, #tpu.memory_space<vmem>>, %arg22: memref<2x128xf32, #tpu.memory_space<vmem>>, %arg23: memref<2x128xf32, #tpu.memory_space<vmem>>, %arg24: memref<2x256xf32, #tpu.memory_space<vmem>>) attributes {dimension_semantics = [#tpu.dimension_semantics<arbitrary>], iteration_bounds = array<i64: 72>, scalar_prefetch = 0 : i64, scratch_operands = 8 : i64, tpu.core_type = #tpu.core_type<tc>, window_params = [{transform_indices = @transform_0, window_bounds = array<i64: 4096, 128>}, {pipeline_mode = #tpu.pipeline_mode<synchronous>, transform_indices = @transform_1, window_bounds = array<i64: 4096, 128>}, {pipeline_mode = #tpu.pipeline_mode<synchronous>, transform_indices = @transform_2, window_bounds = array<i64: 128, 128>}, {pipeline_mode = #tpu.pipeline_mode<synchronous>, transform_indices = @transform_3, window_bounds = array<i64: 1, 64>}, {pipeline_mode = #tpu.pipeline_mode<synchronous>, transform_indices = @transform_4, window_bounds = array<i64: 1, 64>}, {pipeline_mode = #tpu.pipeline_mode<synchronous>, transform_indices = @transform_5, window_bounds = array<i64: 128, 128>}, {pipeline_mode = #tpu.pipeline_mode<synchronous>, transform_indices = @transform_6, window_bounds = array<i64: 1, 64>}, {pipeline_mode = #tpu.pipeline_mode<synchronous>, transform_indices = @transform_7, window_bounds = array<i64: 1, 64>}, {pipeline_mode = #tpu.pipeline_mode<synchronous>, transform_indices = @transform_8, window_bounds = array<i64: 128, 256>}, {pipeline_mode = #tpu.pipeline_mode<synchronous>, transform_indices = @transform_9, window_bounds = array<i64: 1, 128>}, {pipeline_mode = #tpu.pipeline_mode<synchronous>, transform_indices = @transform_10, window_bounds = array<i64: 1, 128>}, {pipeline_mode = #tpu.pipeline_mode<synchronous>, transform_indices = @transform_11, window_bounds = array<i64: 128, 64>}, {pipeline_mode = #tpu.pipeline_mode<synchronous>, transform_indices = @transform_12, window_bounds = array<i64: 64, 128>}, {pipeline_mode = #tpu.pipeline_mode<synchronous>, transform_indices = @transform_13, window_bounds = array<i64: 256, 128>}, {pipeline_mode = #tpu.pipeline_mode<synchronous>, transform_indices = @transform_14, window_bounds = array<i64: 128, 256>}, {transform_indices = @transform_15, window_bounds = array<i64: 1024, 256>}]} {
    %lt3A = arith.constant 32 : i32
    %lt3A_0 = arith.cmpi slt, %arg0, %lt3A : i32
    %convert_element_type3A = arith.extui %lt3A_0 : i1 to i32
    %cond3A = arith.constant 0 : i32
    %cond3A_1 = arith.cmpi ne, %convert_element_type3A, %cond3A : i32
    scf.if %cond3A_1 {
      %get3A = arith.constant 0 : index
      %get3A_21 = arith.constant 0 : index
      %get3A_22 = vector.load %arg1[%get3A, %get3A_21] : memref<4096x128xf32, #tpu.memory_space<vmem>>, vector<4096x128xf32>
      %get3A_23 = arith.constant 0 : index
      %get3A_24 = arith.constant 0 : index
      %get3A_25 = vector.load %arg2[%get3A_23, %get3A_24] : memref<4096x128xf32, #tpu.memory_space<vmem>>, vector<4096x128xf32>
      %sub3A = arith.subf %get3A_22, %get3A_25 : vector<4096x128xf32>
      %get3A_26 = arith.constant 0 : index
      %get3A_27 = arith.constant 0 : index
      %get3A_28 = vector.load %arg3[%get3A_26, %get3A_27] : memref<128x128xf32, #tpu.memory_space<vmem>>, vector<128x128xf32>
      %dot_general3A = arith.constant dense<0.000000e+00> : vector<4096x128xf32>
      %dot_general3A_29 = tpu.matmul %sub3A, %get3A_28, %dot_general3A {dimension_numbers = #tpu.dot_dimension_numbers<[1], [0], [0], [1], [0, 0, 1, 1], [], []>, transpose_lhs_hint = false} : vector<4096x128xf32>, vector<128x128xf32>, vector<4096x128xf32> -> vector<4096x128xf32>
      %eq3A = arith.constant 0 : i32
      %eq3A_30 = arith.cmpi eq, %arg0, %eq3A : i32
      %convert_element_type3A_31 = arith.extui %eq3A_30 : i1 to i32
      %cond3A_32 = arith.constant 0 : i32
      %cond3A_33 = arith.cmpi ne, %convert_element_type3A_31, %cond3A_32 : i32
      scf.if %cond3A_33 {
        %broadcast_in_dim3A_50 = arith.constant 0.000000e+00 : f32
        %broadcast_in_dim3A_51 = vector.broadcast %broadcast_in_dim3A_50 : f32 to vector<2x128xf32>
        %swap3A_52 = arith.constant 0 : index
        %swap3A_53 = arith.constant 0 : index
        %swap3A_54 = vector.load %arg19[%swap3A_52, %swap3A_53] : memref<2x128xf32, #tpu.memory_space<vmem>>, vector<2x128xf32>
        tpu.vector_store %arg19[%swap3A_52, %swap3A_53], %broadcast_in_dim3A_51 {strides = array<i32>} : memref<2x128xf32, #tpu.memory_space<vmem>>, vector<2x128xf32>,
      } else {
      }
      %broadcast_in_dim3A = arith.constant 1.000000e+00 : f32
      %broadcast_in_dim3A_34 = vector.broadcast %broadcast_in_dim3A : f32 to vector<1x4096xf32>
      %get3A_35 = arith.constant 0 : index
      %get3A_36 = arith.constant 0 : index
      %get3A_37 = vector.load %arg19[%get3A_35, %get3A_36] : memref<2x128xf32, #tpu.memory_space<vmem>>, vector<2x128xf32>
      %dot_general3A_38 = arith.constant dense<0.000000e+00> : vector<1x128xf32>
      %dot_general3A_39 = tpu.matmul %broadcast_in_dim3A_34, %dot_general3A_29, %dot_general3A_38 {dimension_numbers = #tpu.dot_dimension_numbers<[1], [0], [0], [1], [0, 0, 1, 1], [], []>, transpose_lhs_hint = false} : vector<1x4096xf32>, vector<4096x128xf32>, vector<1x128xf32> -> vector<1x128xf32>
      %mul3A = arith.mulf %dot_general3A_29, %dot_general3A_29 : vector<4096x128xf32>
      %dot_general3A_40 = arith.constant dense<0.000000e+00> : vector<1x128xf32>
      %dot_general3A_41 = tpu.matmul %broadcast_in_dim3A_34, %mul3A, %dot_general3A_40 {dimension_numbers = #tpu.dot_dimension_numbers<[1], [0], [0], [1], [0, 0, 1, 1], [], []>, transpose_lhs_hint = false} : vector<1x4096xf32>, vector<4096x128xf32>, vector<1x128xf32> -> vector<1x128xf32>
      %concatenate3A = tpu.concatenate %dot_general3A_39, %dot_general3A_41 in 0 : vector<1x128xf32>, vector<1x128xf32> -> vector<2x128xf32>
      %add3A = arith.addf %get3A_37, %concatenate3A : vector<2x128xf32>
      %swap3A = arith.constant 0 : index
      %swap3A_42 = arith.constant 0 : index
      %swap3A_43 = vector.load %arg19[%swap3A, %swap3A_42] : memref<2x128xf32, #tpu.memory_space<vmem>>, vector<2x128xf32>
      tpu.vector_store %arg19[%swap3A, %swap3A_42], %add3A {strides = array<i32>} : memref<2x128xf32, #tpu.memory_space<vmem>>, vector<2x128xf32>,
      %convert_element_type3A_44 = arith.truncf %dot_general3A_29 : vector<4096x128xf32> to vector<4096x128xbf16>
      %mul3A_45 = arith.constant 4096 : i32
      %mul3A_46 = arith.muli %arg0, %mul3A_45 : i32
      %swap3A_47 = arith.index_cast %mul3A_46 : i32 to index
      %swap3A_48 = arith.constant 0 : index
      %swap3A_49 = vector.load %arg17[%swap3A_47, %swap3A_48] : memref<131072x128xbf16, #tpu.memory_space<vmem>>, vector<4096x128xbf16>
      tpu.vector_store %arg17[%swap3A_47, %swap3A_48], %convert_element_type3A_44 {strides = array<i32>} : memref<131072x128xbf16, #tpu.memory_space<vmem>>, vector<4096x128xbf16>,
    } else {
    }
    %ge3A = arith.constant 32 : i32
    %ge3A_2 = arith.cmpi sge, %arg0, %ge3A : i32
    %lt3A_3 = arith.constant 64 : i32
    %lt3A_4 = arith.cmpi slt, %arg0, %lt3A_3 : i32
    %and3A = arith.andi %ge3A_2, %lt3A_4 : i1
    %convert_element_type3A_5 = arith.extui %and3A : i1 to i32
    %cond3A_6 = arith.constant 0 : i32
    %cond3A_7 = arith.cmpi ne, %convert_element_type3A_5, %cond3A_6 : i32
    scf.if %cond3A_7 {
      %sub3A = arith.constant 32 : i32
      %sub3A_21 = arith.subi %arg0, %sub3A : i32
      %eq3A = arith.constant 32 : i32
      %eq3A_22 = arith.cmpi eq, %arg0, %eq3A : i32
      %convert_element_type3A_23 = arith.extui %eq3A_22 : i1 to i32
      %cond3A_24 = arith.constant 0 : i32
      %cond3A_25 = arith.cmpi ne, %convert_element_type3A_23, %cond3A_24 : i32
      scf.if %cond3A_25 {
        %get3A_63 = arith.constant 0 : index
        %get3A_64 = arith.constant 0 : index
        %get3A_65 = vector.load %arg4[%get3A_63, %get3A_64] : memref<1x64xf32, #tpu.memory_space<vmem>>, vector<1x64xf32>
        %get3A_66 = arith.constant 0 : index
        %get3A_67 = arith.constant 0 : index
        %get3A_68 = vector.load %arg5[%get3A_66, %get3A_67] : memref<1x64xf32, #tpu.memory_space<vmem>>, vector<1x64xf32>
        %get3A_69 = arith.constant 0 : index
        %get3A_70 = arith.constant 0 : index
        %get3A_71 = vector.load %arg19[%get3A_69, %get3A_70] : memref<2x128xf32, #tpu.memory_space<vmem>>, vector<2x128xf32>
        %get3A_72 = arith.constant 0 : index
        %get3A_73 = arith.constant 0 : index
        %get3A_74 = vector.load %arg12[%get3A_72, %get3A_73] : memref<128x64xf32, #tpu.memory_space<vmem>>, vector<128x64xf32>
        %dot_general3A_75 = arith.constant dense<0.000000e+00> : vector<2x64xf32>
        %dot_general3A_76 = tpu.matmul %get3A_71, %get3A_74, %dot_general3A_75 {dimension_numbers = #tpu.dot_dimension_numbers<[1], [0], [0], [1], [0, 0, 1, 1], [], []>, transpose_lhs_hint = false} : vector<2x128xf32>, vector<128x64xf32>, vector<2x64xf32> -> vector<2x64xf32>
        %slice3A = vector.extract_strided_slice %dot_general3A_76 {offsets = [0, 0], sizes = [1, 64], strides = [1, 1]} : vector<2x64xf32> to vector<1x64xf32>
        %div3A = arith.constant 2.621440e+05 : f32
        %div3A_77 = vector.broadcast %div3A : f32 to vector<1x64xf32>
        %div3A_78 = arith.divf %slice3A, %div3A_77 : vector<1x64xf32>
        %slice3A_79 = vector.extract_strided_slice %dot_general3A_76 {offsets = [1, 0], sizes = [1, 64], strides = [1, 1]} : vector<2x64xf32> to vector<1x64xf32>
        %div3A_80 = arith.constant 2.621440e+05 : f32
        %div3A_81 = vector.broadcast %div3A_80 : f32 to vector<1x64xf32>
        %div3A_82 = arith.divf %slice3A_79, %div3A_81 : vector<1x64xf32>
        %mul3A_83 = arith.mulf %div3A_78, %div3A_78 : vector<1x64xf32>
        %sub3A_84 = arith.subf %div3A_82, %mul3A_83 : vector<1x64xf32>
        %add3A_85 = arith.constant 9.99999974E-6 : f32
        %add3A_86 = vector.broadcast %add3A_85 : f32 to vector<1x64xf32>
        %add3A_87 = arith.addf %sub3A_84, %add3A_86 : vector<1x64xf32>
        %sqrt3A = math.sqrt %add3A_87 : vector<1x64xf32>
        %div3A_88 = arith.divf %get3A_65, %sqrt3A : vector<1x64xf32>
        %mul3A_89 = arith.mulf %div3A_88, %div3A_78 : vector<1x64xf32>
        %sub3A_90 = arith.subf %get3A_68, %mul3A_89 : vector<1x64xf32>
        %concatenate3A_91 = tpu.concatenate %div3A_88, %sub3A_90 in 0 : vector<1x64xf32>, vector<1x64xf32> -> vector<2x64xf32>
        %get3A_92 = arith.constant 0 : index
        %get3A_93 = arith.constant 0 : index
        %get3A_94 = vector.load %arg13[%get3A_92, %get3A_93] : memref<64x128xf32, #tpu.memory_space<vmem>>, vector<64x128xf32>
        %dot_general3A_95 = arith.constant dense<0.000000e+00> : vector<2x128xf32>
        %dot_general3A_96 = tpu.matmul %concatenate3A_91, %get3A_94, %dot_general3A_95 {dimension_numbers = #tpu.dot_dimension_numbers<[1], [0], [0], [1], [0, 0, 1, 1], [], []>, transpose_lhs_hint = false} : vector<2x64xf32>, vector<64x128xf32>, vector<2x128xf32> -> vector<2x128xf32>
        %swap3A_97 = arith.constant 0 : index
        %swap3A_98 = arith.constant 0 : index
        %swap3A_99 = vector.load %arg22[%swap3A_97, %swap3A_98] : memref<2x128xf32, #tpu.memory_space<vmem>>, vector<2x128xf32>
        tpu.vector_store %arg22[%swap3A_97, %swap3A_98], %dot_general3A_96 {strides = array<i32>} : memref<2x128xf32, #tpu.memory_space<vmem>>, vector<2x128xf32>,
        %broadcast_in_dim3A_100 = arith.constant 0.000000e+00 : f32
        %broadcast_in_dim3A_101 = vector.broadcast %broadcast_in_dim3A_100 : f32 to vector<2x128xf32>
        %swap3A_102 = arith.constant 0 : index
        %swap3A_103 = arith.constant 0 : index
        %swap3A_104 = vector.load %arg20[%swap3A_102, %swap3A_103] : memref<2x128xf32, #tpu.memory_space<vmem>>, vector<2x128xf32>
        tpu.vector_store %arg20[%swap3A_102, %swap3A_103], %broadcast_in_dim3A_101 {strides = array<i32>} : memref<2x128xf32, #tpu.memory_space<vmem>>, vector<2x128xf32>,
      } else {
      }
      %mul3A = arith.constant 4096 : i32
      %mul3A_26 = arith.muli %sub3A_21, %mul3A : i32
      %get3A = arith.index_cast %mul3A_26 : i32 to index
      %get3A_27 = arith.constant 0 : index
      %get3A_28 = vector.load %arg17[%get3A, %get3A_27] : memref<131072x128xbf16, #tpu.memory_space<vmem>>, vector<4096x128xbf16>
      %convert_element_type3A_29 = arith.extf %get3A_28 : vector<4096x128xbf16> to vector<4096x128xf32>
      %get3A_30 = arith.constant 0 : index
      %get3A_31 = arith.constant 0 : index
      %get3A_32 = vector.load %arg22[%get3A_30, %get3A_31] : memref<2x128xf32, #tpu.memory_space<vmem>>, vector<1x128xf32>
      %mul3A_33 = vector.broadcast %get3A_32 : vector<1x128xf32> to vector<4096x128xf32>
      %mul3A_34 = arith.mulf %convert_element_type3A_29, %mul3A_33 : vector<4096x128xf32>
      %get3A_35 = arith.constant 1 : index
      %get3A_36 = arith.constant 0 : index
      %get3A_37 = vector.load %arg22[%get3A_35, %get3A_36] : memref<2x128xf32, #tpu.memory_space<vmem>>, vector<1x128xf32>
      %add3A = vector.broadcast %get3A_37 : vector<1x128xf32> to vector<4096x128xf32>
      %add3A_38 = arith.addf %mul3A_34, %add3A : vector<4096x128xf32>
      %max3A = arith.constant 0.000000e+00 : f32
      %max3A_39 = vector.broadcast %max3A : f32 to vector<4096x128xf32>
      %max3A_40 = arith.maximumf %add3A_38, %max3A_39 : vector<4096x128xf32>
      %get3A_41 = arith.constant 0 : index
      %get3A_42 = arith.constant 0 : index
      %get3A_43 = vector.load %arg6[%get3A_41, %get3A_42] : memref<128x128xf32, #tpu.memory_space<vmem>>, vector<128x128xf32>
      %dot_general3A = arith.constant dense<0.000000e+00> : vector<4096x128xf32>
      %dot_general3A_44 = tpu.matmul %max3A_40, %get3A_43, %dot_general3A {dimension_numbers = #tpu.dot_dimension_numbers<[1], [0], [0], [1], [0, 0, 1, 1], [], []>, transpose_lhs_hint = false} : vector<4096x128xf32>, vector<128x128xf32>, vector<4096x128xf32> -> vector<4096x128xf32>
      %broadcast_in_dim3A = arith.constant 1.000000e+00 : f32
      %broadcast_in_dim3A_45 = vector.broadcast %broadcast_in_dim3A : f32 to vector<1x4096xf32>
      %get3A_46 = arith.constant 0 : index
      %get3A_47 = arith.constant 0 : index
      %get3A_48 = vector.load %arg20[%get3A_46, %get3A_47] : memref<2x128xf32, #tpu.memory_space<vmem>>, vector<2x128xf32>
      %dot_general3A_49 = arith.constant dense<0.000000e+00> : vector<1x128xf32>
      %dot_general3A_50 = tpu.matmul %broadcast_in_dim3A_45, %dot_general3A_44, %dot_general3A_49 {dimension_numbers = #tpu.dot_dimension_numbers<[1], [0], [0], [1], [0, 0, 1, 1], [], []>, transpose_lhs_hint = false} : vector<1x4096xf32>, vector<4096x128xf32>, vector<1x128xf32> -> vector<1x128xf32>
      %mul3A_51 = arith.mulf %dot_general3A_44, %dot_general3A_44 : vector<4096x128xf32>
      %dot_general3A_52 = arith.constant dense<0.000000e+00> : vector<1x128xf32>
      %dot_general3A_53 = tpu.matmul %broadcast_in_dim3A_45, %mul3A_51, %dot_general3A_52 {dimension_numbers = #tpu.dot_dimension_numbers<[1], [0], [0], [1], [0, 0, 1, 1], [], []>, transpose_lhs_hint = false} : vector<1x4096xf32>, vector<4096x128xf32>, vector<1x128xf32> -> vector<1x128xf32>
      %concatenate3A = tpu.concatenate %dot_general3A_50, %dot_general3A_53 in 0 : vector<1x128xf32>, vector<1x128xf32> -> vector<2x128xf32>
      %add3A_54 = arith.addf %get3A_48, %concatenate3A : vector<2x128xf32>
      %swap3A = arith.constant 0 : index
      %swap3A_55 = arith.constant 0 : index
      %swap3A_56 = vector.load %arg20[%swap3A, %swap3A_55] : memref<2x128xf32, #tpu.memory_space<vmem>>, vector<2x128xf32>
      tpu.vector_store %arg20[%swap3A, %swap3A_55], %add3A_54 {strides = array<i32>} : memref<2x128xf32, #tpu.memory_space<vmem>>, vector<2x128xf32>,
      %convert_element_type3A_57 = arith.truncf %dot_general3A_44 : vector<4096x128xf32> to vector<4096x128xbf16>
      %mul3A_58 = arith.constant 4096 : i32
      %mul3A_59 = arith.muli %sub3A_21, %mul3A_58 : i32
      %swap3A_60 = arith.index_cast %mul3A_59 : i32 to index
      %swap3A_61 = arith.constant 0 : index
      %swap3A_62 = vector.load %arg17[%swap3A_60, %swap3A_61] : memref<131072x128xbf16, #tpu.memory_space<vmem>>, vector<4096x128xbf16>
      tpu.vector_store %arg17[%swap3A_60, %swap3A_61], %convert_element_type3A_57 {strides = array<i32>} : memref<131072x128xbf16, #tpu.memory_space<vmem>>, vector<4096x128xbf16>,
    } else {
    }
    %ge3A_8 = arith.constant 64 : i32
    %ge3A_9 = arith.cmpi sge, %arg0, %ge3A_8 : i32
    %lt3A_10 = arith.constant 68 : i32
    %lt3A_11 = arith.cmpi slt, %arg0, %lt3A_10 : i32
    %and3A_12 = arith.andi %ge3A_9, %lt3A_11 : i1
    %convert_element_type3A_13 = arith.extui %and3A_12 : i1 to i32
    %cond3A_14 = arith.constant 0 : i32
    %cond3A_15 = arith.cmpi ne, %convert_element_type3A_13, %cond3A_14 : i32
    scf.if %cond3A_15 {
      %sub3A = arith.constant 64 : i32
      %sub3A_21 = arith.subi %arg0, %sub3A : i32
      %eq3A = arith.constant 64 : i32
      %eq3A_22 = arith.cmpi eq, %arg0, %eq3A : i32
      %convert_element_type3A_23 = arith.extui %eq3A_22 : i1 to i32
      %cond3A_24 = arith.constant 0 : i32
      %cond3A_25 = arith.cmpi ne, %convert_element_type3A_23, %cond3A_24 : i32
      scf.if %cond3A_25 {
        %get3A_1127 = arith.constant 0 : index
        %get3A_1128 = arith.constant 0 : index
        %get3A_1129 = vector.load %arg7[%get3A_1127, %get3A_1128] : memref<1x64xf32, #tpu.memory_space<vmem>>, vector<1x64xf32>
        %get3A_1130 = arith.constant 0 : index
        %get3A_1131 = arith.constant 0 : index
        %get3A_1132 = vector.load %arg8[%get3A_1130, %get3A_1131] : memref<1x64xf32, #tpu.memory_space<vmem>>, vector<1x64xf32>
        %get3A_1133 = arith.constant 0 : index
        %get3A_1134 = arith.constant 0 : index
        %get3A_1135 = vector.load %arg20[%get3A_1133, %get3A_1134] : memref<2x128xf32, #tpu.memory_space<vmem>>, vector<2x128xf32>
        %get3A_1136 = arith.constant 0 : index
        %get3A_1137 = arith.constant 0 : index
        %get3A_1138 = vector.load %arg12[%get3A_1136, %get3A_1137] : memref<128x64xf32, #tpu.memory_space<vmem>>, vector<128x64xf32>
        %dot_general3A_1139 = arith.constant dense<0.000000e+00> : vector<2x64xf32>
        %dot_general3A_1140 = tpu.matmul %get3A_1135, %get3A_1138, %dot_general3A_1139 {dimension_numbers = #tpu.dot_dimension_numbers<[1], [0], [0], [1], [0, 0, 1, 1], [], []>, transpose_lhs_hint = false} : vector<2x128xf32>, vector<128x64xf32>, vector<2x64xf32> -> vector<2x64xf32>
        %slice3A = vector.extract_strided_slice %dot_general3A_1140 {offsets = [0, 0], sizes = [1, 64], strides = [1, 1]} : vector<2x64xf32> to vector<1x64xf32>
        %div3A = arith.constant 2.621440e+05 : f32
        %div3A_1141 = vector.broadcast %div3A : f32 to vector<1x64xf32>
        %div3A_1142 = arith.divf %slice3A, %div3A_1141 : vector<1x64xf32>
        %slice3A_1143 = vector.extract_strided_slice %dot_general3A_1140 {offsets = [1, 0], sizes = [1, 64], strides = [1, 1]} : vector<2x64xf32> to vector<1x64xf32>
        %div3A_1144 = arith.constant 2.621440e+05 : f32
        %div3A_1145 = vector.broadcast %div3A_1144 : f32 to vector<1x64xf32>
        %div3A_1146 = arith.divf %slice3A_1143, %div3A_1145 : vector<1x64xf32>
        %mul3A_1147 = arith.mulf %div3A_1142, %div3A_1142 : vector<1x64xf32>
        %sub3A_1148 = arith.subf %div3A_1146, %mul3A_1147 : vector<1x64xf32>
        %add3A_1149 = arith.constant 9.99999974E-6 : f32
        %add3A_1150 = vector.broadcast %add3A_1149 : f32 to vector<1x64xf32>
        %add3A_1151 = arith.addf %sub3A_1148, %add3A_1150 : vector<1x64xf32>
        %sqrt3A = math.sqrt %add3A_1151 : vector<1x64xf32>
        %div3A_1152 = arith.divf %get3A_1129, %sqrt3A : vector<1x64xf32>
        %mul3A_1153 = arith.mulf %div3A_1152, %div3A_1142 : vector<1x64xf32>
        %sub3A_1154 = arith.subf %get3A_1132, %mul3A_1153 : vector<1x64xf32>
        %concatenate3A_1155 = tpu.concatenate %div3A_1152, %sub3A_1154 in 0 : vector<1x64xf32>, vector<1x64xf32> -> vector<2x64xf32>
        %get3A_1156 = arith.constant 0 : index
        %get3A_1157 = arith.constant 0 : index
        %get3A_1158 = vector.load %arg13[%get3A_1156, %get3A_1157] : memref<64x128xf32, #tpu.memory_space<vmem>>, vector<64x128xf32>
        %dot_general3A_1159 = arith.constant dense<0.000000e+00> : vector<2x128xf32>
        %dot_general3A_1160 = tpu.matmul %concatenate3A_1155, %get3A_1158, %dot_general3A_1159 {dimension_numbers = #tpu.dot_dimension_numbers<[1], [0], [0], [1], [0, 0, 1, 1], [], []>, transpose_lhs_hint = false} : vector<2x64xf32>, vector<64x128xf32>, vector<2x128xf32> -> vector<2x128xf32>
        %swap3A_1161 = arith.constant 0 : index
        %swap3A_1162 = arith.constant 0 : index
        %swap3A_1163 = vector.load %arg23[%swap3A_1161, %swap3A_1162] : memref<2x128xf32, #tpu.memory_space<vmem>>, vector<2x128xf32>
        tpu.vector_store %arg23[%swap3A_1161, %swap3A_1162], %dot_general3A_1160 {strides = array<i32>} : memref<2x128xf32, #tpu.memory_space<vmem>>, vector<2x128xf32>,
        %broadcast_in_dim3A_1164 = arith.constant 0.000000e+00 : f32
        %broadcast_in_dim3A_1165 = vector.broadcast %broadcast_in_dim3A_1164 : f32 to vector<2x256xf32>
        %swap3A_1166 = arith.constant 0 : index
        %swap3A_1167 = arith.constant 0 : index
        %swap3A_1168 = vector.load %arg21[%swap3A_1166, %swap3A_1167] : memref<2x256xf32, #tpu.memory_space<vmem>>, vector<2x256xf32>
        tpu.vector_store %arg21[%swap3A_1166, %swap3A_1167], %broadcast_in_dim3A_1165 {strides = array<i32>} : memref<2x256xf32, #tpu.memory_space<vmem>>, vector<2x256xf32>,
      } else {
      }
      %broadcast_in_dim3A = arith.constant 0.000000e+00 : f32
      %broadcast_in_dim3A_26 = vector.broadcast %broadcast_in_dim3A : f32 to vector<1x256xf32>
      %broadcast_in_dim3A_27 = arith.constant 0.000000e+00 : f32
      %broadcast_in_dim3A_28 = vector.broadcast %broadcast_in_dim3A_27 : f32 to vector<1x256xf32>
      %broadcast_in_dim3A_29 = arith.constant 0xFF800000 : f32
      %broadcast_in_dim3A_30 = vector.broadcast %broadcast_in_dim3A_29 : f32 to vector<1024x256xf32>
      %broadcast_in_dim3A_31 = arith.constant 1.000000e+00 : f32
      %broadcast_in_dim3A_32 = vector.broadcast %broadcast_in_dim3A_31 : f32 to vector<1x1024xf32>
      %mul3A = arith.constant 1024 : i32
      %mul3A_33 = arith.muli %sub3A_21, %mul3A : i32
      %add3A = arith.constant 0 : i32
      %add3A_34 = arith.addi %add3A, %mul3A_33 : i32
      %get3A = arith.index_cast %add3A_34 : i32 to index
      %get3A_35 = arith.constant 0 : index
      %get3A_36 = vector.load %arg17[%get3A, %get3A_35] : memref<131072x128xbf16, #tpu.memory_space<vmem>>, vector<1024x128xbf16>
      %convert_element_type3A_37 = arith.extf %get3A_36 : vector<1024x128xbf16> to vector<1024x128xf32>
      %get3A_38 = arith.constant 0 : index
      %get3A_39 = arith.constant 0 : index
      %get3A_40 = vector.load %arg23[%get3A_38, %get3A_39] : memref<2x128xf32, #tpu.memory_space<vmem>>, vector<1x128xf32>
      %mul3A_41 = vector.broadcast %get3A_40 : vector<1x128xf32> to vector<1024x128xf32>
      %mul3A_42 = arith.mulf %convert_element_type3A_37, %mul3A_41 : vector<1024x128xf32>
      %get3A_43 = arith.constant 1 : index
      %get3A_44 = arith.constant 0 : index
      %get3A_45 = vector.load %arg23[%get3A_43, %get3A_44] : memref<2x128xf32, #tpu.memory_space<vmem>>, vector<1x128xf32>
      %add3A_46 = vector.broadcast %get3A_45 : vector<1x128xf32> to vector<1024x128xf32>
      %add3A_47 = arith.addf %mul3A_42, %add3A_46 : vector<1024x128xf32>
      %max3A = arith.constant 0.000000e+00 : f32
      %max3A_48 = vector.broadcast %max3A : f32 to vector<1024x128xf32>
      %max3A_49 = arith.maximumf %add3A_47, %max3A_48 : vector<1024x128xf32>
      %get3A_50 = arith.constant 0 : index
      %get3A_51 = arith.constant 0 : index
      %get3A_52 = vector.load %arg9[%get3A_50, %get3A_51] : memref<128x256xf32, #tpu.memory_space<vmem>>, vector<128x256xf32>
      %dot_general3A = arith.constant dense<0.000000e+00> : vector<1024x256xf32>
      %dot_general3A_53 = tpu.matmul %max3A_49, %get3A_52, %dot_general3A {dimension_numbers = #tpu.dot_dimension_numbers<[1], [0], [0], [1], [0, 0, 1, 1], [], []>, transpose_lhs_hint = false} : vector<1024x128xf32>, vector<128x256xf32>, vector<1024x256xf32> -> vector<1024x256xf32>
      %dot_general3A_54 = arith.constant dense<0.000000e+00> : vector<1x256xf32>
      %dot_general3A_55 = tpu.matmul %broadcast_in_dim3A_32, %dot_general3A_53, %dot_general3A_54 {dimension_numbers = #tpu.dot_dimension_numbers<[1], [0], [0], [1], [0, 0, 1, 1], [], []>, transpose_lhs_hint = false} : vector<1x1024xf32>, vector<1024x256xf32>, vector<1x256xf32> -> vector<1x256xf32>
      %add3A_56 = arith.addf %broadcast_in_dim3A_26, %dot_general3A_55 : vector<1x256xf32>
      %mul3A_57 = arith.mulf %dot_general3A_53, %dot_general3A_53 : vector<1024x256xf32>
      %dot_general3A_58 = arith.constant dense<0.000000e+00> : vector<1x256xf32>
      %dot_general3A_59 = tpu.matmul %broadcast_in_dim3A_32, %mul3A_57, %dot_general3A_58 {dimension_numbers = #tpu.dot_dimension_numbers<[1], [0], [0], [1], [0, 0, 1, 1], [], []>, transpose_lhs_hint = false} : vector<1x1024xf32>, vector<1024x256xf32>, vector<1x256xf32> -> vector<1x256xf32>
      %add3A_60 = arith.addf %broadcast_in_dim3A_28, %dot_general3A_59 : vector<1x256xf32>
      %max3A_61 = arith.maximumf %broadcast_in_dim3A_30, %dot_general3A_53 : vector<1024x256xf32>
      %mul3A_62 = arith.constant 1024 : i32
      %mul3A_63 = arith.muli %sub3A_21, %mul3A_62 : i32
      %add3A_64 = arith.constant 4096 : i32
      %add3A_65 = arith.addi %add3A_64, %mul3A_63 : i32
      %get3A_66 = arith.index_cast %add3A_65 : i32 to index
      %get3A_67 = arith.constant 0 : index
      %get3A_68 = vector.load %arg17[%get3A_66, %get3A_67] : memref<131072x128xbf16, #tpu.memory_space<vmem>>, vector<1024x128xbf16>
      %convert_element_type3A_69 = arith.extf %get3A_68 : vector<1024x128xbf16> to vector<1024x128xf32>
      %get3A_70 = arith.constant 0 : index
      %get3A_71 = arith.constant 0 : index
      %get3A_72 = vector.load %arg23[%get3A_70, %get3A_71] : memref<2x128xf32, #tpu.memory_space<vmem>>, vector<1x128xf32>
      %mul3A_73 = vector.broadcast %get3A_72 : vector<1x128xf32> to vector<1024x128xf32>
      %mul3A_74 = arith.mulf %convert_element_type3A_69, %mul3A_73 : vector<1024x128xf32>
      %get3A_75 = arith.constant 1 : index
      %get3A_76 = arith.constant 0 : index
      %get3A_77 = vector.load %arg23[%get3A_75, %get3A_76] : memref<2x128xf32, #tpu.memory_space<vmem>>, vector<1x128xf32>
      %add3A_78 = vector.broadcast %get3A_77 : vector<1x128xf32> to vector<1024x128xf32>
      %add3A_79 = arith.addf %mul3A_74, %add3A_78 : vector<1024x128xf32>
      %max3A_80 = arith.constant 0.000000e+00 : f32
      %max3A_81 = vector.broadcast %max3A_80 : f32 to vector<1024x128xf32>
      %max3A_82 = arith.maximumf %add3A_79, %max3A_81 : vector<1024x128xf32>
      %get3A_83 = arith.constant 0 : index
      %get3A_84 = arith.constant 0 : index
      %get3A_85 = vector.load %arg9[%get3A_83, %get3A_84] : memref<128x256xf32, #tpu.memory_space<vmem>>, vector<128x256xf32>
      %dot_general3A_86 = arith.constant dense<0.000000e+00> : vector<1024x256xf32>
      %dot_general3A_87 = tpu.matmul %max3A_82, %get3A_85, %dot_general3A_86 {dimension_numbers = #tpu.dot_dimension_numbers<[1], [0], [0], [1], [0, 0, 1, 1], [], []>, transpose_lhs_hint = false} : vector<1024x128xf32>, vector<128x256xf32>, vector<1024x256xf32> -> vector<1024x256xf32>
      %dot_general3A_88 = arith.constant dense<0.000000e+00> : vector<1x256xf32>
      %dot_general3A_89 = tpu.matmul %broadcast_in_dim3A_32, %dot_general3A_87, %dot_general3A_88 {dimension_numbers = #tpu.dot_dimension_numbers<[1], [0], [0], [1], [0, 0, 1, 1], [], []>, transpose_lhs_hint = false} : vector<1x1024xf32>, vector<1024x256xf32>, vector<1x256xf32> -> vector<1x256xf32>
      %add3A_90 = arith.addf %add3A_56, %dot_general3A_89 : vector<1x256xf32>
      %mul3A_91 = arith.mulf %dot_general3A_87, %dot_general3A_87 : vector<1024x256xf32>
      %dot_general3A_92 = arith.constant dense<0.000000e+00> : vector<1x256xf32>
      %dot_general3A_93 = tpu.matmul %broadcast_in_dim3A_32, %mul3A_91, %dot_general3A_92 {dimension_numbers = #tpu.dot_dimension_numbers<[1], [0], [0], [1], [0, 0, 1, 1], [], []>, transpose_lhs_hint = false} : vector<1x1024xf32>, vector<1024x256xf32>, vector<1x256xf32> -> vector<1x256xf32>
      %add3A_94 = arith.addf %add3A_60, %dot_general3A_93 : vector<1x256xf32>
      %max3A_95 = arith.maximumf %max3A_61, %dot_general3A_87 : vector<1024x256xf32>
      %mul3A_96 = arith.constant 1024 : i32
      %mul3A_97 = arith.muli %sub3A_21, %mul3A_96 : i32
      %add3A_98 = arith.constant 8192 : i32
      %add3A_99 = arith.addi %add3A_98, %mul3A_97 : i32
      %get3A_100 = arith.index_cast %add3A_99 : i32 to index
      %get3A_101 = arith.constant 0 : index
      %get3A_102 = vector.load %arg17[%get3A_100, %get3A_101] : memref<131072x128xbf16, #tpu.memory_space<vmem>>, vector<1024x128xbf16>
      %convert_element_type3A_103 = arith.extf %get3A_102 : vector<1024x128xbf16> to vector<1024x128xf32>
      %get3A_104 = arith.constant 0 : index
      %get3A_105 = arith.constant 0 : index
      %get3A_106 = vector.load %arg23[%get3A_104, %get3A_105] : memref<2x128xf32, #tpu.memory_space<vmem>>, vector<1x128xf32>
      %mul3A_107 = vector.broadcast %get3A_106 : vector<1x128xf32> to vector<1024x128xf32>
      %mul3A_108 = arith.mulf %convert_element_type3A_103, %mul3A_107 : vector<1024x128xf32>
      %get3A_109 = arith.constant 1 : index
      %get3A_110 = arith.constant 0 : index
      %get3A_111 = vector.load %arg23[%get3A_109, %get3A_110] : memref<2x128xf32, #tpu.memory_space<vmem>>, vector<1x128xf32>
      %add3A_112 = vector.broadcast %get3A_111 : vector<1x128xf32> to vector<1024x128xf32>
      %add3A_113 = arith.addf %mul3A_108, %add3A_112 : vector<1024x128xf32>
      %max3A_114 = arith.constant 0.000000e+00 : f32
      %max3A_115 = vector.broadcast %max3A_114 : f32 to vector<1024x128xf32>
      %max3A_116 = arith.maximumf %add3A_113, %max3A_115 : vector<1024x128xf32>
      %get3A_117 = arith.constant 0 : index
      %get3A_118 = arith.constant 0 : index
      %get3A_119 = vector.load %arg9[%get3A_117, %get3A_118] : memref<128x256xf32, #tpu.memory_space<vmem>>, vector<128x256xf32>
      %dot_general3A_120 = arith.constant dense<0.000000e+00> : vector<1024x256xf32>
      %dot_general3A_121 = tpu.matmul %max3A_116, %get3A_119, %dot_general3A_120 {dimension_numbers = #tpu.dot_dimension_numbers<[1], [0], [0], [1], [0, 0, 1, 1], [], []>, transpose_lhs_hint = false} : vector<1024x128xf32>, vector<128x256xf32>, vector<1024x256xf32> -> vector<1024x256xf32>
      %dot_general3A_122 = arith.constant dense<0.000000e+00> : vector<1x256xf32>
      %dot_general3A_123 = tpu.matmul %broadcast_in_dim3A_32, %dot_general3A_121, %dot_general3A_122 {dimension_numbers = #tpu.dot_dimension_numbers<[1], [0], [0], [1], [0, 0, 1, 1], [], []>, transpose_lhs_hint = false} : vector<1x1024xf32>, vector<1024x256xf32>, vector<1x256xf32> -> vector<1x256xf32>
      %add3A_124 = arith.addf %add3A_90, %dot_general3A_123 : vector<1x256xf32>
      %mul3A_125 = arith.mulf %dot_general3A_121, %dot_general3A_121 : vector<1024x256xf32>
      %dot_general3A_126 = arith.constant dense<0.000000e+00> : vector<1x256xf32>
      %dot_general3A_127 = tpu.matmul %broadcast_in_dim3A_32, %mul3A_125, %dot_general3A_126 {dimension_numbers = #tpu.dot_dimension_numbers<[1], [0], [0], [1], [0, 0, 1, 1], [], []>, transpose_lhs_hint = false} : vector<1x1024xf32>, vector<1024x256xf32>, vector<1x256xf32> -> vector<1x256xf32>
      %add3A_128 = arith.addf %add3A_94, %dot_general3A_127 : vector<1x256xf32>
      %max3A_129 = arith.maximumf %max3A_95, %dot_general3A_121 : vector<1024x256xf32>
      %mul3A_130 = arith.constant 1024 : i32
      %mul3A_131 = arith.muli %sub3A_21, %mul3A_130 : i32
      %add3A_132 = arith.constant 12288 : i32
      %add3A_133 = arith.addi %add3A_132, %mul3A_131 : i32
      %get3A_134 = arith.index_cast %add3A_133 : i32 to index
      %get3A_135 = arith.constant 0 : index
      %get3A_136 = vector.load %arg17[%get3A_134, %get3A_135] : memref<131072x128xbf16, #tpu.memory_space<vmem>>, vector<1024x128xbf16>
      %convert_element_type3A_137 = arith.extf %get3A_136 : vector<1024x128xbf16> to vector<1024x128xf32>
      %get3A_138 = arith.constant 0 : index
      %get3A_139 = arith.constant 0 : index
      %get3A_140 = vector.load %arg23[%get3A_138, %get3A_139] : memref<2x128xf32, #tpu.memory_space<vmem>>, vector<1x128xf32>
      %mul3A_141 = vector.broadcast %get3A_140 : vector<1x128xf32> to vector<1024x128xf32>
      %mul3A_142 = arith.mulf %convert_element_type3A_137, %mul3A_141 : vector<1024x128xf32>
      %get3A_143 = arith.constant 1 : index
      %get3A_144 = arith.constant 0 : index
      %get3A_145 = vector.load %arg23[%get3A_143, %get3A_144] : memref<2x128xf32, #tpu.memory_space<vmem>>, vector<1x128xf32>
      %add3A_146 = vector.broadcast %get3A_145 : vector<1x128xf32> to vector<1024x128xf32>
      %add3A_147 = arith.addf %mul3A_142, %add3A_146 : vector<1024x128xf32>
      %max3A_148 = arith.constant 0.000000e+00 : f32
      %max3A_149 = vector.broadcast %max3A_148 : f32 to vector<1024x128xf32>
      %max3A_150 = arith.maximumf %add3A_147, %max3A_149 : vector<1024x128xf32>
      %get3A_151 = arith.constant 0 : index
      %get3A_152 = arith.constant 0 : index
      %get3A_153 = vector.load %arg9[%get3A_151, %get3A_152] : memref<128x256xf32, #tpu.memory_space<vmem>>, vector<128x256xf32>
      %dot_general3A_154 = arith.constant dense<0.000000e+00> : vector<1024x256xf32>
      %dot_general3A_155 = tpu.matmul %max3A_150, %get3A_153, %dot_general3A_154 {dimension_numbers = #tpu.dot_dimension_numbers<[1], [0], [0], [1], [0, 0, 1, 1], [], []>, transpose_lhs_hint = false} : vector<1024x128xf32>, vector<128x256xf32>, vector<1024x256xf32> -> vector<1024x256xf32>
      %dot_general3A_156 = arith.constant dense<0.000000e+00> : vector<1x256xf32>
      %dot_general3A_157 = tpu.matmul %broadcast_in_dim3A_32, %dot_general3A_155, %dot_general3A_156 {dimension_numbers = #tpu.dot_dimension_numbers<[1], [0], [0], [1], [0, 0, 1, 1], [], []>, transpose_lhs_hint = false} : vector<1x1024xf32>, vector<1024x256xf32>, vector<1x256xf32> -> vector<1x256xf32>
      %add3A_158 = arith.addf %add3A_124, %dot_general3A_157 : vector<1x256xf32>
      %mul3A_159 = arith.mulf %dot_general3A_155, %dot_general3A_155 : vector<1024x256xf32>
      %dot_general3A_160 = arith.constant dense<0.000000e+00> : vector<1x256xf32>
      %dot_general3A_161 = tpu.matmul %broadcast_in_dim3A_32, %mul3A_159, %dot_general3A_160 {dimension_numbers = #tpu.dot_dimension_numbers<[1], [0], [0], [1], [0, 0, 1, 1], [], []>, transpose_lhs_hint = false} : vector<1x1024xf32>, vector<1024x256xf32>, vector<1x256xf32> -> vector<1x256xf32>
      %add3A_162 = arith.addf %add3A_128, %dot_general3A_161 : vector<1x256xf32>
      %max3A_163 = arith.maximumf %max3A_129, %dot_general3A_155 : vector<1024x256xf32>
      %mul3A_164 = arith.constant 1024 : i32
      %mul3A_165 = arith.muli %sub3A_21, %mul3A_164 : i32
      %add3A_166 = arith.constant 16384 : i32
      %add3A_167 = arith.addi %add3A_166, %mul3A_165 : i32
      %get3A_168 = arith.index_cast %add3A_167 : i32 to index
      %get3A_169 = arith.constant 0 : index
      %get3A_170 = vector.load %arg17[%get3A_168, %get3A_169] : memref<131072x128xbf16, #tpu.memory_space<vmem>>, vector<1024x128xbf16>
      %convert_element_type3A_171 = arith.extf %get3A_170 : vector<1024x128xbf16> to vector<1024x128xf32>
      %get3A_172 = arith.constant 0 : index
      %get3A_173 = arith.constant 0 : index
      %get3A_174 = vector.load %arg23[%get3A_172, %get3A_173] : memref<2x128xf32, #tpu.memory_space<vmem>>, vector<1x128xf32>
      %mul3A_175 = vector.broadcast %get3A_174 : vector<1x128xf32> to vector<1024x128xf32>
      %mul3A_176 = arith.mulf %convert_element_type3A_171, %mul3A_175 : vector<1024x128xf32>
      %get3A_177 = arith.constant 1 : index
      %get3A_178 = arith.constant 0 : index
      %get3A_179 = vector.load %arg23[%get3A_177, %get3A_178] : memref<2x128xf32, #tpu.memory_space<vmem>>, vector<1x128xf32>
      %add3A_180 = vector.broadcast %get3A_179 : vector<1x128xf32> to vector<1024x128xf32>
      %add3A_181 = arith.addf %mul3A_176, %add3A_180 : vector<1024x128xf32>
      %max3A_182 = arith.constant 0.000000e+00 : f32
      %max3A_183 = vector.broadcast %max3A_182 : f32 to vector<1024x128xf32>
      %max3A_184 = arith.maximumf %add3A_181, %max3A_183 : vector<1024x128xf32>
      %get3A_185 = arith.constant 0 : index
      %get3A_186 = arith.constant 0 : index
      %get3A_187 = vector.load %arg9[%get3A_185, %get3A_186] : memref<128x256xf32, #tpu.memory_space<vmem>>, vector<128x256xf32>
      %dot_general3A_188 = arith.constant dense<0.000000e+00> : vector<1024x256xf32>
      %dot_general3A_189 = tpu.matmul %max3A_184, %get3A_187, %dot_general3A_188 {dimension_numbers = #tpu.dot_dimension_numbers<[1], [0], [0], [1], [0, 0, 1, 1], [], []>, transpose_lhs_hint = false} : vector<1024x128xf32>, vector<128x256xf32>, vector<1024x256xf32> -> vector<1024x256xf32>
      %dot_general3A_190 = arith.constant dense<0.000000e+00> : vector<1x256xf32>
      %dot_general3A_191 = tpu.matmul %broadcast_in_dim3A_32, %dot_general3A_189, %dot_general3A_190 {dimension_numbers = #tpu.dot_dimension_numbers<[1], [0], [0], [1], [0, 0, 1, 1], [], []>, transpose_lhs_hint = false} : vector<1x1024xf32>, vector<1024x256xf32>, vector<1x256xf32> -> vector<1x256xf32>
      %add3A_192 = arith.addf %add3A_158, %dot_general3A_191 : vector<1x256xf32>
      %mul3A_193 = arith.mulf %dot_general3A_189, %dot_general3A_189 : vector<1024x256xf32>
      %dot_general3A_194 = arith.constant dense<0.000000e+00> : vector<1x256xf32>
      %dot_general3A_195 = tpu.matmul %broadcast_in_dim3A_32, %mul3A_193, %dot_general3A_194 {dimension_numbers = #tpu.dot_dimension_numbers<[1], [0], [0], [1], [0, 0, 1, 1], [], []>, transpose_lhs_hint = false} : vector<1x1024xf32>, vector<1024x256xf32>, vector<1x256xf32> -> vector<1x256xf32>
      %add3A_196 = arith.addf %add3A_162, %dot_general3A_195 : vector<1x256xf32>
      %max3A_197 = arith.maximumf %max3A_163, %dot_general3A_189 : vector<1024x256xf32>
      %mul3A_198 = arith.constant 1024 : i32
      %mul3A_199 = arith.muli %sub3A_21, %mul3A_198 : i32
      %add3A_200 = arith.constant 20480 : i32
      %add3A_201 = arith.addi %add3A_200, %mul3A_199 : i32
      %get3A_202 = arith.index_cast %add3A_201 : i32 to index
      %get3A_203 = arith.constant 0 : index
      %get3A_204 = vector.load %arg17[%get3A_202, %get3A_203] : memref<131072x128xbf16, #tpu.memory_space<vmem>>, vector<1024x128xbf16>
      %convert_element_type3A_205 = arith.extf %get3A_204 : vector<1024x128xbf16> to vector<1024x128xf32>
      %get3A_206 = arith.constant 0 : index
      %get3A_207 = arith.constant 0 : index
      %get3A_208 = vector.load %arg23[%get3A_206, %get3A_207] : memref<2x128xf32, #tpu.memory_space<vmem>>, vector<1x128xf32>
      %mul3A_209 = vector.broadcast %get3A_208 : vector<1x128xf32> to vector<1024x128xf32>
      %mul3A_210 = arith.mulf %convert_element_type3A_205, %mul3A_209 : vector<1024x128xf32>
      %get3A_211 = arith.constant 1 : index
      %get3A_212 = arith.constant 0 : index
      %get3A_213 = vector.load %arg23[%get3A_211, %get3A_212] : memref<2x128xf32, #tpu.memory_space<vmem>>, vector<1x128xf32>
      %add3A_214 = vector.broadcast %get3A_213 : vector<1x128xf32> to vector<1024x128xf32>
      %add3A_215 = arith.addf %mul3A_210, %add3A_214 : vector<1024x128xf32>
      %max3A_216 = arith.constant 0.000000e+00 : f32
      %max3A_217 = vector.broadcast %max3A_216 : f32 to vector<1024x128xf32>
      %max3A_218 = arith.maximumf %add3A_215, %max3A_217 : vector<1024x128xf32>
      %get3A_219 = arith.constant 0 : index
      %get3A_220 = arith.constant 0 : index
      %get3A_221 = vector.load %arg9[%get3A_219, %get3A_220] : memref<128x256xf32, #tpu.memory_space<vmem>>, vector<128x256xf32>
      %dot_general3A_222 = arith.constant dense<0.000000e+00> : vector<1024x256xf32>
      %dot_general3A_223 = tpu.matmul %max3A_218, %get3A_221, %dot_general3A_222 {dimension_numbers = #tpu.dot_dimension_numbers<[1], [0], [0], [1], [0, 0, 1, 1], [], []>, transpose_lhs_hint = false} : vector<1024x128xf32>, vector<128x256xf32>, vector<1024x256xf32> -> vector<1024x256xf32>
      %dot_general3A_224 = arith.constant dense<0.000000e+00> : vector<1x256xf32>
      %dot_general3A_225 = tpu.matmul %broadcast_in_dim3A_32, %dot_general3A_223, %dot_general3A_224 {dimension_numbers = #tpu.dot_dimension_numbers<[1], [0], [0], [1], [0, 0, 1, 1], [], []>, transpose_lhs_hint = false} : vector<1x1024xf32>, vector<1024x256xf32>, vector<1x256xf32> -> vector<1x256xf32>
      %add3A_226 = arith.addf %add3A_192, %dot_general3A_225 : vector<1x256xf32>
      %mul3A_227 = arith.mulf %dot_general3A_223, %dot_general3A_223 : vector<1024x256xf32>
      %dot_general3A_228 = arith.constant dense<0.000000e+00> : vector<1x256xf32>
      %dot_general3A_229 = tpu.matmul %broadcast_in_dim3A_32, %mul3A_227, %dot_general3A_228 {dimension_numbers = #tpu.dot_dimension_numbers<[1], [0], [0], [1], [0, 0, 1, 1], [], []>, transpose_lhs_hint = false} : vector<1x1024xf32>, vector<1024x256xf32>, vector<1x256xf32> -> vector<1x256xf32>
      %add3A_230 = arith.addf %add3A_196, %dot_general3A_229 : vector<1x256xf32>
      %max3A_231 = arith.maximumf %max3A_197, %dot_general3A_223 : vector<1024x256xf32>
      %mul3A_232 = arith.constant 1024 : i32
      %mul3A_233 = arith.muli %sub3A_21, %mul3A_232 : i32
      %add3A_234 = arith.constant 24576 : i32
      %add3A_235 = arith.addi %add3A_234, %mul3A_233 : i32
      %get3A_236 = arith.index_cast %add3A_235 : i32 to index
      %get3A_237 = arith.constant 0 : index
      %get3A_238 = vector.load %arg17[%get3A_236, %get3A_237] : memref<131072x128xbf16, #tpu.memory_space<vmem>>, vector<1024x128xbf16>
      %convert_element_type3A_239 = arith.extf %get3A_238 : vector<1024x128xbf16> to vector<1024x128xf32>
      %get3A_240 = arith.constant 0 : index
      %get3A_241 = arith.constant 0 : index
      %get3A_242 = vector.load %arg23[%get3A_240, %get3A_241] : memref<2x128xf32, #tpu.memory_space<vmem>>, vector<1x128xf32>
      %mul3A_243 = vector.broadcast %get3A_242 : vector<1x128xf32> to vector<1024x128xf32>
      %mul3A_244 = arith.mulf %convert_element_type3A_239, %mul3A_243 : vector<1024x128xf32>
      %get3A_245 = arith.constant 1 : index
      %get3A_246 = arith.constant 0 : index
      %get3A_247 = vector.load %arg23[%get3A_245, %get3A_246] : memref<2x128xf32, #tpu.memory_space<vmem>>, vector<1x128xf32>
      %add3A_248 = vector.broadcast %get3A_247 : vector<1x128xf32> to vector<1024x128xf32>
      %add3A_249 = arith.addf %mul3A_244, %add3A_248 : vector<1024x128xf32>
      %max3A_250 = arith.constant 0.000000e+00 : f32
      %max3A_251 = vector.broadcast %max3A_250 : f32 to vector<1024x128xf32>
      %max3A_252 = arith.maximumf %add3A_249, %max3A_251 : vector<1024x128xf32>
      %get3A_253 = arith.constant 0 : index
      %get3A_254 = arith.constant 0 : index
      %get3A_255 = vector.load %arg9[%get3A_253, %get3A_254] : memref<128x256xf32, #tpu.memory_space<vmem>>, vector<128x256xf32>
      %dot_general3A_256 = arith.constant dense<0.000000e+00> : vector<1024x256xf32>
      %dot_general3A_257 = tpu.matmul %max3A_252, %get3A_255, %dot_general3A_256 {dimension_numbers = #tpu.dot_dimension_numbers<[1], [0], [0], [1], [0, 0, 1, 1], [], []>, transpose_lhs_hint = false} : vector<1024x128xf32>, vector<128x256xf32>, vector<1024x256xf32> -> vector<1024x256xf32>
      %dot_general3A_258 = arith.constant dense<0.000000e+00> : vector<1x256xf32>
      %dot_general3A_259 = tpu.matmul %broadcast_in_dim3A_32, %dot_general3A_257, %dot_general3A_258 {dimension_numbers = #tpu.dot_dimension_numbers<[1], [0], [0], [1], [0, 0, 1, 1], [], []>, transpose_lhs_hint = false} : vector<1x1024xf32>, vector<1024x256xf32>, vector<1x256xf32> -> vector<1x256xf32>
      %add3A_260 = arith.addf %add3A_226, %dot_general3A_259 : vector<1x256xf32>
      %mul3A_261 = arith.mulf %dot_general3A_257, %dot_general3A_257 : vector<1024x256xf32>
      %dot_general3A_262 = arith.constant dense<0.000000e+00> : vector<1x256xf32>
      %dot_general3A_263 = tpu.matmul %broadcast_in_dim3A_32, %mul3A_261, %dot_general3A_262 {dimension_numbers = #tpu.dot_dimension_numbers<[1], [0], [0], [1], [0, 0, 1, 1], [], []>, transpose_lhs_hint = false} : vector<1x1024xf32>, vector<1024x256xf32>, vector<1x256xf32> -> vector<1x256xf32>
      %add3A_264 = arith.addf %add3A_230, %dot_general3A_263 : vector<1x256xf32>
      %max3A_265 = arith.maximumf %max3A_231, %dot_general3A_257 : vector<1024x256xf32>
      %mul3A_266 = arith.constant 1024 : i32
      %mul3A_267 = arith.muli %sub3A_21, %mul3A_266 : i32
      %add3A_268 = arith.constant 28672 : i32
      %add3A_269 = arith.addi %add3A_268, %mul3A_267 : i32
      %get3A_270 = arith.index_cast %add3A_269 : i32 to index
      %get3A_271 = arith.constant 0 : index
      %get3A_272 = vector.load %arg17[%get3A_270, %get3A_271] : memref<131072x128xbf16, #tpu.memory_space<vmem>>, vector<1024x128xbf16>
      %convert_element_type3A_273 = arith.extf %get3A_272 : vector<1024x128xbf16> to vector<1024x128xf32>
      %get3A_274 = arith.constant 0 : index
      %get3A_275 = arith.constant 0 : index
      %get3A_276 = vector.load %arg23[%get3A_274, %get3A_275] : memref<2x128xf32, #tpu.memory_space<vmem>>, vector<1x128xf32>
      %mul3A_277 = vector.broadcast %get3A_276 : vector<1x128xf32> to vector<1024x128xf32>
      %mul3A_278 = arith.mulf %convert_element_type3A_273, %mul3A_277 : vector<1024x128xf32>
      %get3A_279 = arith.constant 1 : index
      %get3A_280 = arith.constant 0 : index
      %get3A_281 = vector.load %arg23[%get3A_279, %get3A_280] : memref<2x128xf32, #tpu.memory_space<vmem>>, vector<1x128xf32>
      %add3A_282 = vector.broadcast %get3A_281 : vector<1x128xf32> to vector<1024x128xf32>
      %add3A_283 = arith.addf %mul3A_278, %add3A_282 : vector<1024x128xf32>
      %max3A_284 = arith.constant 0.000000e+00 : f32
      %max3A_285 = vector.broadcast %max3A_284 : f32 to vector<1024x128xf32>
      %max3A_286 = arith.maximumf %add3A_283, %max3A_285 : vector<1024x128xf32>
      %get3A_287 = arith.constant 0 : index
      %get3A_288 = arith.constant 0 : index
      %get3A_289 = vector.load %arg9[%get3A_287, %get3A_288] : memref<128x256xf32, #tpu.memory_space<vmem>>, vector<128x256xf32>
      %dot_general3A_290 = arith.constant dense<0.000000e+00> : vector<1024x256xf32>
      %dot_general3A_291 = tpu.matmul %max3A_286, %get3A_289, %dot_general3A_290 {dimension_numbers = #tpu.dot_dimension_numbers<[1], [0], [0], [1], [0, 0, 1, 1], [], []>, transpose_lhs_hint = false} : vector<1024x128xf32>, vector<128x256xf32>, vector<1024x256xf32> -> vector<1024x256xf32>
      %dot_general3A_292 = arith.constant dense<0.000000e+00> : vector<1x256xf32>
      %dot_general3A_293 = tpu.matmul %broadcast_in_dim3A_32, %dot_general3A_291, %dot_general3A_292 {dimension_numbers = #tpu.dot_dimension_numbers<[1], [0], [0], [1], [0, 0, 1, 1], [], []>, transpose_lhs_hint = false} : vector<1x1024xf32>, vector<1024x256xf32>, vector<1x256xf32> -> vector<1x256xf32>
      %add3A_294 = arith.addf %add3A_260, %dot_general3A_293 : vector<1x256xf32>
      %mul3A_295 = arith.mulf %dot_general3A_291, %dot_general3A_291 : vector<1024x256xf32>
      %dot_general3A_296 = arith.constant dense<0.000000e+00> : vector<1x256xf32>
      %dot_general3A_297 = tpu.matmul %broadcast_in_dim3A_32, %mul3A_295, %dot_general3A_296 {dimension_numbers = #tpu.dot_dimension_numbers<[1], [0], [0], [1], [0, 0, 1, 1], [], []>, transpose_lhs_hint = false} : vector<1x1024xf32>, vector<1024x256xf32>, vector<1x256xf32> -> vector<1x256xf32>
      %add3A_298 = arith.addf %add3A_264, %dot_general3A_297 : vector<1x256xf32>
      %max3A_299 = arith.maximumf %max3A_265, %dot_general3A_291 : vector<1024x256xf32>
      %mul3A_300 = arith.constant 1024 : i32
      %mul3A_301 = arith.muli %sub3A_21, %mul3A_300 : i32
      %add3A_302 = arith.constant 32768 : i32
      %add3A_303 = arith.addi %add3A_302, %mul3A_301 : i32
      %get3A_304 = arith.index_cast %add3A_303 : i32 to index
      %get3A_305 = arith.constant 0 : index
      %get3A_306 = vector.load %arg17[%get3A_304, %get3A_305] : memref<131072x128xbf16, #tpu.memory_space<vmem>>, vector<1024x128xbf16>
      %convert_element_type3A_307 = arith.extf %get3A_306 : vector<1024x128xbf16> to vector<1024x128xf32>
      %get3A_308 = arith.constant 0 : index
      %get3A_309 = arith.constant 0 : index
      %get3A_310 = vector.load %arg23[%get3A_308, %get3A_309] : memref<2x128xf32, #tpu.memory_space<vmem>>, vector<1x128xf32>
      %mul3A_311 = vector.broadcast %get3A_310 : vector<1x128xf32> to vector<1024x128xf32>
      %mul3A_312 = arith.mulf %convert_element_type3A_307, %mul3A_311 : vector<1024x128xf32>
      %get3A_313 = arith.constant 1 : index
      %get3A_314 = arith.constant 0 : index
      %get3A_315 = vector.load %arg23[%get3A_313, %get3A_314] : memref<2x128xf32, #tpu.memory_space<vmem>>, vector<1x128xf32>
      %add3A_316 = vector.broadcast %get3A_315 : vector<1x128xf32> to vector<1024x128xf32>
      %add3A_317 = arith.addf %mul3A_312, %add3A_316 : vector<1024x128xf32>
      %max3A_318 = arith.constant 0.000000e+00 : f32
      %max3A_319 = vector.broadcast %max3A_318 : f32 to vector<1024x128xf32>
      %max3A_320 = arith.maximumf %add3A_317, %max3A_319 : vector<1024x128xf32>
      %get3A_321 = arith.constant 0 : index
      %get3A_322 = arith.constant 0 : index
      %get3A_323 = vector.load %arg9[%get3A_321, %get3A_322] : memref<128x256xf32, #tpu.memory_space<vmem>>, vector<128x256xf32>
      %dot_general3A_324 = arith.constant dense<0.000000e+00> : vector<1024x256xf32>
      %dot_general3A_325 = tpu.matmul %max3A_320, %get3A_323, %dot_general3A_324 {dimension_numbers = #tpu.dot_dimension_numbers<[1], [0], [0], [1], [0, 0, 1, 1], [], []>, transpose_lhs_hint = false} : vector<1024x128xf32>, vector<128x256xf32>, vector<1024x256xf32> -> vector<1024x256xf32>
      %dot_general3A_326 = arith.constant dense<0.000000e+00> : vector<1x256xf32>
      %dot_general3A_327 = tpu.matmul %broadcast_in_dim3A_32, %dot_general3A_325, %dot_general3A_326 {dimension_numbers = #tpu.dot_dimension_numbers<[1], [0], [0], [1], [0, 0, 1, 1], [], []>, transpose_lhs_hint = false} : vector<1x1024xf32>, vector<1024x256xf32>, vector<1x256xf32> -> vector<1x256xf32>
      %add3A_328 = arith.addf %add3A_294, %dot_general3A_327 : vector<1x256xf32>
      %mul3A_329 = arith.mulf %dot_general3A_325, %dot_general3A_325 : vector<1024x256xf32>
      %dot_general3A_330 = arith.constant dense<0.000000e+00> : vector<1x256xf32>
      %dot_general3A_331 = tpu.matmul %broadcast_in_dim3A_32, %mul3A_329, %dot_general3A_330 {dimension_numbers = #tpu.dot_dimension_numbers<[1], [0], [0], [1], [0, 0, 1, 1], [], []>, transpose_lhs_hint = false} : vector<1x1024xf32>, vector<1024x256xf32>, vector<1x256xf32> -> vector<1x256xf32>
      %add3A_332 = arith.addf %add3A_298, %dot_general3A_331 : vector<1x256xf32>
      %max3A_333 = arith.maximumf %max3A_299, %dot_general3A_325 : vector<1024x256xf32>
      %mul3A_334 = arith.constant 1024 : i32
      %mul3A_335 = arith.muli %sub3A_21, %mul3A_334 : i32
      %add3A_336 = arith.constant 36864 : i32
      %add3A_337 = arith.addi %add3A_336, %mul3A_335 : i32
      %get3A_338 = arith.index_cast %add3A_337 : i32 to index
      %get3A_339 = arith.constant 0 : index
      %get3A_340 = vector.load %arg17[%get3A_338, %get3A_339] : memref<131072x128xbf16, #tpu.memory_space<vmem>>, vector<1024x128xbf16>
      %convert_element_type3A_341 = arith.extf %get3A_340 : vector<1024x128xbf16> to vector<1024x128xf32>
      %get3A_342 = arith.constant 0 : index
      %get3A_343 = arith.constant 0 : index
      %get3A_344 = vector.load %arg23[%get3A_342, %get3A_343] : memref<2x128xf32, #tpu.memory_space<vmem>>, vector<1x128xf32>
      %mul3A_345 = vector.broadcast %get3A_344 : vector<1x128xf32> to vector<1024x128xf32>
      %mul3A_346 = arith.mulf %convert_element_type3A_341, %mul3A_345 : vector<1024x128xf32>
      %get3A_347 = arith.constant 1 : index
      %get3A_348 = arith.constant 0 : index
      %get3A_349 = vector.load %arg23[%get3A_347, %get3A_348] : memref<2x128xf32, #tpu.memory_space<vmem>>, vector<1x128xf32>
      %add3A_350 = vector.broadcast %get3A_349 : vector<1x128xf32> to vector<1024x128xf32>
      %add3A_351 = arith.addf %mul3A_346, %add3A_350 : vector<1024x128xf32>
      %max3A_352 = arith.constant 0.000000e+00 : f32
      %max3A_353 = vector.broadcast %max3A_352 : f32 to vector<1024x128xf32>
      %max3A_354 = arith.maximumf %add3A_351, %max3A_353 : vector<1024x128xf32>
      %get3A_355 = arith.constant 0 : index
      %get3A_356 = arith.constant 0 : index
      %get3A_357 = vector.load %arg9[%get3A_355, %get3A_356] : memref<128x256xf32, #tpu.memory_space<vmem>>, vector<128x256xf32>
      %dot_general3A_358 = arith.constant dense<0.000000e+00> : vector<1024x256xf32>
      %dot_general3A_359 = tpu.matmul %max3A_354, %get3A_357, %dot_general3A_358 {dimension_numbers = #tpu.dot_dimension_numbers<[1], [0], [0], [1], [0, 0, 1, 1], [], []>, transpose_lhs_hint = false} : vector<1024x128xf32>, vector<128x256xf32>, vector<1024x256xf32> -> vector<1024x256xf32>
      %dot_general3A_360 = arith.constant dense<0.000000e+00> : vector<1x256xf32>
      %dot_general3A_361 = tpu.matmul %broadcast_in_dim3A_32, %dot_general3A_359, %dot_general3A_360 {dimension_numbers = #tpu.dot_dimension_numbers<[1], [0], [0], [1], [0, 0, 1, 1], [], []>, transpose_lhs_hint = false} : vector<1x1024xf32>, vector<1024x256xf32>, vector<1x256xf32> -> vector<1x256xf32>
      %add3A_362 = arith.addf %add3A_328, %dot_general3A_361 : vector<1x256xf32>
      %mul3A_363 = arith.mulf %dot_general3A_359, %dot_general3A_359 : vector<1024x256xf32>
      %dot_general3A_364 = arith.constant dense<0.000000e+00> : vector<1x256xf32>
      %dot_general3A_365 = tpu.matmul %broadcast_in_dim3A_32, %mul3A_363, %dot_general3A_364 {dimension_numbers = #tpu.dot_dimension_numbers<[1], [0], [0], [1], [0, 0, 1, 1], [], []>, transpose_lhs_hint = false} : vector<1x1024xf32>, vector<1024x256xf32>, vector<1x256xf32> -> vector<1x256xf32>
      %add3A_366 = arith.addf %add3A_332, %dot_general3A_365 : vector<1x256xf32>
      %max3A_367 = arith.maximumf %max3A_333, %dot_general3A_359 : vector<1024x256xf32>
      %mul3A_368 = arith.constant 1024 : i32
      %mul3A_369 = arith.muli %sub3A_21, %mul3A_368 : i32
      %add3A_370 = arith.constant 40960 : i32
      %add3A_371 = arith.addi %add3A_370, %mul3A_369 : i32
      %get3A_372 = arith.index_cast %add3A_371 : i32 to index
      %get3A_373 = arith.constant 0 : index
      %get3A_374 = vector.load %arg17[%get3A_372, %get3A_373] : memref<131072x128xbf16, #tpu.memory_space<vmem>>, vector<1024x128xbf16>
      %convert_element_type3A_375 = arith.extf %get3A_374 : vector<1024x128xbf16> to vector<1024x128xf32>
      %get3A_376 = arith.constant 0 : index
      %get3A_377 = arith.constant 0 : index
      %get3A_378 = vector.load %arg23[%get3A_376, %get3A_377] : memref<2x128xf32, #tpu.memory_space<vmem>>, vector<1x128xf32>
      %mul3A_379 = vector.broadcast %get3A_378 : vector<1x128xf32> to vector<1024x128xf32>
      %mul3A_380 = arith.mulf %convert_element_type3A_375, %mul3A_379 : vector<1024x128xf32>
      %get3A_381 = arith.constant 1 : index
      %get3A_382 = arith.constant 0 : index
      %get3A_383 = vector.load %arg23[%get3A_381, %get3A_382] : memref<2x128xf32, #tpu.memory_space<vmem>>, vector<1x128xf32>
      %add3A_384 = vector.broadcast %get3A_383 : vector<1x128xf32> to vector<1024x128xf32>
      %add3A_385 = arith.addf %mul3A_380, %add3A_384 : vector<1024x128xf32>
      %max3A_386 = arith.constant 0.000000e+00 : f32
      %max3A_387 = vector.broadcast %max3A_386 : f32 to vector<1024x128xf32>
      %max3A_388 = arith.maximumf %add3A_385, %max3A_387 : vector<1024x128xf32>
      %get3A_389 = arith.constant 0 : index
      %get3A_390 = arith.constant 0 : index
      %get3A_391 = vector.load %arg9[%get3A_389, %get3A_390] : memref<128x256xf32, #tpu.memory_space<vmem>>, vector<128x256xf32>
      %dot_general3A_392 = arith.constant dense<0.000000e+00> : vector<1024x256xf32>
      %dot_general3A_393 = tpu.matmul %max3A_388, %get3A_391, %dot_general3A_392 {dimension_numbers = #tpu.dot_dimension_numbers<[1], [0], [0], [1], [0, 0, 1, 1], [], []>, transpose_lhs_hint = false} : vector<1024x128xf32>, vector<128x256xf32>, vector<1024x256xf32> -> vector<1024x256xf32>
      %dot_general3A_394 = arith.constant dense<0.000000e+00> : vector<1x256xf32>
      %dot_general3A_395 = tpu.matmul %broadcast_in_dim3A_32, %dot_general3A_393, %dot_general3A_394 {dimension_numbers = #tpu.dot_dimension_numbers<[1], [0], [0], [1], [0, 0, 1, 1], [], []>, transpose_lhs_hint = false} : vector<1x1024xf32>, vector<1024x256xf32>, vector<1x256xf32> -> vector<1x256xf32>
      %add3A_396 = arith.addf %add3A_362, %dot_general3A_395 : vector<1x256xf32>
      %mul3A_397 = arith.mulf %dot_general3A_393, %dot_general3A_393 : vector<1024x256xf32>
      %dot_general3A_398 = arith.constant dense<0.000000e+00> : vector<1x256xf32>
      %dot_general3A_399 = tpu.matmul %broadcast_in_dim3A_32, %mul3A_397, %dot_general3A_398 {dimension_numbers = #tpu.dot_dimension_numbers<[1], [0], [0], [1], [0, 0, 1, 1], [], []>, transpose_lhs_hint = false} : vector<1x1024xf32>, vector<1024x256xf32>, vector<1x256xf32> -> vector<1x256xf32>
      %add3A_400 = arith.addf %add3A_366, %dot_general3A_399 : vector<1x256xf32>
      %max3A_401 = arith.maximumf %max3A_367, %dot_general3A_393 : vector<1024x256xf32>
      %mul3A_402 = arith.constant 1024 : i32
      %mul3A_403 = arith.muli %sub3A_21, %mul3A_402 : i32
      %add3A_404 = arith.constant 45056 : i32
      %add3A_405 = arith.addi %add3A_404, %mul3A_403 : i32
      %get3A_406 = arith.index_cast %add3A_405 : i32 to index
      %get3A_407 = arith.constant 0 : index
      %get3A_408 = vector.load %arg17[%get3A_406, %get3A_407] : memref<131072x128xbf16, #tpu.memory_space<vmem>>, vector<1024x128xbf16>
      %convert_element_type3A_409 = arith.extf %get3A_408 : vector<1024x128xbf16> to vector<1024x128xf32>
      %get3A_410 = arith.constant 0 : index
      %get3A_411 = arith.constant 0 : index
      %get3A_412 = vector.load %arg23[%get3A_410, %get3A_411] : memref<2x128xf32, #tpu.memory_space<vmem>>, vector<1x128xf32>
      %mul3A_413 = vector.broadcast %get3A_412 : vector<1x128xf32> to vector<1024x128xf32>
      %mul3A_414 = arith.mulf %convert_element_type3A_409, %mul3A_413 : vector<1024x128xf32>
      %get3A_415 = arith.constant 1 : index
      %get3A_416 = arith.constant 0 : index
      %get3A_417 = vector.load %arg23[%get3A_415, %get3A_416] : memref<2x128xf32, #tpu.memory_space<vmem>>, vector<1x128xf32>
      %add3A_418 = vector.broadcast %get3A_417 : vector<1x128xf32> to vector<1024x128xf32>
      %add3A_419 = arith.addf %mul3A_414, %add3A_418 : vector<1024x128xf32>
      %max3A_420 = arith.constant 0.000000e+00 : f32
      %max3A_421 = vector.broadcast %max3A_420 : f32 to vector<1024x128xf32>
      %max3A_422 = arith.maximumf %add3A_419, %max3A_421 : vector<1024x128xf32>
      %get3A_423 = arith.constant 0 : index
      %get3A_424 = arith.constant 0 : index
      %get3A_425 = vector.load %arg9[%get3A_423, %get3A_424] : memref<128x256xf32, #tpu.memory_space<vmem>>, vector<128x256xf32>
      %dot_general3A_426 = arith.constant dense<0.000000e+00> : vector<1024x256xf32>
      %dot_general3A_427 = tpu.matmul %max3A_422, %get3A_425, %dot_general3A_426 {dimension_numbers = #tpu.dot_dimension_numbers<[1], [0], [0], [1], [0, 0, 1, 1], [], []>, transpose_lhs_hint = false} : vector<1024x128xf32>, vector<128x256xf32>, vector<1024x256xf32> -> vector<1024x256xf32>
      %dot_general3A_428 = arith.constant dense<0.000000e+00> : vector<1x256xf32>
      %dot_general3A_429 = tpu.matmul %broadcast_in_dim3A_32, %dot_general3A_427, %dot_general3A_428 {dimension_numbers = #tpu.dot_dimension_numbers<[1], [0], [0], [1], [0, 0, 1, 1], [], []>, transpose_lhs_hint = false} : vector<1x1024xf32>, vector<1024x256xf32>, vector<1x256xf32> -> vector<1x256xf32>
      %add3A_430 = arith.addf %add3A_396, %dot_general3A_429 : vector<1x256xf32>
      %mul3A_431 = arith.mulf %dot_general3A_427, %dot_general3A_427 : vector<1024x256xf32>
      %dot_general3A_432 = arith.constant dense<0.000000e+00> : vector<1x256xf32>
      %dot_general3A_433 = tpu.matmul %broadcast_in_dim3A_32, %mul3A_431, %dot_general3A_432 {dimension_numbers = #tpu.dot_dimension_numbers<[1], [0], [0], [1], [0, 0, 1, 1], [], []>, transpose_lhs_hint = false} : vector<1x1024xf32>, vector<1024x256xf32>, vector<1x256xf32> -> vector<1x256xf32>
      %add3A_434 = arith.addf %add3A_400, %dot_general3A_433 : vector<1x256xf32>
      %max3A_435 = arith.maximumf %max3A_401, %dot_general3A_427 : vector<1024x256xf32>
      %mul3A_436 = arith.constant 1024 : i32
      %mul3A_437 = arith.muli %sub3A_21, %mul3A_436 : i32
      %add3A_438 = arith.constant 49152 : i32
      %add3A_439 = arith.addi %add3A_438, %mul3A_437 : i32
      %get3A_440 = arith.index_cast %add3A_439 : i32 to index
      %get3A_441 = arith.constant 0 : index
      %get3A_442 = vector.load %arg17[%get3A_440, %get3A_441] : memref<131072x128xbf16, #tpu.memory_space<vmem>>, vector<1024x128xbf16>
      %convert_element_type3A_443 = arith.extf %get3A_442 : vector<1024x128xbf16> to vector<1024x128xf32>
      %get3A_444 = arith.constant 0 : index
      %get3A_445 = arith.constant 0 : index
      %get3A_446 = vector.load %arg23[%get3A_444, %get3A_445] : memref<2x128xf32, #tpu.memory_space<vmem>>, vector<1x128xf32>
      %mul3A_447 = vector.broadcast %get3A_446 : vector<1x128xf32> to vector<1024x128xf32>
      %mul3A_448 = arith.mulf %convert_element_type3A_443, %mul3A_447 : vector<1024x128xf32>
      %get3A_449 = arith.constant 1 : index
      %get3A_450 = arith.constant 0 : index
      %get3A_451 = vector.load %arg23[%get3A_449, %get3A_450] : memref<2x128xf32, #tpu.memory_space<vmem>>, vector<1x128xf32>
      %add3A_452 = vector.broadcast %get3A_451 : vector<1x128xf32> to vector<1024x128xf32>
      %add3A_453 = arith.addf %mul3A_448, %add3A_452 : vector<1024x128xf32>
      %max3A_454 = arith.constant 0.000000e+00 : f32
      %max3A_455 = vector.broadcast %max3A_454 : f32 to vector<1024x128xf32>
      %max3A_456 = arith.maximumf %add3A_453, %max3A_455 : vector<1024x128xf32>
      %get3A_457 = arith.constant 0 : index
      %get3A_458 = arith.constant 0 : index
      %get3A_459 = vector.load %arg9[%get3A_457, %get3A_458] : memref<128x256xf32, #tpu.memory_space<vmem>>, vector<128x256xf32>
      %dot_general3A_460 = arith.constant dense<0.000000e+00> : vector<1024x256xf32>
      %dot_general3A_461 = tpu.matmul %max3A_456, %get3A_459, %dot_general3A_460 {dimension_numbers = #tpu.dot_dimension_numbers<[1], [0], [0], [1], [0, 0, 1, 1], [], []>, transpose_lhs_hint = false} : vector<1024x128xf32>, vector<128x256xf32>, vector<1024x256xf32> -> vector<1024x256xf32>
      %dot_general3A_462 = arith.constant dense<0.000000e+00> : vector<1x256xf32>
      %dot_general3A_463 = tpu.matmul %broadcast_in_dim3A_32, %dot_general3A_461, %dot_general3A_462 {dimension_numbers = #tpu.dot_dimension_numbers<[1], [0], [0], [1], [0, 0, 1, 1], [], []>, transpose_lhs_hint = false} : vector<1x1024xf32>, vector<1024x256xf32>, vector<1x256xf32> -> vector<1x256xf32>
      %add3A_464 = arith.addf %add3A_430, %dot_general3A_463 : vector<1x256xf32>
      %mul3A_465 = arith.mulf %dot_general3A_461, %dot_general3A_461 : vector<1024x256xf32>
      %dot_general3A_466 = arith.constant dense<0.000000e+00> : vector<1x256xf32>
      %dot_general3A_467 = tpu.matmul %broadcast_in_dim3A_32, %mul3A_465, %dot_general3A_466 {dimension_numbers = #tpu.dot_dimension_numbers<[1], [0], [0], [1], [0, 0, 1, 1], [], []>, transpose_lhs_hint = false} : vector<1x1024xf32>, vector<1024x256xf32>, vector<1x256xf32> -> vector<1x256xf32>
      %add3A_468 = arith.addf %add3A_434, %dot_general3A_467 : vector<1x256xf32>
      %max3A_469 = arith.maximumf %max3A_435, %dot_general3A_461 : vector<1024x256xf32>
      %mul3A_470 = arith.constant 1024 : i32
      %mul3A_471 = arith.muli %sub3A_21, %mul3A_470 : i32
      %add3A_472 = arith.constant 53248 : i32
      %add3A_473 = arith.addi %add3A_472, %mul3A_471 : i32
      %get3A_474 = arith.index_cast %add3A_473 : i32 to index
      %get3A_475 = arith.constant 0 : index
      %get3A_476 = vector.load %arg17[%get3A_474, %get3A_475] : memref<131072x128xbf16, #tpu.memory_space<vmem>>, vector<1024x128xbf16>
      %convert_element_type3A_477 = arith.extf %get3A_476 : vector<1024x128xbf16> to vector<1024x128xf32>
      %get3A_478 = arith.constant 0 : index
      %get3A_479 = arith.constant 0 : index
      %get3A_480 = vector.load %arg23[%get3A_478, %get3A_479] : memref<2x128xf32, #tpu.memory_space<vmem>>, vector<1x128xf32>
      %mul3A_481 = vector.broadcast %get3A_480 : vector<1x128xf32> to vector<1024x128xf32>
      %mul3A_482 = arith.mulf %convert_element_type3A_477, %mul3A_481 : vector<1024x128xf32>
      %get3A_483 = arith.constant 1 : index
      %get3A_484 = arith.constant 0 : index
      %get3A_485 = vector.load %arg23[%get3A_483, %get3A_484] : memref<2x128xf32, #tpu.memory_space<vmem>>, vector<1x128xf32>
      %add3A_486 = vector.broadcast %get3A_485 : vector<1x128xf32> to vector<1024x128xf32>
      %add3A_487 = arith.addf %mul3A_482, %add3A_486 : vector<1024x128xf32>
      %max3A_488 = arith.constant 0.000000e+00 : f32
      %max3A_489 = vector.broadcast %max3A_488 : f32 to vector<1024x128xf32>
      %max3A_490 = arith.maximumf %add3A_487, %max3A_489 : vector<1024x128xf32>
      %get3A_491 = arith.constant 0 : index
      %get3A_492 = arith.constant 0 : index
      %get3A_493 = vector.load %arg9[%get3A_491, %get3A_492] : memref<128x256xf32, #tpu.memory_space<vmem>>, vector<128x256xf32>
      %dot_general3A_494 = arith.constant dense<0.000000e+00> : vector<1024x256xf32>
      %dot_general3A_495 = tpu.matmul %max3A_490, %get3A_493, %dot_general3A_494 {dimension_numbers = #tpu.dot_dimension_numbers<[1], [0], [0], [1], [0, 0, 1, 1], [], []>, transpose_lhs_hint = false} : vector<1024x128xf32>, vector<128x256xf32>, vector<1024x256xf32> -> vector<1024x256xf32>
      %dot_general3A_496 = arith.constant dense<0.000000e+00> : vector<1x256xf32>
      %dot_general3A_497 = tpu.matmul %broadcast_in_dim3A_32, %dot_general3A_495, %dot_general3A_496 {dimension_numbers = #tpu.dot_dimension_numbers<[1], [0], [0], [1], [0, 0, 1, 1], [], []>, transpose_lhs_hint = false} : vector<1x1024xf32>, vector<1024x256xf32>, vector<1x256xf32> -> vector<1x256xf32>
      %add3A_498 = arith.addf %add3A_464, %dot_general3A_497 : vector<1x256xf32>
      %mul3A_499 = arith.mulf %dot_general3A_495, %dot_general3A_495 : vector<1024x256xf32>
      %dot_general3A_500 = arith.constant dense<0.000000e+00> : vector<1x256xf32>
      %dot_general3A_501 = tpu.matmul %broadcast_in_dim3A_32, %mul3A_499, %dot_general3A_500 {dimension_numbers = #tpu.dot_dimension_numbers<[1], [0], [0], [1], [0, 0, 1, 1], [], []>, transpose_lhs_hint = false} : vector<1x1024xf32>, vector<1024x256xf32>, vector<1x256xf32> -> vector<1x256xf32>
      %add3A_502 = arith.addf %add3A_468, %dot_general3A_501 : vector<1x256xf32>
      %max3A_503 = arith.maximumf %max3A_469, %dot_general3A_495 : vector<1024x256xf32>
      %mul3A_504 = arith.constant 1024 : i32
      %mul3A_505 = arith.muli %sub3A_21, %mul3A_504 : i32
      %add3A_506 = arith.constant 57344 : i32
      %add3A_507 = arith.addi %add3A_506, %mul3A_505 : i32
      %get3A_508 = arith.index_cast %add3A_507 : i32 to index
      %get3A_509 = arith.constant 0 : index
      %get3A_510 = vector.load %arg17[%get3A_508, %get3A_509] : memref<131072x128xbf16, #tpu.memory_space<vmem>>, vector<1024x128xbf16>
      %convert_element_type3A_511 = arith.extf %get3A_510 : vector<1024x128xbf16> to vector<1024x128xf32>
      %get3A_512 = arith.constant 0 : index
      %get3A_513 = arith.constant 0 : index
      %get3A_514 = vector.load %arg23[%get3A_512, %get3A_513] : memref<2x128xf32, #tpu.memory_space<vmem>>, vector<1x128xf32>
      %mul3A_515 = vector.broadcast %get3A_514 : vector<1x128xf32> to vector<1024x128xf32>
      %mul3A_516 = arith.mulf %convert_element_type3A_511, %mul3A_515 : vector<1024x128xf32>
      %get3A_517 = arith.constant 1 : index
      %get3A_518 = arith.constant 0 : index
      %get3A_519 = vector.load %arg23[%get3A_517, %get3A_518] : memref<2x128xf32, #tpu.memory_space<vmem>>, vector<1x128xf32>
      %add3A_520 = vector.broadcast %get3A_519 : vector<1x128xf32> to vector<1024x128xf32>
      %add3A_521 = arith.addf %mul3A_516, %add3A_520 : vector<1024x128xf32>
      %max3A_522 = arith.constant 0.000000e+00 : f32
      %max3A_523 = vector.broadcast %max3A_522 : f32 to vector<1024x128xf32>
      %max3A_524 = arith.maximumf %add3A_521, %max3A_523 : vector<1024x128xf32>
      %get3A_525 = arith.constant 0 : index
      %get3A_526 = arith.constant 0 : index
      %get3A_527 = vector.load %arg9[%get3A_525, %get3A_526] : memref<128x256xf32, #tpu.memory_space<vmem>>, vector<128x256xf32>
      %dot_general3A_528 = arith.constant dense<0.000000e+00> : vector<1024x256xf32>
      %dot_general3A_529 = tpu.matmul %max3A_524, %get3A_527, %dot_general3A_528 {dimension_numbers = #tpu.dot_dimension_numbers<[1], [0], [0], [1], [0, 0, 1, 1], [], []>, transpose_lhs_hint = false} : vector<1024x128xf32>, vector<128x256xf32>, vector<1024x256xf32> -> vector<1024x256xf32>
      %dot_general3A_530 = arith.constant dense<0.000000e+00> : vector<1x256xf32>
      %dot_general3A_531 = tpu.matmul %broadcast_in_dim3A_32, %dot_general3A_529, %dot_general3A_530 {dimension_numbers = #tpu.dot_dimension_numbers<[1], [0], [0], [1], [0, 0, 1, 1], [], []>, transpose_lhs_hint = false} : vector<1x1024xf32>, vector<1024x256xf32>, vector<1x256xf32> -> vector<1x256xf32>
      %add3A_532 = arith.addf %add3A_498, %dot_general3A_531 : vector<1x256xf32>
      %mul3A_533 = arith.mulf %dot_general3A_529, %dot_general3A_529 : vector<1024x256xf32>
      %dot_general3A_534 = arith.constant dense<0.000000e+00> : vector<1x256xf32>
      %dot_general3A_535 = tpu.matmul %broadcast_in_dim3A_32, %mul3A_533, %dot_general3A_534 {dimension_numbers = #tpu.dot_dimension_numbers<[1], [0], [0], [1], [0, 0, 1, 1], [], []>, transpose_lhs_hint = false} : vector<1x1024xf32>, vector<1024x256xf32>, vector<1x256xf32> -> vector<1x256xf32>
      %add3A_536 = arith.addf %add3A_502, %dot_general3A_535 : vector<1x256xf32>
      %max3A_537 = arith.maximumf %max3A_503, %dot_general3A_529 : vector<1024x256xf32>
      %mul3A_538 = arith.constant 1024 : i32
      %mul3A_539 = arith.muli %sub3A_21, %mul3A_538 : i32
      %add3A_540 = arith.constant 61440 : i32
      %add3A_541 = arith.addi %add3A_540, %mul3A_539 : i32
      %get3A_542 = arith.index_cast %add3A_541 : i32 to index
      %get3A_543 = arith.constant 0 : index
      %get3A_544 = vector.load %arg17[%get3A_542, %get3A_543] : memref<131072x128xbf16, #tpu.memory_space<vmem>>, vector<1024x128xbf16>
      %convert_element_type3A_545 = arith.extf %get3A_544 : vector<1024x128xbf16> to vector<1024x128xf32>
      %get3A_546 = arith.constant 0 : index
      %get3A_547 = arith.constant 0 : index
      %get3A_548 = vector.load %arg23[%get3A_546, %get3A_547] : memref<2x128xf32, #tpu.memory_space<vmem>>, vector<1x128xf32>
      %mul3A_549 = vector.broadcast %get3A_548 : vector<1x128xf32> to vector<1024x128xf32>
      %mul3A_550 = arith.mulf %convert_element_type3A_545, %mul3A_549 : vector<1024x128xf32>
      %get3A_551 = arith.constant 1 : index
      %get3A_552 = arith.constant 0 : index
      %get3A_553 = vector.load %arg23[%get3A_551, %get3A_552] : memref<2x128xf32, #tpu.memory_space<vmem>>, vector<1x128xf32>
      %add3A_554 = vector.broadcast %get3A_553 : vector<1x128xf32> to vector<1024x128xf32>
      %add3A_555 = arith.addf %mul3A_550, %add3A_554 : vector<1024x128xf32>
      %max3A_556 = arith.constant 0.000000e+00 : f32
      %max3A_557 = vector.broadcast %max3A_556 : f32 to vector<1024x128xf32>
      %max3A_558 = arith.maximumf %add3A_555, %max3A_557 : vector<1024x128xf32>
      %get3A_559 = arith.constant 0 : index
      %get3A_560 = arith.constant 0 : index
      %get3A_561 = vector.load %arg9[%get3A_559, %get3A_560] : memref<128x256xf32, #tpu.memory_space<vmem>>, vector<128x256xf32>
      %dot_general3A_562 = arith.constant dense<0.000000e+00> : vector<1024x256xf32>
      %dot_general3A_563 = tpu.matmul %max3A_558, %get3A_561, %dot_general3A_562 {dimension_numbers = #tpu.dot_dimension_numbers<[1], [0], [0], [1], [0, 0, 1, 1], [], []>, transpose_lhs_hint = false} : vector<1024x128xf32>, vector<128x256xf32>, vector<1024x256xf32> -> vector<1024x256xf32>
      %dot_general3A_564 = arith.constant dense<0.000000e+00> : vector<1x256xf32>
      %dot_general3A_565 = tpu.matmul %broadcast_in_dim3A_32, %dot_general3A_563, %dot_general3A_564 {dimension_numbers = #tpu.dot_dimension_numbers<[1], [0], [0], [1], [0, 0, 1, 1], [], []>, transpose_lhs_hint = false} : vector<1x1024xf32>, vector<1024x256xf32>, vector<1x256xf32> -> vector<1x256xf32>
      %add3A_566 = arith.addf %add3A_532, %dot_general3A_565 : vector<1x256xf32>
      %mul3A_567 = arith.mulf %dot_general3A_563, %dot_general3A_563 : vector<1024x256xf32>
      %dot_general3A_568 = arith.constant dense<0.000000e+00> : vector<1x256xf32>
      %dot_general3A_569 = tpu.matmul %broadcast_in_dim3A_32, %mul3A_567, %dot_general3A_568 {dimension_numbers = #tpu.dot_dimension_numbers<[1], [0], [0], [1], [0, 0, 1, 1], [], []>, transpose_lhs_hint = false} : vector<1x1024xf32>, vector<1024x256xf32>, vector<1x256xf32> -> vector<1x256xf32>
      %add3A_570 = arith.addf %add3A_536, %dot_general3A_569 : vector<1x256xf32>
      %max3A_571 = arith.maximumf %max3A_537, %dot_general3A_563 : vector<1024x256xf32>
      %mul3A_572 = arith.constant 1024 : i32
      %mul3A_573 = arith.muli %sub3A_21, %mul3A_572 : i32
      %add3A_574 = arith.constant 65536 : i32
      %add3A_575 = arith.addi %add3A_574, %mul3A_573 : i32
      %get3A_576 = arith.index_cast %add3A_575 : i32 to index
      %get3A_577 = arith.constant 0 : index
      %get3A_578 = vector.load %arg17[%get3A_576, %get3A_577] : memref<131072x128xbf16, #tpu.memory_space<vmem>>, vector<1024x128xbf16>
      %convert_element_type3A_579 = arith.extf %get3A_578 : vector<1024x128xbf16> to vector<1024x128xf32>
      %get3A_580 = arith.constant 0 : index
      %get3A_581 = arith.constant 0 : index
      %get3A_582 = vector.load %arg23[%get3A_580, %get3A_581] : memref<2x128xf32, #tpu.memory_space<vmem>>, vector<1x128xf32>
      %mul3A_583 = vector.broadcast %get3A_582 : vector<1x128xf32> to vector<1024x128xf32>
      %mul3A_584 = arith.mulf %convert_element_type3A_579, %mul3A_583 : vector<1024x128xf32>
      %get3A_585 = arith.constant 1 : index
      %get3A_586 = arith.constant 0 : index
      %get3A_587 = vector.load %arg23[%get3A_585, %get3A_586] : memref<2x128xf32, #tpu.memory_space<vmem>>, vector<1x128xf32>
      %add3A_588 = vector.broadcast %get3A_587 : vector<1x128xf32> to vector<1024x128xf32>
      %add3A_589 = arith.addf %mul3A_584, %add3A_588 : vector<1024x128xf32>
      %max3A_590 = arith.constant 0.000000e+00 : f32
      %max3A_591 = vector.broadcast %max3A_590 : f32 to vector<1024x128xf32>
      %max3A_592 = arith.maximumf %add3A_589, %max3A_591 : vector<1024x128xf32>
      %get3A_593 = arith.constant 0 : index
      %get3A_594 = arith.constant 0 : index
      %get3A_595 = vector.load %arg9[%get3A_593, %get3A_594] : memref<128x256xf32, #tpu.memory_space<vmem>>, vector<128x256xf32>
      %dot_general3A_596 = arith.constant dense<0.000000e+00> : vector<1024x256xf32>
      %dot_general3A_597 = tpu.matmul %max3A_592, %get3A_595, %dot_general3A_596 {dimension_numbers = #tpu.dot_dimension_numbers<[1], [0], [0], [1], [0, 0, 1, 1], [], []>, transpose_lhs_hint = false} : vector<1024x128xf32>, vector<128x256xf32>, vector<1024x256xf32> -> vector<1024x256xf32>
      %dot_general3A_598 = arith.constant dense<0.000000e+00> : vector<1x256xf32>
      %dot_general3A_599 = tpu.matmul %broadcast_in_dim3A_32, %dot_general3A_597, %dot_general3A_598 {dimension_numbers = #tpu.dot_dimension_numbers<[1], [0], [0], [1], [0, 0, 1, 1], [], []>, transpose_lhs_hint = false} : vector<1x1024xf32>, vector<1024x256xf32>, vector<1x256xf32> -> vector<1x256xf32>
      %add3A_600 = arith.addf %add3A_566, %dot_general3A_599 : vector<1x256xf32>
      %mul3A_601 = arith.mulf %dot_general3A_597, %dot_general3A_597 : vector<1024x256xf32>
      %dot_general3A_602 = arith.constant dense<0.000000e+00> : vector<1x256xf32>
      %dot_general3A_603 = tpu.matmul %broadcast_in_dim3A_32, %mul3A_601, %dot_general3A_602 {dimension_numbers = #tpu.dot_dimension_numbers<[1], [0], [0], [1], [0, 0, 1, 1], [], []>, transpose_lhs_hint = false} : vector<1x1024xf32>, vector<1024x256xf32>, vector<1x256xf32> -> vector<1x256xf32>
      %add3A_604 = arith.addf %add3A_570, %dot_general3A_603 : vector<1x256xf32>
      %max3A_605 = arith.maximumf %max3A_571, %dot_general3A_597 : vector<1024x256xf32>
      %mul3A_606 = arith.constant 1024 : i32
      %mul3A_607 = arith.muli %sub3A_21, %mul3A_606 : i32
      %add3A_608 = arith.constant 69632 : i32
      %add3A_609 = arith.addi %add3A_608, %mul3A_607 : i32
      %get3A_610 = arith.index_cast %add3A_609 : i32 to index
      %get3A_611 = arith.constant 0 : index
      %get3A_612 = vector.load %arg17[%get3A_610, %get3A_611] : memref<131072x128xbf16, #tpu.memory_space<vmem>>, vector<1024x128xbf16>
      %convert_element_type3A_613 = arith.extf %get3A_612 : vector<1024x128xbf16> to vector<1024x128xf32>
      %get3A_614 = arith.constant 0 : index
      %get3A_615 = arith.constant 0 : index
      %get3A_616 = vector.load %arg23[%get3A_614, %get3A_615] : memref<2x128xf32, #tpu.memory_space<vmem>>, vector<1x128xf32>
      %mul3A_617 = vector.broadcast %get3A_616 : vector<1x128xf32> to vector<1024x128xf32>
      %mul3A_618 = arith.mulf %convert_element_type3A_613, %mul3A_617 : vector<1024x128xf32>
      %get3A_619 = arith.constant 1 : index
      %get3A_620 = arith.constant 0 : index
      %get3A_621 = vector.load %arg23[%get3A_619, %get3A_620] : memref<2x128xf32, #tpu.memory_space<vmem>>, vector<1x128xf32>
      %add3A_622 = vector.broadcast %get3A_621 : vector<1x128xf32> to vector<1024x128xf32>
      %add3A_623 = arith.addf %mul3A_618, %add3A_622 : vector<1024x128xf32>
      %max3A_624 = arith.constant 0.000000e+00 : f32
      %max3A_625 = vector.broadcast %max3A_624 : f32 to vector<1024x128xf32>
      %max3A_626 = arith.maximumf %add3A_623, %max3A_625 : vector<1024x128xf32>
      %get3A_627 = arith.constant 0 : index
      %get3A_628 = arith.constant 0 : index
      %get3A_629 = vector.load %arg9[%get3A_627, %get3A_628] : memref<128x256xf32, #tpu.memory_space<vmem>>, vector<128x256xf32>
      %dot_general3A_630 = arith.constant dense<0.000000e+00> : vector<1024x256xf32>
      %dot_general3A_631 = tpu.matmul %max3A_626, %get3A_629, %dot_general3A_630 {dimension_numbers = #tpu.dot_dimension_numbers<[1], [0], [0], [1], [0, 0, 1, 1], [], []>, transpose_lhs_hint = false} : vector<1024x128xf32>, vector<128x256xf32>, vector<1024x256xf32> -> vector<1024x256xf32>
      %dot_general3A_632 = arith.constant dense<0.000000e+00> : vector<1x256xf32>
      %dot_general3A_633 = tpu.matmul %broadcast_in_dim3A_32, %dot_general3A_631, %dot_general3A_632 {dimension_numbers = #tpu.dot_dimension_numbers<[1], [0], [0], [1], [0, 0, 1, 1], [], []>, transpose_lhs_hint = false} : vector<1x1024xf32>, vector<1024x256xf32>, vector<1x256xf32> -> vector<1x256xf32>
      %add3A_634 = arith.addf %add3A_600, %dot_general3A_633 : vector<1x256xf32>
      %mul3A_635 = arith.mulf %dot_general3A_631, %dot_general3A_631 : vector<1024x256xf32>
      %dot_general3A_636 = arith.constant dense<0.000000e+00> : vector<1x256xf32>
      %dot_general3A_637 = tpu.matmul %broadcast_in_dim3A_32, %mul3A_635, %dot_general3A_636 {dimension_numbers = #tpu.dot_dimension_numbers<[1], [0], [0], [1], [0, 0, 1, 1], [], []>, transpose_lhs_hint = false} : vector<1x1024xf32>, vector<1024x256xf32>, vector<1x256xf32> -> vector<1x256xf32>
      %add3A_638 = arith.addf %add3A_604, %dot_general3A_637 : vector<1x256xf32>
      %max3A_639 = arith.maximumf %max3A_605, %dot_general3A_631 : vector<1024x256xf32>
      %mul3A_640 = arith.constant 1024 : i32
      %mul3A_641 = arith.muli %sub3A_21, %mul3A_640 : i32
      %add3A_642 = arith.constant 73728 : i32
      %add3A_643 = arith.addi %add3A_642, %mul3A_641 : i32
      %get3A_644 = arith.index_cast %add3A_643 : i32 to index
      %get3A_645 = arith.constant 0 : index
      %get3A_646 = vector.load %arg17[%get3A_644, %get3A_645] : memref<131072x128xbf16, #tpu.memory_space<vmem>>, vector<1024x128xbf16>
      %convert_element_type3A_647 = arith.extf %get3A_646 : vector<1024x128xbf16> to vector<1024x128xf32>
      %get3A_648 = arith.constant 0 : index
      %get3A_649 = arith.constant 0 : index
      %get3A_650 = vector.load %arg23[%get3A_648, %get3A_649] : memref<2x128xf32, #tpu.memory_space<vmem>>, vector<1x128xf32>
      %mul3A_651 = vector.broadcast %get3A_650 : vector<1x128xf32> to vector<1024x128xf32>
      %mul3A_652 = arith.mulf %convert_element_type3A_647, %mul3A_651 : vector<1024x128xf32>
      %get3A_653 = arith.constant 1 : index
      %get3A_654 = arith.constant 0 : index
      %get3A_655 = vector.load %arg23[%get3A_653, %get3A_654] : memref<2x128xf32, #tpu.memory_space<vmem>>, vector<1x128xf32>
      %add3A_656 = vector.broadcast %get3A_655 : vector<1x128xf32> to vector<1024x128xf32>
      %add3A_657 = arith.addf %mul3A_652, %add3A_656 : vector<1024x128xf32>
      %max3A_658 = arith.constant 0.000000e+00 : f32
      %max3A_659 = vector.broadcast %max3A_658 : f32 to vector<1024x128xf32>
      %max3A_660 = arith.maximumf %add3A_657, %max3A_659 : vector<1024x128xf32>
      %get3A_661 = arith.constant 0 : index
      %get3A_662 = arith.constant 0 : index
      %get3A_663 = vector.load %arg9[%get3A_661, %get3A_662] : memref<128x256xf32, #tpu.memory_space<vmem>>, vector<128x256xf32>
      %dot_general3A_664 = arith.constant dense<0.000000e+00> : vector<1024x256xf32>
      %dot_general3A_665 = tpu.matmul %max3A_660, %get3A_663, %dot_general3A_664 {dimension_numbers = #tpu.dot_dimension_numbers<[1], [0], [0], [1], [0, 0, 1, 1], [], []>, transpose_lhs_hint = false} : vector<1024x128xf32>, vector<128x256xf32>, vector<1024x256xf32> -> vector<1024x256xf32>
      %dot_general3A_666 = arith.constant dense<0.000000e+00> : vector<1x256xf32>
      %dot_general3A_667 = tpu.matmul %broadcast_in_dim3A_32, %dot_general3A_665, %dot_general3A_666 {dimension_numbers = #tpu.dot_dimension_numbers<[1], [0], [0], [1], [0, 0, 1, 1], [], []>, transpose_lhs_hint = false} : vector<1x1024xf32>, vector<1024x256xf32>, vector<1x256xf32> -> vector<1x256xf32>
      %add3A_668 = arith.addf %add3A_634, %dot_general3A_667 : vector<1x256xf32>
      %mul3A_669 = arith.mulf %dot_general3A_665, %dot_general3A_665 : vector<1024x256xf32>
      %dot_general3A_670 = arith.constant dense<0.000000e+00> : vector<1x256xf32>
      %dot_general3A_671 = tpu.matmul %broadcast_in_dim3A_32, %mul3A_669, %dot_general3A_670 {dimension_numbers = #tpu.dot_dimension_numbers<[1], [0], [0], [1], [0, 0, 1, 1], [], []>, transpose_lhs_hint = false} : vector<1x1024xf32>, vector<1024x256xf32>, vector<1x256xf32> -> vector<1x256xf32>
      %add3A_672 = arith.addf %add3A_638, %dot_general3A_671 : vector<1x256xf32>
      %max3A_673 = arith.maximumf %max3A_639, %dot_general3A_665 : vector<1024x256xf32>
      %mul3A_674 = arith.constant 1024 : i32
      %mul3A_675 = arith.muli %sub3A_21, %mul3A_674 : i32
      %add3A_676 = arith.constant 77824 : i32
      %add3A_677 = arith.addi %add3A_676, %mul3A_675 : i32
      %get3A_678 = arith.index_cast %add3A_677 : i32 to index
      %get3A_679 = arith.constant 0 : index
      %get3A_680 = vector.load %arg17[%get3A_678, %get3A_679] : memref<131072x128xbf16, #tpu.memory_space<vmem>>, vector<1024x128xbf16>
      %convert_element_type3A_681 = arith.extf %get3A_680 : vector<1024x128xbf16> to vector<1024x128xf32>
      %get3A_682 = arith.constant 0 : index
      %get3A_683 = arith.constant 0 : index
      %get3A_684 = vector.load %arg23[%get3A_682, %get3A_683] : memref<2x128xf32, #tpu.memory_space<vmem>>, vector<1x128xf32>
      %mul3A_685 = vector.broadcast %get3A_684 : vector<1x128xf32> to vector<1024x128xf32>
      %mul3A_686 = arith.mulf %convert_element_type3A_681, %mul3A_685 : vector<1024x128xf32>
      %get3A_687 = arith.constant 1 : index
      %get3A_688 = arith.constant 0 : index
      %get3A_689 = vector.load %arg23[%get3A_687, %get3A_688] : memref<2x128xf32, #tpu.memory_space<vmem>>, vector<1x128xf32>
      %add3A_690 = vector.broadcast %get3A_689 : vector<1x128xf32> to vector<1024x128xf32>
      %add3A_691 = arith.addf %mul3A_686, %add3A_690 : vector<1024x128xf32>
      %max3A_692 = arith.constant 0.000000e+00 : f32
      %max3A_693 = vector.broadcast %max3A_692 : f32 to vector<1024x128xf32>
      %max3A_694 = arith.maximumf %add3A_691, %max3A_693 : vector<1024x128xf32>
      %get3A_695 = arith.constant 0 : index
      %get3A_696 = arith.constant 0 : index
      %get3A_697 = vector.load %arg9[%get3A_695, %get3A_696] : memref<128x256xf32, #tpu.memory_space<vmem>>, vector<128x256xf32>
      %dot_general3A_698 = arith.constant dense<0.000000e+00> : vector<1024x256xf32>
      %dot_general3A_699 = tpu.matmul %max3A_694, %get3A_697, %dot_general3A_698 {dimension_numbers = #tpu.dot_dimension_numbers<[1], [0], [0], [1], [0, 0, 1, 1], [], []>, transpose_lhs_hint = false} : vector<1024x128xf32>, vector<128x256xf32>, vector<1024x256xf32> -> vector<1024x256xf32>
      %dot_general3A_700 = arith.constant dense<0.000000e+00> : vector<1x256xf32>
      %dot_general3A_701 = tpu.matmul %broadcast_in_dim3A_32, %dot_general3A_699, %dot_general3A_700 {dimension_numbers = #tpu.dot_dimension_numbers<[1], [0], [0], [1], [0, 0, 1, 1], [], []>, transpose_lhs_hint = false} : vector<1x1024xf32>, vector<1024x256xf32>, vector<1x256xf32> -> vector<1x256xf32>
      %add3A_702 = arith.addf %add3A_668, %dot_general3A_701 : vector<1x256xf32>
      %mul3A_703 = arith.mulf %dot_general3A_699, %dot_general3A_699 : vector<1024x256xf32>
      %dot_general3A_704 = arith.constant dense<0.000000e+00> : vector<1x256xf32>
      %dot_general3A_705 = tpu.matmul %broadcast_in_dim3A_32, %mul3A_703, %dot_general3A_704 {dimension_numbers = #tpu.dot_dimension_numbers<[1], [0], [0], [1], [0, 0, 1, 1], [], []>, transpose_lhs_hint = false} : vector<1x1024xf32>, vector<1024x256xf32>, vector<1x256xf32> -> vector<1x256xf32>
      %add3A_706 = arith.addf %add3A_672, %dot_general3A_705 : vector<1x256xf32>
      %max3A_707 = arith.maximumf %max3A_673, %dot_general3A_699 : vector<1024x256xf32>
      %mul3A_708 = arith.constant 1024 : i32
      %mul3A_709 = arith.muli %sub3A_21, %mul3A_708 : i32
      %add3A_710 = arith.constant 81920 : i32
      %add3A_711 = arith.addi %add3A_710, %mul3A_709 : i32
      %get3A_712 = arith.index_cast %add3A_711 : i32 to index
      %get3A_713 = arith.constant 0 : index
      %get3A_714 = vector.load %arg17[%get3A_712, %get3A_713] : memref<131072x128xbf16, #tpu.memory_space<vmem>>, vector<1024x128xbf16>
      %convert_element_type3A_715 = arith.extf %get3A_714 : vector<1024x128xbf16> to vector<1024x128xf32>
      %get3A_716 = arith.constant 0 : index
      %get3A_717 = arith.constant 0 : index
      %get3A_718 = vector.load %arg23[%get3A_716, %get3A_717] : memref<2x128xf32, #tpu.memory_space<vmem>>, vector<1x128xf32>
      %mul3A_719 = vector.broadcast %get3A_718 : vector<1x128xf32> to vector<1024x128xf32>
      %mul3A_720 = arith.mulf %convert_element_type3A_715, %mul3A_719 : vector<1024x128xf32>
      %get3A_721 = arith.constant 1 : index
      %get3A_722 = arith.constant 0 : index
      %get3A_723 = vector.load %arg23[%get3A_721, %get3A_722] : memref<2x128xf32, #tpu.memory_space<vmem>>, vector<1x128xf32>
      %add3A_724 = vector.broadcast %get3A_723 : vector<1x128xf32> to vector<1024x128xf32>
      %add3A_725 = arith.addf %mul3A_720, %add3A_724 : vector<1024x128xf32>
      %max3A_726 = arith.constant 0.000000e+00 : f32
      %max3A_727 = vector.broadcast %max3A_726 : f32 to vector<1024x128xf32>
      %max3A_728 = arith.maximumf %add3A_725, %max3A_727 : vector<1024x128xf32>
      %get3A_729 = arith.constant 0 : index
      %get3A_730 = arith.constant 0 : index
      %get3A_731 = vector.load %arg9[%get3A_729, %get3A_730] : memref<128x256xf32, #tpu.memory_space<vmem>>, vector<128x256xf32>
      %dot_general3A_732 = arith.constant dense<0.000000e+00> : vector<1024x256xf32>
      %dot_general3A_733 = tpu.matmul %max3A_728, %get3A_731, %dot_general3A_732 {dimension_numbers = #tpu.dot_dimension_numbers<[1], [0], [0], [1], [0, 0, 1, 1], [], []>, transpose_lhs_hint = false} : vector<1024x128xf32>, vector<128x256xf32>, vector<1024x256xf32> -> vector<1024x256xf32>
      %dot_general3A_734 = arith.constant dense<0.000000e+00> : vector<1x256xf32>
      %dot_general3A_735 = tpu.matmul %broadcast_in_dim3A_32, %dot_general3A_733, %dot_general3A_734 {dimension_numbers = #tpu.dot_dimension_numbers<[1], [0], [0], [1], [0, 0, 1, 1], [], []>, transpose_lhs_hint = false} : vector<1x1024xf32>, vector<1024x256xf32>, vector<1x256xf32> -> vector<1x256xf32>
      %add3A_736 = arith.addf %add3A_702, %dot_general3A_735 : vector<1x256xf32>
      %mul3A_737 = arith.mulf %dot_general3A_733, %dot_general3A_733 : vector<1024x256xf32>
      %dot_general3A_738 = arith.constant dense<0.000000e+00> : vector<1x256xf32>
      %dot_general3A_739 = tpu.matmul %broadcast_in_dim3A_32, %mul3A_737, %dot_general3A_738 {dimension_numbers = #tpu.dot_dimension_numbers<[1], [0], [0], [1], [0, 0, 1, 1], [], []>, transpose_lhs_hint = false} : vector<1x1024xf32>, vector<1024x256xf32>, vector<1x256xf32> -> vector<1x256xf32>
      %add3A_740 = arith.addf %add3A_706, %dot_general3A_739 : vector<1x256xf32>
      %max3A_741 = arith.maximumf %max3A_707, %dot_general3A_733 : vector<1024x256xf32>
      %mul3A_742 = arith.constant 1024 : i32
      %mul3A_743 = arith.muli %sub3A_21, %mul3A_742 : i32
      %add3A_744 = arith.constant 86016 : i32
      %add3A_745 = arith.addi %add3A_744, %mul3A_743 : i32
      %get3A_746 = arith.index_cast %add3A_745 : i32 to index
      %get3A_747 = arith.constant 0 : index
      %get3A_748 = vector.load %arg17[%get3A_746, %get3A_747] : memref<131072x128xbf16, #tpu.memory_space<vmem>>, vector<1024x128xbf16>
      %convert_element_type3A_749 = arith.extf %get3A_748 : vector<1024x128xbf16> to vector<1024x128xf32>
      %get3A_750 = arith.constant 0 : index
      %get3A_751 = arith.constant 0 : index
      %get3A_752 = vector.load %arg23[%get3A_750, %get3A_751] : memref<2x128xf32, #tpu.memory_space<vmem>>, vector<1x128xf32>
      %mul3A_753 = vector.broadcast %get3A_752 : vector<1x128xf32> to vector<1024x128xf32>
      %mul3A_754 = arith.mulf %convert_element_type3A_749, %mul3A_753 : vector<1024x128xf32>
      %get3A_755 = arith.constant 1 : index
      %get3A_756 = arith.constant 0 : index
      %get3A_757 = vector.load %arg23[%get3A_755, %get3A_756] : memref<2x128xf32, #tpu.memory_space<vmem>>, vector<1x128xf32>
      %add3A_758 = vector.broadcast %get3A_757 : vector<1x128xf32> to vector<1024x128xf32>
      %add3A_759 = arith.addf %mul3A_754, %add3A_758 : vector<1024x128xf32>
      %max3A_760 = arith.constant 0.000000e+00 : f32
      %max3A_761 = vector.broadcast %max3A_760 : f32 to vector<1024x128xf32>
      %max3A_762 = arith.maximumf %add3A_759, %max3A_761 : vector<1024x128xf32>
      %get3A_763 = arith.constant 0 : index
      %get3A_764 = arith.constant 0 : index
      %get3A_765 = vector.load %arg9[%get3A_763, %get3A_764] : memref<128x256xf32, #tpu.memory_space<vmem>>, vector<128x256xf32>
      %dot_general3A_766 = arith.constant dense<0.000000e+00> : vector<1024x256xf32>
      %dot_general3A_767 = tpu.matmul %max3A_762, %get3A_765, %dot_general3A_766 {dimension_numbers = #tpu.dot_dimension_numbers<[1], [0], [0], [1], [0, 0, 1, 1], [], []>, transpose_lhs_hint = false} : vector<1024x128xf32>, vector<128x256xf32>, vector<1024x256xf32> -> vector<1024x256xf32>
      %dot_general3A_768 = arith.constant dense<0.000000e+00> : vector<1x256xf32>
      %dot_general3A_769 = tpu.matmul %broadcast_in_dim3A_32, %dot_general3A_767, %dot_general3A_768 {dimension_numbers = #tpu.dot_dimension_numbers<[1], [0], [0], [1], [0, 0, 1, 1], [], []>, transpose_lhs_hint = false} : vector<1x1024xf32>, vector<1024x256xf32>, vector<1x256xf32> -> vector<1x256xf32>
      %add3A_770 = arith.addf %add3A_736, %dot_general3A_769 : vector<1x256xf32>
      %mul3A_771 = arith.mulf %dot_general3A_767, %dot_general3A_767 : vector<1024x256xf32>
      %dot_general3A_772 = arith.constant dense<0.000000e+00> : vector<1x256xf32>
      %dot_general3A_773 = tpu.matmul %broadcast_in_dim3A_32, %mul3A_771, %dot_general3A_772 {dimension_numbers = #tpu.dot_dimension_numbers<[1], [0], [0], [1], [0, 0, 1, 1], [], []>, transpose_lhs_hint = false} : vector<1x1024xf32>, vector<1024x256xf32>, vector<1x256xf32> -> vector<1x256xf32>
      %add3A_774 = arith.addf %add3A_740, %dot_general3A_773 : vector<1x256xf32>
      %max3A_775 = arith.maximumf %max3A_741, %dot_general3A_767 : vector<1024x256xf32>
      %mul3A_776 = arith.constant 1024 : i32
      %mul3A_777 = arith.muli %sub3A_21, %mul3A_776 : i32
      %add3A_778 = arith.constant 90112 : i32
      %add3A_779 = arith.addi %add3A_778, %mul3A_777 : i32
      %get3A_780 = arith.index_cast %add3A_779 : i32 to index
      %get3A_781 = arith.constant 0 : index
      %get3A_782 = vector.load %arg17[%get3A_780, %get3A_781] : memref<131072x128xbf16, #tpu.memory_space<vmem>>, vector<1024x128xbf16>
      %convert_element_type3A_783 = arith.extf %get3A_782 : vector<1024x128xbf16> to vector<1024x128xf32>
      %get3A_784 = arith.constant 0 : index
      %get3A_785 = arith.constant 0 : index
      %get3A_786 = vector.load %arg23[%get3A_784, %get3A_785] : memref<2x128xf32, #tpu.memory_space<vmem>>, vector<1x128xf32>
      %mul3A_787 = vector.broadcast %get3A_786 : vector<1x128xf32> to vector<1024x128xf32>
      %mul3A_788 = arith.mulf %convert_element_type3A_783, %mul3A_787 : vector<1024x128xf32>
      %get3A_789 = arith.constant 1 : index
      %get3A_790 = arith.constant 0 : index
      %get3A_791 = vector.load %arg23[%get3A_789, %get3A_790] : memref<2x128xf32, #tpu.memory_space<vmem>>, vector<1x128xf32>
      %add3A_792 = vector.broadcast %get3A_791 : vector<1x128xf32> to vector<1024x128xf32>
      %add3A_793 = arith.addf %mul3A_788, %add3A_792 : vector<1024x128xf32>
      %max3A_794 = arith.constant 0.000000e+00 : f32
      %max3A_795 = vector.broadcast %max3A_794 : f32 to vector<1024x128xf32>
      %max3A_796 = arith.maximumf %add3A_793, %max3A_795 : vector<1024x128xf32>
      %get3A_797 = arith.constant 0 : index
      %get3A_798 = arith.constant 0 : index
      %get3A_799 = vector.load %arg9[%get3A_797, %get3A_798] : memref<128x256xf32, #tpu.memory_space<vmem>>, vector<128x256xf32>
      %dot_general3A_800 = arith.constant dense<0.000000e+00> : vector<1024x256xf32>
      %dot_general3A_801 = tpu.matmul %max3A_796, %get3A_799, %dot_general3A_800 {dimension_numbers = #tpu.dot_dimension_numbers<[1], [0], [0], [1], [0, 0, 1, 1], [], []>, transpose_lhs_hint = false} : vector<1024x128xf32>, vector<128x256xf32>, vector<1024x256xf32> -> vector<1024x256xf32>
      %dot_general3A_802 = arith.constant dense<0.000000e+00> : vector<1x256xf32>
      %dot_general3A_803 = tpu.matmul %broadcast_in_dim3A_32, %dot_general3A_801, %dot_general3A_802 {dimension_numbers = #tpu.dot_dimension_numbers<[1], [0], [0], [1], [0, 0, 1, 1], [], []>, transpose_lhs_hint = false} : vector<1x1024xf32>, vector<1024x256xf32>, vector<1x256xf32> -> vector<1x256xf32>
      %add3A_804 = arith.addf %add3A_770, %dot_general3A_803 : vector<1x256xf32>
      %mul3A_805 = arith.mulf %dot_general3A_801, %dot_general3A_801 : vector<1024x256xf32>
      %dot_general3A_806 = arith.constant dense<0.000000e+00> : vector<1x256xf32>
      %dot_general3A_807 = tpu.matmul %broadcast_in_dim3A_32, %mul3A_805, %dot_general3A_806 {dimension_numbers = #tpu.dot_dimension_numbers<[1], [0], [0], [1], [0, 0, 1, 1], [], []>, transpose_lhs_hint = false} : vector<1x1024xf32>, vector<1024x256xf32>, vector<1x256xf32> -> vector<1x256xf32>
      %add3A_808 = arith.addf %add3A_774, %dot_general3A_807 : vector<1x256xf32>
      %max3A_809 = arith.maximumf %max3A_775, %dot_general3A_801 : vector<1024x256xf32>
      %mul3A_810 = arith.constant 1024 : i32
      %mul3A_811 = arith.muli %sub3A_21, %mul3A_810 : i32
      %add3A_812 = arith.constant 94208 : i32
      %add3A_813 = arith.addi %add3A_812, %mul3A_811 : i32
      %get3A_814 = arith.index_cast %add3A_813 : i32 to index
      %get3A_815 = arith.constant 0 : index
      %get3A_816 = vector.load %arg17[%get3A_814, %get3A_815] : memref<131072x128xbf16, #tpu.memory_space<vmem>>, vector<1024x128xbf16>
      %convert_element_type3A_817 = arith.extf %get3A_816 : vector<1024x128xbf16> to vector<1024x128xf32>
      %get3A_818 = arith.constant 0 : index
      %get3A_819 = arith.constant 0 : index
      %get3A_820 = vector.load %arg23[%get3A_818, %get3A_819] : memref<2x128xf32, #tpu.memory_space<vmem>>, vector<1x128xf32>
      %mul3A_821 = vector.broadcast %get3A_820 : vector<1x128xf32> to vector<1024x128xf32>
      %mul3A_822 = arith.mulf %convert_element_type3A_817, %mul3A_821 : vector<1024x128xf32>
      %get3A_823 = arith.constant 1 : index
      %get3A_824 = arith.constant 0 : index
      %get3A_825 = vector.load %arg23[%get3A_823, %get3A_824] : memref<2x128xf32, #tpu.memory_space<vmem>>, vector<1x128xf32>
      %add3A_826 = vector.broadcast %get3A_825 : vector<1x128xf32> to vector<1024x128xf32>
      %add3A_827 = arith.addf %mul3A_822, %add3A_826 : vector<1024x128xf32>
      %max3A_828 = arith.constant 0.000000e+00 : f32
      %max3A_829 = vector.broadcast %max3A_828 : f32 to vector<1024x128xf32>
      %max3A_830 = arith.maximumf %add3A_827, %max3A_829 : vector<1024x128xf32>
      %get3A_831 = arith.constant 0 : index
      %get3A_832 = arith.constant 0 : index
      %get3A_833 = vector.load %arg9[%get3A_831, %get3A_832] : memref<128x256xf32, #tpu.memory_space<vmem>>, vector<128x256xf32>
      %dot_general3A_834 = arith.constant dense<0.000000e+00> : vector<1024x256xf32>
      %dot_general3A_835 = tpu.matmul %max3A_830, %get3A_833, %dot_general3A_834 {dimension_numbers = #tpu.dot_dimension_numbers<[1], [0], [0], [1], [0, 0, 1, 1], [], []>, transpose_lhs_hint = false} : vector<1024x128xf32>, vector<128x256xf32>, vector<1024x256xf32> -> vector<1024x256xf32>
      %dot_general3A_836 = arith.constant dense<0.000000e+00> : vector<1x256xf32>
      %dot_general3A_837 = tpu.matmul %broadcast_in_dim3A_32, %dot_general3A_835, %dot_general3A_836 {dimension_numbers = #tpu.dot_dimension_numbers<[1], [0], [0], [1], [0, 0, 1, 1], [], []>, transpose_lhs_hint = false} : vector<1x1024xf32>, vector<1024x256xf32>, vector<1x256xf32> -> vector<1x256xf32>
      %add3A_838 = arith.addf %add3A_804, %dot_general3A_837 : vector<1x256xf32>
      %mul3A_839 = arith.mulf %dot_general3A_835, %dot_general3A_835 : vector<1024x256xf32>
      %dot_general3A_840 = arith.constant dense<0.000000e+00> : vector<1x256xf32>
      %dot_general3A_841 = tpu.matmul %broadcast_in_dim3A_32, %mul3A_839, %dot_general3A_840 {dimension_numbers = #tpu.dot_dimension_numbers<[1], [0], [0], [1], [0, 0, 1, 1], [], []>, transpose_lhs_hint = false} : vector<1x1024xf32>, vector<1024x256xf32>, vector<1x256xf32> -> vector<1x256xf32>
      %add3A_842 = arith.addf %add3A_808, %dot_general3A_841 : vector<1x256xf32>
      %max3A_843 = arith.maximumf %max3A_809, %dot_general3A_835 : vector<1024x256xf32>
      %mul3A_844 = arith.constant 1024 : i32
      %mul3A_845 = arith.muli %sub3A_21, %mul3A_844 : i32
      %add3A_846 = arith.constant 98304 : i32
      %add3A_847 = arith.addi %add3A_846, %mul3A_845 : i32
      %get3A_848 = arith.index_cast %add3A_847 : i32 to index
      %get3A_849 = arith.constant 0 : index
      %get3A_850 = vector.load %arg17[%get3A_848, %get3A_849] : memref<131072x128xbf16, #tpu.memory_space<vmem>>, vector<1024x128xbf16>
      %convert_element_type3A_851 = arith.extf %get3A_850 : vector<1024x128xbf16> to vector<1024x128xf32>
      %get3A_852 = arith.constant 0 : index
      %get3A_853 = arith.constant 0 : index
      %get3A_854 = vector.load %arg23[%get3A_852, %get3A_853] : memref<2x128xf32, #tpu.memory_space<vmem>>, vector<1x128xf32>
      %mul3A_855 = vector.broadcast %get3A_854 : vector<1x128xf32> to vector<1024x128xf32>
      %mul3A_856 = arith.mulf %convert_element_type3A_851, %mul3A_855 : vector<1024x128xf32>
      %get3A_857 = arith.constant 1 : index
      %get3A_858 = arith.constant 0 : index
      %get3A_859 = vector.load %arg23[%get3A_857, %get3A_858] : memref<2x128xf32, #tpu.memory_space<vmem>>, vector<1x128xf32>
      %add3A_860 = vector.broadcast %get3A_859 : vector<1x128xf32> to vector<1024x128xf32>
      %add3A_861 = arith.addf %mul3A_856, %add3A_860 : vector<1024x128xf32>
      %max3A_862 = arith.constant 0.000000e+00 : f32
      %max3A_863 = vector.broadcast %max3A_862 : f32 to vector<1024x128xf32>
      %max3A_864 = arith.maximumf %add3A_861, %max3A_863 : vector<1024x128xf32>
      %get3A_865 = arith.constant 0 : index
      %get3A_866 = arith.constant 0 : index
      %get3A_867 = vector.load %arg9[%get3A_865, %get3A_866] : memref<128x256xf32, #tpu.memory_space<vmem>>, vector<128x256xf32>
      %dot_general3A_868 = arith.constant dense<0.000000e+00> : vector<1024x256xf32>
      %dot_general3A_869 = tpu.matmul %max3A_864, %get3A_867, %dot_general3A_868 {dimension_numbers = #tpu.dot_dimension_numbers<[1], [0], [0], [1], [0, 0, 1, 1], [], []>, transpose_lhs_hint = false} : vector<1024x128xf32>, vector<128x256xf32>, vector<1024x256xf32> -> vector<1024x256xf32>
      %dot_general3A_870 = arith.constant dense<0.000000e+00> : vector<1x256xf32>
      %dot_general3A_871 = tpu.matmul %broadcast_in_dim3A_32, %dot_general3A_869, %dot_general3A_870 {dimension_numbers = #tpu.dot_dimension_numbers<[1], [0], [0], [1], [0, 0, 1, 1], [], []>, transpose_lhs_hint = false} : vector<1x1024xf32>, vector<1024x256xf32>, vector<1x256xf32> -> vector<1x256xf32>
      %add3A_872 = arith.addf %add3A_838, %dot_general3A_871 : vector<1x256xf32>
      %mul3A_873 = arith.mulf %dot_general3A_869, %dot_general3A_869 : vector<1024x256xf32>
      %dot_general3A_874 = arith.constant dense<0.000000e+00> : vector<1x256xf32>
      %dot_general3A_875 = tpu.matmul %broadcast_in_dim3A_32, %mul3A_873, %dot_general3A_874 {dimension_numbers = #tpu.dot_dimension_numbers<[1], [0], [0], [1], [0, 0, 1, 1], [], []>, transpose_lhs_hint = false} : vector<1x1024xf32>, vector<1024x256xf32>, vector<1x256xf32> -> vector<1x256xf32>
      %add3A_876 = arith.addf %add3A_842, %dot_general3A_875 : vector<1x256xf32>
      %max3A_877 = arith.maximumf %max3A_843, %dot_general3A_869 : vector<1024x256xf32>
      %mul3A_878 = arith.constant 1024 : i32
      %mul3A_879 = arith.muli %sub3A_21, %mul3A_878 : i32
      %add3A_880 = arith.constant 102400 : i32
      %add3A_881 = arith.addi %add3A_880, %mul3A_879 : i32
      %get3A_882 = arith.index_cast %add3A_881 : i32 to index
      %get3A_883 = arith.constant 0 : index
      %get3A_884 = vector.load %arg17[%get3A_882, %get3A_883] : memref<131072x128xbf16, #tpu.memory_space<vmem>>, vector<1024x128xbf16>
      %convert_element_type3A_885 = arith.extf %get3A_884 : vector<1024x128xbf16> to vector<1024x128xf32>
      %get3A_886 = arith.constant 0 : index
      %get3A_887 = arith.constant 0 : index
      %get3A_888 = vector.load %arg23[%get3A_886, %get3A_887] : memref<2x128xf32, #tpu.memory_space<vmem>>, vector<1x128xf32>
      %mul3A_889 = vector.broadcast %get3A_888 : vector<1x128xf32> to vector<1024x128xf32>
      %mul3A_890 = arith.mulf %convert_element_type3A_885, %mul3A_889 : vector<1024x128xf32>
      %get3A_891 = arith.constant 1 : index
      %get3A_892 = arith.constant 0 : index
      %get3A_893 = vector.load %arg23[%get3A_891, %get3A_892] : memref<2x128xf32, #tpu.memory_space<vmem>>, vector<1x128xf32>
      %add3A_894 = vector.broadcast %get3A_893 : vector<1x128xf32> to vector<1024x128xf32>
      %add3A_895 = arith.addf %mul3A_890, %add3A_894 : vector<1024x128xf32>
      %max3A_896 = arith.constant 0.000000e+00 : f32
      %max3A_897 = vector.broadcast %max3A_896 : f32 to vector<1024x128xf32>
      %max3A_898 = arith.maximumf %add3A_895, %max3A_897 : vector<1024x128xf32>
      %get3A_899 = arith.constant 0 : index
      %get3A_900 = arith.constant 0 : index
      %get3A_901 = vector.load %arg9[%get3A_899, %get3A_900] : memref<128x256xf32, #tpu.memory_space<vmem>>, vector<128x256xf32>
      %dot_general3A_902 = arith.constant dense<0.000000e+00> : vector<1024x256xf32>
      %dot_general3A_903 = tpu.matmul %max3A_898, %get3A_901, %dot_general3A_902 {dimension_numbers = #tpu.dot_dimension_numbers<[1], [0], [0], [1], [0, 0, 1, 1], [], []>, transpose_lhs_hint = false} : vector<1024x128xf32>, vector<128x256xf32>, vector<1024x256xf32> -> vector<1024x256xf32>
      %dot_general3A_904 = arith.constant dense<0.000000e+00> : vector<1x256xf32>
      %dot_general3A_905 = tpu.matmul %broadcast_in_dim3A_32, %dot_general3A_903, %dot_general3A_904 {dimension_numbers = #tpu.dot_dimension_numbers<[1], [0], [0], [1], [0, 0, 1, 1], [], []>, transpose_lhs_hint = false} : vector<1x1024xf32>, vector<1024x256xf32>, vector<1x256xf32> -> vector<1x256xf32>
      %add3A_906 = arith.addf %add3A_872, %dot_general3A_905 : vector<1x256xf32>
      %mul3A_907 = arith.mulf %dot_general3A_903, %dot_general3A_903 : vector<1024x256xf32>
      %dot_general3A_908 = arith.constant dense<0.000000e+00> : vector<1x256xf32>
      %dot_general3A_909 = tpu.matmul %broadcast_in_dim3A_32, %mul3A_907, %dot_general3A_908 {dimension_numbers = #tpu.dot_dimension_numbers<[1], [0], [0], [1], [0, 0, 1, 1], [], []>, transpose_lhs_hint = false} : vector<1x1024xf32>, vector<1024x256xf32>, vector<1x256xf32> -> vector<1x256xf32>
      %add3A_910 = arith.addf %add3A_876, %dot_general3A_909 : vector<1x256xf32>
      %max3A_911 = arith.maximumf %max3A_877, %dot_general3A_903 : vector<1024x256xf32>
      %mul3A_912 = arith.constant 1024 : i32
      %mul3A_913 = arith.muli %sub3A_21, %mul3A_912 : i32
      %add3A_914 = arith.constant 106496 : i32
      %add3A_915 = arith.addi %add3A_914, %mul3A_913 : i32
      %get3A_916 = arith.index_cast %add3A_915 : i32 to index
      %get3A_917 = arith.constant 0 : index
      %get3A_918 = vector.load %arg17[%get3A_916, %get3A_917] : memref<131072x128xbf16, #tpu.memory_space<vmem>>, vector<1024x128xbf16>
      %convert_element_type3A_919 = arith.extf %get3A_918 : vector<1024x128xbf16> to vector<1024x128xf32>
      %get3A_920 = arith.constant 0 : index
      %get3A_921 = arith.constant 0 : index
      %get3A_922 = vector.load %arg23[%get3A_920, %get3A_921] : memref<2x128xf32, #tpu.memory_space<vmem>>, vector<1x128xf32>
      %mul3A_923 = vector.broadcast %get3A_922 : vector<1x128xf32> to vector<1024x128xf32>
      %mul3A_924 = arith.mulf %convert_element_type3A_919, %mul3A_923 : vector<1024x128xf32>
      %get3A_925 = arith.constant 1 : index
      %get3A_926 = arith.constant 0 : index
      %get3A_927 = vector.load %arg23[%get3A_925, %get3A_926] : memref<2x128xf32, #tpu.memory_space<vmem>>, vector<1x128xf32>
      %add3A_928 = vector.broadcast %get3A_927 : vector<1x128xf32> to vector<1024x128xf32>
      %add3A_929 = arith.addf %mul3A_924, %add3A_928 : vector<1024x128xf32>
      %max3A_930 = arith.constant 0.000000e+00 : f32
      %max3A_931 = vector.broadcast %max3A_930 : f32 to vector<1024x128xf32>
      %max3A_932 = arith.maximumf %add3A_929, %max3A_931 : vector<1024x128xf32>
      %get3A_933 = arith.constant 0 : index
      %get3A_934 = arith.constant 0 : index
      %get3A_935 = vector.load %arg9[%get3A_933, %get3A_934] : memref<128x256xf32, #tpu.memory_space<vmem>>, vector<128x256xf32>
      %dot_general3A_936 = arith.constant dense<0.000000e+00> : vector<1024x256xf32>
      %dot_general3A_937 = tpu.matmul %max3A_932, %get3A_935, %dot_general3A_936 {dimension_numbers = #tpu.dot_dimension_numbers<[1], [0], [0], [1], [0, 0, 1, 1], [], []>, transpose_lhs_hint = false} : vector<1024x128xf32>, vector<128x256xf32>, vector<1024x256xf32> -> vector<1024x256xf32>
      %dot_general3A_938 = arith.constant dense<0.000000e+00> : vector<1x256xf32>
      %dot_general3A_939 = tpu.matmul %broadcast_in_dim3A_32, %dot_general3A_937, %dot_general3A_938 {dimension_numbers = #tpu.dot_dimension_numbers<[1], [0], [0], [1], [0, 0, 1, 1], [], []>, transpose_lhs_hint = false} : vector<1x1024xf32>, vector<1024x256xf32>, vector<1x256xf32> -> vector<1x256xf32>
      %add3A_940 = arith.addf %add3A_906, %dot_general3A_939 : vector<1x256xf32>
      %mul3A_941 = arith.mulf %dot_general3A_937, %dot_general3A_937 : vector<1024x256xf32>
      %dot_general3A_942 = arith.constant dense<0.000000e+00> : vector<1x256xf32>
      %dot_general3A_943 = tpu.matmul %broadcast_in_dim3A_32, %mul3A_941, %dot_general3A_942 {dimension_numbers = #tpu.dot_dimension_numbers<[1], [0], [0], [1], [0, 0, 1, 1], [], []>, transpose_lhs_hint = false} : vector<1x1024xf32>, vector<1024x256xf32>, vector<1x256xf32> -> vector<1x256xf32>
      %add3A_944 = arith.addf %add3A_910, %dot_general3A_943 : vector<1x256xf32>
      %max3A_945 = arith.maximumf %max3A_911, %dot_general3A_937 : vector<1024x256xf32>
      %mul3A_946 = arith.constant 1024 : i32
      %mul3A_947 = arith.muli %sub3A_21, %mul3A_946 : i32
      %add3A_948 = arith.constant 110592 : i32
      %add3A_949 = arith.addi %add3A_948, %mul3A_947 : i32
      %get3A_950 = arith.index_cast %add3A_949 : i32 to index
      %get3A_951 = arith.constant 0 : index
      %get3A_952 = vector.load %arg17[%get3A_950, %get3A_951] : memref<131072x128xbf16, #tpu.memory_space<vmem>>, vector<1024x128xbf16>
      %convert_element_type3A_953 = arith.extf %get3A_952 : vector<1024x128xbf16> to vector<1024x128xf32>
      %get3A_954 = arith.constant 0 : index
      %get3A_955 = arith.constant 0 : index
      %get3A_956 = vector.load %arg23[%get3A_954, %get3A_955] : memref<2x128xf32, #tpu.memory_space<vmem>>, vector<1x128xf32>
      %mul3A_957 = vector.broadcast %get3A_956 : vector<1x128xf32> to vector<1024x128xf32>
      %mul3A_958 = arith.mulf %convert_element_type3A_953, %mul3A_957 : vector<1024x128xf32>
      %get3A_959 = arith.constant 1 : index
      %get3A_960 = arith.constant 0 : index
      %get3A_961 = vector.load %arg23[%get3A_959, %get3A_960] : memref<2x128xf32, #tpu.memory_space<vmem>>, vector<1x128xf32>
      %add3A_962 = vector.broadcast %get3A_961 : vector<1x128xf32> to vector<1024x128xf32>
      %add3A_963 = arith.addf %mul3A_958, %add3A_962 : vector<1024x128xf32>
      %max3A_964 = arith.constant 0.000000e+00 : f32
      %max3A_965 = vector.broadcast %max3A_964 : f32 to vector<1024x128xf32>
      %max3A_966 = arith.maximumf %add3A_963, %max3A_965 : vector<1024x128xf32>
      %get3A_967 = arith.constant 0 : index
      %get3A_968 = arith.constant 0 : index
      %get3A_969 = vector.load %arg9[%get3A_967, %get3A_968] : memref<128x256xf32, #tpu.memory_space<vmem>>, vector<128x256xf32>
      %dot_general3A_970 = arith.constant dense<0.000000e+00> : vector<1024x256xf32>
      %dot_general3A_971 = tpu.matmul %max3A_966, %get3A_969, %dot_general3A_970 {dimension_numbers = #tpu.dot_dimension_numbers<[1], [0], [0], [1], [0, 0, 1, 1], [], []>, transpose_lhs_hint = false} : vector<1024x128xf32>, vector<128x256xf32>, vector<1024x256xf32> -> vector<1024x256xf32>
      %dot_general3A_972 = arith.constant dense<0.000000e+00> : vector<1x256xf32>
      %dot_general3A_973 = tpu.matmul %broadcast_in_dim3A_32, %dot_general3A_971, %dot_general3A_972 {dimension_numbers = #tpu.dot_dimension_numbers<[1], [0], [0], [1], [0, 0, 1, 1], [], []>, transpose_lhs_hint = false} : vector<1x1024xf32>, vector<1024x256xf32>, vector<1x256xf32> -> vector<1x256xf32>
      %add3A_974 = arith.addf %add3A_940, %dot_general3A_973 : vector<1x256xf32>
      %mul3A_975 = arith.mulf %dot_general3A_971, %dot_general3A_971 : vector<1024x256xf32>
      %dot_general3A_976 = arith.constant dense<0.000000e+00> : vector<1x256xf32>
      %dot_general3A_977 = tpu.matmul %broadcast_in_dim3A_32, %mul3A_975, %dot_general3A_976 {dimension_numbers = #tpu.dot_dimension_numbers<[1], [0], [0], [1], [0, 0, 1, 1], [], []>, transpose_lhs_hint = false} : vector<1x1024xf32>, vector<1024x256xf32>, vector<1x256xf32> -> vector<1x256xf32>
      %add3A_978 = arith.addf %add3A_944, %dot_general3A_977 : vector<1x256xf32>
      %max3A_979 = arith.maximumf %max3A_945, %dot_general3A_971 : vector<1024x256xf32>
      %mul3A_980 = arith.constant 1024 : i32
      %mul3A_981 = arith.muli %sub3A_21, %mul3A_980 : i32
      %add3A_982 = arith.constant 114688 : i32
      %add3A_983 = arith.addi %add3A_982, %mul3A_981 : i32
      %get3A_984 = arith.index_cast %add3A_983 : i32 to index
      %get3A_985 = arith.constant 0 : index
      %get3A_986 = vector.load %arg17[%get3A_984, %get3A_985] : memref<131072x128xbf16, #tpu.memory_space<vmem>>, vector<1024x128xbf16>
      %convert_element_type3A_987 = arith.extf %get3A_986 : vector<1024x128xbf16> to vector<1024x128xf32>
      %get3A_988 = arith.constant 0 : index
      %get3A_989 = arith.constant 0 : index
      %get3A_990 = vector.load %arg23[%get3A_988, %get3A_989] : memref<2x128xf32, #tpu.memory_space<vmem>>, vector<1x128xf32>
      %mul3A_991 = vector.broadcast %get3A_990 : vector<1x128xf32> to vector<1024x128xf32>
      %mul3A_992 = arith.mulf %convert_element_type3A_987, %mul3A_991 : vector<1024x128xf32>
      %get3A_993 = arith.constant 1 : index
      %get3A_994 = arith.constant 0 : index
      %get3A_995 = vector.load %arg23[%get3A_993, %get3A_994] : memref<2x128xf32, #tpu.memory_space<vmem>>, vector<1x128xf32>
      %add3A_996 = vector.broadcast %get3A_995 : vector<1x128xf32> to vector<1024x128xf32>
      %add3A_997 = arith.addf %mul3A_992, %add3A_996 : vector<1024x128xf32>
      %max3A_998 = arith.constant 0.000000e+00 : f32
      %max3A_999 = vector.broadcast %max3A_998 : f32 to vector<1024x128xf32>
      %max3A_1000 = arith.maximumf %add3A_997, %max3A_999 : vector<1024x128xf32>
      %get3A_1001 = arith.constant 0 : index
      %get3A_1002 = arith.constant 0 : index
      %get3A_1003 = vector.load %arg9[%get3A_1001, %get3A_1002] : memref<128x256xf32, #tpu.memory_space<vmem>>, vector<128x256xf32>
      %dot_general3A_1004 = arith.constant dense<0.000000e+00> : vector<1024x256xf32>
      %dot_general3A_1005 = tpu.matmul %max3A_1000, %get3A_1003, %dot_general3A_1004 {dimension_numbers = #tpu.dot_dimension_numbers<[1], [0], [0], [1], [0, 0, 1, 1], [], []>, transpose_lhs_hint = false} : vector<1024x128xf32>, vector<128x256xf32>, vector<1024x256xf32> -> vector<1024x256xf32>
      %dot_general3A_1006 = arith.constant dense<0.000000e+00> : vector<1x256xf32>
      %dot_general3A_1007 = tpu.matmul %broadcast_in_dim3A_32, %dot_general3A_1005, %dot_general3A_1006 {dimension_numbers = #tpu.dot_dimension_numbers<[1], [0], [0], [1], [0, 0, 1, 1], [], []>, transpose_lhs_hint = false} : vector<1x1024xf32>, vector<1024x256xf32>, vector<1x256xf32> -> vector<1x256xf32>
      %add3A_1008 = arith.addf %add3A_974, %dot_general3A_1007 : vector<1x256xf32>
      %mul3A_1009 = arith.mulf %dot_general3A_1005, %dot_general3A_1005 : vector<1024x256xf32>
      %dot_general3A_1010 = arith.constant dense<0.000000e+00> : vector<1x256xf32>
      %dot_general3A_1011 = tpu.matmul %broadcast_in_dim3A_32, %mul3A_1009, %dot_general3A_1010 {dimension_numbers = #tpu.dot_dimension_numbers<[1], [0], [0], [1], [0, 0, 1, 1], [], []>, transpose_lhs_hint = false} : vector<1x1024xf32>, vector<1024x256xf32>, vector<1x256xf32> -> vector<1x256xf32>
      %add3A_1012 = arith.addf %add3A_978, %dot_general3A_1011 : vector<1x256xf32>
      %max3A_1013 = arith.maximumf %max3A_979, %dot_general3A_1005 : vector<1024x256xf32>
      %mul3A_1014 = arith.constant 1024 : i32
      %mul3A_1015 = arith.muli %sub3A_21, %mul3A_1014 : i32
      %add3A_1016 = arith.constant 118784 : i32
      %add3A_1017 = arith.addi %add3A_1016, %mul3A_1015 : i32
      %get3A_1018 = arith.index_cast %add3A_1017 : i32 to index
      %get3A_1019 = arith.constant 0 : index
      %get3A_1020 = vector.load %arg17[%get3A_1018, %get3A_1019] : memref<131072x128xbf16, #tpu.memory_space<vmem>>, vector<1024x128xbf16>
      %convert_element_type3A_1021 = arith.extf %get3A_1020 : vector<1024x128xbf16> to vector<1024x128xf32>
      %get3A_1022 = arith.constant 0 : index
      %get3A_1023 = arith.constant 0 : index
      %get3A_1024 = vector.load %arg23[%get3A_1022, %get3A_1023] : memref<2x128xf32, #tpu.memory_space<vmem>>, vector<1x128xf32>
      %mul3A_1025 = vector.broadcast %get3A_1024 : vector<1x128xf32> to vector<1024x128xf32>
      %mul3A_1026 = arith.mulf %convert_element_type3A_1021, %mul3A_1025 : vector<1024x128xf32>
      %get3A_1027 = arith.constant 1 : index
      %get3A_1028 = arith.constant 0 : index
      %get3A_1029 = vector.load %arg23[%get3A_1027, %get3A_1028] : memref<2x128xf32, #tpu.memory_space<vmem>>, vector<1x128xf32>
      %add3A_1030 = vector.broadcast %get3A_1029 : vector<1x128xf32> to vector<1024x128xf32>
      %add3A_1031 = arith.addf %mul3A_1026, %add3A_1030 : vector<1024x128xf32>
      %max3A_1032 = arith.constant 0.000000e+00 : f32
      %max3A_1033 = vector.broadcast %max3A_1032 : f32 to vector<1024x128xf32>
      %max3A_1034 = arith.maximumf %add3A_1031, %max3A_1033 : vector<1024x128xf32>
      %get3A_1035 = arith.constant 0 : index
      %get3A_1036 = arith.constant 0 : index
      %get3A_1037 = vector.load %arg9[%get3A_1035, %get3A_1036] : memref<128x256xf32, #tpu.memory_space<vmem>>, vector<128x256xf32>
      %dot_general3A_1038 = arith.constant dense<0.000000e+00> : vector<1024x256xf32>
      %dot_general3A_1039 = tpu.matmul %max3A_1034, %get3A_1037, %dot_general3A_1038 {dimension_numbers = #tpu.dot_dimension_numbers<[1], [0], [0], [1], [0, 0, 1, 1], [], []>, transpose_lhs_hint = false} : vector<1024x128xf32>, vector<128x256xf32>, vector<1024x256xf32> -> vector<1024x256xf32>
      %dot_general3A_1040 = arith.constant dense<0.000000e+00> : vector<1x256xf32>
      %dot_general3A_1041 = tpu.matmul %broadcast_in_dim3A_32, %dot_general3A_1039, %dot_general3A_1040 {dimension_numbers = #tpu.dot_dimension_numbers<[1], [0], [0], [1], [0, 0, 1, 1], [], []>, transpose_lhs_hint = false} : vector<1x1024xf32>, vector<1024x256xf32>, vector<1x256xf32> -> vector<1x256xf32>
      %add3A_1042 = arith.addf %add3A_1008, %dot_general3A_1041 : vector<1x256xf32>
      %mul3A_1043 = arith.mulf %dot_general3A_1039, %dot_general3A_1039 : vector<1024x256xf32>
      %dot_general3A_1044 = arith.constant dense<0.000000e+00> : vector<1x256xf32>
      %dot_general3A_1045 = tpu.matmul %broadcast_in_dim3A_32, %mul3A_1043, %dot_general3A_1044 {dimension_numbers = #tpu.dot_dimension_numbers<[1], [0], [0], [1], [0, 0, 1, 1], [], []>, transpose_lhs_hint = false} : vector<1x1024xf32>, vector<1024x256xf32>, vector<1x256xf32> -> vector<1x256xf32>
      %add3A_1046 = arith.addf %add3A_1012, %dot_general3A_1045 : vector<1x256xf32>
      %max3A_1047 = arith.maximumf %max3A_1013, %dot_general3A_1039 : vector<1024x256xf32>
      %mul3A_1048 = arith.constant 1024 : i32
      %mul3A_1049 = arith.muli %sub3A_21, %mul3A_1048 : i32
      %add3A_1050 = arith.constant 122880 : i32
      %add3A_1051 = arith.addi %add3A_1050, %mul3A_1049 : i32
      %get3A_1052 = arith.index_cast %add3A_1051 : i32 to index
      %get3A_1053 = arith.constant 0 : index
      %get3A_1054 = vector.load %arg17[%get3A_1052, %get3A_1053] : memref<131072x128xbf16, #tpu.memory_space<vmem>>, vector<1024x128xbf16>
      %convert_element_type3A_1055 = arith.extf %get3A_1054 : vector<1024x128xbf16> to vector<1024x128xf32>
      %get3A_1056 = arith.constant 0 : index
      %get3A_1057 = arith.constant 0 : index
      %get3A_1058 = vector.load %arg23[%get3A_1056, %get3A_1057] : memref<2x128xf32, #tpu.memory_space<vmem>>, vector<1x128xf32>
      %mul3A_1059 = vector.broadcast %get3A_1058 : vector<1x128xf32> to vector<1024x128xf32>
      %mul3A_1060 = arith.mulf %convert_element_type3A_1055, %mul3A_1059 : vector<1024x128xf32>
      %get3A_1061 = arith.constant 1 : index
      %get3A_1062 = arith.constant 0 : index
      %get3A_1063 = vector.load %arg23[%get3A_1061, %get3A_1062] : memref<2x128xf32, #tpu.memory_space<vmem>>, vector<1x128xf32>
      %add3A_1064 = vector.broadcast %get3A_1063 : vector<1x128xf32> to vector<1024x128xf32>
      %add3A_1065 = arith.addf %mul3A_1060, %add3A_1064 : vector<1024x128xf32>
      %max3A_1066 = arith.constant 0.000000e+00 : f32
      %max3A_1067 = vector.broadcast %max3A_1066 : f32 to vector<1024x128xf32>
      %max3A_1068 = arith.maximumf %add3A_1065, %max3A_1067 : vector<1024x128xf32>
      %get3A_1069 = arith.constant 0 : index
      %get3A_1070 = arith.constant 0 : index
      %get3A_1071 = vector.load %arg9[%get3A_1069, %get3A_1070] : memref<128x256xf32, #tpu.memory_space<vmem>>, vector<128x256xf32>
      %dot_general3A_1072 = arith.constant dense<0.000000e+00> : vector<1024x256xf32>
      %dot_general3A_1073 = tpu.matmul %max3A_1068, %get3A_1071, %dot_general3A_1072 {dimension_numbers = #tpu.dot_dimension_numbers<[1], [0], [0], [1], [0, 0, 1, 1], [], []>, transpose_lhs_hint = false} : vector<1024x128xf32>, vector<128x256xf32>, vector<1024x256xf32> -> vector<1024x256xf32>
      %dot_general3A_1074 = arith.constant dense<0.000000e+00> : vector<1x256xf32>
      %dot_general3A_1075 = tpu.matmul %broadcast_in_dim3A_32, %dot_general3A_1073, %dot_general3A_1074 {dimension_numbers = #tpu.dot_dimension_numbers<[1], [0], [0], [1], [0, 0, 1, 1], [], []>, transpose_lhs_hint = false} : vector<1x1024xf32>, vector<1024x256xf32>, vector<1x256xf32> -> vector<1x256xf32>
      %add3A_1076 = arith.addf %add3A_1042, %dot_general3A_1075 : vector<1x256xf32>
      %mul3A_1077 = arith.mulf %dot_general3A_1073, %dot_general3A_1073 : vector<1024x256xf32>
      %dot_general3A_1078 = arith.constant dense<0.000000e+00> : vector<1x256xf32>
      %dot_general3A_1079 = tpu.matmul %broadcast_in_dim3A_32, %mul3A_1077, %dot_general3A_1078 {dimension_numbers = #tpu.dot_dimension_numbers<[1], [0], [0], [1], [0, 0, 1, 1], [], []>, transpose_lhs_hint = false} : vector<1x1024xf32>, vector<1024x256xf32>, vector<1x256xf32> -> vector<1x256xf32>
      %add3A_1080 = arith.addf %add3A_1046, %dot_general3A_1079 : vector<1x256xf32>
      %max3A_1081 = arith.maximumf %max3A_1047, %dot_general3A_1073 : vector<1024x256xf32>
      %mul3A_1082 = arith.constant 1024 : i32
      %mul3A_1083 = arith.muli %sub3A_21, %mul3A_1082 : i32
      %add3A_1084 = arith.constant 126976 : i32
      %add3A_1085 = arith.addi %add3A_1084, %mul3A_1083 : i32
      %get3A_1086 = arith.index_cast %add3A_1085 : i32 to index
      %get3A_1087 = arith.constant 0 : index
      %get3A_1088 = vector.load %arg17[%get3A_1086, %get3A_1087] : memref<131072x128xbf16, #tpu.memory_space<vmem>>, vector<1024x128xbf16>
      %convert_element_type3A_1089 = arith.extf %get3A_1088 : vector<1024x128xbf16> to vector<1024x128xf32>
      %get3A_1090 = arith.constant 0 : index
      %get3A_1091 = arith.constant 0 : index
      %get3A_1092 = vector.load %arg23[%get3A_1090, %get3A_1091] : memref<2x128xf32, #tpu.memory_space<vmem>>, vector<1x128xf32>
      %mul3A_1093 = vector.broadcast %get3A_1092 : vector<1x128xf32> to vector<1024x128xf32>
      %mul3A_1094 = arith.mulf %convert_element_type3A_1089, %mul3A_1093 : vector<1024x128xf32>
      %get3A_1095 = arith.constant 1 : index
      %get3A_1096 = arith.constant 0 : index
      %get3A_1097 = vector.load %arg23[%get3A_1095, %get3A_1096] : memref<2x128xf32, #tpu.memory_space<vmem>>, vector<1x128xf32>
      %add3A_1098 = vector.broadcast %get3A_1097 : vector<1x128xf32> to vector<1024x128xf32>
      %add3A_1099 = arith.addf %mul3A_1094, %add3A_1098 : vector<1024x128xf32>
      %max3A_1100 = arith.constant 0.000000e+00 : f32
      %max3A_1101 = vector.broadcast %max3A_1100 : f32 to vector<1024x128xf32>
      %max3A_1102 = arith.maximumf %add3A_1099, %max3A_1101 : vector<1024x128xf32>
      %get3A_1103 = arith.constant 0 : index
      %get3A_1104 = arith.constant 0 : index
      %get3A_1105 = vector.load %arg9[%get3A_1103, %get3A_1104] : memref<128x256xf32, #tpu.memory_space<vmem>>, vector<128x256xf32>
      %dot_general3A_1106 = arith.constant dense<0.000000e+00> : vector<1024x256xf32>
      %dot_general3A_1107 = tpu.matmul %max3A_1102, %get3A_1105, %dot_general3A_1106 {dimension_numbers = #tpu.dot_dimension_numbers<[1], [0], [0], [1], [0, 0, 1, 1], [], []>, transpose_lhs_hint = false} : vector<1024x128xf32>, vector<128x256xf32>, vector<1024x256xf32> -> vector<1024x256xf32>
      %dot_general3A_1108 = arith.constant dense<0.000000e+00> : vector<1x256xf32>
      %dot_general3A_1109 = tpu.matmul %broadcast_in_dim3A_32, %dot_general3A_1107, %dot_general3A_1108 {dimension_numbers = #tpu.dot_dimension_numbers<[1], [0], [0], [1], [0, 0, 1, 1], [], []>, transpose_lhs_hint = false} : vector<1x1024xf32>, vector<1024x256xf32>, vector<1x256xf32> -> vector<1x256xf32>
      %add3A_1110 = arith.addf %add3A_1076, %dot_general3A_1109 : vector<1x256xf32>
      %mul3A_1111 = arith.mulf %dot_general3A_1107, %dot_general3A_1107 : vector<1024x256xf32>
      %dot_general3A_1112 = arith.constant dense<0.000000e+00> : vector<1x256xf32>
      %dot_general3A_1113 = tpu.matmul %broadcast_in_dim3A_32, %mul3A_1111, %dot_general3A_1112 {dimension_numbers = #tpu.dot_dimension_numbers<[1], [0], [0], [1], [0, 0, 1, 1], [], []>, transpose_lhs_hint = false} : vector<1x1024xf32>, vector<1024x256xf32>, vector<1x256xf32> -> vector<1x256xf32>
      %add3A_1114 = arith.addf %add3A_1080, %dot_general3A_1113 : vector<1x256xf32>
      %max3A_1115 = arith.maximumf %max3A_1081, %dot_general3A_1107 : vector<1024x256xf32>
      %get3A_1116 = arith.constant 0 : index
      %get3A_1117 = arith.constant 0 : index
      %get3A_1118 = vector.load %arg21[%get3A_1116, %get3A_1117] : memref<2x256xf32, #tpu.memory_space<vmem>>, vector<2x256xf32>
      %concatenate3A = tpu.concatenate %add3A_1110, %add3A_1114 in 0 : vector<1x256xf32>, vector<1x256xf32> -> vector<2x256xf32>
      %add3A_1119 = arith.addf %get3A_1118, %concatenate3A : vector<2x256xf32>
      %swap3A = arith.constant 0 : index
      %swap3A_1120 = arith.constant 0 : index
      %swap3A_1121 = vector.load %arg21[%swap3A, %swap3A_1120] : memref<2x256xf32, #tpu.memory_space<vmem>>, vector<2x256xf32>
      tpu.vector_store %arg21[%swap3A, %swap3A_1120], %add3A_1119 {strides = array<i32>} : memref<2x256xf32, #tpu.memory_space<vmem>>, vector<2x256xf32>,
      %mul3A_1122 = arith.constant 1024 : i32
      %mul3A_1123 = arith.muli %sub3A_21, %mul3A_1122 : i32
      %swap3A_1124 = arith.index_cast %mul3A_1123 : i32 to index
      %swap3A_1125 = arith.constant 0 : index
      %swap3A_1126 = vector.load %arg18[%swap3A_1124, %swap3A_1125] : memref<4096x256xf32, #tpu.memory_space<vmem>>, vector<1024x256xf32>
      tpu.vector_store %arg18[%swap3A_1124, %swap3A_1125], %max3A_1115 {strides = array<i32>} : memref<4096x256xf32, #tpu.memory_space<vmem>>, vector<1024x256xf32>,
    } else {
    }
    %ge3A_16 = arith.constant 68 : i32
    %ge3A_17 = arith.cmpi sge, %arg0, %ge3A_16 : i32
    %convert_element_type3A_18 = arith.extui %ge3A_17 : i1 to i32
    %cond3A_19 = arith.constant 0 : i32
    %cond3A_20 = arith.cmpi ne, %convert_element_type3A_18, %cond3A_19 : i32
    scf.if %cond3A_20 {
      %sub3A = arith.constant 68 : i32
      %sub3A_21 = arith.subi %arg0, %sub3A : i32
      %eq3A = arith.constant 68 : i32
      %eq3A_22 = arith.cmpi eq, %arg0, %eq3A : i32
      %convert_element_type3A_23 = arith.extui %eq3A_22 : i1 to i32
      %cond3A_24 = arith.constant 0 : i32
      %cond3A_25 = arith.cmpi ne, %convert_element_type3A_23, %cond3A_24 : i32
      scf.if %cond3A_25 {
        %get3A_42 = arith.constant 0 : index
        %get3A_43 = arith.constant 0 : index
        %get3A_44 = vector.load %arg21[%get3A_42, %get3A_43] : memref<2x256xf32, #tpu.memory_space<vmem>>, vector<2x256xf32>
        %get3A_45 = arith.constant 0 : index
        %get3A_46 = arith.constant 0 : index
        %get3A_47 = vector.load %arg14[%get3A_45, %get3A_46] : memref<256x128xf32, #tpu.memory_space<vmem>>, vector<256x128xf32>
        %dot_general3A = arith.constant dense<0.000000e+00> : vector<2x128xf32>
        %dot_general3A_48 = tpu.matmul %get3A_44, %get3A_47, %dot_general3A {dimension_numbers = #tpu.dot_dimension_numbers<[1], [0], [0], [1], [0, 0, 1, 1], [], []>, transpose_lhs_hint = false} : vector<2x256xf32>, vector<256x128xf32>, vector<2x128xf32> -> vector<2x128xf32>
        %slice3A = vector.extract_strided_slice %dot_general3A_48 {offsets = [0, 0], sizes = [1, 128], strides = [1, 1]} : vector<2x128xf32> to vector<1x128xf32>
        %div3A = arith.constant 2.621440e+05 : f32
        %div3A_49 = vector.broadcast %div3A : f32 to vector<1x128xf32>
        %div3A_50 = arith.divf %slice3A, %div3A_49 : vector<1x128xf32>
        %slice3A_51 = vector.extract_strided_slice %dot_general3A_48 {offsets = [1, 0], sizes = [1, 128], strides = [1, 1]} : vector<2x128xf32> to vector<1x128xf32>
        %div3A_52 = arith.constant 2.621440e+05 : f32
        %div3A_53 = vector.broadcast %div3A_52 : f32 to vector<1x128xf32>
        %div3A_54 = arith.divf %slice3A_51, %div3A_53 : vector<1x128xf32>
        %mul3A_55 = arith.mulf %div3A_50, %div3A_50 : vector<1x128xf32>
        %sub3A_56 = arith.subf %div3A_54, %mul3A_55 : vector<1x128xf32>
        %get3A_57 = arith.constant 0 : index
        %get3A_58 = arith.constant 0 : index
        %get3A_59 = vector.load %arg10[%get3A_57, %get3A_58] : memref<1x128xf32, #tpu.memory_space<vmem>>, vector<1x128xf32>
        %add3A_60 = arith.constant 9.99999974E-6 : f32
        %add3A_61 = vector.broadcast %add3A_60 : f32 to vector<1x128xf32>
        %add3A_62 = arith.addf %sub3A_56, %add3A_61 : vector<1x128xf32>
        %sqrt3A = math.sqrt %add3A_62 : vector<1x128xf32>
        %div3A_63 = arith.divf %get3A_59, %sqrt3A : vector<1x128xf32>
        %get3A_64 = arith.constant 0 : index
        %get3A_65 = arith.constant 0 : index
        %get3A_66 = vector.load %arg11[%get3A_64, %get3A_65] : memref<1x128xf32, #tpu.memory_space<vmem>>, vector<1x128xf32>
        %mul3A_67 = arith.mulf %div3A_63, %div3A_50 : vector<1x128xf32>
        %sub3A_68 = arith.subf %get3A_66, %mul3A_67 : vector<1x128xf32>
        %concatenate3A = tpu.concatenate %div3A_63, %sub3A_68 in 0 : vector<1x128xf32>, vector<1x128xf32> -> vector<2x128xf32>
        %get3A_69 = arith.constant 0 : index
        %get3A_70 = arith.constant 0 : index
        %get3A_71 = vector.load %arg15[%get3A_69, %get3A_70] : memref<128x256xf32, #tpu.memory_space<vmem>>, vector<128x256xf32>
        %dot_general3A_72 = arith.constant dense<0.000000e+00> : vector<2x256xf32>
        %dot_general3A_73 = tpu.matmul %concatenate3A, %get3A_71, %dot_general3A_72 {dimension_numbers = #tpu.dot_dimension_numbers<[1], [0], [0], [1], [0, 0, 1, 1], [], []>, transpose_lhs_hint = false} : vector<2x128xf32>, vector<128x256xf32>, vector<2x256xf32> -> vector<2x256xf32>
        %swap3A_74 = arith.constant 0 : index
        %swap3A_75 = arith.constant 0 : index
        %swap3A_76 = vector.load %arg24[%swap3A_74, %swap3A_75] : memref<2x256xf32, #tpu.memory_space<vmem>>, vector<2x256xf32>
        tpu.vector_store %arg24[%swap3A_74, %swap3A_75], %dot_general3A_73 {strides = array<i32>} : memref<2x256xf32, #tpu.memory_space<vmem>>, vector<2x256xf32>,
      } else {
      }
      %mul3A = arith.constant 1024 : i32
      %mul3A_26 = arith.muli %sub3A_21, %mul3A : i32
      %get3A = arith.index_cast %mul3A_26 : i32 to index
      %get3A_27 = arith.constant 0 : index
      %get3A_28 = vector.load %arg18[%get3A, %get3A_27] : memref<4096x256xf32, #tpu.memory_space<vmem>>, vector<1024x256xf32>
      %get3A_29 = arith.constant 0 : index
      %get3A_30 = arith.constant 0 : index
      %get3A_31 = vector.load %arg24[%get3A_29, %get3A_30] : memref<2x256xf32, #tpu.memory_space<vmem>>, vector<1x256xf32>
      %mul3A_32 = vector.broadcast %get3A_31 : vector<1x256xf32> to vector<1024x256xf32>
      %mul3A_33 = arith.mulf %get3A_28, %mul3A_32 : vector<1024x256xf32>
      %get3A_34 = arith.constant 1 : index
      %get3A_35 = arith.constant 0 : index
      %get3A_36 = vector.load %arg24[%get3A_34, %get3A_35] : memref<2x256xf32, #tpu.memory_space<vmem>>, vector<1x256xf32>
      %add3A = vector.broadcast %get3A_36 : vector<1x256xf32> to vector<1024x256xf32>
      %add3A_37 = arith.addf %mul3A_33, %add3A : vector<1024x256xf32>
      %max3A = arith.constant 0.000000e+00 : f32
      %max3A_38 = vector.broadcast %max3A : f32 to vector<1024x256xf32>
      %max3A_39 = arith.maximumf %add3A_37, %max3A_38 : vector<1024x256xf32>
      %swap3A = arith.constant 0 : index
      %swap3A_40 = arith.constant 0 : index
      %swap3A_41 = vector.load %arg16[%swap3A, %swap3A_40] : memref<1024x256xf32, #tpu.memory_space<vmem>>, vector<1024x256xf32>
      tpu.vector_store %arg16[%swap3A, %swap3A_40], %max3A_39 {strides = array<i32>} : memref<1024x256xf32, #tpu.memory_space<vmem>>, vector<1024x256xf32>,
    } else {
    }
    return
  }
  func.func @transform_0(%arg0: i32) -> (i32, i32) {
    %min3A = arith.constant 31 : i32
    %min3A_0 = arith.minsi %arg0, %min3A : i32
    %c0_i32 = arith.constant 0 : i32
    %c0_i32_1 = arith.constant 0 : i32
    return %min3A_0, %c0_i32 : i32, i32
  }
  func.func @transform_1(%arg0: i32) -> (i32, i32) {
    %c0_i32 = arith.constant 0 : i32
    %c0_i32_0 = arith.constant 0 : i32
    %c0_i32_1 = arith.constant 0 : i32
    return %c0_i32, %c0_i32_0 : i32, i32
  }
  func.func @transform_2(%arg0: i32) -> (i32, i32) {
    %c0_i32 = arith.constant 0 : i32
    %c0_i32_0 = arith.constant 0 : i32
    %c0_i32_1 = arith.constant 0 : i32
    return %c0_i32, %c0_i32_0 : i32, i32
  }
  func.func @transform_3(%arg0: i32) -> (i32, i32) {
    %c0_i32 = arith.constant 0 : i32
    %c0_i32_0 = arith.constant 0 : i32
    %c0_i32_1 = arith.constant 0 : i32
    return %c0_i32, %c0_i32_0 : i32, i32
  }
  func.func @transform_4(%arg0: i32) -> (i32, i32) {
    %c0_i32 = arith.constant 0 : i32
    %c0_i32_0 = arith.constant 0 : i32
    %c0_i32_1 = arith.constant 0 : i32
    return %c0_i32, %c0_i32_0 : i32, i32
  }
  func.func @transform_5(%arg0: i32) -> (i32, i32) {
    %c0_i32 = arith.constant 0 : i32
    %c0_i32_0 = arith.constant 0 : i32
    %c0_i32_1 = arith.constant 0 : i32
    return %c0_i32, %c0_i32_0 : i32, i32
  }
  func.func @transform_6(%arg0: i32) -> (i32, i32) {
    %c0_i32 = arith.constant 0 : i32
    %c0_i32_0 = arith.constant 0 : i32
    %c0_i32_1 = arith.constant 0 : i32
    return %c0_i32, %c0_i32_0 : i32, i32
  }
  func.func @transform_7(%arg0: i32) -> (i32, i32) {
    %c0_i32 = arith.constant 0 : i32
    %c0_i32_0 = arith.constant 0 : i32
    %c0_i32_1 = arith.constant 0 : i32
    return %c0_i32, %c0_i32_0 : i32, i32
  }
  func.func @transform_8(%arg0: i32) -> (i32, i32) {
    %c0_i32 = arith.constant 0 : i32
    %c0_i32_0 = arith.constant 0 : i32
    %c0_i32_1 = arith.constant 0 : i32
    return %c0_i32, %c0_i32_0 : i32, i32
  }
  func.func @transform_9(%arg0: i32) -> (i32, i32) {
    %c0_i32 = arith.constant 0 : i32
    %c0_i32_0 = arith.constant 0 : i32
    %c0_i32_1 = arith.constant 0 : i32
    return %c0_i32, %c0_i32_0 : i32, i32
  }
  func.func @transform_10(%arg0: i32) -> (i32, i32) {
    %c0_i32 = arith.constant 0 : i32
    %c0_i32_0 = arith.constant 0 : i32
    %c0_i32_1 = arith.constant 0 : i32
    return %c0_i32, %c0_i32_0 : i32, i32
  }
  func.func @transform_11(%arg0: i32) -> (i32, i32) {
    %c0_i32 = arith.constant 0 : i32
    %c0_i32_0 = arith.constant 0 : i32
    %c0_i32_1 = arith.constant 0 : i32
    return %c0_i32, %c0_i32_0 : i32, i32
  }
  func.func @transform_12(%arg0: i32) -> (i32, i32) {
    %c0_i32 = arith.constant 0 : i32
    %c0_i32_0 = arith.constant 0 : i32
    %c0_i32_1 = arith.constant 0 : i32
    return %c0_i32, %c0_i32_0 : i32, i32
  }
  func.func @transform_13(%arg0: i32) -> (i32, i32) {
    %c0_i32 = arith.constant 0 : i32
    %c0_i32_0 = arith.constant 0 : i32
    %c0_i32_1 = arith.constant 0 : i32
    return %c0_i32, %c0_i32_0 : i32, i32
  }
  func.func @transform_14(%arg0: i32) -> (i32, i32) {
    %c0_i32 = arith.constant 0 : i32
    %c0_i32_0 = arith.constant 0 : i32
    %c0_i32_1 = arith.constant 0 : i32
    return %c0_i32, %c0_i32_0 : i32, i32
  }
  func.func @transform_15(%arg0: i32) -> (i32, i32) {
    %ge3A = arith.constant 68 : i32
    %ge3A_0 = arith.cmpi sge, %arg0, %ge3A : i32
    %sub3A = arith.constant 68 : i32
    %sub3A_1 = arith.subi %arg0, %sub3A : i32
    %jit3A = arith.constant 0 : i32
    %select_n3A = arith.select %ge3A_0, %sub3A_1, %jit3A : i32
    %c0_i32 = arith.constant 0 : i32
    %c0_i32_2 = arith.constant 0 : i32
    return %select_n3A, %c0_i32 : i32, i32
  }
}

</mosaic_0001>

<sc_bundles>
// kernel: kernel.4.cloned.1.call-start
scs
__scs_entry_jumppad:
0x0: {  	(pc) =	sbr.rel $0x88, $3  }
0x1: {  	(tag) =	ssettag $0x0;
	lr =	simm.s32 $0x1  }
0x2: {  	[smem:$0x3F94] =	sst lr;
	_ =	strace $0xD0000000  }
0x3: {  	_ = 	snop  }
0x4: {  	_ = 	snop  }
0x5: {  	_ = 	snop  }
0x6: {  	_ = 	snop  }
0x7: {  	_ = 	snop  }
__scs_overlays_trampoline_lowered:
0x8: {  	[smem:$0x3FA3] =	sst s0  }
0x9: {  	[smem:$0x3FA4] =	sst s1  }
0xa: {  	[smem:$0x3FA5] =	sst s2  }
0xb: {  	[smem:$0x3FA6] =	sst s3  }
0xc: {  	[smem:$0x3FA7] =	sst s4  }
0xd: {  	[smem:$0x3FA8] =	sst s5  }
0xe: {  	[smem:$0x3FA9] =	sst s6  }
0xf: {  	[smem:$0x3FAA] =	sst s7  }
0x10: {  	[smem:$0x3FAB] =	sst s8  }
0x11: {  	[smem:$0x3FAC] =	sst s9;
	s0 =	simm.s32 @!p0 $0x0  }
0x12: {  	s1 =	sld [smem:$0x3F92];
	s0 =	simm.s32 @p0 $0x1  }
0x13: {  	[smem:$0x3FAD] =	sst s0;
	s0 =	simm.s32 @!p1 $0x0  }
0x14: {  	s2 =	sld [smem:$0x3F91];
	s0 =	simm.s32 @p1 $0x1  }
0x15: {  	[smem:$0x3FAE] =	sst s0;
	s0 =	simm.s32 @!p2 $0x0  }
0x16: {  	s3 =	sld [smem:$0x3FDB];
	s0 =	simm.s32 @p2 $0x1  }
0x17: {  	s4 =	simm.s32 $0x1BF5;
	[smem:$0x3FB0] =	sst s0  }
0x18: {  	s0 =	sld [smem:$0x3F93];
	_ =	swait.ge [sflag:s4], $0x0  }
0x19: {  	s7 =	sld [smem:$0x3F94]  }
0x1a: {  	s8 =	sadd.s32 $0xFFFFE003, lr  }
0x1b: {  	s9 =	sadd.s32 $0xFFFFFEF7, lr;
	s5 =	simm.s32 $0xFFFFFFFF;
	p2 =	slt.u32 s8, $0xFFFFF086  }
0x1c: {  	p1 =	slt.u32 s9, $0xF7A;
	s5 =	simm.s32 @!p2 $0x0  }
0x1d: {  	s5 =	simm.s32 @p1 $0x1;
	p0 =	seq.s32 s7, s2  }
0x1e: {  	s7 =	smul.u32 @!p0 $0xF7A, s2;
	p2 =	seq.s32 @!p0 s5, $0x0  }
0x1f: {  	s9 =	smul.u32 $0xF7A, s1;
	s8 =	simm.s32 @!p0 $0x1BF5;
	p2 =	por !p2, p0  }
0x20: {  	[sflag:s8] =	ssyncset.s32 @!p0 $0xFFFFF086;
	s6 =	sadd.s32 @!p0 s3, s7;
	s7 =	simm.s32 @!p0 $0x108  }
0x21: {  	s3 =	sadd.s32 s3, s9;
	s6 =	sadd.s32 @!p0 $0x88, s6;
	s7 =	simm.s32 @p2 $0x1082  }
0x22: {  	[simem:s7], [sflag:s8] =	dma.local @!p0 [hbm:s6], $0xF7A  }
0x23: {  	s9 =	sor.u32 $0xD0000000, s2;
	s6 =	simm.s32 $0x108;
	_ =	swait.ge @!p0 [sflag:s8], $0x0  }
0x24: {  	s3 =	sadd.s32 $0x88, s3;
	s6 =	simm.s32 @!p1 $0x1082;
	[sflag:s4] =	ssyncset.s32 $0xFFFFF086  }
0x25: {  	[simem:s6], [sflag:s4] =	dma.local [hbm:s3], $0xF7A  }
0x26: {  	[smem:$0x3F94] =	sst s1;
	(tag) =	ssettag s2;
	_ =	strace s9  }
0x27: {  	s1 =	sld [smem:$0x3FA4]  }
0x28: {  	s2 =	sld [smem:$0x3FA5]  }
0x29: {  	s4 =	sld [smem:$0x3FA7]  }
0x2a: {  	p0 =	seq.s32 s5, $0x0;
	s5 =	sld [smem:$0x3FA8]  }
0x2b: {  	s6 =	sld [smem:$0x3FA9]  }
0x2c: {  	s7 =	sld [smem:$0x3FAA]  }
0x2d: {  	s3 =	simm.s32 $0x108;
	s8 =	sld [smem:$0x3FAB]  }
0x2e: {  	s3 =	simm.s32 @!p0 $0x1082;
	s9 =	sld [smem:$0x3FAC]  }
0x2f: {  	lr =	sadd.s32 s0, s3;
	s0 =	sld [smem:$0x3FA3]  }
0x30: {  	s3 =	sld [smem:$0x3FA6]  }
0x31: {  	[smem:$0x3FAF] =	sst s10  }
0x32: {  	s10 =	sld [smem:$0x3FAD];
	_ =	sdelay $0x3  }
0x33: {  	p0 =	seq.s32 s10, $0x1;
	s10 =	sld [smem:$0x3FAF];
	_ =	sdelay $0x3  }
0x34: {  	[smem:$0x3FAF] =	sst s10  }
0x35: {  	s10 =	sld [smem:$0x3FAE];
	_ =	sdelay $0x3  }
0x36: {  	p1 =	seq.s32 s10, $0x1;
	s10 =	sld [smem:$0x3FAF];
	_ =	sdelay $0x3  }
0x37: {  	[smem:$0x3FAF] =	sst s10  }
0x38: {  	s10 =	sld [smem:$0x3FB0]  }
0x39: {  	_ = 	snop;
	(pc) =	sbr.ind lr, $3  }
0x3a: {  	_ = 	snop  }
0x3b: {  	_ = 	snop  }
0x3c: {  	p2 =	seq.s32 s10, $0x1;
	s10 =	sld [smem:$0x3FAF]  }
0x3d: {  	_ =	shalt  }
0x3e: {  	_ =	shalt  }
0x3f: {  	_ =	shalt  }
0x40: {  	_ =	shalt  }
0x41: {  	_ =	shalt  }
0x42: {  	_ =	shalt  }
0x43: {  	_ =	shalt  }
0x44: {  	_ =	shalt  }
0x45: {  	_ =	shalt  }
0x46: {  	_ =	shalt  }
0x47: {  	_ =	shalt  }
0x48: {  	_ =	shalt  }
0x49: {  	_ =	shalt  }
0x4a: {  	_ =	shalt  }
0x4b: {  	_ =	shalt  }
0x4c: {  	_ =	shalt  }
0x4d: {  	_ =	shalt  }
0x4e: {  	_ =	shalt  }
0x4f: {  	_ =	shalt  }
0x50: {  	_ =	shalt  }
0x51: {  	_ =	shalt  }
0x52: {  	_ =	shalt  }
0x53: {  	_ =	shalt  }
0x54: {  	_ =	shalt  }
0x55: {  	_ =	shalt  }
0x56: {  	_ =	shalt  }
0x57: {  	_ =	shalt  }
0x58: {  	_ =	shalt  }
0x59: {  	_ =	shalt  }
0x5a: {  	_ =	shalt  }
0x5b: {  	_ =	shalt  }
0x5c: {  	_ =	shalt  }
0x5d: {  	_ =	shalt  }
0x5e: {  	_ =	shalt  }
0x5f: {  	_ =	shalt  }
0x60: {  	_ =	shalt  }
0x61: {  	_ =	shalt  }
0x62: {  	_ =	shalt  }
0x63: {  	_ =	shalt  }
0x64: {  	_ =	shalt  }
0x65: {  	_ =	shalt  }
0x66: {  	_ =	shalt  }
0x67: {  	_ =	shalt  }
0x68: {  	_ =	shalt  }
0x69: {  	_ =	shalt  }
0x6a: {  	_ =	shalt  }
0x6b: {  	_ =	shalt  }
0x6c: {  	_ =	shalt  }
0x6d: {  	_ =	shalt  }
0x6e: {  	_ =	shalt  }
0x6f: {  	_ =	shalt  }
0x70: {  	_ =	shalt  }
0x71: {  	_ =	shalt  }
0x72: {  	_ =	shalt  }
0x73: {  	_ =	shalt  }
0x74: {  	_ =	shalt  }
0x75: {  	_ =	shalt  }
0x76: {  	_ =	shalt  }
0x77: {  	_ =	shalt  }
0x78: {  	_ =	shalt  }
0x79: {  	_ =	shalt  }
0x7a: {  	_ =	shalt  }
0x7b: {  	_ =	shalt  }
0x7c: {  	_ =	shalt  }
0x7d: {  	_ =	shalt  }
0x7e: {  	_ =	shalt  }
0x7f: {  	_ =	shalt  }
0x80: {  	_ =	shalt  }
0x81: {  	_ =	shalt  }
0x82: {  	_ =	shalt  }
0x83: {  	_ =	shalt  }
0x84: {  	_ =	shalt  }
0x85: {  	_ =	shalt  }
0x86: {  	_ =	shalt  }
0x87: {  	_ =	shalt  }
.Lfunc_end0:
.L_simem_size_0:
called_computation_lowered:
.L_overlay_start_0:
0x88: {  	s2 =	sld [smem:$0x3FD9]  }
0x89: {  	s3 =	sld [smem:$0x3FFE];
	_ =	sdelay $0x1  }
0x8a: {  	s1 =	srdreg.scid  }
0x8b: {  	s0 =	sand.u32 $0x1, s1  }
0x8c: {  	s17 =	sshll.u32 s0, $0xA;
	s2 =	sadd.s32 s3, s2  }
0x8d: {  	s2 =	sadd.s32 s2, s17  }
0x8e: {  	[smem:$0x3FBB] =	sst s2  }
0x8f: {  	_ = 	snop  }
0x90: {  	s2 =	sld [smem:$0x3FD0];
	(tm) =	ssettm $0x1  }
0x91: {  	s18 =	sld [smem:$0x3FFB];
	_ =	sdelay $0x3  }
0x92: {  	_ =	strace s18  }
0x93: {  	s3 =	sld [smem:$0x3FFC];
	_ =	sdelay $0x3  }
0x94: {  	_ =	strace s3  }
0x95: {  	s3 =	sld [smem:$0x3FFD];
	_ =	sdelay $0x3  }
0x96: {  	_ =	strace s3  }
0x97: {  	_ =	strace $0x8FFFFFFF  }
0x98: {  	s19 =	sld [smem:$0x3FDB];
	_ =	sdelay $0x1  }
0x99: {  	s4 =	simm.s32 $_scs_section_size  }
0x9a: {  	s5 =	simm.s32 $_size__tile_overlayer_lowered;
	s6 =	simm.s32 $_tile_overlayer_lowered  }
0x9b: {  	s22 =	simm.s32 $0x1BFF;
	s21 =	sshll.u32 s6, $0x1;
	s3 =	sadd.s32 s4, s19  }
0x9c: {  	s7 =	simm.s32 $0x0;
	s20 =	sshll.u32 s5, $0x1;
	s5 =	sadd.s32 s21, s3  }
0x9d: {  	[timem:s7], [sflag:s22] =	dma.local [hbm:s5], s20  }
0x9e: {  	_ =	swait.ge [sflag:s22], s20  }
0x9f: {  	s4 =	ssub.s32 $0x0, s20;
	[sflag:s22] =	ssyncset.done $0x0  }
0xa0: {  	[sflag:s22] =	ssyncadd.s32 s4;
	_ =	sdelay $0x1  }
0xa1: {  	s23 =	simm.s32 $0x1B8B  }
0xa2: {  	_ =	swait.ge [sflag:s23], $0x1  }
0xa3: {  	[sflag:s23] =	ssyncset.done $0x0  }
0xa4: {  	s25 =	simm.s32 $0x1B8E;
	s24 =	sld [smem:$0x3FFE];
	[sflag:s23] =	ssyncadd.s32 $0xFFFFFFFF  }
0xa5: {  	s26 =	simm.s32 $execute0_lowered;
	[smem:$0x3FD2] =	sst s25  }
0xa6: {  	s5 =	sshll.u32 s26, $0x1;
	_ =	strace $0x80000046;
	[dreg:$0x1] =	wrdreg $0xFFFFFFFF  }
0xa7: {  	s28 =	simm.s32 $_size_execute0_lowered;
	s3 =	sadd.s32 s3, s5;
	[dreg:$0x0] =	wrdreg $0x0  }
0xa8: {  	s5 =	sshll.u32 s28, $0x1;
	[dreg:$0x2] =	wrdreg s3  }
0xa9: {  	[dreg:$0x3] =	wrdreg s5  }
0xaa: {  	[dreg:$0x4] =	wrdreg $0xC0  }
0xab: {  	_ =	task [dreg:s7], $0x5FFFF  }
0xac: {  	[dreg:$0x1] =	wrdreg $0xFFFFFFFF  }
0xad: {  	[dreg:$0x0] =	wrdreg $0x60  }
0xae: {  	[dreg:$0x2] =	wrdreg s24  }
0xaf: {  	[dreg:$0x3] =	wrdreg s2  }
0xb0: {  	[dreg:$0x4] =	wrdreg $0x9  }
0xb1: {  	_ =	task.clear_ibuf [dreg:s7], $0x5FFFF;
	_ =	strace $0x90000046  }
0xb2: {  	s29 =	simm.s32 $0x9;
	_ =	strace $0x80000048  }
0xb3: {  	_ =	swait.ge [sflag:s29], $0x1  }
0xb4: {  	[sflag:s29] =	ssyncadd.s32 $0xFFFFFFFF  }
0xb5: {  	_ =	strace $0x90000048  }
0xb6: {  	_ =	sfence  }
0xb7: {  	s30 =	sld [smem:$0x0];
	_ =	sdelay $0x2  }
0xb8: {  	s31 =	sshll.u32 s1, $0xD;
	s1 =	sshrl.u32 s1, $0x2  }
0xb9: {  	s3 =	sand.u32 $0x4000, s31;
	s1 =	sadd.s32 s1, s30  }
0xba: {  	s0 =	sor.u32 s3, s0;
	s1 =	sshll.u32 s1, $0x11  }
0xbb: {  	s0 =	sor.u32 s1, s0  }
0xbc: {  	s0 =	sadd.s32 $0x8F2B, s0  }
0xbd: {  	[sflag:s0] =	ssyncadd.remote.s32 $0x1  }
0xbe: {  	_ =	sfence.sel $0xFFFF  }
0xbf: {  	[dreg:$0x0] =	wrdreg $0xFFFFFFFF;
	(pc) =	sbr.abs _section_cstart, $3  }
0xc0: {  	[dreg:$0x1] =	wrdreg $0xFFFFFFFF  }
0xc1: {  	_ =	task.clear_ibuf [dreg:s7], $0x2FFFF;
	_ =	strace $0x9FFFFFFF  }
0xc2: {  	(tm) =	ssettm $0x7FFFFFFF  }
0xc3: {  	_ =	shalt  }
tec
execute0_lowered:
.L_overlay_start_1:
0x0: {  	(tag) =	ssettag $0x1  }
0x1: {  	s3 =	rddreg [dreg:$0x0]  }
0x2: {  	s26 =	rddreg [dreg:$0x1];
	s2 =	simm.s32 $0x0  }
0x3: {  	s0 =	srdreg.scid;
	s23 =	simm.s32 $0x100;
	[smem:$0x7FF] =	sst s2  }
0x4: {  	s24 =	simm.s32 $0x180;
	_ =	strace $0x80000047;
	[dreg:$0x14] =	wrdreg s23  }
0x5: {  	s15 =	stileid.u32;
	s25 =	simm.s32 $0x200;
	[dreg:$0x15] =	wrdreg s24  }
0x6: {  	s1 =	sand.u32 $0x1, s0;
	[dreg:$0x16] =	wrdreg s25;
	s23 =	simm.s32 $0xC00  }
0x7: {  	s4 =	sshll.u32 s15, $0xE;
	s24 =	simm.s32 $0xC80;
	[smem:$0x7E5] =	sst s23  }
0x8: {  	s5 =	sshll.u32 s1, $0xD;
	s25 =	simm.s32 $0xD00;
	[smem:$0x7E6] =	sst s24  }
0x9: {  	s4 =	sor.u32 s5, s4;
	[smem:$0x7E7] =	sst s25;
	s23 =	simm.s32 $0x1680  }
0xa: {  	s24 =	simm.s32 $0x1700;
	s25 =	simm.s32 $0x1780;
	[smem:$0x7FA] =	sst s23  }
0xb: {  	s5 =	sshll.u32 s4, $0x3;
	s4 =	sshrl.u32 s4, $0x3;
	[smem:$0x7FB] =	sst s24  }
0xc: {  	[smem:$0x7FC] =	sst s25;
	s0 =	sadd.s32 s26, s4  }
0xd: {  	s26 =	simm.s32 $0x280;
	[dreg:$0x3] =	wrdreg s0  }
0xe: {  	s5 =	sadd.s32 s5, s3;
	s4 =	simm.s32 $0x300;
	[dreg:$0x17] =	wrdreg s26  }
0xf: {  	s6 =	sadd.s32 $0x181600, s5;
	[dreg:$0x18] =	wrdreg s4  }
0x10: {  	s7 =	sadd.s32 $0x182600, s5;
	[dreg:$0x4] =	wrdreg s6  }
0x11: {  	s8 =	sadd.s32 $0x183600, s5;
	[dreg:$0x5] =	wrdreg s7  }
0x12: {  	s9 =	sadd.s32 $0x184600, s5;
	[dreg:$0x6] =	wrdreg s8  }
0x13: {  	s10 =	sadd.s32 $0x185600, s5;
	[dreg:$0x7] =	wrdreg s9  }
0x14: {  	s11 =	sadd.s32 $0x186600, s5;
	[dreg:$0x8] =	wrdreg s10  }
0x15: {  	s12 =	sadd.s32 $0x187600, s5;
	[dreg:$0x9] =	wrdreg s11  }
0x16: {  	s13 =	sadd.s32 $0x188600, s5;
	[dreg:$0xa] =	wrdreg s12  }
0x17: {  	s14 =	sadd.s32 $0x189600, s5;
	[dreg:$0xb] =	wrdreg s13  }
0x18: {  	s16 =	sadd.s32 $0x18A600, s5;
	[dreg:$0xc] =	wrdreg s14  }
0x19: {  	s17 =	sadd.s32 $0x18B600, s5;
	[dreg:$0xd] =	wrdreg s16  }
0x1a: {  	s18 =	sadd.s32 $0x18C600, s5;
	[dreg:$0xe] =	wrdreg s17  }
0x1b: {  	s19 =	sadd.s32 $0x18D600, s5;
	[dreg:$0xf] =	wrdreg s18  }
0x1c: {  	s20 =	sadd.s32 $0x18E600, s5;
	[dreg:$0x10] =	wrdreg s19  }
0x1d: {  	s21 =	sadd.s32 $0x18F600, s5;
	[dreg:$0x11] =	wrdreg s20  }
0x1e: {  	s22 =	sadd.s32 $0x190600, s5;
	[dreg:$0x12] =	wrdreg s21  }
0x1f: {  	s5 =	simm.s32 $0x380;
	[dreg:$0x13] =	wrdreg s22  }
0x20: {  	s26 =	simm.s32 $0xD80;
	[dreg:$0x19] =	wrdreg s5  }
0x21: {  	s4 =	simm.s32 $0xE00;
	[smem:$0x7E8] =	sst s26  }
0x22: {  	[smem:$0x7E9] =	sst s4  }
0x23: {  	s6 =	simm.s32 $0x400;
	s0 =	rddreg [dreg:$0x3]  }
0x24: {  	s7 =	simm.s32 $0x480;
	[dreg:$0x1a] =	wrdreg s6  }
0x25: {  	s8 =	simm.s32 $0x500;
	[dreg:$0x1b] =	wrdreg s7  }
0x26: {  	s9 =	simm.s32 $0x580;
	[dreg:$0x1c] =	wrdreg s8  }
0x27: {  	s10 =	simm.s32 $0x600;
	[dreg:$0x1d] =	wrdreg s9  }
0x28: {  	s11 =	simm.s32 $0x680;
	[dreg:$0x1e] =	wrdreg s10  }
0x29: {  	s12 =	simm.s32 $0x700;
	[dreg:$0x1f] =	wrdreg s11  }
0x2a: {  	s13 =	simm.s32 $0x780;
	[smem:$0x7DB] =	sst s12  }
0x2b: {  	s14 =	simm.s32 $0x800;
	[smem:$0x7DC] =	sst s13  }
0x2c: {  	s16 =	simm.s32 $0x880;
	[smem:$0x7DD] =	sst s14  }
0x2d: {  	s17 =	simm.s32 $0x900;
	[smem:$0x7DE] =	sst s16  }
0x2e: {  	s18 =	simm.s32 $0x980;
	[smem:$0x7DF] =	sst s17  }
0x2f: {  	s31 =	simm.s32 $0x3;
	s19 =	simm.s32 $0xA00;
	[smem:$0x7E0] =	sst s18  }
0x30: {  	s29 =	simm.s32 $0x1880;
	s20 =	simm.s32 $0xA80;
	[smem:$0x7E1] =	sst s19  }
0x31: {  	s30 =	simm.s32 $0x1900;
	s21 =	simm.s32 $0xB00;
	[smem:$0x7E2] =	sst s20  }
0x32: {  	s28 =	simm.s32 $0x1B80;
	s22 =	simm.s32 $0xB80;
	[smem:$0x7E3] =	sst s21  }
0x33: {  	p0 =	por $0x0, $0x0;
	s5 =	simm.s32 $0xE80;
	[smem:$0x7E4] =	sst s22  }
0x34: {  	s1 =	ssub.s32 $0x2, s1;
	s26 =	simm.s32 $0x1800;
	[smem:$0x7EA] =	sst s5  }
0x35: {  	s24 =	simm.s32 $0x1A00;
	s6 =	simm.s32 $0xF00;
	[smem:$0x7FD] =	sst s26  }
0x36: {  	s25 =	simm.s32 $0x1A80;
	s7 =	simm.s32 $0xF80;
	[smem:$0x7EB] =	sst s6  }
0x37: {  	s23 =	simm.s32 $0x1D80;
	s8 =	simm.s32 $0x1000;
	[smem:$0x7EC] =	sst s7  }
0x38: {  	s3 =	sadd.s32 $0x101600, s3;
	s9 =	simm.s32 $0x1080;
	[smem:$0x7ED] =	sst s8  }
0x39: {  	s4 =	simm.s32 $0x80;
	s10 =	simm.s32 $0x1100;
	[smem:$0x7EE] =	sst s9  }
0x3a: {  	s11 =	sshrl.u32 s1, $0x1;
	s12 =	simm.s32 $0x1180;
	[smem:$0x7EF] =	sst s10  }
0x3b: {  	s13 =	simm.s32 $0x1200;
	s14 =	simm.s32 $0x1280;
	[smem:$0x7F0] =	sst s12  }
0x3c: {  	s16 =	simm.s32 $0x1300;
	s17 =	simm.s32 $0x1380;
	[smem:$0x7F1] =	sst s13  }
0x3d: {  	s18 =	simm.s32 $0x1400;
	s19 =	simm.s32 $0x1480;
	[smem:$0x7F2] =	sst s14  }
0x3e: {  	s20 =	simm.s32 $0x1500;
	s21 =	simm.s32 $0x1580;
	[smem:$0x7F3] =	sst s16  }
0x3f: {  	s5 =	simm.s32 $0x1;
	s22 =	simm.s32 $0x1600;
	[smem:$0x7F4] =	sst s17  }
0x40: {  	s26 =	simm.s32 $0x1B00;
	s1 =	ssub.s32 s1, s11;
	[smem:$0x7F5] =	sst s18  }
0x41: {  	s7 =	simm.s32 $0x2000;
	s12 =	simm.s32 $0x4000;
	[smem:$0x7F6] =	sst s19  }
0x42: {  	s13 =	simm.s32 $0x6000;
	[smem:$0x7F7] =	sst s20;
	s1 =	smax.u32 s1, $0x1  }
0x43: {  	s14 =	simm.s32 $0x8000;
	[smem:$0x7F8] =	sst s21;
	p1 =	sne.s32 s1, $0x1  }
.Ltmp0:
0x44: {  	s6 =	simm.s32 $0xA000;
	[smem:$0x7F9] =	sst s22;
	(pc) =	sbr.rel @!p1 .LBB2_1-.Ltmp0, $4  }
0x45: {  	s9 =	simm.s32 $0xC000;
	s10 =	simm.s32 $0xE000;
	s11 =	simm.s32 $0x10000  }
0x46: {  	s8 =	simm.s32 $0x2;
	s20 =	simm.s32 $0x1980;
	s21 =	simm.s32 $0x1C80  }
0x47: {  	s22 =	simm.s32 $0x1D00;
	s16 =	simm.s32 $0x1E00;
	s17 =	simm.s32 $0x1E80  }
0x48: {  	s18 =	simm.s32 $0x1F00;
	s19 =	simm.s32 $0x1F80;
	s1 =	sadd.s32 $0xFFFFFFFF, s1  }
0x49: {  	[tilespmem:s2], [sflag:$0x3] =	stream.linear.gather [hbm4b:s0+s2], $0x2000, $0x38;
	[tilespmem:$0x12000] =	vst v63  }
0x4a: {  	_ =	swait.ge [sflag:s31], $0x2000  }
0x4b: {  	[sflag:s31] =	ssyncset.done $0x0  }
0x4c: {  	[sflag:s31] =	ssyncadd.s32 $0xFFFFE000  }
0x4d: {  	[tilespmem:s7], [sflag:$0x1] =	stream.indirect.gather [hbm4b:s3+s4], $0x40, s2, s4, $0xb8;
	[tilespmem:$0x12000] =	vst v63  }
0x4e: {  	_ = 	snop  }
0x4f: {  	[tilespmem:s12], [sflag:$0x1] =	stream.indirect.gather [hbm4b:s3+s4], $0x40, s4, s4, $0xb8;
	[tilespmem:$0x12000] =	vst v63  }
0x50: {  	s0 =	rddreg [dreg:$0x14]  }
0x51: {  	[tilespmem:s13], [sflag:$0x1] =	stream.indirect.gather [hbm4b:s3+s4], $0x40, s0, s4, $0xb8;
	[tilespmem:$0x12000] =	vst v63  }
0x52: {  	s15 =	smov.u32 s1;
	s1 =	rddreg [dreg:$0x15]  }
0x53: {  	[tilespmem:s14], [sflag:$0x1] =	stream.indirect.gather [hbm4b:s3+s4], $0x40, s1, s4, $0xb8;
	[tilespmem:$0x12000] =	vst v63  }
0x54: {  	_ =	swait.ge [sflag:s5], $0x2000  }
0x55: {  	[sflag:s5] =	ssyncset.done $0x0  }
0x56: {  	[sflag:s5] =	ssyncadd.s32 $0xFFFFE000  }
0x57: {  	_ =	swait.ge [sflag:s5], $0x2000  }
0x58: {  	[sflag:s5] =	ssyncset.done $0x0  }
0x59: {  	[sflag:s5] =	ssyncadd.s32 $0xFFFFE000  }
0x5a: {  	_ =	swait.ge [sflag:s5], $0x2000  }
0x5b: {  	[sflag:s5] =	ssyncset.done $0x0  }
0x5c: {  	[sflag:s5] =	ssyncadd.s32 $0xFFFFE000  }
0x5d: {  	_ =	swait.ge [sflag:s5], $0x2000  }
0x5e: {  	[sflag:s5] =	ssyncset.done $0x0  }
0x5f: {  	s0 =	rddreg [dreg:$0x4];
	[sflag:s5] =	ssyncadd.s32 $0xFFFFE000  }
0x60: {  	[hbm4b:s0+s2] =	stream.linear.scatter [tilespmem:s7], [sflag:$0x2], $0x8000, $0x38;
	[tilespmem:$0x12000] =	vst v63  }
0x61: {  	s1 =	rddreg [dreg:$0x16]  }
0x62: {  	[tilespmem:s6], [sflag:$0x1] =	stream.indirect.gather [hbm4b:s3+s4], $0x40, s1, s4, $0xb8;
	[tilespmem:$0x12000] =	vst v63  }
0x63: {  	s0 =	rddreg [dreg:$0x17]  }
0x64: {  	[tilespmem:s9], [sflag:$0x1] =	stream.indirect.gather [hbm4b:s3+s4], $0x40, s0, s4, $0xb8;
	[tilespmem:$0x12000] =	vst v63  }
0x65: {  	s1 =	rddreg [dreg:$0x18]  }
0x66: {  	[tilespmem:s10], [sflag:$0x1] =	stream.indirect.gather [hbm4b:s3+s4], $0x40, s1, s4, $0xb8;
	[tilespmem:$0x12000] =	vst v63  }
0x67: {  	s0 =	rddreg [dreg:$0x19]  }
0x68: {  	[tilespmem:s11], [sflag:$0x1] =	stream.indirect.gather [hbm4b:s3+s4], $0x40, s0, s4, $0xb8;
	[tilespmem:$0x12000] =	vst v63  }
0x69: {  	_ =	swait.ge [sflag:s5], $0x2000  }
0x6a: {  	[sflag:s5] =	ssyncset.done $0x0  }
0x6b: {  	[sflag:s5] =	ssyncadd.s32 $0xFFFFE000  }
0x6c: {  	_ =	swait.ge [sflag:s5], $0x2000  }
0x6d: {  	[sflag:s5] =	ssyncset.done $0x0  }
0x6e: {  	[sflag:s5] =	ssyncadd.s32 $0xFFFFE000  }
0x6f: {  	_ =	swait.ge [sflag:s5], $0x2000  }
0x70: {  	[sflag:s5] =	ssyncset.done $0x0  }
0x71: {  	[sflag:s5] =	ssyncadd.s32 $0xFFFFE000  }
0x72: {  	_ =	swait.ge [sflag:s5], $0x2000  }
0x73: {  	[sflag:s5] =	ssyncset.done $0x0  }
0x74: {  	s1 =	rddreg [dreg:$0x5];
	[sflag:s5] =	ssyncadd.s32 $0xFFFFE000  }
0x75: {  	[hbm4b:s1+s2] =	stream.linear.scatter [tilespmem:s6], [sflag:$0x2], $0x8000, $0x38;
	[tilespmem:$0x12000] =	vst v63  }
0x76: {  	_ =	swait.ge [sflag:s8], $0x8000  }
0x77: {  	[sflag:s8] =	ssyncset.done $0x0  }
0x78: {  	s0 =	rddreg [dreg:$0x1a];
	[sflag:s8] =	ssyncadd.s32 $0xFFFF8000  }
0x79: {  	[tilespmem:s7], [sflag:$0x1] =	stream.indirect.gather [hbm4b:s3+s4], $0x40, s0, s4, $0xb8;
	[tilespmem:$0x12000] =	vst v63  }
0x7a: {  	s1 =	rddreg [dreg:$0x1b]  }
0x7b: {  	[tilespmem:s12], [sflag:$0x1] =	stream.indirect.gather [hbm4b:s3+s4], $0x40, s1, s4, $0xb8;
	[tilespmem:$0x12000] =	vst v63  }
0x7c: {  	s0 =	rddreg [dreg:$0x1c]  }
0x7d: {  	[tilespmem:s13], [sflag:$0x1] =	stream.indirect.gather [hbm4b:s3+s4], $0x40, s0, s4, $0xb8;
	[tilespmem:$0x12000] =	vst v63  }
0x7e: {  	s1 =	rddreg [dreg:$0x1d]  }
0x7f: {  	[tilespmem:s14], [sflag:$0x1] =	stream.indirect.gather [hbm4b:s3+s4], $0x40, s1, s4, $0xb8;
	[tilespmem:$0x12000] =	vst v63  }
0x80: {  	_ =	swait.ge [sflag:s5], $0x2000  }
0x81: {  	[sflag:s5] =	ssyncset.done $0x0  }
0x82: {  	[sflag:s5] =	ssyncadd.s32 $0xFFFFE000  }
0x83: {  	_ =	swait.ge [sflag:s5], $0x2000  }
0x84: {  	[sflag:s5] =	ssyncset.done $0x0  }
0x85: {  	[sflag:s5] =	ssyncadd.s32 $0xFFFFE000  }
0x86: {  	_ =	swait.ge [sflag:s5], $0x2000  }
0x87: {  	[sflag:s5] =	ssyncset.done $0x0  }
0x88: {  	[sflag:s5] =	ssyncadd.s32 $0xFFFFE000  }
0x89: {  	_ =	swait.ge [sflag:s5], $0x2000  }
0x8a: {  	[sflag:s5] =	ssyncset.done $0x0  }
0x8b: {  	s1 =	rddreg [dreg:$0x6];
	[sflag:s5] =	ssyncadd.s32 $0xFFFFE000  }
0x8c: {  	[hbm4b:s1+s2] =	stream.linear.scatter [tilespmem:s7], [sflag:$0x2], $0x8000, $0x38;
	[tilespmem:$0x12000] =	vst v63  }
0x8d: {  	_ =	swait.ge [sflag:s8], $0x8000  }
0x8e: {  	s0 =	rddreg [dreg:$0x1e];
	[sflag:s8] =	ssyncset.done $0x0  }
0x8f: {  	s1 =	rddreg [dreg:$0x1f];
	[sflag:s8] =	ssyncadd.s32 $0xFFFF8000  }
0x90: {  	[tilespmem:s6], [sflag:$0x1] =	stream.indirect.gather [hbm4b:s3+s4], $0x40, s0, s4, $0xb8;
	[tilespmem:$0x12000] =	vst v63  }
0x91: {  	s0 =	sld [smem:$0x7DB]  }
0x92: {  	[tilespmem:s9], [sflag:$0x1] =	stream.indirect.gather [hbm4b:s3+s4], $0x40, s1, s4, $0xb8;
	[tilespmem:$0x12000] =	vst v63  }
0x93: {  	s1 =	sld [smem:$0x7DC]  }
0x94: {  	[tilespmem:s10], [sflag:$0x1] =	stream.indirect.gather [hbm4b:s3+s4], $0x40, s0, s4, $0xb8;
	[tilespmem:$0x12000] =	vst v63  }
0x95: {  	_ = 	snop  }
0x96: {  	[tilespmem:s11], [sflag:$0x1] =	stream.indirect.gather [hbm4b:s3+s4], $0x40, s1, s4, $0xb8;
	[tilespmem:$0x12000] =	vst v63  }
0x97: {  	_ =	swait.ge [sflag:s5], $0x2000  }
0x98: {  	[sflag:s5] =	ssyncset.done $0x0  }
0x99: {  	[sflag:s5] =	ssyncadd.s32 $0xFFFFE000  }
0x9a: {  	_ =	swait.ge [sflag:s5], $0x2000  }
0x9b: {  	[sflag:s5] =	ssyncset.done $0x0  }
0x9c: {  	[sflag:s5] =	ssyncadd.s32 $0xFFFFE000  }
0x9d: {  	_ =	swait.ge [sflag:s5], $0x2000  }
0x9e: {  	[sflag:s5] =	ssyncset.done $0x0  }
0x9f: {  	[sflag:s5] =	ssyncadd.s32 $0xFFFFE000  }
0xa0: {  	_ =	swait.ge [sflag:s5], $0x2000  }
0xa1: {  	[sflag:s5] =	ssyncset.done $0x0  }
0xa2: {  	s1 =	rddreg [dreg:$0x7];
	[sflag:s5] =	ssyncadd.s32 $0xFFFFE000  }
0xa3: {  	[hbm4b:s1+s2] =	stream.linear.scatter [tilespmem:s6], [sflag:$0x2], $0x8000, $0x38;
	[tilespmem:$0x12000] =	vst v63  }
0xa4: {  	_ =	swait.ge [sflag:s8], $0x8000  }
0xa5: {  	s0 =	sld [smem:$0x7DD]  }
0xa6: {  	[sflag:s8] =	ssyncset.done $0x0  }
0xa7: {  	s1 =	sld [smem:$0x7DE];
	[sflag:s8] =	ssyncadd.s32 $0xFFFF8000  }
0xa8: {  	[tilespmem:s7], [sflag:$0x1] =	stream.indirect.gather [hbm4b:s3+s4], $0x40, s0, s4, $0xb8;
	[tilespmem:$0x12000] =	vst v63  }
0xa9: {  	s0 =	sld [smem:$0x7DF]  }
0xaa: {  	[tilespmem:s12], [sflag:$0x1] =	stream.indirect.gather [hbm4b:s3+s4], $0x40, s1, s4, $0xb8;
	[tilespmem:$0x12000] =	vst v63  }
0xab: {  	s1 =	sld [smem:$0x7E0]  }
0xac: {  	[tilespmem:s13], [sflag:$0x1] =	stream.indirect.gather [hbm4b:s3+s4], $0x40, s0, s4, $0xb8;
	[tilespmem:$0x12000] =	vst v63  }
0xad: {  	_ = 	snop  }
0xae: {  	[tilespmem:s14], [sflag:$0x1] =	stream.indirect.gather [hbm4b:s3+s4], $0x40, s1, s4, $0xb8;
	[tilespmem:$0x12000] =	vst v63  }
0xaf: {  	_ =	swait.ge [sflag:s5], $0x2000  }
0xb0: {  	[sflag:s5] =	ssyncset.done $0x0  }
0xb1: {  	[sflag:s5] =	ssyncadd.s32 $0xFFFFE000  }
0xb2: {  	_ =	swait.ge [sflag:s5], $0x2000  }
0xb3: {  	[sflag:s5] =	ssyncset.done $0x0  }
0xb4: {  	[sflag:s5] =	ssyncadd.s32 $0xFFFFE000  }
0xb5: {  	_ =	swait.ge [sflag:s5], $0x2000  }
0xb6: {  	[sflag:s5] =	ssyncset.done $0x0  }
0xb7: {  	[sflag:s5] =	ssyncadd.s32 $0xFFFFE000  }
0xb8: {  	_ =	swait.ge [sflag:s5], $0x2000  }
0xb9: {  	[sflag:s5] =	ssyncset.done $0x0  }
0xba: {  	s1 =	rddreg [dreg:$0x8];
	[sflag:s5] =	ssyncadd.s32 $0xFFFFE000  }
0xbb: {  	[hbm4b:s1+s2] =	stream.linear.scatter [tilespmem:s7], [sflag:$0x2], $0x8000, $0x38;
	[tilespmem:$0x12000] =	vst v63  }
0xbc: {  	_ =	swait.ge [sflag:s8], $0x8000  }
0xbd: {  	s0 =	sld [smem:$0x7E1]  }
0xbe: {  	[sflag:s8] =	ssyncset.done $0x0  }
0xbf: {  	s1 =	sld [smem:$0x7E2];
	[sflag:s8] =	ssyncadd.s32 $0xFFFF8000  }
0xc0: {  	[tilespmem:s6], [sflag:$0x1] =	stream.indirect.gather [hbm4b:s3+s4], $0x40, s0, s4, $0xb8;
	[tilespmem:$0x12000] =	vst v63  }
0xc1: {  	s0 =	sld [smem:$0x7E3]  }
0xc2: {  	[tilespmem:s9], [sflag:$0x1] =	stream.indirect.gather [hbm4b:s3+s4], $0x40, s1, s4, $0xb8;
	[tilespmem:$0x12000] =	vst v63  }
0xc3: {  	s1 =	sld [smem:$0x7E4]  }
0xc4: {  	[tilespmem:s10], [sflag:$0x1] =	stream.indirect.gather [hbm4b:s3+s4], $0x40, s0, s4, $0xb8;
	[tilespmem:$0x12000] =	vst v63  }
0xc5: {  	_ = 	snop  }
0xc6: {  	[tilespmem:s11], [sflag:$0x1] =	stream.indirect.gather [hbm4b:s3+s4], $0x40, s1, s4, $0xb8;
	[tilespmem:$0x12000] =	vst v63  }
0xc7: {  	_ =	swait.ge [sflag:s5], $0x2000  }
0xc8: {  	[sflag:s5] =	ssyncset.done $0x0  }
0xc9: {  	[sflag:s5] =	ssyncadd.s32 $0xFFFFE000  }
0xca: {  	_ =	swait.ge [sflag:s5], $0x2000  }
0xcb: {  	[sflag:s5] =	ssyncset.done $0x0  }
0xcc: {  	[sflag:s5] =	ssyncadd.s32 $0xFFFFE000  }
0xcd: {  	_ =	swait.ge [sflag:s5], $0x2000  }
0xce: {  	[sflag:s5] =	ssyncset.done $0x0  }
0xcf: {  	[sflag:s5] =	ssyncadd.s32 $0xFFFFE000  }
0xd0: {  	_ =	swait.ge [sflag:s5], $0x2000  }
0xd1: {  	[sflag:s5] =	ssyncset.done $0x0  }
0xd2: {  	s1 =	rddreg [dreg:$0x9];
	[sflag:s5] =	ssyncadd.s32 $0xFFFFE000  }
0xd3: {  	[hbm4b:s1+s2] =	stream.linear.scatter [tilespmem:s6], [sflag:$0x2], $0x8000, $0x38;
	[tilespmem:$0x12000] =	vst v63  }
0xd4: {  	_ =	swait.ge [sflag:s8], $0x8000  }
0xd5: {  	s0 =	sld [smem:$0x7E5]  }
0xd6: {  	[sflag:s8] =	ssyncset.done $0x0  }
0xd7: {  	s1 =	sld [smem:$0x7E6];
	[sflag:s8] =	ssyncadd.s32 $0xFFFF8000  }
0xd8: {  	[tilespmem:s7], [sflag:$0x1] =	stream.indirect.gather [hbm4b:s3+s4], $0x40, s0, s4, $0xb8;
	[tilespmem:$0x12000] =	vst v63  }
0xd9: {  	s0 =	sld [smem:$0x7E7]  }
0xda: {  	[tilespmem:s12], [sflag:$0x1] =	stream.indirect.gather [hbm4b:s3+s4], $0x40, s1, s4, $0xb8;
	[tilespmem:$0x12000] =	vst v63  }
0xdb: {  	s1 =	sld [smem:$0x7E8]  }
0xdc: {  	[tilespmem:s13], [sflag:$0x1] =	stream.indirect.gather [hbm4b:s3+s4], $0x40, s0, s4, $0xb8;
	[tilespmem:$0x12000] =	vst v63  }
0xdd: {  	_ = 	snop  }
0xde: {  	[tilespmem:s14], [sflag:$0x1] =	stream.indirect.gather [hbm4b:s3+s4], $0x40, s1, s4, $0xb8;
	[tilespmem:$0x12000] =	vst v63  }
0xdf: {  	_ =	swait.ge [sflag:s5], $0x2000  }
0xe0: {  	[sflag:s5] =	ssyncset.done $0x0  }
0xe1: {  	[sflag:s5] =	ssyncadd.s32 $0xFFFFE000  }
0xe2: {  	_ =	swait.ge [sflag:s5], $0x2000  }
0xe3: {  	[sflag:s5] =	ssyncset.done $0x0  }
0xe4: {  	[sflag:s5] =	ssyncadd.s32 $0xFFFFE000  }
0xe5: {  	_ =	swait.ge [sflag:s5], $0x2000  }
0xe6: {  	[sflag:s5] =	ssyncset.done $0x0  }
0xe7: {  	[sflag:s5] =	ssyncadd.s32 $0xFFFFE000  }
0xe8: {  	_ =	swait.ge [sflag:s5], $0x2000  }
0xe9: {  	[sflag:s5] =	ssyncset.done $0x0  }
0xea: {  	s1 =	rddreg [dreg:$0xa];
	[sflag:s5] =	ssyncadd.s32 $0xFFFFE000  }
0xeb: {  	[hbm4b:s1+s2] =	stream.linear.scatter [tilespmem:s7], [sflag:$0x2], $0x8000, $0x38;
	[tilespmem:$0x12000] =	vst v63  }
0xec: {  	_ =	swait.ge [sflag:s8], $0x8000  }
0xed: {  	s0 =	sld [smem:$0x7E9]  }
0xee: {  	[sflag:s8] =	ssyncset.done $0x0  }
0xef: {  	s1 =	sld [smem:$0x7EA];
	[sflag:s8] =	ssyncadd.s32 $0xFFFF8000  }
0xf0: {  	[tilespmem:s6], [sflag:$0x1] =	stream.indirect.gather [hbm4b:s3+s4], $0x40, s0, s4, $0xb8;
	[tilespmem:$0x12000] =	vst v63  }
0xf1: {  	s0 =	sld [smem:$0x7EB]  }
0xf2: {  	[tilespmem:s9], [sflag:$0x1] =	stream.indirect.gather [hbm4b:s3+s4], $0x40, s1, s4, $0xb8;
	[tilespmem:$0x12000] =	vst v63  }
0xf3: {  	s1 =	sld [smem:$0x7EC]  }
0xf4: {  	[tilespmem:s10], [sflag:$0x1] =	stream.indirect.gather [hbm4b:s3+s4], $0x40, s0, s4, $0xb8;
	[tilespmem:$0x12000] =	vst v63  }
0xf5: {  	_ = 	snop  }
0xf6: {  	[tilespmem:s11], [sflag:$0x1] =	stream.indirect.gather [hbm4b:s3+s4], $0x40, s1, s4, $0xb8;
	[tilespmem:$0x12000] =	vst v63  }
0xf7: {  	_ =	swait.ge [sflag:s5], $0x2000  }
0xf8: {  	[sflag:s5] =	ssyncset.done $0x0  }
0xf9: {  	[sflag:s5] =	ssyncadd.s32 $0xFFFFE000  }
0xfa: {  	_ =	swait.ge [sflag:s5], $0x2000  }
0xfb: {  	[sflag:s5] =	ssyncset.done $0x0  }
0xfc: {  	[sflag:s5] =	ssyncadd.s32 $0xFFFFE000  }
0xfd: {  	_ =	swait.ge [sflag:s5], $0x2000  }
0xfe: {  	[sflag:s5] =	ssyncset.done $0x0  }
0xff: {  	[sflag:s5] =	ssyncadd.s32 $0xFFFFE000  }
0x100: {  	_ =	swait.ge [sflag:s5], $0x2000  }
0x101: {  	[sflag:s5] =	ssyncset.done $0x0  }
0x102: {  	s1 =	rddreg [dreg:$0xb];
	[sflag:s5] =	ssyncadd.s32 $0xFFFFE000  }
0x103: {  	[hbm4b:s1+s2] =	stream.linear.scatter [tilespmem:s6], [sflag:$0x2], $0x8000, $0x38;
	[tilespmem:$0x12000] =	vst v63  }
0x104: {  	_ =	swait.ge [sflag:s8], $0x8000  }
0x105: {  	s0 =	sld [smem:$0x7ED]  }
0x106: {  	[sflag:s8] =	ssyncset.done $0x0  }
0x107: {  	s1 =	sld [smem:$0x7EE];
	[sflag:s8] =	ssyncadd.s32 $0xFFFF8000  }
0x108: {  	[tilespmem:s7], [sflag:$0x1] =	stream.indirect.gather [hbm4b:s3+s4], $0x40, s0, s4, $0xb8;
	[tilespmem:$0x12000] =	vst v63  }
0x109: {  	s0 =	sld [smem:$0x7EF]  }
0x10a: {  	[tilespmem:s12], [sflag:$0x1] =	stream.indirect.gather [hbm4b:s3+s4], $0x40, s1, s4, $0xb8;
	[tilespmem:$0x12000] =	vst v63  }
0x10b: {  	s1 =	sld [smem:$0x7F0]  }
0x10c: {  	[tilespmem:s13], [sflag:$0x1] =	stream.indirect.gather [hbm4b:s3+s4], $0x40, s0, s4, $0xb8;
	[tilespmem:$0x12000] =	vst v63  }
0x10d: {  	_ = 	snop  }
0x10e: {  	[tilespmem:s14], [sflag:$0x1] =	stream.indirect.gather [hbm4b:s3+s4], $0x40, s1, s4, $0xb8;
	[tilespmem:$0x12000] =	vst v63  }
0x10f: {  	_ =	swait.ge [sflag:s5], $0x2000  }
0x110: {  	[sflag:s5] =	ssyncset.done $0x0  }
0x111: {  	[sflag:s5] =	ssyncadd.s32 $0xFFFFE000  }
0x112: {  	_ =	swait.ge [sflag:s5], $0x2000  }
0x113: {  	[sflag:s5] =	ssyncset.done $0x0  }
0x114: {  	[sflag:s5] =	ssyncadd.s32 $0xFFFFE000  }
0x115: {  	_ =	swait.ge [sflag:s5], $0x2000  }
0x116: {  	[sflag:s5] =	ssyncset.done $0x0  }
0x117: {  	[sflag:s5] =	ssyncadd.s32 $0xFFFFE000  }
0x118: {  	_ =	swait.ge [sflag:s5], $0x2000  }
0x119: {  	[sflag:s5] =	ssyncset.done $0x0  }
0x11a: {  	s1 =	rddreg [dreg:$0xc];
	[sflag:s5] =	ssyncadd.s32 $0xFFFFE000  }
0x11b: {  	[hbm4b:s1+s2] =	stream.linear.scatter [tilespmem:s7], [sflag:$0x2], $0x8000, $0x38;
	[tilespmem:$0x12000] =	vst v63  }
0x11c: {  	_ =	swait.ge [sflag:s8], $0x8000  }
0x11d: {  	s0 =	sld [smem:$0x7F1]  }
0x11e: {  	[sflag:s8] =	ssyncset.done $0x0  }
0x11f: {  	s1 =	sld [smem:$0x7F2];
	[sflag:s8] =	ssyncadd.s32 $0xFFFF8000  }
0x120: {  	[tilespmem:s6], [sflag:$0x1] =	stream.indirect.gather [hbm4b:s3+s4], $0x40, s0, s4, $0xb8;
	[tilespmem:$0x12000] =	vst v63  }
0x121: {  	s0 =	sld [smem:$0x7F3]  }
0x122: {  	[tilespmem:s9], [sflag:$0x1] =	stream.indirect.gather [hbm4b:s3+s4], $0x40, s1, s4, $0xb8;
	[tilespmem:$0x12000] =	vst v63  }
0x123: {  	s1 =	sld [smem:$0x7F4]  }
0x124: {  	[tilespmem:s10], [sflag:$0x1] =	stream.indirect.gather [hbm4b:s3+s4], $0x40, s0, s4, $0xb8;
	[tilespmem:$0x12000] =	vst v63  }
0x125: {  	_ = 	snop  }
0x126: {  	[tilespmem:s11], [sflag:$0x1] =	stream.indirect.gather [hbm4b:s3+s4], $0x40, s1, s4, $0xb8;
	[tilespmem:$0x12000] =	vst v63  }
0x127: {  	_ =	swait.ge [sflag:s5], $0x2000  }
0x128: {  	[sflag:s5] =	ssyncset.done $0x0  }
0x129: {  	[sflag:s5] =	ssyncadd.s32 $0xFFFFE000  }
0x12a: {  	_ =	swait.ge [sflag:s5], $0x2000  }
0x12b: {  	[sflag:s5] =	ssyncset.done $0x0  }
0x12c: {  	[sflag:s5] =	ssyncadd.s32 $0xFFFFE000  }
0x12d: {  	_ =	swait.ge [sflag:s5], $0x2000  }
0x12e: {  	[sflag:s5] =	ssyncset.done $0x0  }
0x12f: {  	[sflag:s5] =	ssyncadd.s32 $0xFFFFE000  }
0x130: {  	_ =	swait.ge [sflag:s5], $0x2000  }
0x131: {  	[sflag:s5] =	ssyncset.done $0x0  }
0x132: {  	s1 =	rddreg [dreg:$0xd];
	[sflag:s5] =	ssyncadd.s32 $0xFFFFE000  }
0x133: {  	[hbm4b:s1+s2] =	stream.linear.scatter [tilespmem:s6], [sflag:$0x2], $0x8000, $0x38;
	[tilespmem:$0x12000] =	vst v63  }
0x134: {  	_ =	swait.ge [sflag:s8], $0x8000  }
0x135: {  	s0 =	sld [smem:$0x7F5]  }
0x136: {  	[sflag:s8] =	ssyncset.done $0x0  }
0x137: {  	s1 =	sld [smem:$0x7F6];
	[sflag:s8] =	ssyncadd.s32 $0xFFFF8000  }
0x138: {  	[tilespmem:s7], [sflag:$0x1] =	stream.indirect.gather [hbm4b:s3+s4], $0x40, s0, s4, $0xb8;
	[tilespmem:$0x12000] =	vst v63  }
0x139: {  	s0 =	sld [smem:$0x7F7]  }
0x13a: {  	[tilespmem:s12], [sflag:$0x1] =	stream.indirect.gather [hbm4b:s3+s4], $0x40, s1, s4, $0xb8;
	[tilespmem:$0x12000] =	vst v63  }
0x13b: {  	s1 =	sld [smem:$0x7F8]  }
0x13c: {  	[tilespmem:s13], [sflag:$0x1] =	stream.indirect.gather [hbm4b:s3+s4], $0x40, s0, s4, $0xb8;
	[tilespmem:$0x12000] =	vst v63  }
0x13d: {  	_ = 	snop  }
0x13e: {  	[tilespmem:s14], [sflag:$0x1] =	stream.indirect.gather [hbm4b:s3+s4], $0x40, s1, s4, $0xb8;
	[tilespmem:$0x12000] =	vst v63  }
0x13f: {  	_ =	swait.ge [sflag:s5], $0x2000  }
0x140: {  	[sflag:s5] =	ssyncset.done $0x0  }
0x141: {  	[sflag:s5] =	ssyncadd.s32 $0xFFFFE000  }
0x142: {  	_ =	swait.ge [sflag:s5], $0x2000  }
0x143: {  	[sflag:s5] =	ssyncset.done $0x0  }
0x144: {  	[sflag:s5] =	ssyncadd.s32 $0xFFFFE000  }
0x145: {  	_ =	swait.ge [sflag:s5], $0x2000  }
0x146: {  	[sflag:s5] =	ssyncset.done $0x0  }
0x147: {  	[sflag:s5] =	ssyncadd.s32 $0xFFFFE000  }
0x148: {  	_ =	swait.ge [sflag:s5], $0x2000  }
0x149: {  	[sflag:s5] =	ssyncset.done $0x0  }
0x14a: {  	s1 =	rddreg [dreg:$0xe];
	[sflag:s5] =	ssyncadd.s32 $0xFFFFE000  }
0x14b: {  	[hbm4b:s1+s2] =	stream.linear.scatter [tilespmem:s7], [sflag:$0x2], $0x8000, $0x38;
	[tilespmem:$0x12000] =	vst v63  }
0x14c: {  	_ =	swait.ge [sflag:s8], $0x8000  }
0x14d: {  	s0 =	sld [smem:$0x7F9]  }
0x14e: {  	[sflag:s8] =	ssyncset.done $0x0  }
0x14f: {  	s1 =	sld [smem:$0x7FA];
	[sflag:s8] =	ssyncadd.s32 $0xFFFF8000  }
0x150: {  	[tilespmem:s6], [sflag:$0x1] =	stream.indirect.gather [hbm4b:s3+s4], $0x40, s0, s4, $0xb8;
	[tilespmem:$0x12000] =	vst v63  }
0x151: {  	s0 =	sld [smem:$0x7FB]  }
0x152: {  	[tilespmem:s9], [sflag:$0x1] =	stream.indirect.gather [hbm4b:s3+s4], $0x40, s1, s4, $0xb8;
	[tilespmem:$0x12000] =	vst v63  }
0x153: {  	s1 =	sld [smem:$0x7FC]  }
0x154: {  	[tilespmem:s10], [sflag:$0x1] =	stream.indirect.gather [hbm4b:s3+s4], $0x40, s0, s4, $0xb8;
	[tilespmem:$0x12000] =	vst v63  }
0x155: {  	_ = 	snop  }
0x156: {  	[tilespmem:s11], [sflag:$0x1] =	stream.indirect.gather [hbm4b:s3+s4], $0x40, s1, s4, $0xb8;
	[tilespmem:$0x12000] =	vst v63  }
0x157: {  	_ =	swait.ge [sflag:s5], $0x2000  }
0x158: {  	[sflag:s5] =	ssyncset.done $0x0  }
0x159: {  	[sflag:s5] =	ssyncadd.s32 $0xFFFFE000  }
0x15a: {  	_ =	swait.ge [sflag:s5], $0x2000  }
0x15b: {  	[sflag:s5] =	ssyncset.done $0x0  }
0x15c: {  	[sflag:s5] =	ssyncadd.s32 $0xFFFFE000  }
0x15d: {  	_ =	swait.ge [sflag:s5], $0x2000  }
0x15e: {  	[sflag:s5] =	ssyncset.done $0x0  }
0x15f: {  	[sflag:s5] =	ssyncadd.s32 $0xFFFFE000  }
0x160: {  	_ =	swait.ge [sflag:s5], $0x2000  }
0x161: {  	[sflag:s5] =	ssyncset.done $0x0  }
0x162: {  	s1 =	rddreg [dreg:$0xf];
	[sflag:s5] =	ssyncadd.s32 $0xFFFFE000  }
0x163: {  	[hbm4b:s1+s2] =	stream.linear.scatter [tilespmem:s6], [sflag:$0x2], $0x8000, $0x38;
	[tilespmem:$0x12000] =	vst v63  }
0x164: {  	_ =	swait.ge [sflag:s8], $0x8000  }
0x165: {  	s1 =	sld [smem:$0x7FD]  }
0x166: {  	[sflag:s8] =	ssyncset.done $0x0  }
0x167: {  	[sflag:s8] =	ssyncadd.s32 $0xFFFF8000  }
0x168: {  	[tilespmem:s7], [sflag:$0x1] =	stream.indirect.gather [hbm4b:s3+s4], $0x40, s1, s4, $0xb8;
	[tilespmem:$0x12000] =	vst v63  }
0x169: {  	_ = 	snop  }
0x16a: {  	[tilespmem:s12], [sflag:$0x1] =	stream.indirect.gather [hbm4b:s3+s4], $0x40, s29, s4, $0xb8;
	[tilespmem:$0x12000] =	vst v63  }
0x16b: {  	_ = 	snop  }
0x16c: {  	[tilespmem:s13], [sflag:$0x1] =	stream.indirect.gather [hbm4b:s3+s4], $0x40, s30, s4, $0xb8;
	[tilespmem:$0x12000] =	vst v63  }
0x16d: {  	_ = 	snop  }
0x16e: {  	[tilespmem:s14], [sflag:$0x1] =	stream.indirect.gather [hbm4b:s3+s4], $0x40, s20, s4, $0xb8;
	[tilespmem:$0x12000] =	vst v63  }
0x16f: {  	_ =	swait.ge [sflag:s5], $0x2000  }
0x170: {  	[sflag:s5] =	ssyncset.done $0x0  }
0x171: {  	[sflag:s5] =	ssyncadd.s32 $0xFFFFE000  }
0x172: {  	_ =	swait.ge [sflag:s5], $0x2000  }
0x173: {  	[sflag:s5] =	ssyncset.done $0x0  }
0x174: {  	[sflag:s5] =	ssyncadd.s32 $0xFFFFE000  }
0x175: {  	_ =	swait.ge [sflag:s5], $0x2000  }
0x176: {  	[sflag:s5] =	ssyncset.done $0x0  }
0x177: {  	[sflag:s5] =	ssyncadd.s32 $0xFFFFE000  }
0x178: {  	_ =	swait.ge [sflag:s5], $0x2000  }
0x179: {  	[sflag:s5] =	ssyncset.done $0x0  }
0x17a: {  	s1 =	rddreg [dreg:$0x10];
	[sflag:s5] =	ssyncadd.s32 $0xFFFFE000  }
0x17b: {  	[hbm4b:s1+s2] =	stream.linear.scatter [tilespmem:s7], [sflag:$0x2], $0x8000, $0x38;
	[tilespmem:$0x12000] =	vst v63  }
0x17c: {  	_ =	swait.ge [sflag:s8], $0x8000  }
0x17d: {  	[sflag:s8] =	ssyncset.done $0x0  }
0x17e: {  	[sflag:s8] =	ssyncadd.s32 $0xFFFF8000  }
0x17f: {  	[tilespmem:s6], [sflag:$0x1] =	stream.indirect.gather [hbm4b:s3+s4], $0x40, s24, s4, $0xb8;
	[tilespmem:$0x12000] =	vst v63  }
0x180: {  	_ = 	snop  }
0x181: {  	[tilespmem:s9], [sflag:$0x1] =	stream.indirect.gather [hbm4b:s3+s4], $0x40, s25, s4, $0xb8;
	[tilespmem:$0x12000] =	vst v63  }
0x182: {  	_ = 	snop  }
0x183: {  	[tilespmem:s10], [sflag:$0x1] =	stream.indirect.gather [hbm4b:s3+s4], $0x40, s26, s4, $0xb8;
	[tilespmem:$0x12000] =	vst v63  }
0x184: {  	_ = 	snop  }
0x185: {  	[tilespmem:s11], [sflag:$0x1] =	stream.indirect.gather [hbm4b:s3+s4], $0x40, s28, s4, $0xb8;
	[tilespmem:$0x12000] =	vst v63  }
0x186: {  	_ =	swait.ge [sflag:s5], $0x2000  }
0x187: {  	[sflag:s5] =	ssyncset.done $0x0  }
0x188: {  	[sflag:s5] =	ssyncadd.s32 $0xFFFFE000  }
0x189: {  	_ =	swait.ge [sflag:s5], $0x2000  }
0x18a: {  	[sflag:s5] =	ssyncset.done $0x0  }
0x18b: {  	[sflag:s5] =	ssyncadd.s32 $0xFFFFE000  }
0x18c: {  	_ =	swait.ge [sflag:s5], $0x2000  }
0x18d: {  	[sflag:s5] =	ssyncset.done $0x0  }
0x18e: {  	[sflag:s5] =	ssyncadd.s32 $0xFFFFE000  }
0x18f: {  	_ =	swait.ge [sflag:s5], $0x2000  }
0x190: {  	[sflag:s5] =	ssyncset.done $0x0  }
0x191: {  	s1 =	rddreg [dreg:$0x11];
	[sflag:s5] =	ssyncadd.s32 $0xFFFFE000  }
0x192: {  	[hbm4b:s1+s2] =	stream.linear.scatter [tilespmem:s6], [sflag:$0x2], $0x8000, $0x38;
	[tilespmem:$0x12000] =	vst v63  }
0x193: {  	_ =	swait.ge [sflag:s8], $0x8000  }
0x194: {  	[sflag:s8] =	ssyncset.done $0x0  }
0x195: {  	s1 =	simm.s32 $0x1C00;
	[sflag:s8] =	ssyncadd.s32 $0xFFFF8000  }
0x196: {  	[tilespmem:s7], [sflag:$0x1] =	stream.indirect.gather [hbm4b:s3+s4], $0x40, s1, s4, $0xb8;
	[tilespmem:$0x12000] =	vst v63  }
0x197: {  	_ = 	snop  }
0x198: {  	[tilespmem:s12], [sflag:$0x1] =	stream.indirect.gather [hbm4b:s3+s4], $0x40, s21, s4, $0xb8;
	[tilespmem:$0x12000] =	vst v63  }
0x199: {  	_ = 	snop  }
0x19a: {  	[tilespmem:s13], [sflag:$0x1] =	stream.indirect.gather [hbm4b:s3+s4], $0x40, s22, s4, $0xb8;
	[tilespmem:$0x12000] =	vst v63  }
0x19b: {  	_ = 	snop  }
0x19c: {  	[tilespmem:s14], [sflag:$0x1] =	stream.indirect.gather [hbm4b:s3+s4], $0x40, s23, s4, $0xb8;
	[tilespmem:$0x12000] =	vst v63  }
0x19d: {  	_ =	swait.ge [sflag:s5], $0x2000  }
0x19e: {  	[sflag:s5] =	ssyncset.done $0x0  }
0x19f: {  	[sflag:s5] =	ssyncadd.s32 $0xFFFFE000  }
0x1a0: {  	_ =	swait.ge [sflag:s5], $0x2000  }
0x1a1: {  	[sflag:s5] =	ssyncset.done $0x0  }
0x1a2: {  	[sflag:s5] =	ssyncadd.s32 $0xFFFFE000  }
0x1a3: {  	_ =	swait.ge [sflag:s5], $0x2000  }
0x1a4: {  	[sflag:s5] =	ssyncset.done $0x0  }
0x1a5: {  	[sflag:s5] =	ssyncadd.s32 $0xFFFFE000  }
0x1a6: {  	_ =	swait.ge [sflag:s5], $0x2000  }
0x1a7: {  	[sflag:s5] =	ssyncset.done $0x0  }
0x1a8: {  	s1 =	rddreg [dreg:$0x12];
	[sflag:s5] =	ssyncadd.s32 $0xFFFFE000  }
0x1a9: {  	[hbm4b:s1+s2] =	stream.linear.scatter [tilespmem:s7], [sflag:$0x2], $0x8000, $0x38;
	[tilespmem:$0x12000] =	vst v63  }
0x1aa: {  	_ =	swait.ge [sflag:s8], $0x8000  }
0x1ab: {  	[sflag:s8] =	ssyncset.done $0x0  }
0x1ac: {  	[sflag:s8] =	ssyncadd.s32 $0xFFFF8000  }
0x1ad: {  	[tilespmem:s6], [sflag:$0x1] =	stream.indirect.gather [hbm4b:s3+s4], $0x40, s16, s4, $0xb8;
	[tilespmem:$0x12000] =	vst v63  }
0x1ae: {  	_ = 	snop  }
0x1af: {  	[tilespmem:s9], [sflag:$0x1] =	stream.indirect.gather [hbm4b:s3+s4], $0x40, s17, s4, $0xb8;
	[tilespmem:$0x12000] =	vst v63  }
0x1b0: {  	_ = 	snop  }
0x1b1: {  	[tilespmem:s10], [sflag:$0x1] =	stream.indirect.gather [hbm4b:s3+s4], $0x40, s18, s4, $0xb8;
	[tilespmem:$0x12000] =	vst v63  }
0x1b2: {  	_ = 	snop  }
0x1b3: {  	[tilespmem:s11], [sflag:$0x1] =	stream.indirect.gather [hbm4b:s3+s4], $0x40, s19, s4, $0xb8;
	[tilespmem:$0x12000] =	vst v63  }
0x1b4: {  	_ =	swait.ge [sflag:s5], $0x2000  }
0x1b5: {  	[sflag:s5] =	ssyncset.done $0x0  }
0x1b6: {  	[sflag:s5] =	ssyncadd.s32 $0xFFFFE000  }
0x1b7: {  	_ =	swait.ge [sflag:s5], $0x2000  }
0x1b8: {  	[sflag:s5] =	ssyncset.done $0x0  }
0x1b9: {  	[sflag:s5] =	ssyncadd.s32 $0xFFFFE000  }
0x1ba: {  	_ =	swait.ge [sflag:s5], $0x2000  }
0x1bb: {  	[sflag:s5] =	ssyncset.done $0x0  }
0x1bc: {  	[sflag:s5] =	ssyncadd.s32 $0xFFFFE000  }
0x1bd: {  	_ =	swait.ge [sflag:s5], $0x2000  }
0x1be: {  	[sflag:s5] =	ssyncset.done $0x0  }
0x1bf: {  	p1 =	sne.s32 s15, $0x1;
	s1 =	rddreg [dreg:$0x13];
	[sflag:s5] =	ssyncadd.s32 $0xFFFFE000  }
0x1c0: {  	[hbm4b:s1+s2] =	stream.linear.scatter [tilespmem:s6], [sflag:$0x2], $0x8000, $0x38;
	[tilespmem:$0x12000] =	vst v63  }
.Ltmp1:
0x1c1: {  	_ =	swait.ge [sflag:s8], $0x8000;
	(pc) =	sbr.rel @!p1 .LBB2_3-.Ltmp1, $4  }
0x1c2: {  	[sflag:s8] =	ssyncset.done $0x0  }
0x1c3: {  	[sflag:s8] =	ssyncadd.s32 $0xFFFF8000  }
0x1c4: {  	p0 =	por $0x1, $0x1;
	_ =	swait.ge [sflag:s8], $0x8000  }
0x1c5: {  	s1 =	sadd.s32 $0xFFFFFFFF, s15;
	s0 =	rddreg [dreg:$0x3];
	[sflag:s8] =	ssyncset.done $0x0  }
.LBB2_4:
0x1c6: {  	[sflag:s8] =	ssyncadd.s32 $0xFFFF8000  }
0x1c7: {  	[tilespmem:s2], [sflag:$0x3] =	stream.linear.gather [hbm4b:s0+s2], $0x2000, $0x38;
	[tilespmem:$0x12000] =	vst v63  }
0x1c8: {  	_ =	swait.ge [sflag:s31], $0x2000  }
0x1c9: {  	[sflag:s31] =	ssyncset.done $0x0  }
0x1ca: {  	[sflag:s31] =	ssyncadd.s32 $0xFFFFE000  }
0x1cb: {  	[tilespmem:s7], [sflag:$0x1] =	stream.indirect.gather [hbm4b:s3+s4], $0x40, s2, s4, $0xb8;
	[tilespmem:$0x12000] =	vst v63  }
0x1cc: {  	_ = 	snop  }
0x1cd: {  	[tilespmem:s12], [sflag:$0x1] =	stream.indirect.gather [hbm4b:s3+s4], $0x40, s4, s4, $0xb8;
	[tilespmem:$0x12000] =	vst v63  }
0x1ce: {  	s0 =	rddreg [dreg:$0x14]  }
0x1cf: {  	[tilespmem:s13], [sflag:$0x1] =	stream.indirect.gather [hbm4b:s3+s4], $0x40, s0, s4, $0xb8;
	[tilespmem:$0x12000] =	vst v63  }
0x1d0: {  	s15 =	rddreg [dreg:$0x15]  }
0x1d1: {  	[tilespmem:s14], [sflag:$0x1] =	stream.indirect.gather [hbm4b:s3+s4], $0x40, s15, s4, $0xb8;
	[tilespmem:$0x12000] =	vst v63  }
0x1d2: {  	_ =	swait.ge [sflag:s5], $0x2000  }
0x1d3: {  	[sflag:s5] =	ssyncset.done $0x0  }
0x1d4: {  	[sflag:s5] =	ssyncadd.s32 $0xFFFFE000  }
0x1d5: {  	_ =	swait.ge [sflag:s5], $0x2000  }
0x1d6: {  	[sflag:s5] =	ssyncset.done $0x0  }
0x1d7: {  	[sflag:s5] =	ssyncadd.s32 $0xFFFFE000  }
0x1d8: {  	_ =	swait.ge [sflag:s5], $0x2000  }
0x1d9: {  	[sflag:s5] =	ssyncset.done $0x0  }
0x1da: {  	[sflag:s5] =	ssyncadd.s32 $0xFFFFE000  }
0x1db: {  	_ =	swait.ge [sflag:s5], $0x2000  }
0x1dc: {  	[sflag:s5] =	ssyncset.done $0x0  }
0x1dd: {  	s0 =	rddreg [dreg:$0x4];
	[sflag:s5] =	ssyncadd.s32 $0xFFFFE000  }
0x1de: {  	[hbm4b:s0+s2] =	stream.linear.scatter [tilespmem:s7], [sflag:$0x2], $0x8000, $0x38;
	[tilespmem:$0x12000] =	vst v63  }
0x1df: {  	s15 =	rddreg [dreg:$0x16]  }
0x1e0: {  	[tilespmem:s6], [sflag:$0x1] =	stream.indirect.gather [hbm4b:s3+s4], $0x40, s15, s4, $0xb8;
	[tilespmem:$0x12000] =	vst v63  }
0x1e1: {  	s0 =	rddreg [dreg:$0x17]  }
0x1e2: {  	[tilespmem:s9], [sflag:$0x1] =	stream.indirect.gather [hbm4b:s3+s4], $0x40, s0, s4, $0xb8;
	[tilespmem:$0x12000] =	vst v63  }
0x1e3: {  	s15 =	rddreg [dreg:$0x18]  }
0x1e4: {  	[tilespmem:s10], [sflag:$0x1] =	stream.indirect.gather [hbm4b:s3+s4], $0x40, s15, s4, $0xb8;
	[tilespmem:$0x12000] =	vst v63  }
0x1e5: {  	s0 =	rddreg [dreg:$0x19]  }
0x1e6: {  	[tilespmem:s11], [sflag:$0x1] =	stream.indirect.gather [hbm4b:s3+s4], $0x40, s0, s4, $0xb8;
	[tilespmem:$0x12000] =	vst v63  }
0x1e7: {  	_ =	swait.ge [sflag:s5], $0x2000  }
0x1e8: {  	[sflag:s5] =	ssyncset.done $0x0  }
0x1e9: {  	[sflag:s5] =	ssyncadd.s32 $0xFFFFE000  }
0x1ea: {  	_ =	swait.ge [sflag:s5], $0x2000  }
0x1eb: {  	[sflag:s5] =	ssyncset.done $0x0  }
0x1ec: {  	[sflag:s5] =	ssyncadd.s32 $0xFFFFE000  }
0x1ed: {  	_ =	swait.ge [sflag:s5], $0x2000  }
0x1ee: {  	[sflag:s5] =	ssyncset.done $0x0  }
0x1ef: {  	[sflag:s5] =	ssyncadd.s32 $0xFFFFE000  }
0x1f0: {  	_ =	swait.ge [sflag:s5], $0x2000  }
0x1f1: {  	[sflag:s5] =	ssyncset.done $0x0  }
0x1f2: {  	s15 =	rddreg [dreg:$0x5];
	[sflag:s5] =	ssyncadd.s32 $0xFFFFE000  }
0x1f3: {  	[hbm4b:s15+s2] =	stream.linear.scatter [tilespmem:s6], [sflag:$0x2], $0x8000, $0x38;
	[tilespmem:$0x12000] =	vst v63  }
0x1f4: {  	_ =	swait.ge [sflag:s8], $0x8000  }
0x1f5: {  	[sflag:s8] =	ssyncset.done $0x0  }
0x1f6: {  	s0 =	rddreg [dreg:$0x1a];
	[sflag:s8] =	ssyncadd.s32 $0xFFFF8000  }
0x1f7: {  	[tilespmem:s7], [sflag:$0x1] =	stream.indirect.gather [hbm4b:s3+s4], $0x40, s0, s4, $0xb8;
	[tilespmem:$0x12000] =	vst v63  }
0x1f8: {  	s15 =	rddreg [dreg:$0x1b]  }
0x1f9: {  	[tilespmem:s12], [sflag:$0x1] =	stream.indirect.gather [hbm4b:s3+s4], $0x40, s15, s4, $0xb8;
	[tilespmem:$0x12000] =	vst v63  }
0x1fa: {  	s0 =	rddreg [dreg:$0x1c]  }
0x1fb: {  	[tilespmem:s13], [sflag:$0x1] =	stream.indirect.gather [hbm4b:s3+s4], $0x40, s0, s4, $0xb8;
	[tilespmem:$0x12000] =	vst v63  }
0x1fc: {  	s15 =	rddreg [dreg:$0x1d]  }
0x1fd: {  	[tilespmem:s14], [sflag:$0x1] =	stream.indirect.gather [hbm4b:s3+s4], $0x40, s15, s4, $0xb8;
	[tilespmem:$0x12000] =	vst v63  }
0x1fe: {  	_ =	swait.ge [sflag:s5], $0x2000  }
0x1ff: {  	[sflag:s5] =	ssyncset.done $0x0  }
0x200: {  	[sflag:s5] =	ssyncadd.s32 $0xFFFFE000  }
0x201: {  	_ =	swait.ge [sflag:s5], $0x2000  }
0x202: {  	[sflag:s5] =	ssyncset.done $0x0  }
0x203: {  	[sflag:s5] =	ssyncadd.s32 $0xFFFFE000  }
0x204: {  	_ =	swait.ge [sflag:s5], $0x2000  }
0x205: {  	[sflag:s5] =	ssyncset.done $0x0  }
0x206: {  	[sflag:s5] =	ssyncadd.s32 $0xFFFFE000  }
0x207: {  	_ =	swait.ge [sflag:s5], $0x2000  }
0x208: {  	[sflag:s5] =	ssyncset.done $0x0  }
0x209: {  	s15 =	rddreg [dreg:$0x6];
	[sflag:s5] =	ssyncadd.s32 $0xFFFFE000  }
0x20a: {  	[hbm4b:s15+s2] =	stream.linear.scatter [tilespmem:s7], [sflag:$0x2], $0x8000, $0x38;
	[tilespmem:$0x12000] =	vst v63  }
0x20b: {  	_ =	swait.ge [sflag:s8], $0x8000  }
0x20c: {  	s0 =	rddreg [dreg:$0x1e];
	[sflag:s8] =	ssyncset.done $0x0  }
0x20d: {  	s15 =	rddreg [dreg:$0x1f];
	[sflag:s8] =	ssyncadd.s32 $0xFFFF8000  }
0x20e: {  	[tilespmem:s6], [sflag:$0x1] =	stream.indirect.gather [hbm4b:s3+s4], $0x40, s0, s4, $0xb8;
	[tilespmem:$0x12000] =	vst v63  }
0x20f: {  	s0 =	sld [smem:$0x7DB]  }
0x210: {  	[tilespmem:s9], [sflag:$0x1] =	stream.indirect.gather [hbm4b:s3+s4], $0x40, s15, s4, $0xb8;
	[tilespmem:$0x12000] =	vst v63  }
0x211: {  	s15 =	sld [smem:$0x7DC]  }
0x212: {  	[tilespmem:s10], [sflag:$0x1] =	stream.indirect.gather [hbm4b:s3+s4], $0x40, s0, s4, $0xb8;
	[tilespmem:$0x12000] =	vst v63  }
0x213: {  	_ = 	snop  }
0x214: {  	[tilespmem:s11], [sflag:$0x1] =	stream.indirect.gather [hbm4b:s3+s4], $0x40, s15, s4, $0xb8;
	[tilespmem:$0x12000] =	vst v63  }
0x215: {  	_ =	swait.ge [sflag:s5], $0x2000  }
0x216: {  	[sflag:s5] =	ssyncset.done $0x0  }
0x217: {  	[sflag:s5] =	ssyncadd.s32 $0xFFFFE000  }
0x218: {  	_ =	swait.ge [sflag:s5], $0x2000  }
0x219: {  	[sflag:s5] =	ssyncset.done $0x0  }
0x21a: {  	[sflag:s5] =	ssyncadd.s32 $0xFFFFE000  }
0x21b: {  	_ =	swait.ge [sflag:s5], $0x2000  }
0x21c: {  	[sflag:s5] =	ssyncset.done $0x0  }
0x21d: {  	[sflag:s5] =	ssyncadd.s32 $0xFFFFE000  }
0x21e: {  	_ =	swait.ge [sflag:s5], $0x2000  }
0x21f: {  	[sflag:s5] =	ssyncset.done $0x0  }
0x220: {  	s15 =	rddreg [dreg:$0x7];
	[sflag:s5] =	ssyncadd.s32 $0xFFFFE000  }
0x221: {  	[hbm4b:s15+s2] =	stream.linear.scatter [tilespmem:s6], [sflag:$0x2], $0x8000, $0x38;
	[tilespmem:$0x12000] =	vst v63  }
0x222: {  	_ =	swait.ge [sflag:s8], $0x8000  }
0x223: {  	s0 =	sld [smem:$0x7DD]  }
0x224: {  	[sflag:s8] =	ssyncset.done $0x0  }
0x225: {  	s15 =	sld [smem:$0x7DE];
	[sflag:s8] =	ssyncadd.s32 $0xFFFF8000  }
0x226: {  	[tilespmem:s7], [sflag:$0x1] =	stream.indirect.gather [hbm4b:s3+s4], $0x40, s0, s4, $0xb8;
	[tilespmem:$0x12000] =	vst v63  }
0x227: {  	s0 =	sld [smem:$0x7DF]  }
0x228: {  	[tilespmem:s12], [sflag:$0x1] =	stream.indirect.gather [hbm4b:s3+s4], $0x40, s15, s4, $0xb8;
	[tilespmem:$0x12000] =	vst v63  }
0x229: {  	s15 =	sld [smem:$0x7E0]  }
0x22a: {  	[tilespmem:s13], [sflag:$0x1] =	stream.indirect.gather [hbm4b:s3+s4], $0x40, s0, s4, $0xb8;
	[tilespmem:$0x12000] =	vst v63  }
0x22b: {  	_ = 	snop  }
0x22c: {  	[tilespmem:s14], [sflag:$0x1] =	stream.indirect.gather [hbm4b:s3+s4], $0x40, s15, s4, $0xb8;
	[tilespmem:$0x12000] =	vst v63  }
0x22d: {  	_ =	swait.ge [sflag:s5], $0x2000  }
0x22e: {  	[sflag:s5] =	ssyncset.done $0x0  }
0x22f: {  	[sflag:s5] =	ssyncadd.s32 $0xFFFFE000  }
0x230: {  	_ =	swait.ge [sflag:s5], $0x2000  }
0x231: {  	[sflag:s5] =	ssyncset.done $0x0  }
0x232: {  	[sflag:s5] =	ssyncadd.s32 $0xFFFFE000  }
0x233: {  	_ =	swait.ge [sflag:s5], $0x2000  }
0x234: {  	[sflag:s5] =	ssyncset.done $0x0  }
0x235: {  	[sflag:s5] =	ssyncadd.s32 $0xFFFFE000  }
0x236: {  	_ =	swait.ge [sflag:s5], $0x2000  }
0x237: {  	[sflag:s5] =	ssyncset.done $0x0  }
0x238: {  	s15 =	rddreg [dreg:$0x8];
	[sflag:s5] =	ssyncadd.s32 $0xFFFFE000  }
0x239: {  	[hbm4b:s15+s2] =	stream.linear.scatter [tilespmem:s7], [sflag:$0x2], $0x8000, $0x38;
	[tilespmem:$0x12000] =	vst v63  }
0x23a: {  	_ =	swait.ge [sflag:s8], $0x8000  }
0x23b: {  	s0 =	sld [smem:$0x7E1]  }
0x23c: {  	[sflag:s8] =	ssyncset.done $0x0  }
0x23d: {  	s15 =	sld [smem:$0x7E2];
	[sflag:s8] =	ssyncadd.s32 $0xFFFF8000  }
0x23e: {  	[tilespmem:s6], [sflag:$0x1] =	stream.indirect.gather [hbm4b:s3+s4], $0x40, s0, s4, $0xb8;
	[tilespmem:$0x12000] =	vst v63  }
0x23f: {  	s0 =	sld [smem:$0x7E3]  }
0x240: {  	[tilespmem:s9], [sflag:$0x1] =	stream.indirect.gather [hbm4b:s3+s4], $0x40, s15, s4, $0xb8;
	[tilespmem:$0x12000] =	vst v63  }
0x241: {  	s15 =	sld [smem:$0x7E4]  }
0x242: {  	[tilespmem:s10], [sflag:$0x1] =	stream.indirect.gather [hbm4b:s3+s4], $0x40, s0, s4, $0xb8;
	[tilespmem:$0x12000] =	vst v63  }
0x243: {  	_ = 	snop  }
0x244: {  	[tilespmem:s11], [sflag:$0x1] =	stream.indirect.gather [hbm4b:s3+s4], $0x40, s15, s4, $0xb8;
	[tilespmem:$0x12000] =	vst v63  }
0x245: {  	_ =	swait.ge [sflag:s5], $0x2000  }
0x246: {  	[sflag:s5] =	ssyncset.done $0x0  }
0x247: {  	[sflag:s5] =	ssyncadd.s32 $0xFFFFE000  }
0x248: {  	_ =	swait.ge [sflag:s5], $0x2000  }
0x249: {  	[sflag:s5] =	ssyncset.done $0x0  }
0x24a: {  	[sflag:s5] =	ssyncadd.s32 $0xFFFFE000  }
0x24b: {  	_ =	swait.ge [sflag:s5], $0x2000  }
0x24c: {  	[sflag:s5] =	ssyncset.done $0x0  }
0x24d: {  	[sflag:s5] =	ssyncadd.s32 $0xFFFFE000  }
0x24e: {  	_ =	swait.ge [sflag:s5], $0x2000  }
0x24f: {  	[sflag:s5] =	ssyncset.done $0x0  }
0x250: {  	s15 =	rddreg [dreg:$0x9];
	[sflag:s5] =	ssyncadd.s32 $0xFFFFE000  }
0x251: {  	[hbm4b:s15+s2] =	stream.linear.scatter [tilespmem:s6], [sflag:$0x2], $0x8000, $0x38;
	[tilespmem:$0x12000] =	vst v63  }
0x252: {  	_ =	swait.ge [sflag:s8], $0x8000  }
0x253: {  	s0 =	sld [smem:$0x7E5]  }
0x254: {  	[sflag:s8] =	ssyncset.done $0x0  }
0x255: {  	s15 =	sld [smem:$0x7E6];
	[sflag:s8] =	ssyncadd.s32 $0xFFFF8000  }
0x256: {  	[tilespmem:s7], [sflag:$0x1] =	stream.indirect.gather [hbm4b:s3+s4], $0x40, s0, s4, $0xb8;
	[tilespmem:$0x12000] =	vst v63  }
0x257: {  	s0 =	sld [smem:$0x7E7]  }
0x258: {  	[tilespmem:s12], [sflag:$0x1] =	stream.indirect.gather [hbm4b:s3+s4], $0x40, s15, s4, $0xb8;
	[tilespmem:$0x12000] =	vst v63  }
0x259: {  	s15 =	sld [smem:$0x7E8]  }
0x25a: {  	[tilespmem:s13], [sflag:$0x1] =	stream.indirect.gather [hbm4b:s3+s4], $0x40, s0, s4, $0xb8;
	[tilespmem:$0x12000] =	vst v63  }
0x25b: {  	_ = 	snop  }
0x25c: {  	[tilespmem:s14], [sflag:$0x1] =	stream.indirect.gather [hbm4b:s3+s4], $0x40, s15, s4, $0xb8;
	[tilespmem:$0x12000] =	vst v63  }
0x25d: {  	_ =	swait.ge [sflag:s5], $0x2000  }
0x25e: {  	[sflag:s5] =	ssyncset.done $0x0  }
0x25f: {  	[sflag:s5] =	ssyncadd.s32 $0xFFFFE000  }
0x260: {  	_ =	swait.ge [sflag:s5], $0x2000  }
0x261: {  	[sflag:s5] =	ssyncset.done $0x0  }
0x262: {  	[sflag:s5] =	ssyncadd.s32 $0xFFFFE000  }
0x263: {  	_ =	swait.ge [sflag:s5], $0x2000  }
0x264: {  	[sflag:s5] =	ssyncset.done $0x0  }
0x265: {  	[sflag:s5] =	ssyncadd.s32 $0xFFFFE000  }
0x266: {  	_ =	swait.ge [sflag:s5], $0x2000  }
0x267: {  	[sflag:s5] =	ssyncset.done $0x0  }
0x268: {  	s15 =	rddreg [dreg:$0xa];
	[sflag:s5] =	ssyncadd.s32 $0xFFFFE000  }
0x269: {  	[hbm4b:s15+s2] =	stream.linear.scatter [tilespmem:s7], [sflag:$0x2], $0x8000, $0x38;
	[tilespmem:$0x12000] =	vst v63  }
0x26a: {  	_ =	swait.ge [sflag:s8], $0x8000  }
0x26b: {  	s0 =	sld [smem:$0x7E9]  }
0x26c: {  	[sflag:s8] =	ssyncset.done $0x0  }
0x26d: {  	s15 =	sld [smem:$0x7EA];
	[sflag:s8] =	ssyncadd.s32 $0xFFFF8000  }
0x26e: {  	[tilespmem:s6], [sflag:$0x1] =	stream.indirect.gather [hbm4b:s3+s4], $0x40, s0, s4, $0xb8;
	[tilespmem:$0x12000] =	vst v63  }
0x26f: {  	s0 =	sld [smem:$0x7EB]  }
0x270: {  	[tilespmem:s9], [sflag:$0x1] =	stream.indirect.gather [hbm4b:s3+s4], $0x40, s15, s4, $0xb8;
	[tilespmem:$0x12000] =	vst v63  }
0x271: {  	s15 =	sld [smem:$0x7EC]  }
0x272: {  	[tilespmem:s10], [sflag:$0x1] =	stream.indirect.gather [hbm4b:s3+s4], $0x40, s0, s4, $0xb8;
	[tilespmem:$0x12000] =	vst v63  }
0x273: {  	_ = 	snop  }
0x274: {  	[tilespmem:s11], [sflag:$0x1] =	stream.indirect.gather [hbm4b:s3+s4], $0x40, s15, s4, $0xb8;
	[tilespmem:$0x12000] =	vst v63  }
0x275: {  	_ =	swait.ge [sflag:s5], $0x2000  }
0x276: {  	[sflag:s5] =	ssyncset.done $0x0  }
0x277: {  	[sflag:s5] =	ssyncadd.s32 $0xFFFFE000  }
0x278: {  	_ =	swait.ge [sflag:s5], $0x2000  }
0x279: {  	[sflag:s5] =	ssyncset.done $0x0  }
0x27a: {  	[sflag:s5] =	ssyncadd.s32 $0xFFFFE000  }
0x27b: {  	_ =	swait.ge [sflag:s5], $0x2000  }
0x27c: {  	[sflag:s5] =	ssyncset.done $0x0  }
0x27d: {  	[sflag:s5] =	ssyncadd.s32 $0xFFFFE000  }
0x27e: {  	_ =	swait.ge [sflag:s5], $0x2000  }
0x27f: {  	[sflag:s5] =	ssyncset.done $0x0  }
0x280: {  	s15 =	rddreg [dreg:$0xb];
	[sflag:s5] =	ssyncadd.s32 $0xFFFFE000  }
0x281: {  	[hbm4b:s15+s2] =	stream.linear.scatter [tilespmem:s6], [sflag:$0x2], $0x8000, $0x38;
	[tilespmem:$0x12000] =	vst v63  }
0x282: {  	_ =	swait.ge [sflag:s8], $0x8000  }
0x283: {  	s0 =	sld [smem:$0x7ED]  }
0x284: {  	[sflag:s8] =	ssyncset.done $0x0  }
0x285: {  	s15 =	sld [smem:$0x7EE];
	[sflag:s8] =	ssyncadd.s32 $0xFFFF8000  }
0x286: {  	[tilespmem:s7], [sflag:$0x1] =	stream.indirect.gather [hbm4b:s3+s4], $0x40, s0, s4, $0xb8;
	[tilespmem:$0x12000] =	vst v63  }
0x287: {  	s0 =	sld [smem:$0x7EF]  }
0x288: {  	[tilespmem:s12], [sflag:$0x1] =	stream.indirect.gather [hbm4b:s3+s4], $0x40, s15, s4, $0xb8;
	[tilespmem:$0x12000] =	vst v63  }
0x289: {  	s15 =	sld [smem:$0x7F0]  }
0x28a: {  	[tilespmem:s13], [sflag:$0x1] =	stream.indirect.gather [hbm4b:s3+s4], $0x40, s0, s4, $0xb8;
	[tilespmem:$0x12000] =	vst v63  }
0x28b: {  	_ = 	snop  }
0x28c: {  	[tilespmem:s14], [sflag:$0x1] =	stream.indirect.gather [hbm4b:s3+s4], $0x40, s15, s4, $0xb8;
	[tilespmem:$0x12000] =	vst v63  }
0x28d: {  	_ =	swait.ge [sflag:s5], $0x2000  }
0x28e: {  	[sflag:s5] =	ssyncset.done $0x0  }
0x28f: {  	[sflag:s5] =	ssyncadd.s32 $0xFFFFE000  }
0x290: {  	_ =	swait.ge [sflag:s5], $0x2000  }
0x291: {  	[sflag:s5] =	ssyncset.done $0x0  }
0x292: {  	[sflag:s5] =	ssyncadd.s32 $0xFFFFE000  }
0x293: {  	_ =	swait.ge [sflag:s5], $0x2000  }
0x294: {  	[sflag:s5] =	ssyncset.done $0x0  }
0x295: {  	[sflag:s5] =	ssyncadd.s32 $0xFFFFE000  }
0x296: {  	_ =	swait.ge [sflag:s5], $0x2000  }
0x297: {  	[sflag:s5] =	ssyncset.done $0x0  }
0x298: {  	s15 =	rddreg [dreg:$0xc];
	[sflag:s5] =	ssyncadd.s32 $0xFFFFE000  }
0x299: {  	[hbm4b:s15+s2] =	stream.linear.scatter [tilespmem:s7], [sflag:$0x2], $0x8000, $0x38;
	[tilespmem:$0x12000] =	vst v63  }
0x29a: {  	_ =	swait.ge [sflag:s8], $0x8000  }
0x29b: {  	s0 =	sld [smem:$0x7F1]  }
0x29c: {  	[sflag:s8] =	ssyncset.done $0x0  }
0x29d: {  	s15 =	sld [smem:$0x7F2];
	[sflag:s8] =	ssyncadd.s32 $0xFFFF8000  }
0x29e: {  	[tilespmem:s6], [sflag:$0x1] =	stream.indirect.gather [hbm4b:s3+s4], $0x40, s0, s4, $0xb8;
	[tilespmem:$0x12000] =	vst v63  }
0x29f: {  	s0 =	sld [smem:$0x7F3]  }
0x2a0: {  	[tilespmem:s9], [sflag:$0x1] =	stream.indirect.gather [hbm4b:s3+s4], $0x40, s15, s4, $0xb8;
	[tilespmem:$0x12000] =	vst v63  }
0x2a1: {  	s15 =	sld [smem:$0x7F4]  }
0x2a2: {  	[tilespmem:s10], [sflag:$0x1] =	stream.indirect.gather [hbm4b:s3+s4], $0x40, s0, s4, $0xb8;
	[tilespmem:$0x12000] =	vst v63  }
0x2a3: {  	_ = 	snop  }
0x2a4: {  	[tilespmem:s11], [sflag:$0x1] =	stream.indirect.gather [hbm4b:s3+s4], $0x40, s15, s4, $0xb8;
	[tilespmem:$0x12000] =	vst v63  }
0x2a5: {  	_ =	swait.ge [sflag:s5], $0x2000  }
0x2a6: {  	[sflag:s5] =	ssyncset.done $0x0  }
0x2a7: {  	[sflag:s5] =	ssyncadd.s32 $0xFFFFE000  }
0x2a8: {  	_ =	swait.ge [sflag:s5], $0x2000  }
0x2a9: {  	[sflag:s5] =	ssyncset.done $0x0  }
0x2aa: {  	[sflag:s5] =	ssyncadd.s32 $0xFFFFE000  }
0x2ab: {  	_ =	swait.ge [sflag:s5], $0x2000  }
0x2ac: {  	[sflag:s5] =	ssyncset.done $0x0  }
0x2ad: {  	[sflag:s5] =	ssyncadd.s32 $0xFFFFE000  }
0x2ae: {  	_ =	swait.ge [sflag:s5], $0x2000  }
0x2af: {  	[sflag:s5] =	ssyncset.done $0x0  }
0x2b0: {  	s15 =	rddreg [dreg:$0xd];
	[sflag:s5] =	ssyncadd.s32 $0xFFFFE000  }
0x2b1: {  	[hbm4b:s15+s2] =	stream.linear.scatter [tilespmem:s6], [sflag:$0x2], $0x8000, $0x38;
	[tilespmem:$0x12000] =	vst v63  }
0x2b2: {  	_ =	swait.ge [sflag:s8], $0x8000  }
0x2b3: {  	s0 =	sld [smem:$0x7F5]  }
0x2b4: {  	[sflag:s8] =	ssyncset.done $0x0  }
0x2b5: {  	s15 =	sld [smem:$0x7F6];
	[sflag:s8] =	ssyncadd.s32 $0xFFFF8000  }
0x2b6: {  	[tilespmem:s7], [sflag:$0x1] =	stream.indirect.gather [hbm4b:s3+s4], $0x40, s0, s4, $0xb8;
	[tilespmem:$0x12000] =	vst v63  }
0x2b7: {  	s0 =	sld [smem:$0x7F7]  }
0x2b8: {  	[tilespmem:s12], [sflag:$0x1] =	stream.indirect.gather [hbm4b:s3+s4], $0x40, s15, s4, $0xb8;
	[tilespmem:$0x12000] =	vst v63  }
0x2b9: {  	s15 =	sld [smem:$0x7F8]  }
0x2ba: {  	[tilespmem:s13], [sflag:$0x1] =	stream.indirect.gather [hbm4b:s3+s4], $0x40, s0, s4, $0xb8;
	[tilespmem:$0x12000] =	vst v63  }
0x2bb: {  	_ = 	snop  }
0x2bc: {  	[tilespmem:s14], [sflag:$0x1] =	stream.indirect.gather [hbm4b:s3+s4], $0x40, s15, s4, $0xb8;
	[tilespmem:$0x12000] =	vst v63  }
0x2bd: {  	_ =	swait.ge [sflag:s5], $0x2000  }
0x2be: {  	[sflag:s5] =	ssyncset.done $0x0  }
0x2bf: {  	[sflag:s5] =	ssyncadd.s32 $0xFFFFE000  }
0x2c0: {  	_ =	swait.ge [sflag:s5], $0x2000  }
0x2c1: {  	[sflag:s5] =	ssyncset.done $0x0  }
0x2c2: {  	[sflag:s5] =	ssyncadd.s32 $0xFFFFE000  }
0x2c3: {  	_ =	swait.ge [sflag:s5], $0x2000  }
0x2c4: {  	[sflag:s5] =	ssyncset.done $0x0  }
0x2c5: {  	[sflag:s5] =	ssyncadd.s32 $0xFFFFE000  }
0x2c6: {  	_ =	swait.ge [sflag:s5], $0x2000  }
0x2c7: {  	[sflag:s5] =	ssyncset.done $0x0  }
0x2c8: {  	s15 =	rddreg [dreg:$0xe];
	[sflag:s5] =	ssyncadd.s32 $0xFFFFE000  }
0x2c9: {  	[hbm4b:s15+s2] =	stream.linear.scatter [tilespmem:s7], [sflag:$0x2], $0x8000, $0x38;
	[tilespmem:$0x12000] =	vst v63  }
0x2ca: {  	_ =	swait.ge [sflag:s8], $0x8000  }
0x2cb: {  	s0 =	sld [smem:$0x7F9]  }
0x2cc: {  	[sflag:s8] =	ssyncset.done $0x0  }
0x2cd: {  	s15 =	sld [smem:$0x7FA];
	[sflag:s8] =	ssyncadd.s32 $0xFFFF8000  }
0x2ce: {  	[tilespmem:s6], [sflag:$0x1] =	stream.indirect.gather [hbm4b:s3+s4], $0x40, s0, s4, $0xb8;
	[tilespmem:$0x12000] =	vst v63  }
0x2cf: {  	s0 =	sld [smem:$0x7FB]  }
0x2d0: {  	[tilespmem:s9], [sflag:$0x1] =	stream.indirect.gather [hbm4b:s3+s4], $0x40, s15, s4, $0xb8;
	[tilespmem:$0x12000] =	vst v63  }
0x2d1: {  	s15 =	sld [smem:$0x7FC]  }
0x2d2: {  	[tilespmem:s10], [sflag:$0x1] =	stream.indirect.gather [hbm4b:s3+s4], $0x40, s0, s4, $0xb8;
	[tilespmem:$0x12000] =	vst v63  }
0x2d3: {  	_ = 	snop  }
0x2d4: {  	[tilespmem:s11], [sflag:$0x1] =	stream.indirect.gather [hbm4b:s3+s4], $0x40, s15, s4, $0xb8;
	[tilespmem:$0x12000] =	vst v63  }
0x2d5: {  	_ =	swait.ge [sflag:s5], $0x2000  }
0x2d6: {  	[sflag:s5] =	ssyncset.done $0x0  }
0x2d7: {  	[sflag:s5] =	ssyncadd.s32 $0xFFFFE000  }
0x2d8: {  	_ =	swait.ge [sflag:s5], $0x2000  }
0x2d9: {  	[sflag:s5] =	ssyncset.done $0x0  }
0x2da: {  	[sflag:s5] =	ssyncadd.s32 $0xFFFFE000  }
0x2db: {  	_ =	swait.ge [sflag:s5], $0x2000  }
0x2dc: {  	[sflag:s5] =	ssyncset.done $0x0  }
0x2dd: {  	[sflag:s5] =	ssyncadd.s32 $0xFFFFE000  }
0x2de: {  	_ =	swait.ge [sflag:s5], $0x2000  }
0x2df: {  	[sflag:s5] =	ssyncset.done $0x0  }
0x2e0: {  	s15 =	rddreg [dreg:$0xf];
	[sflag:s5] =	ssyncadd.s32 $0xFFFFE000  }
0x2e1: {  	[hbm4b:s15+s2] =	stream.linear.scatter [tilespmem:s6], [sflag:$0x2], $0x8000, $0x38;
	[tilespmem:$0x12000] =	vst v63  }
0x2e2: {  	_ =	swait.ge [sflag:s8], $0x8000  }
0x2e3: {  	s15 =	sld [smem:$0x7FD]  }
0x2e4: {  	[sflag:s8] =	ssyncset.done $0x0  }
0x2e5: {  	[sflag:s8] =	ssyncadd.s32 $0xFFFF8000  }
0x2e6: {  	[tilespmem:s7], [sflag:$0x1] =	stream.indirect.gather [hbm4b:s3+s4], $0x40, s15, s4, $0xb8;
	[tilespmem:$0x12000] =	vst v63  }
0x2e7: {  	_ = 	snop  }
0x2e8: {  	[tilespmem:s12], [sflag:$0x1] =	stream.indirect.gather [hbm4b:s3+s4], $0x40, s29, s4, $0xb8;
	[tilespmem:$0x12000] =	vst v63  }
0x2e9: {  	_ = 	snop  }
0x2ea: {  	[tilespmem:s13], [sflag:$0x1] =	stream.indirect.gather [hbm4b:s3+s4], $0x40, s30, s4, $0xb8;
	[tilespmem:$0x12000] =	vst v63  }
0x2eb: {  	_ = 	snop  }
0x2ec: {  	[tilespmem:s14], [sflag:$0x1] =	stream.indirect.gather [hbm4b:s3+s4], $0x40, s20, s4, $0xb8;
	[tilespmem:$0x12000] =	vst v63  }
0x2ed: {  	_ =	swait.ge [sflag:s5], $0x2000  }
0x2ee: {  	[sflag:s5] =	ssyncset.done $0x0  }
0x2ef: {  	[sflag:s5] =	ssyncadd.s32 $0xFFFFE000  }
0x2f0: {  	_ =	swait.ge [sflag:s5], $0x2000  }
0x2f1: {  	[sflag:s5] =	ssyncset.done $0x0  }
0x2f2: {  	[sflag:s5] =	ssyncadd.s32 $0xFFFFE000  }
0x2f3: {  	_ =	swait.ge [sflag:s5], $0x2000  }
0x2f4: {  	[sflag:s5] =	ssyncset.done $0x0  }
0x2f5: {  	[sflag:s5] =	ssyncadd.s32 $0xFFFFE000  }
0x2f6: {  	_ =	swait.ge [sflag:s5], $0x2000  }
0x2f7: {  	[sflag:s5] =	ssyncset.done $0x0  }
0x2f8: {  	s15 =	rddreg [dreg:$0x10];
	[sflag:s5] =	ssyncadd.s32 $0xFFFFE000  }
0x2f9: {  	[hbm4b:s15+s2] =	stream.linear.scatter [tilespmem:s7], [sflag:$0x2], $0x8000, $0x38;
	[tilespmem:$0x12000] =	vst v63  }
0x2fa: {  	_ =	swait.ge [sflag:s8], $0x8000  }
0x2fb: {  	[sflag:s8] =	ssyncset.done $0x0  }
0x2fc: {  	[sflag:s8] =	ssyncadd.s32 $0xFFFF8000  }
0x2fd: {  	[tilespmem:s6], [sflag:$0x1] =	stream.indirect.gather [hbm4b:s3+s4], $0x40, s24, s4, $0xb8;
	[tilespmem:$0x12000] =	vst v63  }
0x2fe: {  	_ = 	snop  }
0x2ff: {  	[tilespmem:s9], [sflag:$0x1] =	stream.indirect.gather [hbm4b:s3+s4], $0x40, s25, s4, $0xb8;
	[tilespmem:$0x12000] =	vst v63  }
0x300: {  	_ = 	snop  }
0x301: {  	[tilespmem:s10], [sflag:$0x1] =	stream.indirect.gather [hbm4b:s3+s4], $0x40, s26, s4, $0xb8;
	[tilespmem:$0x12000] =	vst v63  }
0x302: {  	_ = 	snop  }
0x303: {  	[tilespmem:s11], [sflag:$0x1] =	stream.indirect.gather [hbm4b:s3+s4], $0x40, s28, s4, $0xb8;
	[tilespmem:$0x12000] =	vst v63  }
0x304: {  	_ =	swait.ge [sflag:s5], $0x2000  }
0x305: {  	[sflag:s5] =	ssyncset.done $0x0  }
0x306: {  	[sflag:s5] =	ssyncadd.s32 $0xFFFFE000  }
0x307: {  	_ =	swait.ge [sflag:s5], $0x2000  }
0x308: {  	[sflag:s5] =	ssyncset.done $0x0  }
0x309: {  	[sflag:s5] =	ssyncadd.s32 $0xFFFFE000  }
0x30a: {  	_ =	swait.ge [sflag:s5], $0x2000  }
0x30b: {  	[sflag:s5] =	ssyncset.done $0x0  }
0x30c: {  	[sflag:s5] =	ssyncadd.s32 $0xFFFFE000  }
0x30d: {  	_ =	swait.ge [sflag:s5], $0x2000  }
0x30e: {  	[sflag:s5] =	ssyncset.done $0x0  }
0x30f: {  	s15 =	rddreg [dreg:$0x11];
	[sflag:s5] =	ssyncadd.s32 $0xFFFFE000  }
0x310: {  	[hbm4b:s15+s2] =	stream.linear.scatter [tilespmem:s6], [sflag:$0x2], $0x8000, $0x38;
	[tilespmem:$0x12000] =	vst v63  }
0x311: {  	_ =	swait.ge [sflag:s8], $0x8000  }
0x312: {  	[sflag:s8] =	ssyncset.done $0x0  }
0x313: {  	s15 =	simm.s32 $0x1C00;
	[sflag:s8] =	ssyncadd.s32 $0xFFFF8000  }
0x314: {  	[tilespmem:s7], [sflag:$0x1] =	stream.indirect.gather [hbm4b:s3+s4], $0x40, s15, s4, $0xb8;
	[tilespmem:$0x12000] =	vst v63  }
0x315: {  	_ = 	snop  }
0x316: {  	[tilespmem:s12], [sflag:$0x1] =	stream.indirect.gather [hbm4b:s3+s4], $0x40, s21, s4, $0xb8;
	[tilespmem:$0x12000] =	vst v63  }
0x317: {  	_ = 	snop  }
0x318: {  	[tilespmem:s13], [sflag:$0x1] =	stream.indirect.gather [hbm4b:s3+s4], $0x40, s22, s4, $0xb8;
	[tilespmem:$0x12000] =	vst v63  }
0x319: {  	_ = 	snop  }
0x31a: {  	[tilespmem:s14], [sflag:$0x1] =	stream.indirect.gather [hbm4b:s3+s4], $0x40, s23, s4, $0xb8;
	[tilespmem:$0x12000] =	vst v63  }
0x31b: {  	_ =	swait.ge [sflag:s5], $0x2000  }
0x31c: {  	[sflag:s5] =	ssyncset.done $0x0  }
0x31d: {  	[sflag:s5] =	ssyncadd.s32 $0xFFFFE000  }
0x31e: {  	_ =	swait.ge [sflag:s5], $0x2000  }
0x31f: {  	[sflag:s5] =	ssyncset.done $0x0  }
0x320: {  	[sflag:s5] =	ssyncadd.s32 $0xFFFFE000  }
0x321: {  	_ =	swait.ge [sflag:s5], $0x2000  }
0x322: {  	[sflag:s5] =	ssyncset.done $0x0  }
0x323: {  	[sflag:s5] =	ssyncadd.s32 $0xFFFFE000  }
0x324: {  	_ =	swait.ge [sflag:s5], $0x2000  }
0x325: {  	[sflag:s5] =	ssyncset.done $0x0  }
0x326: {  	s15 =	rddreg [dreg:$0x12];
	[sflag:s5] =	ssyncadd.s32 $0xFFFFE000  }
0x327: {  	[hbm4b:s15+s2] =	stream.linear.scatter [tilespmem:s7], [sflag:$0x2], $0x8000, $0x38;
	[tilespmem:$0x12000] =	vst v63  }
0x328: {  	_ =	swait.ge [sflag:s8], $0x8000  }
0x329: {  	[sflag:s8] =	ssyncset.done $0x0  }
0x32a: {  	[sflag:s8] =	ssyncadd.s32 $0xFFFF8000  }
0x32b: {  	[tilespmem:s6], [sflag:$0x1] =	stream.indirect.gather [hbm4b:s3+s4], $0x40, s16, s4, $0xb8;
	[tilespmem:$0x12000] =	vst v63  }
0x32c: {  	_ = 	snop  }
0x32d: {  	[tilespmem:s9], [sflag:$0x1] =	stream.indirect.gather [hbm4b:s3+s4], $0x40, s17, s4, $0xb8;
	[tilespmem:$0x12000] =	vst v63  }
0x32e: {  	_ = 	snop  }
0x32f: {  	[tilespmem:s10], [sflag:$0x1] =	stream.indirect.gather [hbm4b:s3+s4], $0x40, s18, s4, $0xb8;
	[tilespmem:$0x12000] =	vst v63  }
0x330: {  	_ = 	snop  }
0x331: {  	[tilespmem:s11], [sflag:$0x1] =	stream.indirect.gather [hbm4b:s3+s4], $0x40, s19, s4, $0xb8;
	[tilespmem:$0x12000] =	vst v63  }
0x332: {  	_ =	swait.ge [sflag:s5], $0x2000  }
0x333: {  	[sflag:s5] =	ssyncset.done $0x0  }
0x334: {  	[sflag:s5] =	ssyncadd.s32 $0xFFFFE000  }
0x335: {  	_ =	swait.ge [sflag:s5], $0x2000  }
0x336: {  	[sflag:s5] =	ssyncset.done $0x0  }
0x337: {  	[sflag:s5] =	ssyncadd.s32 $0xFFFFE000  }
0x338: {  	_ =	swait.ge [sflag:s5], $0x2000  }
0x339: {  	[sflag:s5] =	ssyncset.done $0x0  }
0x33a: {  	[sflag:s5] =	ssyncadd.s32 $0xFFFFE000  }
0x33b: {  	_ =	swait.ge [sflag:s5], $0x2000  }
0x33c: {  	[sflag:s5] =	ssyncset.done $0x0  }
0x33d: {  	p1 =	sne.s32 s1, $0x1;
	s15 =	rddreg [dreg:$0x13];
	[sflag:s5] =	ssyncadd.s32 $0xFFFFE000  }
0x33e: {  	[hbm4b:s15+s2] =	stream.linear.scatter [tilespmem:s6], [sflag:$0x2], $0x8000, $0x38;
	[tilespmem:$0x12000] =	vst v63  }
.Ltmp2:
0x33f: {  	_ =	swait.ge [sflag:s8], $0x8000;
	(pc) =	sbr.rel @p1 .LBB2_4-.Ltmp2, $4  }
0x340: {  	[sflag:s8] =	ssyncset.done $0x0  }
0x341: {  	[sflag:s8] =	ssyncadd.s32 $0xFFFF8000  }
0x342: {  	_ =	swait.ge [sflag:s8], $0x8000  }
0x343: {  	s1 =	sadd.s32 $0xFFFFFFFF, s1;
	s0 =	rddreg [dreg:$0x3];
	[sflag:s8] =	ssyncset.done $0x0  }
0x344: {  	s19 =	simm.s32 $0x1980;
	s30 =	simm.s32 $0x1900;
	s29 =	simm.s32 $0x1880  }
0x345: {  	s28 =	simm.s32 $0x1B80;
	s26 =	simm.s32 $0x1B00;
	s25 =	simm.s32 $0x1A80  }
0x346: {  	s24 =	simm.s32 $0x1A00;
	s23 =	simm.s32 $0x1D80;
	s22 =	simm.s32 $0x1D00  }
0x347: {  	s21 =	simm.s32 $0x1C80;
	s20 =	simm.s32 $0x1C00;
	s18 =	simm.s32 $0x1F00  }
0x348: {  	s17 =	simm.s32 $0x1E80;
	s16 =	simm.s32 $0x1E00;
	s15 =	stileid.u32  }
.LBB2_6:
0x349: {  	[sflag:s8] =	ssyncadd.s32 @p0 $0xFFFF8000  }
0x34a: {  	[tilespmem:s2], [sflag:$0x3] =	stream.linear.gather [hbm4b:s0+s2], $0x2000, $0x38;
	[tilespmem:$0x12000] =	vst v63  }
0x34b: {  	_ =	swait.ge [sflag:s31], $0x2000  }
0x34c: {  	[sflag:s31] =	ssyncset.done $0x0  }
0x34d: {  	[sflag:s31] =	ssyncadd.s32 $0xFFFFE000  }
0x34e: {  	[tilespmem:s7], [sflag:$0x1] =	stream.indirect.gather [hbm4b:s3+s4], $0x40, s2, s4, $0xb8;
	[tilespmem:$0x12000] =	vst v63  }
0x34f: {  	_ = 	snop  }
0x350: {  	[tilespmem:s12], [sflag:$0x1] =	stream.indirect.gather [hbm4b:s3+s4], $0x40, s4, s4, $0xb8;
	[tilespmem:$0x12000] =	vst v63  }
0x351: {  	s31 =	rddreg [dreg:$0x14]  }
0x352: {  	[tilespmem:s13], [sflag:$0x1] =	stream.indirect.gather [hbm4b:s3+s4], $0x40, s31, s4, $0xb8;
	[tilespmem:$0x12000] =	vst v63  }
0x353: {  	s1 =	rddreg [dreg:$0x15]  }
0x354: {  	[tilespmem:s14], [sflag:$0x1] =	stream.indirect.gather [hbm4b:s3+s4], $0x40, s1, s4, $0xb8;
	[tilespmem:$0x12000] =	vst v63  }
0x355: {  	_ =	swait.ge [sflag:s5], $0x2000  }
0x356: {  	[sflag:s5] =	ssyncset.done $0x0  }
0x357: {  	[sflag:s5] =	ssyncadd.s32 $0xFFFFE000  }
0x358: {  	_ =	swait.ge [sflag:s5], $0x2000  }
0x359: {  	[sflag:s5] =	ssyncset.done $0x0  }
0x35a: {  	[sflag:s5] =	ssyncadd.s32 $0xFFFFE000  }
0x35b: {  	_ =	swait.ge [sflag:s5], $0x2000  }
0x35c: {  	[sflag:s5] =	ssyncset.done $0x0  }
0x35d: {  	[sflag:s5] =	ssyncadd.s32 $0xFFFFE000  }
0x35e: {  	_ =	swait.ge [sflag:s5], $0x2000  }
0x35f: {  	[sflag:s5] =	ssyncset.done $0x0  }
0x360: {  	s31 =	rddreg [dreg:$0x4];
	[sflag:s5] =	ssyncadd.s32 $0xFFFFE000  }
0x361: {  	[hbm4b:s31+s2] =	stream.linear.scatter [tilespmem:s7], [sflag:$0x2], $0x8000, $0x38;
	[tilespmem:$0x12000] =	vst v63  }
0x362: {  	s1 =	rddreg [dreg:$0x16]  }
0x363: {  	[tilespmem:s6], [sflag:$0x1] =	stream.indirect.gather [hbm4b:s3+s4], $0x40, s1, s4, $0xb8;
	[tilespmem:$0x12000] =	vst v63  }
0x364: {  	s31 =	rddreg [dreg:$0x17]  }
0x365: {  	[tilespmem:s9], [sflag:$0x1] =	stream.indirect.gather [hbm4b:s3+s4], $0x40, s31, s4, $0xb8;
	[tilespmem:$0x12000] =	vst v63  }
0x366: {  	s1 =	rddreg [dreg:$0x18]  }
0x367: {  	[tilespmem:s10], [sflag:$0x1] =	stream.indirect.gather [hbm4b:s3+s4], $0x40, s1, s4, $0xb8;
	[tilespmem:$0x12000] =	vst v63  }
0x368: {  	s31 =	rddreg [dreg:$0x19]  }
0x369: {  	[tilespmem:s11], [sflag:$0x1] =	stream.indirect.gather [hbm4b:s3+s4], $0x40, s31, s4, $0xb8;
	[tilespmem:$0x12000] =	vst v63  }
0x36a: {  	_ =	swait.ge [sflag:s5], $0x2000  }
0x36b: {  	[sflag:s5] =	ssyncset.done $0x0  }
0x36c: {  	[sflag:s5] =	ssyncadd.s32 $0xFFFFE000  }
0x36d: {  	_ =	swait.ge [sflag:s5], $0x2000  }
0x36e: {  	[sflag:s5] =	ssyncset.done $0x0  }
0x36f: {  	[sflag:s5] =	ssyncadd.s32 $0xFFFFE000  }
0x370: {  	_ =	swait.ge [sflag:s5], $0x2000  }
0x371: {  	[sflag:s5] =	ssyncset.done $0x0  }
0x372: {  	[sflag:s5] =	ssyncadd.s32 $0xFFFFE000  }
0x373: {  	_ =	swait.ge [sflag:s5], $0x2000  }
0x374: {  	[sflag:s5] =	ssyncset.done $0x0  }
0x375: {  	s31 =	rddreg [dreg:$0x5];
	[sflag:s5] =	ssyncadd.s32 $0xFFFFE000  }
0x376: {  	[hbm4b:s31+s2] =	stream.linear.scatter [tilespmem:s6], [sflag:$0x2], $0x8000, $0x38;
	[tilespmem:$0x12000] =	vst v63  }
0x377: {  	_ =	swait.ge [sflag:s8], $0x8000  }
0x378: {  	[sflag:s8] =	ssyncset.done $0x0  }
0x379: {  	s1 =	rddreg [dreg:$0x1a];
	[sflag:s8] =	ssyncadd.s32 $0xFFFF8000  }
0x37a: {  	[tilespmem:s7], [sflag:$0x1] =	stream.indirect.gather [hbm4b:s3+s4], $0x40, s1, s4, $0xb8;
	[tilespmem:$0x12000] =	vst v63  }
0x37b: {  	s31 =	rddreg [dreg:$0x1b]  }
0x37c: {  	[tilespmem:s12], [sflag:$0x1] =	stream.indirect.gather [hbm4b:s3+s4], $0x40, s31, s4, $0xb8;
	[tilespmem:$0x12000] =	vst v63  }
0x37d: {  	s0 =	rddreg [dreg:$0x1c]  }
0x37e: {  	[tilespmem:s13], [sflag:$0x1] =	stream.indirect.gather [hbm4b:s3+s4], $0x40, s0, s4, $0xb8;
	[tilespmem:$0x12000] =	vst v63  }
0x37f: {  	s31 =	rddreg [dreg:$0x1d]  }
0x380: {  	[tilespmem:s14], [sflag:$0x1] =	stream.indirect.gather [hbm4b:s3+s4], $0x40, s31, s4, $0xb8;
	[tilespmem:$0x12000] =	vst v63  }
0x381: {  	_ =	swait.ge [sflag:s5], $0x2000  }
0x382: {  	[sflag:s5] =	ssyncset.done $0x0  }
0x383: {  	[sflag:s5] =	ssyncadd.s32 $0xFFFFE000  }
0x384: {  	_ =	swait.ge [sflag:s5], $0x2000  }
0x385: {  	[sflag:s5] =	ssyncset.done $0x0  }
0x386: {  	[sflag:s5] =	ssyncadd.s32 $0xFFFFE000  }
0x387: {  	_ =	swait.ge [sflag:s5], $0x2000  }
0x388: {  	[sflag:s5] =	ssyncset.done $0x0  }
0x389: {  	[sflag:s5] =	ssyncadd.s32 $0xFFFFE000  }
0x38a: {  	_ =	swait.ge [sflag:s5], $0x2000  }
0x38b: {  	[sflag:s5] =	ssyncset.done $0x0  }
0x38c: {  	s31 =	rddreg [dreg:$0x6];
	[sflag:s5] =	ssyncadd.s32 $0xFFFFE000  }
0x38d: {  	[hbm4b:s31+s2] =	stream.linear.scatter [tilespmem:s7], [sflag:$0x2], $0x8000, $0x38;
	[tilespmem:$0x12000] =	vst v63  }
0x38e: {  	_ =	swait.ge [sflag:s8], $0x8000  }
0x38f: {  	s1 =	rddreg [dreg:$0x1e];
	[sflag:s8] =	ssyncset.done $0x0  }
0x390: {  	s31 =	rddreg [dreg:$0x1f];
	[sflag:s8] =	ssyncadd.s32 $0xFFFF8000  }
0x391: {  	[tilespmem:s6], [sflag:$0x1] =	stream.indirect.gather [hbm4b:s3+s4], $0x40, s1, s4, $0xb8;
	[tilespmem:$0x12000] =	vst v63  }
0x392: {  	s0 =	sld [smem:$0x7DB]  }
0x393: {  	[tilespmem:s9], [sflag:$0x1] =	stream.indirect.gather [hbm4b:s3+s4], $0x40, s31, s4, $0xb8;
	[tilespmem:$0x12000] =	vst v63  }
0x394: {  	s31 =	sld [smem:$0x7DC]  }
0x395: {  	[tilespmem:s10], [sflag:$0x1] =	stream.indirect.gather [hbm4b:s3+s4], $0x40, s0, s4, $0xb8;
	[tilespmem:$0x12000] =	vst v63  }
0x396: {  	_ = 	snop  }
0x397: {  	[tilespmem:s11], [sflag:$0x1] =	stream.indirect.gather [hbm4b:s3+s4], $0x40, s31, s4, $0xb8;
	[tilespmem:$0x12000] =	vst v63  }
0x398: {  	_ =	swait.ge [sflag:s5], $0x2000  }
0x399: {  	[sflag:s5] =	ssyncset.done $0x0  }
0x39a: {  	[sflag:s5] =	ssyncadd.s32 $0xFFFFE000  }
0x39b: {  	_ =	swait.ge [sflag:s5], $0x2000  }
0x39c: {  	[sflag:s5] =	ssyncset.done $0x0  }
0x39d: {  	[sflag:s5] =	ssyncadd.s32 $0xFFFFE000  }
0x39e: {  	_ =	swait.ge [sflag:s5], $0x2000  }
0x39f: {  	[sflag:s5] =	ssyncset.done $0x0  }
0x3a0: {  	[sflag:s5] =	ssyncadd.s32 $0xFFFFE000  }
0x3a1: {  	_ =	swait.ge [sflag:s5], $0x2000  }
0x3a2: {  	[sflag:s5] =	ssyncset.done $0x0  }
0x3a3: {  	s31 =	rddreg [dreg:$0x7];
	[sflag:s5] =	ssyncadd.s32 $0xFFFFE000  }
0x3a4: {  	[hbm4b:s31+s2] =	stream.linear.scatter [tilespmem:s6], [sflag:$0x2], $0x8000, $0x38;
	[tilespmem:$0x12000] =	vst v63  }
0x3a5: {  	_ =	swait.ge [sflag:s8], $0x8000  }
0x3a6: {  	s1 =	sld [smem:$0x7DD]  }
0x3a7: {  	[sflag:s8] =	ssyncset.done $0x0  }
0x3a8: {  	s31 =	sld [smem:$0x7DE];
	[sflag:s8] =	ssyncadd.s32 $0xFFFF8000  }
0x3a9: {  	[tilespmem:s7], [sflag:$0x1] =	stream.indirect.gather [hbm4b:s3+s4], $0x40, s1, s4, $0xb8;
	[tilespmem:$0x12000] =	vst v63  }
0x3aa: {  	s0 =	sld [smem:$0x7DF]  }
0x3ab: {  	[tilespmem:s12], [sflag:$0x1] =	stream.indirect.gather [hbm4b:s3+s4], $0x40, s31, s4, $0xb8;
	[tilespmem:$0x12000] =	vst v63  }
0x3ac: {  	s31 =	sld [smem:$0x7E0]  }
0x3ad: {  	[tilespmem:s13], [sflag:$0x1] =	stream.indirect.gather [hbm4b:s3+s4], $0x40, s0, s4, $0xb8;
	[tilespmem:$0x12000] =	vst v63  }
0x3ae: {  	_ = 	snop  }
0x3af: {  	[tilespmem:s14], [sflag:$0x1] =	stream.indirect.gather [hbm4b:s3+s4], $0x40, s31, s4, $0xb8;
	[tilespmem:$0x12000] =	vst v63  }
0x3b0: {  	_ =	swait.ge [sflag:s5], $0x2000  }
0x3b1: {  	[sflag:s5] =	ssyncset.done $0x0  }
0x3b2: {  	[sflag:s5] =	ssyncadd.s32 $0xFFFFE000  }
0x3b3: {  	_ =	swait.ge [sflag:s5], $0x2000  }
0x3b4: {  	[sflag:s5] =	ssyncset.done $0x0  }
0x3b5: {  	[sflag:s5] =	ssyncadd.s32 $0xFFFFE000  }
0x3b6: {  	_ =	swait.ge [sflag:s5], $0x2000  }
0x3b7: {  	[sflag:s5] =	ssyncset.done $0x0  }
0x3b8: {  	[sflag:s5] =	ssyncadd.s32 $0xFFFFE000  }
0x3b9: {  	_ =	swait.ge [sflag:s5], $0x2000  }
0x3ba: {  	[sflag:s5] =	ssyncset.done $0x0  }
0x3bb: {  	s31 =	rddreg [dreg:$0x8];
	[sflag:s5] =	ssyncadd.s32 $0xFFFFE000  }
0x3bc: {  	[hbm4b:s31+s2] =	stream.linear.scatter [tilespmem:s7], [sflag:$0x2], $0x8000, $0x38;
	[tilespmem:$0x12000] =	vst v63  }
0x3bd: {  	_ =	swait.ge [sflag:s8], $0x8000  }
0x3be: {  	s1 =	sld [smem:$0x7E1]  }
0x3bf: {  	[sflag:s8] =	ssyncset.done $0x0  }
0x3c0: {  	s31 =	sld [smem:$0x7E2];
	[sflag:s8] =	ssyncadd.s32 $0xFFFF8000  }
0x3c1: {  	[tilespmem:s6], [sflag:$0x1] =	stream.indirect.gather [hbm4b:s3+s4], $0x40, s1, s4, $0xb8;
	[tilespmem:$0x12000] =	vst v63  }
0x3c2: {  	s0 =	sld [smem:$0x7E3]  }
0x3c3: {  	[tilespmem:s9], [sflag:$0x1] =	stream.indirect.gather [hbm4b:s3+s4], $0x40, s31, s4, $0xb8;
	[tilespmem:$0x12000] =	vst v63  }
0x3c4: {  	s31 =	sld [smem:$0x7E4]  }
0x3c5: {  	[tilespmem:s10], [sflag:$0x1] =	stream.indirect.gather [hbm4b:s3+s4], $0x40, s0, s4, $0xb8;
	[tilespmem:$0x12000] =	vst v63  }
0x3c6: {  	_ = 	snop  }
0x3c7: {  	[tilespmem:s11], [sflag:$0x1] =	stream.indirect.gather [hbm4b:s3+s4], $0x40, s31, s4, $0xb8;
	[tilespmem:$0x12000] =	vst v63  }
0x3c8: {  	_ =	swait.ge [sflag:s5], $0x2000  }
0x3c9: {  	[sflag:s5] =	ssyncset.done $0x0  }
0x3ca: {  	[sflag:s5] =	ssyncadd.s32 $0xFFFFE000  }
0x3cb: {  	_ =	swait.ge [sflag:s5], $0x2000  }
0x3cc: {  	[sflag:s5] =	ssyncset.done $0x0  }
0x3cd: {  	[sflag:s5] =	ssyncadd.s32 $0xFFFFE000  }
0x3ce: {  	_ =	swait.ge [sflag:s5], $0x2000  }
0x3cf: {  	[sflag:s5] =	ssyncset.done $0x0  }
0x3d0: {  	[sflag:s5] =	ssyncadd.s32 $0xFFFFE000  }
0x3d1: {  	_ =	swait.ge [sflag:s5], $0x2000  }
0x3d2: {  	[sflag:s5] =	ssyncset.done $0x0  }
0x3d3: {  	s31 =	rddreg [dreg:$0x9];
	[sflag:s5] =	ssyncadd.s32 $0xFFFFE000  }
0x3d4: {  	[hbm4b:s31+s2] =	stream.linear.scatter [tilespmem:s6], [sflag:$0x2], $0x8000, $0x38;
	[tilespmem:$0x12000] =	vst v63  }
0x3d5: {  	_ =	swait.ge [sflag:s8], $0x8000  }
0x3d6: {  	s1 =	sld [smem:$0x7E5]  }
0x3d7: {  	[sflag:s8] =	ssyncset.done $0x0  }
0x3d8: {  	s31 =	sld [smem:$0x7E6];
	[sflag:s8] =	ssyncadd.s32 $0xFFFF8000  }
0x3d9: {  	[tilespmem:s7], [sflag:$0x1] =	stream.indirect.gather [hbm4b:s3+s4], $0x40, s1, s4, $0xb8;
	[tilespmem:$0x12000] =	vst v63  }
0x3da: {  	s0 =	sld [smem:$0x7E7]  }
0x3db: {  	[tilespmem:s12], [sflag:$0x1] =	stream.indirect.gather [hbm4b:s3+s4], $0x40, s31, s4, $0xb8;
	[tilespmem:$0x12000] =	vst v63  }
0x3dc: {  	s31 =	sld [smem:$0x7E8]  }
0x3dd: {  	[tilespmem:s13], [sflag:$0x1] =	stream.indirect.gather [hbm4b:s3+s4], $0x40, s0, s4, $0xb8;
	[tilespmem:$0x12000] =	vst v63  }
0x3de: {  	_ = 	snop  }
0x3df: {  	[tilespmem:s14], [sflag:$0x1] =	stream.indirect.gather [hbm4b:s3+s4], $0x40, s31, s4, $0xb8;
	[tilespmem:$0x12000] =	vst v63  }
0x3e0: {  	_ =	swait.ge [sflag:s5], $0x2000  }
0x3e1: {  	[sflag:s5] =	ssyncset.done $0x0  }
0x3e2: {  	[sflag:s5] =	ssyncadd.s32 $0xFFFFE000  }
0x3e3: {  	_ =	swait.ge [sflag:s5], $0x2000  }
0x3e4: {  	[sflag:s5] =	ssyncset.done $0x0  }
0x3e5: {  	[sflag:s5] =	ssyncadd.s32 $0xFFFFE000  }
0x3e6: {  	_ =	swait.ge [sflag:s5], $0x2000  }
0x3e7: {  	[sflag:s5] =	ssyncset.done $0x0  }
0x3e8: {  	[sflag:s5] =	ssyncadd.s32 $0xFFFFE000  }
0x3e9: {  	_ =	swait.ge [sflag:s5], $0x2000  }
0x3ea: {  	[sflag:s5] =	ssyncset.done $0x0  }
0x3eb: {  	s31 =	rddreg [dreg:$0xa];
	[sflag:s5] =	ssyncadd.s32 $0xFFFFE000  }
0x3ec: {  	[hbm4b:s31+s2] =	stream.linear.scatter [tilespmem:s7], [sflag:$0x2], $0x8000, $0x38;
	[tilespmem:$0x12000] =	vst v63  }
0x3ed: {  	_ =	swait.ge [sflag:s8], $0x8000  }
0x3ee: {  	s1 =	sld [smem:$0x7E9]  }
0x3ef: {  	[sflag:s8] =	ssyncset.done $0x0  }
0x3f0: {  	s31 =	sld [smem:$0x7EA];
	[sflag:s8] =	ssyncadd.s32 $0xFFFF8000  }
0x3f1: {  	[tilespmem:s6], [sflag:$0x1] =	stream.indirect.gather [hbm4b:s3+s4], $0x40, s1, s4, $0xb8;
	[tilespmem:$0x12000] =	vst v63  }
0x3f2: {  	s0 =	sld [smem:$0x7EB]  }
0x3f3: {  	[tilespmem:s9], [sflag:$0x1] =	stream.indirect.gather [hbm4b:s3+s4], $0x40, s31, s4, $0xb8;
	[tilespmem:$0x12000] =	vst v63  }
0x3f4: {  	s31 =	sld [smem:$0x7EC]  }
0x3f5: {  	[tilespmem:s10], [sflag:$0x1] =	stream.indirect.gather [hbm4b:s3+s4], $0x40, s0, s4, $0xb8;
	[tilespmem:$0x12000] =	vst v63  }
0x3f6: {  	_ = 	snop  }
0x3f7: {  	[tilespmem:s11], [sflag:$0x1] =	stream.indirect.gather [hbm4b:s3+s4], $0x40, s31, s4, $0xb8;
	[tilespmem:$0x12000] =	vst v63  }
0x3f8: {  	_ =	swait.ge [sflag:s5], $0x2000  }
0x3f9: {  	[sflag:s5] =	ssyncset.done $0x0  }
0x3fa: {  	[sflag:s5] =	ssyncadd.s32 $0xFFFFE000  }
0x3fb: {  	_ =	swait.ge [sflag:s5], $0x2000  }
0x3fc: {  	[sflag:s5] =	ssyncset.done $0x0  }
0x3fd: {  	[sflag:s5] =	ssyncadd.s32 $0xFFFFE000  }
0x3fe: {  	_ =	swait.ge [sflag:s5], $0x2000  }
0x3ff: {  	[sflag:s5] =	ssyncset.done $0x0  }
0x400: {  	[sflag:s5] =	ssyncadd.s32 $0xFFFFE000  }
0x401: {  	_ =	swait.ge [sflag:s5], $0x2000  }
0x402: {  	[sflag:s5] =	ssyncset.done $0x0  }
0x403: {  	s31 =	rddreg [dreg:$0xb];
	[sflag:s5] =	ssyncadd.s32 $0xFFFFE000  }
0x404: {  	[hbm4b:s31+s2] =	stream.linear.scatter [tilespmem:s6], [sflag:$0x2], $0x8000, $0x38;
	[tilespmem:$0x12000] =	vst v63  }
0x405: {  	_ =	swait.ge [sflag:s8], $0x8000  }
0x406: {  	s1 =	sld [smem:$0x7ED]  }
0x407: {  	[sflag:s8] =	ssyncset.done $0x0  }
0x408: {  	s31 =	sld [smem:$0x7EE];
	[sflag:s8] =	ssyncadd.s32 $0xFFFF8000  }
0x409: {  	[tilespmem:s7], [sflag:$0x1] =	stream.indirect.gather [hbm4b:s3+s4], $0x40, s1, s4, $0xb8;
	[tilespmem:$0x12000] =	vst v63  }
0x40a: {  	s0 =	sld [smem:$0x7EF]  }
0x40b: {  	[tilespmem:s12], [sflag:$0x1] =	stream.indirect.gather [hbm4b:s3+s4], $0x40, s31, s4, $0xb8;
	[tilespmem:$0x12000] =	vst v63  }
0x40c: {  	s31 =	sld [smem:$0x7F0]  }
0x40d: {  	[tilespmem:s13], [sflag:$0x1] =	stream.indirect.gather [hbm4b:s3+s4], $0x40, s0, s4, $0xb8;
	[tilespmem:$0x12000] =	vst v63  }
0x40e: {  	_ = 	snop  }
0x40f: {  	[tilespmem:s14], [sflag:$0x1] =	stream.indirect.gather [hbm4b:s3+s4], $0x40, s31, s4, $0xb8;
	[tilespmem:$0x12000] =	vst v63  }
0x410: {  	_ =	swait.ge [sflag:s5], $0x2000  }
0x411: {  	[sflag:s5] =	ssyncset.done $0x0  }
0x412: {  	[sflag:s5] =	ssyncadd.s32 $0xFFFFE000  }
0x413: {  	_ =	swait.ge [sflag:s5], $0x2000  }
0x414: {  	[sflag:s5] =	ssyncset.done $0x0  }
0x415: {  	[sflag:s5] =	ssyncadd.s32 $0xFFFFE000  }
0x416: {  	_ =	swait.ge [sflag:s5], $0x2000  }
0x417: {  	[sflag:s5] =	ssyncset.done $0x0  }
0x418: {  	[sflag:s5] =	ssyncadd.s32 $0xFFFFE000  }
0x419: {  	_ =	swait.ge [sflag:s5], $0x2000  }
0x41a: {  	[sflag:s5] =	ssyncset.done $0x0  }
0x41b: {  	s31 =	rddreg [dreg:$0xc];
	[sflag:s5] =	ssyncadd.s32 $0xFFFFE000  }
0x41c: {  	[hbm4b:s31+s2] =	stream.linear.scatter [tilespmem:s7], [sflag:$0x2], $0x8000, $0x38;
	[tilespmem:$0x12000] =	vst v63  }
0x41d: {  	_ =	swait.ge [sflag:s8], $0x8000  }
0x41e: {  	s1 =	sld [smem:$0x7F1]  }
0x41f: {  	[sflag:s8] =	ssyncset.done $0x0  }
0x420: {  	s31 =	sld [smem:$0x7F2];
	[sflag:s8] =	ssyncadd.s32 $0xFFFF8000  }
0x421: {  	[tilespmem:s6], [sflag:$0x1] =	stream.indirect.gather [hbm4b:s3+s4], $0x40, s1, s4, $0xb8;
	[tilespmem:$0x12000] =	vst v63  }
0x422: {  	s0 =	sld [smem:$0x7F3]  }
0x423: {  	[tilespmem:s9], [sflag:$0x1] =	stream.indirect.gather [hbm4b:s3+s4], $0x40, s31, s4, $0xb8;
	[tilespmem:$0x12000] =	vst v63  }
0x424: {  	s31 =	sld [smem:$0x7F4]  }
0x425: {  	[tilespmem:s10], [sflag:$0x1] =	stream.indirect.gather [hbm4b:s3+s4], $0x40, s0, s4, $0xb8;
	[tilespmem:$0x12000] =	vst v63  }
0x426: {  	_ = 	snop  }
0x427: {  	[tilespmem:s11], [sflag:$0x1] =	stream.indirect.gather [hbm4b:s3+s4], $0x40, s31, s4, $0xb8;
	[tilespmem:$0x12000] =	vst v63  }
0x428: {  	_ =	swait.ge [sflag:s5], $0x2000  }
0x429: {  	[sflag:s5] =	ssyncset.done $0x0  }
0x42a: {  	[sflag:s5] =	ssyncadd.s32 $0xFFFFE000  }
0x42b: {  	_ =	swait.ge [sflag:s5], $0x2000  }
0x42c: {  	[sflag:s5] =	ssyncset.done $0x0  }
0x42d: {  	[sflag:s5] =	ssyncadd.s32 $0xFFFFE000  }
0x42e: {  	_ =	swait.ge [sflag:s5], $0x2000  }
0x42f: {  	[sflag:s5] =	ssyncset.done $0x0  }
0x430: {  	[sflag:s5] =	ssyncadd.s32 $0xFFFFE000  }
0x431: {  	_ =	swait.ge [sflag:s5], $0x2000  }
0x432: {  	[sflag:s5] =	ssyncset.done $0x0  }
0x433: {  	s31 =	rddreg [dreg:$0xd];
	[sflag:s5] =	ssyncadd.s32 $0xFFFFE000  }
0x434: {  	[hbm4b:s31+s2] =	stream.linear.scatter [tilespmem:s6], [sflag:$0x2], $0x8000, $0x38;
	[tilespmem:$0x12000] =	vst v63  }
0x435: {  	_ =	swait.ge [sflag:s8], $0x8000  }
0x436: {  	s1 =	sld [smem:$0x7F5]  }
0x437: {  	[sflag:s8] =	ssyncset.done $0x0  }
0x438: {  	s31 =	sld [smem:$0x7F6];
	[sflag:s8] =	ssyncadd.s32 $0xFFFF8000  }
0x439: {  	[tilespmem:s7], [sflag:$0x1] =	stream.indirect.gather [hbm4b:s3+s4], $0x40, s1, s4, $0xb8;
	[tilespmem:$0x12000] =	vst v63  }
0x43a: {  	s0 =	sld [smem:$0x7F7]  }
0x43b: {  	[tilespmem:s12], [sflag:$0x1] =	stream.indirect.gather [hbm4b:s3+s4], $0x40, s31, s4, $0xb8;
	[tilespmem:$0x12000] =	vst v63  }
0x43c: {  	s31 =	sld [smem:$0x7F8]  }
0x43d: {  	[tilespmem:s13], [sflag:$0x1] =	stream.indirect.gather [hbm4b:s3+s4], $0x40, s0, s4, $0xb8;
	[tilespmem:$0x12000] =	vst v63  }
0x43e: {  	_ = 	snop  }
0x43f: {  	[tilespmem:s14], [sflag:$0x1] =	stream.indirect.gather [hbm4b:s3+s4], $0x40, s31, s4, $0xb8;
	[tilespmem:$0x12000] =	vst v63  }
0x440: {  	_ =	swait.ge [sflag:s5], $0x2000  }
0x441: {  	[sflag:s5] =	ssyncset.done $0x0  }
0x442: {  	[sflag:s5] =	ssyncadd.s32 $0xFFFFE000  }
0x443: {  	_ =	swait.ge [sflag:s5], $0x2000  }
0x444: {  	[sflag:s5] =	ssyncset.done $0x0  }
0x445: {  	[sflag:s5] =	ssyncadd.s32 $0xFFFFE000  }
0x446: {  	_ =	swait.ge [sflag:s5], $0x2000  }
0x447: {  	[sflag:s5] =	ssyncset.done $0x0  }
0x448: {  	[sflag:s5] =	ssyncadd.s32 $0xFFFFE000  }
0x449: {  	_ =	swait.ge [sflag:s5], $0x2000  }
0x44a: {  	[sflag:s5] =	ssyncset.done $0x0  }
0x44b: {  	s31 =	rddreg [dreg:$0xe];
	[sflag:s5] =	ssyncadd.s32 $0xFFFFE000  }
0x44c: {  	[hbm4b:s31+s2] =	stream.linear.scatter [tilespmem:s7], [sflag:$0x2], $0x8000, $0x38;
	[tilespmem:$0x12000] =	vst v63  }
0x44d: {  	_ =	swait.ge [sflag:s8], $0x8000  }
0x44e: {  	s1 =	sld [smem:$0x7F9]  }
0x44f: {  	[sflag:s8] =	ssyncset.done $0x0  }
0x450: {  	s31 =	sld [smem:$0x7FA];
	[sflag:s8] =	ssyncadd.s32 $0xFFFF8000  }
0x451: {  	[tilespmem:s6], [sflag:$0x1] =	stream.indirect.gather [hbm4b:s3+s4], $0x40, s1, s4, $0xb8;
	[tilespmem:$0x12000] =	vst v63  }
0x452: {  	s0 =	sld [smem:$0x7FB]  }
0x453: {  	[tilespmem:s9], [sflag:$0x1] =	stream.indirect.gather [hbm4b:s3+s4], $0x40, s31, s4, $0xb8;
	[tilespmem:$0x12000] =	vst v63  }
0x454: {  	s31 =	sld [smem:$0x7FC]  }
0x455: {  	[tilespmem:s10], [sflag:$0x1] =	stream.indirect.gather [hbm4b:s3+s4], $0x40, s0, s4, $0xb8;
	[tilespmem:$0x12000] =	vst v63  }
0x456: {  	_ = 	snop  }
0x457: {  	[tilespmem:s11], [sflag:$0x1] =	stream.indirect.gather [hbm4b:s3+s4], $0x40, s31, s4, $0xb8;
	[tilespmem:$0x12000] =	vst v63  }
0x458: {  	_ =	swait.ge [sflag:s5], $0x2000  }
0x459: {  	[sflag:s5] =	ssyncset.done $0x0  }
0x45a: {  	[sflag:s5] =	ssyncadd.s32 $0xFFFFE000  }
0x45b: {  	_ =	swait.ge [sflag:s5], $0x2000  }
0x45c: {  	[sflag:s5] =	ssyncset.done $0x0  }
0x45d: {  	[sflag:s5] =	ssyncadd.s32 $0xFFFFE000  }
0x45e: {  	_ =	swait.ge [sflag:s5], $0x2000  }
0x45f: {  	[sflag:s5] =	ssyncset.done $0x0  }
0x460: {  	[sflag:s5] =	ssyncadd.s32 $0xFFFFE000  }
0x461: {  	_ =	swait.ge [sflag:s5], $0x2000  }
0x462: {  	[sflag:s5] =	ssyncset.done $0x0  }
0x463: {  	s31 =	rddreg [dreg:$0xf];
	[sflag:s5] =	ssyncadd.s32 $0xFFFFE000  }
0x464: {  	[hbm4b:s31+s2] =	stream.linear.scatter [tilespmem:s6], [sflag:$0x2], $0x8000, $0x38;
	[tilespmem:$0x12000] =	vst v63  }
0x465: {  	_ =	swait.ge [sflag:s8], $0x8000  }
0x466: {  	s1 =	sld [smem:$0x7FD]  }
0x467: {  	[sflag:s8] =	ssyncset.done $0x0  }
0x468: {  	[sflag:s8] =	ssyncadd.s32 $0xFFFF8000  }
0x469: {  	[tilespmem:s7], [sflag:$0x1] =	stream.indirect.gather [hbm4b:s3+s4], $0x40, s1, s4, $0xb8;
	[tilespmem:$0x12000] =	vst v63  }
0x46a: {  	_ = 	snop  }
0x46b: {  	[tilespmem:s12], [sflag:$0x1] =	stream.indirect.gather [hbm4b:s3+s4], $0x40, s29, s4, $0xb8;
	[tilespmem:$0x12000] =	vst v63  }
0x46c: {  	_ = 	snop  }
0x46d: {  	[tilespmem:s13], [sflag:$0x1] =	stream.indirect.gather [hbm4b:s3+s4], $0x40, s30, s4, $0xb8;
	[tilespmem:$0x12000] =	vst v63  }
0x46e: {  	_ = 	snop  }
0x46f: {  	[tilespmem:s14], [sflag:$0x1] =	stream.indirect.gather [hbm4b:s3+s4], $0x40, s19, s4, $0xb8;
	[tilespmem:$0x12000] =	vst v63  }
0x470: {  	_ =	swait.ge [sflag:s5], $0x2000  }
0x471: {  	[sflag:s5] =	ssyncset.done $0x0  }
0x472: {  	[sflag:s5] =	ssyncadd.s32 $0xFFFFE000  }
0x473: {  	_ =	swait.ge [sflag:s5], $0x2000  }
0x474: {  	[sflag:s5] =	ssyncset.done $0x0  }
0x475: {  	[sflag:s5] =	ssyncadd.s32 $0xFFFFE000  }
0x476: {  	_ =	swait.ge [sflag:s5], $0x2000  }
0x477: {  	[sflag:s5] =	ssyncset.done $0x0  }
0x478: {  	[sflag:s5] =	ssyncadd.s32 $0xFFFFE000  }
0x479: {  	_ =	swait.ge [sflag:s5], $0x2000  }
0x47a: {  	[sflag:s5] =	ssyncset.done $0x0  }
0x47b: {  	s19 =	rddreg [dreg:$0x10];
	[sflag:s5] =	ssyncadd.s32 $0xFFFFE000  }
0x47c: {  	[hbm4b:s19+s2] =	stream.linear.scatter [tilespmem:s7], [sflag:$0x2], $0x8000, $0x38;
	[tilespmem:$0x12000] =	vst v63  }
0x47d: {  	_ =	swait.ge [sflag:s8], $0x8000  }
0x47e: {  	[sflag:s8] =	ssyncset.done $0x0  }
0x47f: {  	[sflag:s8] =	ssyncadd.s32 $0xFFFF8000  }
0x480: {  	[tilespmem:s6], [sflag:$0x1] =	stream.indirect.gather [hbm4b:s3+s4], $0x40, s24, s4, $0xb8;
	[tilespmem:$0x12000] =	vst v63  }
0x481: {  	_ = 	snop  }
0x482: {  	[tilespmem:s9], [sflag:$0x1] =	stream.indirect.gather [hbm4b:s3+s4], $0x40, s25, s4, $0xb8;
	[tilespmem:$0x12000] =	vst v63  }
0x483: {  	_ = 	snop  }
0x484: {  	[tilespmem:s10], [sflag:$0x1] =	stream.indirect.gather [hbm4b:s3+s4], $0x40, s26, s4, $0xb8;
	[tilespmem:$0x12000] =	vst v63  }
0x485: {  	_ = 	snop  }
0x486: {  	[tilespmem:s11], [sflag:$0x1] =	stream.indirect.gather [hbm4b:s3+s4], $0x40, s28, s4, $0xb8;
	[tilespmem:$0x12000] =	vst v63  }
0x487: {  	_ =	swait.ge [sflag:s5], $0x2000  }
0x488: {  	[sflag:s5] =	ssyncset.done $0x0  }
0x489: {  	[sflag:s5] =	ssyncadd.s32 $0xFFFFE000  }
0x48a: {  	_ =	swait.ge [sflag:s5], $0x2000  }
0x48b: {  	[sflag:s5] =	ssyncset.done $0x0  }
0x48c: {  	[sflag:s5] =	ssyncadd.s32 $0xFFFFE000  }
0x48d: {  	_ =	swait.ge [sflag:s5], $0x2000  }
0x48e: {  	[sflag:s5] =	ssyncset.done $0x0  }
0x48f: {  	[sflag:s5] =	ssyncadd.s32 $0xFFFFE000  }
0x490: {  	_ =	swait.ge [sflag:s5], $0x2000  }
0x491: {  	[sflag:s5] =	ssyncset.done $0x0  }
0x492: {  	s28 =	rddreg [dreg:$0x11];
	[sflag:s5] =	ssyncadd.s32 $0xFFFFE000  }
0x493: {  	[hbm4b:s28+s2] =	stream.linear.scatter [tilespmem:s6], [sflag:$0x2], $0x8000, $0x38;
	[tilespmem:$0x12000] =	vst v63  }
0x494: {  	_ =	swait.ge [sflag:s8], $0x8000  }
0x495: {  	[sflag:s8] =	ssyncset.done $0x0  }
0x496: {  	[sflag:s8] =	ssyncadd.s32 $0xFFFF8000  }
0x497: {  	[tilespmem:s7], [sflag:$0x1] =	stream.indirect.gather [hbm4b:s3+s4], $0x40, s20, s4, $0xb8;
	[tilespmem:$0x12000] =	vst v63  }
0x498: {  	_ = 	snop  }
0x499: {  	[tilespmem:s12], [sflag:$0x1] =	stream.indirect.gather [hbm4b:s3+s4], $0x40, s21, s4, $0xb8;
	[tilespmem:$0x12000] =	vst v63  }
0x49a: {  	_ = 	snop  }
0x49b: {  	[tilespmem:s13], [sflag:$0x1] =	stream.indirect.gather [hbm4b:s3+s4], $0x40, s22, s4, $0xb8;
	[tilespmem:$0x12000] =	vst v63  }
0x49c: {  	_ = 	snop  }
0x49d: {  	[tilespmem:s14], [sflag:$0x1] =	stream.indirect.gather [hbm4b:s3+s4], $0x40, s23, s4, $0xb8;
	[tilespmem:$0x12000] =	vst v63  }
0x49e: {  	_ =	swait.ge [sflag:s5], $0x2000  }
0x49f: {  	[sflag:s5] =	ssyncset.done $0x0  }
0x4a0: {  	[sflag:s5] =	ssyncadd.s32 $0xFFFFE000  }
0x4a1: {  	_ =	swait.ge [sflag:s5], $0x2000  }
0x4a2: {  	[sflag:s5] =	ssyncset.done $0x0  }
0x4a3: {  	[sflag:s5] =	ssyncadd.s32 $0xFFFFE000  }
0x4a4: {  	_ =	swait.ge [sflag:s5], $0x2000  }
0x4a5: {  	[sflag:s5] =	ssyncset.done $0x0  }
0x4a6: {  	[sflag:s5] =	ssyncadd.s32 $0xFFFFE000  }
0x4a7: {  	_ =	swait.ge [sflag:s5], $0x2000  }
0x4a8: {  	[sflag:s5] =	ssyncset.done $0x0  }
0x4a9: {  	s29 =	rddreg [dreg:$0x12];
	[sflag:s5] =	ssyncadd.s32 $0xFFFFE000  }
0x4aa: {  	[hbm4b:s29+s2] =	stream.linear.scatter [tilespmem:s7], [sflag:$0x2], $0x8000, $0x38;
	[tilespmem:$0x12000] =	vst v63  }
0x4ab: {  	_ =	swait.ge [sflag:s8], $0x8000  }
0x4ac: {  	[sflag:s8] =	ssyncset.done $0x0  }
0x4ad: {  	[sflag:s8] =	ssyncadd.s32 $0xFFFF8000  }
0x4ae: {  	[tilespmem:s6], [sflag:$0x1] =	stream.indirect.gather [hbm4b:s3+s4], $0x40, s16, s4, $0xb8;
	[tilespmem:$0x12000] =	vst v63  }
0x4af: {  	_ = 	snop  }
0x4b0: {  	[tilespmem:s9], [sflag:$0x1] =	stream.indirect.gather [hbm4b:s3+s4], $0x40, s17, s4, $0xb8;
	[tilespmem:$0x12000] =	vst v63  }
0x4b1: {  	_ = 	snop  }
0x4b2: {  	[tilespmem:s10], [sflag:$0x1] =	stream.indirect.gather [hbm4b:s3+s4], $0x40, s18, s4, $0xb8;
	[tilespmem:$0x12000] =	vst v63  }
0x4b3: {  	s30 =	simm.s32 $0x1F80  }
0x4b4: {  	[tilespmem:s11], [sflag:$0x1] =	stream.indirect.gather [hbm4b:s3+s4], $0x40, s30, s4, $0xb8;
	[tilespmem:$0x12000] =	vst v63  }
0x4b5: {  	_ =	swait.ge [sflag:s5], $0x2000  }
0x4b6: {  	[sflag:s5] =	ssyncset.done $0x0  }
0x4b7: {  	[sflag:s5] =	ssyncadd.s32 $0xFFFFE000  }
0x4b8: {  	_ =	swait.ge [sflag:s5], $0x2000  }
0x4b9: {  	[sflag:s5] =	ssyncset.done $0x0  }
0x4ba: {  	[sflag:s5] =	ssyncadd.s32 $0xFFFFE000  }
0x4bb: {  	_ =	swait.ge [sflag:s5], $0x2000  }
0x4bc: {  	[sflag:s5] =	ssyncset.done $0x0  }
0x4bd: {  	[sflag:s5] =	ssyncadd.s32 $0xFFFFE000  }
0x4be: {  	_ =	swait.ge [sflag:s5], $0x2000  }
0x4bf: {  	[sflag:s5] =	ssyncset.done $0x0  }
0x4c0: {  	s31 =	rddreg [dreg:$0x13];
	[sflag:s5] =	ssyncadd.s32 $0xFFFFE000  }
0x4c1: {  	[hbm4b:s31+s2] =	stream.linear.scatter [tilespmem:s6], [sflag:$0x2], $0x8000, $0x38;
	[tilespmem:$0x12000] =	vst v63  }
0x4c2: {  	_ =	swait.ge [sflag:s8], $0x8000  }
0x4c3: {  	[sflag:s8] =	ssyncset.done $0x0  }
0x4c4: {  	[sflag:s8] =	ssyncadd.s32 $0xFFFF8000  }
0x4c5: {  	_ =	swait.ge [sflag:s8], $0x8000  }
0x4c6: {  	[sflag:s8] =	ssyncset.done $0x0  }
0x4c7: {  	[sflag:s8] =	ssyncadd.s32 $0xFFFF8000  }
0x4c8: {  	_ =	sfence.sel $0x180000  }
0x4c9: {  	[bflag:$0x0] =	sbarrier.arrive $0xFFFF  }
0x4ca: {  	_ =	strace $0x90000047  }
0x4cb: {  	[bflag:$0x2] =	sbarrier.arrive $0xFFFF  }
0x4cc: {  	p0 =	sne.s32 s15, $0x0;
	s0 =	rddreg [dreg:$0x2]  }
0x4cd: {  	s0 =	sadd.s32 @!p0 $0x100000, s0  }
0x4ce: {  	[sflag:s0] =	ssyncadd.tile.s32 @!p0 $0x1;
	_ =	shalt  }
.LBB2_1:
.Ltmp3:
0x4cf: {  	s19 =	simm.s32 $0x1980;
	s30 =	simm.s32 $0x1900;
	(pc) =	sbr.rel .LBB2_6-.Ltmp3, $4  }
0x4d0: {  	s29 =	simm.s32 $0x1880;
	s28 =	simm.s32 $0x1B80;
	s26 =	simm.s32 $0x1B00  }
0x4d1: {  	s25 =	simm.s32 $0x1A80;
	s24 =	simm.s32 $0x1A00;
	s23 =	simm.s32 $0x1D80  }
0x4d2: {  	s22 =	simm.s32 $0x1D00;
	s21 =	simm.s32 $0x1C80;
	s20 =	simm.s32 $0x1C00  }
0x4d3: {  	s18 =	simm.s32 $0x1F00;
	s17 =	simm.s32 $0x1E80;
	s16 =	simm.s32 $0x1E00  }
.LBB2_3:
0x4d4: {  	s19 =	simm.s32 $0x1980  }
.Ltmp4:
0x4d5: {  	s30 =	simm.s32 $0x1900;
	s29 =	simm.s32 $0x1880;
	(pc) =	sbr.rel .LBB2_6-.Ltmp4, $4  }
0x4d6: {  	s28 =	simm.s32 $0x1B80;
	s26 =	simm.s32 $0x1B00;
	s25 =	simm.s32 $0x1A80  }
0x4d7: {  	s24 =	simm.s32 $0x1A00;
	s23 =	simm.s32 $0x1D80;
	s22 =	simm.s32 $0x1D00  }
0x4d8: {  	s21 =	simm.s32 $0x1C80;
	s20 =	simm.s32 $0x1C00;
	s18 =	simm.s32 $0x1F00  }
0x4d9: {  	s17 =	simm.s32 $0x1E80;
	s16 =	simm.s32 $0x1E00;
	s15 =	stileid.u32  }
.Lfunc_end2:
_tile_overlayer_lowered:
.L_overlay_start_2:
0x4da: {  	(tag) =	ssettag $0x2  }
0x4db: {  	s0 =	rddreg [dreg:$0x0];
	s2 =	stileid.u32  }
0x4dc: {  	s1 =	rddreg [dreg:$0x1];
	p0 =	sne.s32 s2, $0x0  }
0x4dd: {  	s3 =	rddreg [dreg:$0x2];
	[bflag:$0x3] =	sbarrier.arrive $0xFFFF;
	s2 =	simm.s32 @!p0 $0x1C03  }
0x4de: {  	[timem:s3], [sflag:s2] =	dma.local @!p0 [hbm:s0], s1  }
0x4df: {  	s0 =	simm.s32 @!p0 $0x3  }
0x4e0: {  	_ =	swait.ge @!p0 [sflag:s0], s1  }
0x4e1: {  	s1 =	ssub.s32 @!p0 $0x0, s1;
	[sflag:s0] =	ssyncset.done @!p0 $0x0  }
0x4e2: {  	[sflag:s0] =	ssyncadd.s32 @!p0 s1  }
0x4e3: {  	[bflag:$0x3] =	sbarrier.arrive $0xFFFF  }
0x4e4: {  	_ =	shalt  }

</sc_bundles>
